<compile_context>
chip_gen: v7x
topology: tpu7x:2x2x1
jax: 0.10.2.dev20260603
libtpu: 0.0.44.dev20260713+nightly
codegen_flags: <defaults>
</compile_context>

<pallas_src>
import functools

import numpy as np
import jax
import jax.numpy as jnp
from jax import lax
from jax.experimental import pallas as pl
from jax.experimental.pallas import tpu as pltpu
from jax.experimental.pallas import tpu_sc as plsc

_N = 10000
_D = 128
_O = 64
_NPAD = 10112
_E = 320000
_CH = 96
_TILES = 32
_NCH = 108
_EPAD = _NCH * _CH * _TILES
_RPT = _NPAD // 16

_NPADD = 10240
_RPTD = _NPADD // 16
_CHD = 128
_NCHD = 80
_EPADD = _NCHD * _CHD * _TILES

_ALPHA = 0.1
_B1 = np.float32(np.log(0.5 / 1 + 1.0))
_B2 = np.float32(np.log(0.5 / 2 + 1.0))

_R1 = _NPAD // 8
_R2 = 2000



def _sc_degree(dst2):
    mesh = plsc.VectorSubcoreMesh(core_axis_name="c", subcore_axis_name="s")

    @functools.partial(
        pl.kernel,
        mesh=mesh,
        out_type=jax.ShapeDtypeStruct((2 * _NPADD,), jnp.float32),
        scratch_types=[
            pltpu.VMEM_SHARED((_NPADD,), jnp.float32),
            pltpu.VMEM((_NCHD, _CHD), jnp.int32),
            pltpu.VMEM((_CHD,), jnp.float32),
            pltpu.VMEM((_RPTD,), jnp.float32),
            pltpu.SemaphoreType.DMA,
        ],
    )
    def k(dst_hbm, out_hbm, deg, dsti, ones, zbuf, ssem):
        c = lax.axis_index("c")
        s = lax.axis_index("s")
        wid = c * 16 + s
        one16 = jnp.full((16,), 1.0, jnp.float32)
        zero16 = jnp.zeros((16,), jnp.float32)
        for j in range(_CHD // 16):
            ones[pl.ds(j * 16, 16)] = one16

        def zfill(i, _):
            zbuf[pl.ds(i * 16, 16)] = zero16
            return 0

        lax.fori_loop(0, _RPTD // 16, zfill, 0)
        row0 = s * _RPTD
        pltpu.sync_copy(zbuf, deg.at[pl.ds(row0, _RPTD)])
        pltpu.sync_copy(dst_hbm.at[pl.ds(wid * _NCHD, _NCHD)], dsti)
        plsc.subcore_barrier()

        def body(j, _):
            pltpu.async_copy(ones, deg.at[dsti.at[j]], ssem, add=True)
            return 0

        lax.fori_loop(0, _NCHD, body, 0)

        def drain(j, _):
            pltpu.make_async_copy(ones, deg.at[dsti.at[0]], ssem).wait()
            return 0

        lax.fori_loop(0, _NCHD, drain, 0)
        plsc.subcore_barrier()
        pltpu.sync_copy(deg.at[pl.ds(row0, _RPTD)],
                        out_hbm.at[pl.ds(c * _NPADD + row0, _RPTD)])

    return k(dst2)


def _sc_propagate(xs, e2):
    mesh = plsc.VectorSubcoreMesh(core_axis_name="c", subcore_axis_name="s")

    @functools.partial(
        pl.kernel,
        mesh=mesh,
        out_type=jax.ShapeDtypeStruct((2 * _NPAD, _D), jnp.float32),
        scratch_types=[
            pltpu.VMEM_SHARED((_NPAD, _D), jnp.float32),
            pltpu.VMEM((_CH, _D), jnp.float32),
            pltpu.VMEM((_CH, _D), jnp.float32),
            pltpu.VMEM((_CH, _D), jnp.float32),
            pltpu.VMEM((_CH, _D), jnp.float32),
            pltpu.VMEM((2, _CH), jnp.int32),
            pltpu.VMEM((2, _CH), jnp.int32),
            pltpu.VMEM((2, _CH), jnp.int32),
            pltpu.VMEM((2, _CH), jnp.int32),
            pltpu.SemaphoreType.DMA,
            pltpu.SemaphoreType.DMA,
            pltpu.SemaphoreType.DMA,
            pltpu.SemaphoreType.DMA,
            pltpu.SemaphoreType.DMA,
            pltpu.SemaphoreType.DMA,
            pltpu.SemaphoreType.DMA,
            pltpu.SemaphoreType.DMA,
            pltpu.SemaphoreType.DMA,
            pltpu.SemaphoreType.DMA,
            pltpu.SemaphoreType.DMA,
            pltpu.SemaphoreType.DMA,
        ],
    )
    def k(xs_hbm, e_hbm, out_hbm, acc, r0, r1, r2, r3, i0, i1, i2, i3,
          g0, g1, g2, g3, s0, s1, s2, s3, m0, m1, m2, m3):
        c = lax.axis_index("c")
        s = lax.axis_index("s")
        wid = c * 16 + s
        rbufs = (r0, r1, r2, r3)
        gsems = (g0, g1, g2, g3)
        ssems = (s0, s1, s2, s3)
        ibufs = (i0, i1, i2, i3)
        isems = (m0, m1, m2, m3)
        zero16 = jnp.zeros((16,), jnp.float32)
        cbase = wid * _NCH

        def istart(j, b):
            pltpu.async_copy(e_hbm.at[cbase + j], ibufs[b], isems[b])

        def iwait(b):
            pltpu.make_async_copy(e_hbm.at[cbase], ibufs[b], isems[b]).wait()

        def gstart(rb, ib):
            pltpu.async_copy(xs_hbm.at[ibufs[ib].at[0]], rbufs[rb],
                             gsems[rb])

        def gwait(rb):
            pltpu.make_async_copy(xs_hbm.at[i0.at[0]], rbufs[rb],
                                  gsems[rb]).wait()

        def sstart(rb, ib):
            pltpu.async_copy(rbufs[rb], acc.at[ibufs[ib].at[1]], ssems[rb],
                             add=True)

        def swait(rb):
            pltpu.make_async_copy(r0, acc.at[i0.at[1]], ssems[rb]).wait()

        istart(0, 0)
        istart(1, 1)
        istart(2, 2)

        def zrow(i, _):
            for j in range(_D // 16):
                r0[i, pl.ds(j * 16, 16)] = zero16
            return 0

        lax.fori_loop(0, _CH, zrow, 0)
        row0 = s * _RPT
        nfull = _RPT // _CH
        for kblk in range(nfull):
            pltpu.async_copy(r0, acc.at[pl.ds(row0 + kblk * _CH, _CH)], g0)
        rem = _RPT - nfull * _CH
        if rem:
            pltpu.async_copy(r0.at[pl.ds(0, rem)],
                             acc.at[pl.ds(row0 + nfull * _CH, rem)], g0)
        iwait(0)
        gstart(1, 0)
        iwait(1)
        gstart(2, 1)
        for kblk in range(nfull):
            pltpu.make_async_copy(r0, acc.at[pl.ds(row0, _CH)], g0).wait()
        if rem:
            pltpu.make_async_copy(r0.at[pl.ds(0, rem)],
                                  acc.at[pl.ds(row0, rem)], g0).wait()
        plsc.subcore_barrier()

        def step(j, rb, ib, do_swait=True, do_istart=True, do_next=True):
            gwait(rb)
            sstart(rb, ib)
            if do_swait:
                swait((rb - 1) % 4)
            if do_istart:
                istart(j + 3, (ib + 3) % 4)
            if do_next:
                iwait((ib + 2) % 4)
                gstart((rb + 2) % 4, (ib + 2) % 4)

        step(0, 1, 0, do_swait=False)
        for j in range(1, 4):
            step(j, (j + 1) % 4, j % 4)

        def body(i, _):
            for b in range(4):
                j = i * 4 + b
                step(j, (b + 1) % 4, b)
            return 0

        lax.fori_loop(1, _NCH // 4 - 1, body, 0)

        for j in range(_NCH - 4, _NCH):
            step(j, (j + 1) % 4, j % 4,
                 do_istart=(j + 3 < _NCH), do_next=(j + 2 < _NCH))
        swait(_NCH % 4)
        plsc.subcore_barrier()
        pltpu.sync_copy(acc.at[pl.ds(row0, _RPT)],
                        out_hbm.at[pl.ds(c * _NPAD + row0, _RPT)])

    return k(xs, e2)



def _dense0(x_pad, Wp, bp2, deg3):
    def body(x_ref, wp_ref, bp_ref, deg_ref, x0_ref, xs0_ref, dinv_ref):
        pid = pl.program_id(0)
        x0 = jnp.maximum(jnp.dot(x_ref[...], wp_ref[...]) + bp_ref[...], 0.0)
        deg = deg_ref[0] + deg_ref[1]
        rid = lax.broadcasted_iota(jnp.int32, (_R1, 1), 0) + pid * _R1
        deg = deg + jnp.where(rid < _N, 1.0, 0.0)
        dinv = jnp.where(deg > 0, lax.rsqrt(deg), 0.0)
        x0_ref[...] = x0
        xs0_ref[...] = x0 * dinv
        dinv_ref[...] = dinv

    grid = _NPAD // _R1
    return pl.pallas_call(
        body,
        grid=(grid,),
        in_specs=[
            pl.BlockSpec((_R1, _D), lambda r: (r, 0)),
            pl.BlockSpec((_D, _D), lambda r: (0, 0)),
            pl.BlockSpec((1, _D), lambda r: (0, 0)),
            pl.BlockSpec((2, _R1, 1), lambda r: (0, r, 0)),
        ],
        out_specs=[
            pl.BlockSpec((_R1, _D), lambda r: (r, 0)),
            pl.BlockSpec((_R1, _D), lambda r: (r, 0)),
            pl.BlockSpec((_R1, 1), lambda r: (r, 0)),
        ],
        out_shape=[
            jax.ShapeDtypeStruct((_NPAD, _D), jnp.float32),
            jax.ShapeDtypeStruct((_NPAD, _D), jnp.float32),
            jax.ShapeDtypeStruct((_NPAD, 1), jnp.float32),
        ],
    )(x_pad, Wp, bp2, deg3)


def _combine1(acc3, xs0, x0, dinv, W1):
    def body(acc_ref, xs0_ref, x0_ref, dinv_ref, w1_ref, xs1_ref):
        dv = dinv_ref[...]
        prop = (acc_ref[0] + acc_ref[1] + xs0_ref[...]) * dv
        h = (1.0 - _ALPHA) * prop + _ALPHA * x0_ref[...]
        h = (1.0 - _B1) * h + _B1 * jnp.dot(h, w1_ref[...])
        xs1_ref[...] = jnp.maximum(h, 0.0) * dv

    grid = _NPAD // _R1
    return pl.pallas_call(
        body,
        grid=(grid,),
        in_specs=[
            pl.BlockSpec((2, _R1, _D), lambda r: (0, r, 0)),
            pl.BlockSpec((_R1, _D), lambda r: (r, 0)),
            pl.BlockSpec((_R1, _D), lambda r: (r, 0)),
            pl.BlockSpec((_R1, 1), lambda r: (r, 0)),
            pl.BlockSpec((_D, _D), lambda r: (0, 0)),
        ],
        out_specs=pl.BlockSpec((_R1, _D), lambda r: (r, 0)),
        out_shape=jax.ShapeDtypeStruct((_NPAD, _D), jnp.float32),
    )(acc3, xs0, x0, dinv, W1)


def _head(acc3, xs1, x0, dinv, W2, Wc, bc2):
    def body(acc_ref, xs1_ref, x0_ref, dinv_ref, w2_ref, wc_ref, bc_ref,
             lg_ref, emb_ref, sm_ref, hd_ref):
        dv = dinv_ref[...]
        prop = (acc_ref[0] + acc_ref[1] + xs1_ref[...]) * dv
        h = (1.0 - _ALPHA) * prop + _ALPHA * x0_ref[...]
        h = (1.0 - _B2) * h + _B2 * jnp.dot(h, w2_ref[...])
        emb = jnp.maximum(h, 0.0)
        logits = jnp.dot(emb, wc_ref[...]) + bc_ref[...]
        m = jnp.max(logits, axis=1, keepdims=True)
        e = jnp.exp(logits - m)
        sm = e / jnp.sum(e, axis=1, keepdims=True)
        ii = lax.broadcasted_iota(jnp.int32, (_R2, _O), 1)
        hd = jnp.min(jnp.where(logits == m, ii, _O), axis=1, keepdims=True)
        lg_ref[...] = logits
        emb_ref[...] = emb
        sm_ref[...] = sm
        hd_ref[...] = hd

    grid = _N // _R2
    return pl.pallas_call(
        body,
        grid=(grid,),
        in_specs=[
            pl.BlockSpec((2, _R2, _D), lambda r: (0, r, 0)),
            pl.BlockSpec((_R2, _D), lambda r: (r, 0)),
            pl.BlockSpec((_R2, _D), lambda r: (r, 0)),
            pl.BlockSpec((_R2, 1), lambda r: (r, 0)),
            pl.BlockSpec((_D, _D), lambda r: (0, 0)),
            pl.BlockSpec((_D, _O), lambda r: (0, 0)),
            pl.BlockSpec((1, _O), lambda r: (0, 0)),
        ],
        out_specs=[
            pl.BlockSpec((_R2, _O), lambda r: (r, 0)),
            pl.BlockSpec((_R2, _D), lambda r: (r, 0)),
            pl.BlockSpec((_R2, _O), lambda r: (r, 0)),
            pl.BlockSpec((_R2, 1), lambda r: (r, 0)),
        ],
        out_shape=[
            jax.ShapeDtypeStruct((_N, _O), jnp.float32),
            jax.ShapeDtypeStruct((_N, _D), jnp.float32),
            jax.ShapeDtypeStruct((_N, _O), jnp.float32),
            jax.ShapeDtypeStruct((_N, 1), jnp.int32),
        ],
    )(acc3, xs1, x0, dinv, W2, Wc, bc2)



def kernel(x, edge_index, Wp, bp, W1, W2, Wc, bc):
    src = edge_index[0]
    dst = edge_index[1]
    fill = _N + (jnp.arange(_EPAD - _E, dtype=jnp.int32) % (_NPAD - _N))
    src_p = jnp.concatenate([src, fill])
    dst_p = jnp.concatenate([dst, fill])
    e2 = jnp.stack([src_p.reshape(_EPAD // _CH, _CH),
                    dst_p.reshape(_EPAD // _CH, _CH)], axis=1)
    filld = _N + (jnp.arange(_EPADD - _E, dtype=jnp.int32) % (_NPADD - _N))
    dst2d = jnp.concatenate([dst, filld]).reshape(_EPADD // _CHD, _CHD)
    x_pad = jnp.zeros((_NPAD, _D), jnp.float32).at[:_N].set(x)

    degs = _sc_degree(dst2d).reshape(2, _NPADD, 1)
    x0, xs0, dinv = _dense0(x_pad, Wp, bp.reshape(1, _D), degs)
    acc1 = _sc_propagate(xs0, e2).reshape(2, _NPAD, _D)
    xs1 = _combine1(acc1, xs0, x0, dinv, W1)
    acc2 = _sc_propagate(xs1, e2).reshape(2, _NPAD, _D)
    logits, emb, soft, hard = _head(acc2, xs1, x0, dinv, W2, Wc,
                                    bc.reshape(1, _O))
    return (logits, emb, soft, jnp.squeeze(hard, -1))

# --- scband reference (transcript-rebuilt; emitter-appended) ---
"""Pipeline reference for scband-gcn2-29231547416621 (READ-ONLY COPY).

The authoritative reference and input builder live on the scoring server;
editing this copy changes nothing except your own understanding.
"""

import jax, jax.numpy as jnp
import numpy as np

N_NODES = 10000
D_FEAT = 128
HIDDEN = 128
OUT_FEATS = 64
ALPHA = 0.1
THETA = 0.5
LAYER_NUM = 2


def gcn_propagate(x, src, dst, n_nodes):
    # add self loops
    loop = jnp.arange(n_nodes, dtype=src.dtype)
    s = jnp.concatenate([src, loop])
    d = jnp.concatenate([dst, loop])
    # symmetric gcn normalization D^{-1/2} (A+I) D^{-1/2}
    deg = jnp.zeros((n_nodes,), dtype=x.dtype).at[d].add(1.0)
    dinv = jnp.where(deg > 0, jax.lax.rsqrt(deg), 0.0)
    norm = dinv[s] * dinv[d]
    msgs = x[s] * norm[:, None]
    out = jnp.zeros_like(x).at[d].add(msgs)
    return out


def setup_inputs(seed: int = 0) -> dict:
    key = jax.random.key(seed)
    ks = jax.random.split(key, 8)
    x = jax.random.normal(ks[0], (N_NODES, D_FEAT), dtype=jnp.float32)
    edge_index = jax.random.randint(ks[1], (2, 320000), 0, N_NODES, dtype=jnp.int32)
    sp = 1.0 / np.sqrt(D_FEAT)
    Wp = jax.random.normal(ks[2], (D_FEAT, HIDDEN), dtype=jnp.float32) * sp
    bp = jnp.zeros((HIDDEN,), dtype=jnp.float32)
    sh = 1.0 / np.sqrt(HIDDEN)
    W1 = jax.random.normal(ks[3], (HIDDEN, HIDDEN), dtype=jnp.float32) * sh
    W2 = jax.random.normal(ks[4], (HIDDEN, HIDDEN), dtype=jnp.float32) * sh
    Wc = jax.random.normal(ks[5], (HIDDEN, OUT_FEATS), dtype=jnp.float32) * sh
    bc = jnp.zeros((OUT_FEATS,), dtype=jnp.float32)
    return {"x": x, "edge_index": edge_index, "Wp": Wp, "bp": bp, "W1": W1, "W2": W2, "Wc": Wc, "bc": bc}


def reference(x, edge_index, Wp, bp, W1, W2, Wc, bc):
    # eval mode: dropout is identity
    src, dst = edge_index[0], edge_index[1]
    x0 = jax.nn.relu(x @ Wp + bp)
    x_tmp = x0
    conv_ws = [W1, W2]
    for i in range(LAYER_NUM):
        layer = i + 1
        h = gcn_propagate(x_tmp, src, dst, N_NODES)
        # GCN2Conv (shared weights): initial residual + identity mapping
        h = (1.0 - ALPHA) * h + ALPHA * x0
        beta = np.log(THETA / layer + 1.0).astype(np.float32)
        h = (1.0 - beta) * h + beta * (h @ conv_ws[i])
        x_tmp = jax.nn.relu(h)
    embedding = x_tmp
    logits = embedding @ Wc + bc
    soft_label = jax.nn.softmax(logits, axis=1)
    hard_label = jnp.argmax(soft_label, axis=1)
    return (logits, embedding, soft_label, hard_label)

if __name__ == "__main__":
    import jax
    _d = setup_inputs()
    print(jax.jit(kernel)(*tuple(_d.values())))

</pallas_src>

<mosaic_0001>
#map = affine_map<(d0, d1) -> (0, 0)>
#map1 = affine_map<(d0, d1) -> (0)>
module attributes {stable_mosaic.version = 14 : i64} {
  func.func @k(%arg0: i32, %arg1: i32, %arg2: memref<2560x128xi32, #tpu.memory_space<hbm>>, %arg3: memref<20480xf32, #tpu.memory_space<hbm>>, %arg4: memref<10240xf32, #tpu.memory_space<vmem_shared>>, %arg5: memref<80x128xi32, #tpu.memory_space<vmem>>, %arg6: memref<128xf32, #tpu.memory_space<vmem>>, %arg7: memref<640xf32, #tpu.memory_space<vmem>>, %arg8: memref<!tpu.dma_semaphore, #tpu.memory_space<semaphore_mem>>) attributes {dimension_semantics = [#tpu.dimension_semantics<core_parallel>, #tpu.dimension_semantics<subcore_parallel>], iteration_bounds = array<i64: 2, 16>, scalar_prefetch = 0 : i64, scratch_operands = 5 : i64, tpu.core_type = #tpu.core_type<sc_vector_subcore>, window_params = [{transform_indices = #map}, {transform_indices = #map1}]} {
    %mul3A = arith.constant 16 : i32
    %mul3A_0 = arith.muli %arg0, %mul3A : i32
    %add3A = arith.addi %mul3A_0, %arg1 : i32
    %broadcast_in_dim3A = arith.constant 1.000000e+00 : f32
    %broadcast_in_dim3A_1 = vector.broadcast %broadcast_in_dim3A : f32 to vector<16xf32>
    %broadcast_in_dim3A_2 = arith.constant 0.000000e+00 : f32
    %broadcast_in_dim3A_3 = vector.broadcast %broadcast_in_dim3A_2 : f32 to vector<16xf32>
    %swap3A = arith.constant 0 : index
    %swap3A_4 = tpu.vector_load %arg6[%swap3A] {strides = array<i32>} : memref<128xf32, #tpu.memory_space<vmem>>, vector<16xf32>,
    %swap3A_5 = vector.shape_cast %swap3A_4 : vector<16xf32> to vector<16xf32>
    %swap3A_6 = vector.shape_cast %broadcast_in_dim3A_1 : vector<16xf32> to vector<16xf32>
    tpu.vector_store %arg6[%swap3A], %swap3A_6 {strides = array<i32>} : memref<128xf32, #tpu.memory_space<vmem>>, vector<16xf32>,
    %swap3A_7 = arith.constant 16 : index
    %swap3A_8 = tpu.vector_load %arg6[%swap3A_7] {strides = array<i32>} : memref<128xf32, #tpu.memory_space<vmem>>, vector<16xf32>,
    %swap3A_9 = vector.shape_cast %swap3A_8 : vector<16xf32> to vector<16xf32>
    %swap3A_10 = vector.shape_cast %broadcast_in_dim3A_1 : vector<16xf32> to vector<16xf32>
    tpu.vector_store %arg6[%swap3A_7], %swap3A_10 {strides = array<i32>} : memref<128xf32, #tpu.memory_space<vmem>>, vector<16xf32>,
    %swap3A_11 = arith.constant 32 : index
    %swap3A_12 = tpu.vector_load %arg6[%swap3A_11] {strides = array<i32>} : memref<128xf32, #tpu.memory_space<vmem>>, vector<16xf32>,
    %swap3A_13 = vector.shape_cast %swap3A_12 : vector<16xf32> to vector<16xf32>
    %swap3A_14 = vector.shape_cast %broadcast_in_dim3A_1 : vector<16xf32> to vector<16xf32>
    tpu.vector_store %arg6[%swap3A_11], %swap3A_14 {strides = array<i32>} : memref<128xf32, #tpu.memory_space<vmem>>, vector<16xf32>,
    %swap3A_15 = arith.constant 48 : index
    %swap3A_16 = tpu.vector_load %arg6[%swap3A_15] {strides = array<i32>} : memref<128xf32, #tpu.memory_space<vmem>>, vector<16xf32>,
    %swap3A_17 = vector.shape_cast %swap3A_16 : vector<16xf32> to vector<16xf32>
    %swap3A_18 = vector.shape_cast %broadcast_in_dim3A_1 : vector<16xf32> to vector<16xf32>
    tpu.vector_store %arg6[%swap3A_15], %swap3A_18 {strides = array<i32>} : memref<128xf32, #tpu.memory_space<vmem>>, vector<16xf32>,
    %swap3A_19 = arith.constant 64 : index
    %swap3A_20 = tpu.vector_load %arg6[%swap3A_19] {strides = array<i32>} : memref<128xf32, #tpu.memory_space<vmem>>, vector<16xf32>,
    %swap3A_21 = vector.shape_cast %swap3A_20 : vector<16xf32> to vector<16xf32>
    %swap3A_22 = vector.shape_cast %broadcast_in_dim3A_1 : vector<16xf32> to vector<16xf32>
    tpu.vector_store %arg6[%swap3A_19], %swap3A_22 {strides = array<i32>} : memref<128xf32, #tpu.memory_space<vmem>>, vector<16xf32>,
    %swap3A_23 = arith.constant 80 : index
    %swap3A_24 = tpu.vector_load %arg6[%swap3A_23] {strides = array<i32>} : memref<128xf32, #tpu.memory_space<vmem>>, vector<16xf32>,
    %swap3A_25 = vector.shape_cast %swap3A_24 : vector<16xf32> to vector<16xf32>
    %swap3A_26 = vector.shape_cast %broadcast_in_dim3A_1 : vector<16xf32> to vector<16xf32>
    tpu.vector_store %arg6[%swap3A_23], %swap3A_26 {strides = array<i32>} : memref<128xf32, #tpu.memory_space<vmem>>, vector<16xf32>,
    %swap3A_27 = arith.constant 96 : index
    %swap3A_28 = tpu.vector_load %arg6[%swap3A_27] {strides = array<i32>} : memref<128xf32, #tpu.memory_space<vmem>>, vector<16xf32>,
    %swap3A_29 = vector.shape_cast %swap3A_28 : vector<16xf32> to vector<16xf32>
    %swap3A_30 = vector.shape_cast %broadcast_in_dim3A_1 : vector<16xf32> to vector<16xf32>
    tpu.vector_store %arg6[%swap3A_27], %swap3A_30 {strides = array<i32>} : memref<128xf32, #tpu.memory_space<vmem>>, vector<16xf32>,
    %swap3A_31 = arith.constant 112 : index
    %swap3A_32 = tpu.vector_load %arg6[%swap3A_31] {strides = array<i32>} : memref<128xf32, #tpu.memory_space<vmem>>, vector<16xf32>,
    %swap3A_33 = vector.shape_cast %swap3A_32 : vector<16xf32> to vector<16xf32>
    %swap3A_34 = vector.shape_cast %broadcast_in_dim3A_1 : vector<16xf32> to vector<16xf32>
    tpu.vector_store %arg6[%swap3A_31], %swap3A_34 {strides = array<i32>} : memref<128xf32, #tpu.memory_space<vmem>>, vector<16xf32>,
    %scan3A = arith.constant 0 : i32
    %scan3A_35 = arith.constant 0 : i32
    %scan3A_36 = arith.constant 40 : i32
    %scan3A_37 = arith.addi %scan3A_35, %scan3A_36 : i32
    %scan3A_38 = arith.constant 1 : i32
    %scan3A_39 = scf.for %scan3A_63 = %scan3A_35 to %scan3A_37 step %scan3A_38 iter_args(%scan3A_64 = %scan3A) -> (i32)  : i32 {
      %mul3A_65 = arith.constant 16 : i32
      %mul3A_66 = arith.muli %scan3A_63, %mul3A_65 : i32
      %swap3A_67 = arith.index_cast %mul3A_66 : i32 to index
      %swap3A_68 = tpu.vector_load %arg7[%swap3A_67] {strides = array<i32>} : memref<640xf32, #tpu.memory_space<vmem>>, vector<16xf32>,
      %swap3A_69 = vector.shape_cast %swap3A_68 : vector<16xf32> to vector<16xf32>
      %swap3A_70 = vector.shape_cast %broadcast_in_dim3A_3 : vector<16xf32> to vector<16xf32>
      tpu.vector_store %arg7[%swap3A_67], %swap3A_70 {strides = array<i32>} : memref<640xf32, #tpu.memory_space<vmem>>, vector<16xf32>,
      %scan3A_71 = arith.constant 0 : i32
      scf.yield %scan3A_71 : i32
    }
    %scan3A_40 = arith.constant 40 : i32
    %mul3A_41 = arith.constant 640 : i32
    %mul3A_42 = arith.muli %arg1, %mul3A_41 : i32
    "tpu.region"() ({
      %run_scoped3A = tpu.sem_alloc : memref<!tpu.dma_semaphore, #tpu.memory_space<semaphore_mem>>
      %dma_start3A = tpu.memref_slice %arg4[%mul3A_42] : memref<10240xf32, #tpu.memory_space<vmem_shared>> -> memref<640xf32, #tpu.memory_space<vmem_shared>>
      %dma_start3A_63 = tpu.memref_slice %arg4[%mul3A_42] : memref<10240xf32, #tpu.memory_space<vmem_shared>> -> memref<640xf32, #tpu.memory_space<vmem_shared>>
      tpu.enqueue_dma source(%arg7 : memref<640xf32, #tpu.memory_space<vmem>>) target(%dma_start3A_63 : memref<640xf32, #tpu.memory_space<vmem_shared>>) target_semaphore(%run_scoped3A : memref<!tpu.dma_semaphore, #tpu.memory_space<semaphore_mem>>)
      %dma_wait3A = tpu.memref_slice %arg4[%mul3A_42] : memref<10240xf32, #tpu.memory_space<vmem_shared>> -> memref<640xf32, #tpu.memory_space<vmem_shared>>
      %dma_wait3A_64 = tpu.memref_slice %arg4[%mul3A_42] : memref<10240xf32, #tpu.memory_space<vmem_shared>> -> memref<640xf32, #tpu.memory_space<vmem_shared>>
      tpu.wait_dma2 semaphore(%run_scoped3A : memref<!tpu.dma_semaphore, #tpu.memory_space<semaphore_mem>>) src(%arg7 : memref<640xf32, #tpu.memory_space<vmem>>) dst(%dma_wait3A_64 : memref<640xf32, #tpu.memory_space<vmem_shared>>)
      tpu.yield
    }) : () -> ()
    %mul3A_43 = arith.constant 80 : i32
    %mul3A_44 = arith.muli %add3A, %mul3A_43 : i32
    "tpu.region"() ({
      %run_scoped3A = tpu.sem_alloc : memref<!tpu.dma_semaphore, #tpu.memory_space<semaphore_mem>>
      %dma_start3A = arith.constant 0 : i32
      %dma_start3A_63 = tpu.memref_slice %arg2[%mul3A_44, %dma_start3A] : memref<2560x128xi32, #tpu.memory_space<hbm>> -> memref<80x128xi32, #tpu.memory_space<hbm>>
      %dma_start3A_64 = arith.constant 0 : i32
      %dma_start3A_65 = tpu.memref_slice %arg2[%mul3A_44, %dma_start3A_64] : memref<2560x128xi32, #tpu.memory_space<hbm>> -> memref<80x128xi32, #tpu.memory_space<hbm>>
      tpu.enqueue_dma source(%dma_start3A_65 : memref<80x128xi32, #tpu.memory_space<hbm>>) target(%arg5 : memref<80x128xi32, #tpu.memory_space<vmem>>) target_semaphore(%run_scoped3A : memref<!tpu.dma_semaphore, #tpu.memory_space<semaphore_mem>>)
      %dma_wait3A = arith.constant 0 : i32
      %dma_wait3A_66 = tpu.memref_slice %arg2[%mul3A_44, %dma_wait3A] : memref<2560x128xi32, #tpu.memory_space<hbm>> -> memref<80x128xi32, #tpu.memory_space<hbm>>
      %dma_wait3A_67 = arith.constant 0 : i32
      %dma_wait3A_68 = tpu.memref_slice %arg2[%mul3A_44, %dma_wait3A_67] : memref<2560x128xi32, #tpu.memory_space<hbm>> -> memref<80x128xi32, #tpu.memory_space<hbm>>
      tpu.wait_dma2 semaphore(%run_scoped3A : memref<!tpu.dma_semaphore, #tpu.memory_space<semaphore_mem>>) src(%dma_wait3A_68 : memref<80x128xi32, #tpu.memory_space<hbm>>) dst(%arg5 : memref<80x128xi32, #tpu.memory_space<vmem>>)
      tpu.yield
    }) : () -> ()
    %barrier3A = arith.constant 0 : index
    tpu.barrier barrier_id(%barrier3A)
    %scan3A_45 = arith.constant 0 : i32
    %scan3A_46 = arith.constant 0 : i32
    %scan3A_47 = arith.constant 80 : i32
    %scan3A_48 = arith.addi %scan3A_46, %scan3A_47 : i32
    %scan3A_49 = arith.constant 1 : i32
    %scan3A_50 = scf.for %scan3A_63 = %scan3A_46 to %scan3A_48 step %scan3A_49 iter_args(%scan3A_64 = %scan3A_45) -> (i32)  : i32 {
      %dma_start3A = arith.constant 0 : i32
      %dma_start3A_65 = tpu.memref_slice %arg5[%scan3A_63, %dma_start3A] : memref<80x128xi32, #tpu.memory_space<vmem>> -> memref<1x128xi32, #tpu.memory_space<vmem>>
      %dma_start3A_66 = tpu.memref_squeeze %dma_start3A_65 : memref<1x128xi32, #tpu.memory_space<vmem>> -> memref<128xi32, #tpu.memory_space<vmem>>
      %dma_start3A_67 = arith.constant 0 : i32
      %dma_start3A_68 = tpu.memref_slice %arg4[%dma_start3A_67] : memref<10240xf32, #tpu.memory_space<vmem_shared>> -> memref<10240xf32, #tpu.memory_space<vmem_shared>>
      tpu.enqueue_indirect_dma source(%arg6 : memref<128xf32, #tpu.memory_space<vmem>>) target(%dma_start3A_68 : memref<10240xf32, #tpu.memory_space<vmem_shared>>) offsets(%dma_start3A_66 : memref<128xi32, #tpu.memory_space<vmem>>) semaphore(%arg8 : memref<!tpu.dma_semaphore, #tpu.memory_space<semaphore_mem>>) {add = true}
      %scan3A_69 = arith.constant 0 : i32
      scf.yield %scan3A_69 : i32
    }
    %scan3A_51 = arith.constant 80 : i32
    %scan3A_52 = arith.constant 0 : i32
    %scan3A_53 = arith.constant 0 : i32
    %scan3A_54 = arith.constant 80 : i32
    %scan3A_55 = arith.addi %scan3A_53, %scan3A_54 : i32
    %scan3A_56 = arith.constant 1 : i32
    %scan3A_57 = scf.for %scan3A_63 = %scan3A_53 to %scan3A_55 step %scan3A_56 iter_args(%scan3A_64 = %scan3A_52) -> (i32)  : i32 {
      %dma_wait3A = arith.constant 0 : i32
      %dma_wait3A_65 = arith.constant 0 : i32
      %dma_wait3A_66 = tpu.memref_slice %arg5[%dma_wait3A, %dma_wait3A_65] : memref<80x128xi32, #tpu.memory_space<vmem>> -> memref<1x128xi32, #tpu.memory_space<vmem>>
      %dma_wait3A_67 = tpu.memref_squeeze %dma_wait3A_66 : memref<1x128xi32, #tpu.memory_space<vmem>> -> memref<128xi32, #tpu.memory_space<vmem>>
      %dma_wait3A_68 = arith.constant 0 : i32
      %dma_wait3A_69 = tpu.memref_slice %arg4[%dma_wait3A_68] : memref<10240xf32, #tpu.memory_space<vmem_shared>> -> memref<10240xf32, #tpu.memory_space<vmem_shared>>
      tpu.wait_indirect_dma semaphore(%arg8 : memref<!tpu.dma_semaphore, #tpu.memory_space<semaphore_mem>>) src(%arg6 : memref<128xf32, #tpu.memory_space<vmem>>) dst(%dma_wait3A_69 : memref<10240xf32, #tpu.memory_space<vmem_shared>>)
      %scan3A_70 = arith.constant 0 : i32
      scf.yield %scan3A_70 : i32
    }
    %scan3A_58 = arith.constant 80 : i32
    %barrier3A_59 = arith.constant 0 : index
    tpu.barrier barrier_id(%barrier3A_59)
    %mul3A_60 = arith.constant 10240 : i32
    %mul3A_61 = arith.muli %arg0, %mul3A_60 : i32
    %add3A_62 = arith.addi %mul3A_61, %mul3A_42 : i32
    "tpu.region"() ({
      %run_scoped3A = tpu.sem_alloc : memref<!tpu.dma_semaphore, #tpu.memory_space<semaphore_mem>>
      %dma_start3A = tpu.memref_slice %arg3[%add3A_62] : memref<20480xf32, #tpu.memory_space<hbm>> -> memref<640xf32, #tpu.memory_space<hbm>>
      %dma_start3A_63 = tpu.memref_slice %arg4[%mul3A_42] : memref<10240xf32, #tpu.memory_space<vmem_shared>> -> memref<640xf32, #tpu.memory_space<vmem_shared>>
      tpu.enqueue_dma source(%dma_start3A_63 : memref<640xf32, #tpu.memory_space<vmem_shared>>) target(%dma_start3A : memref<640xf32, #tpu.memory_space<hbm>>) target_semaphore(%run_scoped3A : memref<!tpu.dma_semaphore, #tpu.memory_space<semaphore_mem>>)
      %dma_wait3A = tpu.memref_slice %arg3[%add3A_62] : memref<20480xf32, #tpu.memory_space<hbm>> -> memref<640xf32, #tpu.memory_space<hbm>>
      %dma_wait3A_64 = tpu.memref_slice %arg4[%mul3A_42] : memref<10240xf32, #tpu.memory_space<vmem_shared>> -> memref<640xf32, #tpu.memory_space<vmem_shared>>
      tpu.wait_dma2 semaphore(%run_scoped3A : memref<!tpu.dma_semaphore, #tpu.memory_space<semaphore_mem>>) src(%dma_wait3A_64 : memref<640xf32, #tpu.memory_space<vmem_shared>>) dst(%dma_wait3A : memref<640xf32, #tpu.memory_space<hbm>>)
      tpu.yield
    }) : () -> ()
    return
  }
}

#map = affine_map<(d0, d1) -> (0, 0)>
#map1 = affine_map<(d0, d1) -> (0, 0, 0)>
module attributes {stable_mosaic.version = 14 : i64} {
  func.func @k(%arg0: i32, %arg1: i32, %arg2: memref<10112x128xf32, #tpu.memory_space<hbm>>, %arg3: memref<3456x2x96xi32, #tpu.memory_space<hbm>>, %arg4: memref<20224x128xf32, #tpu.memory_space<hbm>>, %arg5: memref<10112x128xf32, #tpu.memory_space<vmem_shared>>, %arg6: memref<96x128xf32, #tpu.memory_space<vmem>>, %arg7: memref<96x128xf32, #tpu.memory_space<vmem>>, %arg8: memref<96x128xf32, #tpu.memory_space<vmem>>, %arg9: memref<96x128xf32, #tpu.memory_space<vmem>>, %arg10: memref<2x96xi32, #tpu.memory_space<vmem>>, %arg11: memref<2x96xi32, #tpu.memory_space<vmem>>, %arg12: memref<2x96xi32, #tpu.memory_space<vmem>>, %arg13: memref<2x96xi32, #tpu.memory_space<vmem>>, %arg14: memref<!tpu.dma_semaphore, #tpu.memory_space<semaphore_mem>>, %arg15: memref<!tpu.dma_semaphore, #tpu.memory_space<semaphore_mem>>, %arg16: memref<!tpu.dma_semaphore, #tpu.memory_space<semaphore_mem>>, %arg17: memref<!tpu.dma_semaphore, #tpu.memory_space<semaphore_mem>>, %arg18: memref<!tpu.dma_semaphore, #tpu.memory_space<semaphore_mem>>, %arg19: memref<!tpu.dma_semaphore, #tpu.memory_space<semaphore_mem>>, %arg20: memref<!tpu.dma_semaphore, #tpu.memory_space<semaphore_mem>>, %arg21: memref<!tpu.dma_semaphore, #tpu.memory_space<semaphore_mem>>, %arg22: memref<!tpu.dma_semaphore, #tpu.memory_space<semaphore_mem>>, %arg23: memref<!tpu.dma_semaphore, #tpu.memory_space<semaphore_mem>>, %arg24: memref<!tpu.dma_semaphore, #tpu.memory_space<semaphore_mem>>, %arg25: memref<!tpu.dma_semaphore, #tpu.memory_space<semaphore_mem>>) attributes {dimension_semantics = [#tpu.dimension_semantics<core_parallel>, #tpu.dimension_semantics<subcore_parallel>], iteration_bounds = array<i64: 2, 16>, scalar_prefetch = 0 : i64, scratch_operands = 21 : i64, tpu.core_type = #tpu.core_type<sc_vector_subcore>, window_params = [{transform_indices = #map}, {transform_indices = #map1}, {transform_indices = #map}]} {
    %mul3A = arith.constant 16 : i32
    %mul3A_0 = arith.muli %arg0, %mul3A : i32
    %add3A = arith.addi %mul3A_0, %arg1 : i32
    %broadcast_in_dim3A = arith.constant 0.000000e+00 : f32
    %broadcast_in_dim3A_1 = vector.broadcast %broadcast_in_dim3A : f32 to vector<16xf32>
    %mul3A_2 = arith.constant 108 : i32
    %mul3A_3 = arith.muli %add3A, %mul3A_2 : i32
    %add3A_4 = arith.constant 0 : i32
    %add3A_5 = arith.addi %mul3A_3, %add3A_4 : i32
    %dma_start3A = arith.constant 0 : i32
    %dma_start3A_6 = arith.constant 0 : i32
    %dma_start3A_7 = tpu.memref_slice %arg3[%add3A_5, %dma_start3A, %dma_start3A_6] : memref<3456x2x96xi32, #tpu.memory_space<hbm>> -> memref<1x2x96xi32, #tpu.memory_space<hbm>>
    %dma_start3A_8 = tpu.memref_squeeze %dma_start3A_7 : memref<1x2x96xi32, #tpu.memory_space<hbm>> -> memref<2x96xi32, #tpu.memory_space<hbm>>
    %dma_start3A_9 = arith.constant 0 : i32
    %dma_start3A_10 = arith.constant 0 : i32
    %dma_start3A_11 = tpu.memref_slice %arg3[%add3A_5, %dma_start3A_9, %dma_start3A_10] : memref<3456x2x96xi32, #tpu.memory_space<hbm>> -> memref<1x2x96xi32, #tpu.memory_space<hbm>>
    %dma_start3A_12 = tpu.memref_squeeze %dma_start3A_11 : memref<1x2x96xi32, #tpu.memory_space<hbm>> -> memref<2x96xi32, #tpu.memory_space<hbm>>
    tpu.enqueue_dma source(%dma_start3A_12 : memref<2x96xi32, #tpu.memory_space<hbm>>) target(%arg10 : memref<2x96xi32, #tpu.memory_space<vmem>>) target_semaphore(%arg22 : memref<!tpu.dma_semaphore, #tpu.memory_space<semaphore_mem>>)
    %add3A_13 = arith.constant 1 : i32
    %add3A_14 = arith.addi %mul3A_3, %add3A_13 : i32
    %dma_start3A_15 = arith.constant 0 : i32
    %dma_start3A_16 = arith.constant 0 : i32
    %dma_start3A_17 = tpu.memref_slice %arg3[%add3A_14, %dma_start3A_15, %dma_start3A_16] : memref<3456x2x96xi32, #tpu.memory_space<hbm>> -> memref<1x2x96xi32, #tpu.memory_space<hbm>>
    %dma_start3A_18 = tpu.memref_squeeze %dma_start3A_17 : memref<1x2x96xi32, #tpu.memory_space<hbm>> -> memref<2x96xi32, #tpu.memory_space<hbm>>
    %dma_start3A_19 = arith.constant 0 : i32
    %dma_start3A_20 = arith.constant 0 : i32
    %dma_start3A_21 = tpu.memref_slice %arg3[%add3A_14, %dma_start3A_19, %dma_start3A_20] : memref<3456x2x96xi32, #tpu.memory_space<hbm>> -> memref<1x2x96xi32, #tpu.memory_space<hbm>>
    %dma_start3A_22 = tpu.memref_squeeze %dma_start3A_21 : memref<1x2x96xi32, #tpu.memory_space<hbm>> -> memref<2x96xi32, #tpu.memory_space<hbm>>
    tpu.enqueue_dma source(%dma_start3A_22 : memref<2x96xi32, #tpu.memory_space<hbm>>) target(%arg11 : memref<2x96xi32, #tpu.memory_space<vmem>>) target_semaphore(%arg23 : memref<!tpu.dma_semaphore, #tpu.memory_space<semaphore_mem>>)
    %add3A_23 = arith.constant 2 : i32
    %add3A_24 = arith.addi %mul3A_3, %add3A_23 : i32
    %dma_start3A_25 = arith.constant 0 : i32
    %dma_start3A_26 = arith.constant 0 : i32
    %dma_start3A_27 = tpu.memref_slice %arg3[%add3A_24, %dma_start3A_25, %dma_start3A_26] : memref<3456x2x96xi32, #tpu.memory_space<hbm>> -> memref<1x2x96xi32, #tpu.memory_space<hbm>>
    %dma_start3A_28 = tpu.memref_squeeze %dma_start3A_27 : memref<1x2x96xi32, #tpu.memory_space<hbm>> -> memref<2x96xi32, #tpu.memory_space<hbm>>
    %dma_start3A_29 = arith.constant 0 : i32
    %dma_start3A_30 = arith.constant 0 : i32
    %dma_start3A_31 = tpu.memref_slice %arg3[%add3A_24, %dma_start3A_29, %dma_start3A_30] : memref<3456x2x96xi32, #tpu.memory_space<hbm>> -> memref<1x2x96xi32, #tpu.memory_space<hbm>>
    %dma_start3A_32 = tpu.memref_squeeze %dma_start3A_31 : memref<1x2x96xi32, #tpu.memory_space<hbm>> -> memref<2x96xi32, #tpu.memory_space<hbm>>
    tpu.enqueue_dma source(%dma_start3A_32 : memref<2x96xi32, #tpu.memory_space<hbm>>) target(%arg12 : memref<2x96xi32, #tpu.memory_space<vmem>>) target_semaphore(%arg24 : memref<!tpu.dma_semaphore, #tpu.memory_space<semaphore_mem>>)
    %scan3A = arith.constant 0 : i32
    %scan3A_33 = arith.constant 0 : i32
    %scan3A_34 = arith.constant 96 : i32
    %scan3A_35 = arith.addi %scan3A_33, %scan3A_34 : i32
    %scan3A_36 = arith.constant 1 : i32
    %scan3A_37 = scf.for %scan3A_471 = %scan3A_33 to %scan3A_35 step %scan3A_36 iter_args(%scan3A_472 = %scan3A) -> (i32)  : i32 {
      %swap3A = arith.index_cast %scan3A_471 : i32 to index
      %swap3A_473 = arith.constant 0 : index
      %swap3A_474 = tpu.vector_load %arg6[%swap3A, %swap3A_473] {strides = array<i32>} : memref<96x128xf32, #tpu.memory_space<vmem>>, vector<1x16xf32>,
      %swap3A_475 = vector.shape_cast %swap3A_474 : vector<1x16xf32> to vector<16xf32>
      %swap3A_476 = vector.shape_cast %broadcast_in_dim3A_1 : vector<16xf32> to vector<1x16xf32>
      tpu.vector_store %arg6[%swap3A, %swap3A_473], %swap3A_476 {strides = array<i32>} : memref<96x128xf32, #tpu.memory_space<vmem>>, vector<1x16xf32>,
      %swap3A_477 = arith.index_cast %scan3A_471 : i32 to index
      %swap3A_478 = arith.constant 16 : index
      %swap3A_479 = tpu.vector_load %arg6[%swap3A_477, %swap3A_478] {strides = array<i32>} : memref<96x128xf32, #tpu.memory_space<vmem>>, vector<1x16xf32>,
      %swap3A_480 = vector.shape_cast %swap3A_479 : vector<1x16xf32> to vector<16xf32>
      %swap3A_481 = vector.shape_cast %broadcast_in_dim3A_1 : vector<16xf32> to vector<1x16xf32>
      tpu.vector_store %arg6[%swap3A_477, %swap3A_478], %swap3A_481 {strides = array<i32>} : memref<96x128xf32, #tpu.memory_space<vmem>>, vector<1x16xf32>,
      %swap3A_482 = arith.index_cast %scan3A_471 : i32 to index
      %swap3A_483 = arith.constant 32 : index
      %swap3A_484 = tpu.vector_load %arg6[%swap3A_482, %swap3A_483] {strides = array<i32>} : memref<96x128xf32, #tpu.memory_space<vmem>>, vector<1x16xf32>,
      %swap3A_485 = vector.shape_cast %swap3A_484 : vector<1x16xf32> to vector<16xf32>
      %swap3A_486 = vector.shape_cast %broadcast_in_dim3A_1 : vector<16xf32> to vector<1x16xf32>
      tpu.vector_store %arg6[%swap3A_482, %swap3A_483], %swap3A_486 {strides = array<i32>} : memref<96x128xf32, #tpu.memory_space<vmem>>, vector<1x16xf32>,
      %swap3A_487 = arith.index_cast %scan3A_471 : i32 to index
      %swap3A_488 = arith.constant 48 : index
      %swap3A_489 = tpu.vector_load %arg6[%swap3A_487, %swap3A_488] {strides = array<i32>} : memref<96x128xf32, #tpu.memory_space<vmem>>, vector<1x16xf32>,
      %swap3A_490 = vector.shape_cast %swap3A_489 : vector<1x16xf32> to vector<16xf32>
      %swap3A_491 = vector.shape_cast %broadcast_in_dim3A_1 : vector<16xf32> to vector<1x16xf32>
      tpu.vector_store %arg6[%swap3A_487, %swap3A_488], %swap3A_491 {strides = array<i32>} : memref<96x128xf32, #tpu.memory_space<vmem>>, vector<1x16xf32>,
      %swap3A_492 = arith.index_cast %scan3A_471 : i32 to index
      %swap3A_493 = arith.constant 64 : index
      %swap3A_494 = tpu.vector_load %arg6[%swap3A_492, %swap3A_493] {strides = array<i32>} : memref<96x128xf32, #tpu.memory_space<vmem>>, vector<1x16xf32>,
      %swap3A_495 = vector.shape_cast %swap3A_494 : vector<1x16xf32> to vector<16xf32>
      %swap3A_496 = vector.shape_cast %broadcast_in_dim3A_1 : vector<16xf32> to vector<1x16xf32>
      tpu.vector_store %arg6[%swap3A_492, %swap3A_493], %swap3A_496 {strides = array<i32>} : memref<96x128xf32, #tpu.memory_space<vmem>>, vector<1x16xf32>,
      %swap3A_497 = arith.index_cast %scan3A_471 : i32 to index
      %swap3A_498 = arith.constant 80 : index
      %swap3A_499 = tpu.vector_load %arg6[%swap3A_497, %swap3A_498] {strides = array<i32>} : memref<96x128xf32, #tpu.memory_space<vmem>>, vector<1x16xf32>,
      %swap3A_500 = vector.shape_cast %swap3A_499 : vector<1x16xf32> to vector<16xf32>
      %swap3A_501 = vector.shape_cast %broadcast_in_dim3A_1 : vector<16xf32> to vector<1x16xf32>
      tpu.vector_store %arg6[%swap3A_497, %swap3A_498], %swap3A_501 {strides = array<i32>} : memref<96x128xf32, #tpu.memory_space<vmem>>, vector<1x16xf32>,
      %swap3A_502 = arith.index_cast %scan3A_471 : i32 to index
      %swap3A_503 = arith.constant 96 : index
      %swap3A_504 = tpu.vector_load %arg6[%swap3A_502, %swap3A_503] {strides = array<i32>} : memref<96x128xf32, #tpu.memory_space<vmem>>, vector<1x16xf32>,
      %swap3A_505 = vector.shape_cast %swap3A_504 : vector<1x16xf32> to vector<16xf32>
      %swap3A_506 = vector.shape_cast %broadcast_in_dim3A_1 : vector<16xf32> to vector<1x16xf32>
      tpu.vector_store %arg6[%swap3A_502, %swap3A_503], %swap3A_506 {strides = array<i32>} : memref<96x128xf32, #tpu.memory_space<vmem>>, vector<1x16xf32>,
      %swap3A_507 = arith.index_cast %scan3A_471 : i32 to index
      %swap3A_508 = arith.constant 112 : index
      %swap3A_509 = tpu.vector_load %arg6[%swap3A_507, %swap3A_508] {strides = array<i32>} : memref<96x128xf32, #tpu.memory_space<vmem>>, vector<1x16xf32>,
      %swap3A_510 = vector.shape_cast %swap3A_509 : vector<1x16xf32> to vector<16xf32>
      %swap3A_511 = vector.shape_cast %broadcast_in_dim3A_1 : vector<16xf32> to vector<1x16xf32>
      tpu.vector_store %arg6[%swap3A_507, %swap3A_508], %swap3A_511 {strides = array<i32>} : memref<96x128xf32, #tpu.memory_space<vmem>>, vector<1x16xf32>,
      %scan3A_512 = arith.constant 0 : i32
      scf.yield %scan3A_512 : i32
    }
    %scan3A_38 = arith.constant 96 : i32
    %mul3A_39 = arith.constant 632 : i32
    %mul3A_40 = arith.muli %arg1, %mul3A_39 : i32
    %add3A_41 = arith.constant 0 : i32
    %add3A_42 = arith.addi %mul3A_40, %add3A_41 : i32
    %dma_start3A_43 = arith.constant 0 : i32
    %dma_start3A_44 = tpu.memref_slice %arg5[%add3A_42, %dma_start3A_43] : memref<10112x128xf32, #tpu.memory_space<vmem_shared>> -> memref<96x128xf32, #tpu.memory_space<vmem_shared>>
    %dma_start3A_45 = arith.constant 0 : i32
    %dma_start3A_46 = tpu.memref_slice %arg5[%add3A_42, %dma_start3A_45] : memref<10112x128xf32, #tpu.memory_space<vmem_shared>> -> memref<96x128xf32, #tpu.memory_space<vmem_shared>>
    tpu.enqueue_dma source(%arg6 : memref<96x128xf32, #tpu.memory_space<vmem>>) target(%dma_start3A_46 : memref<96x128xf32, #tpu.memory_space<vmem_shared>>) target_semaphore(%arg14 : memref<!tpu.dma_semaphore, #tpu.memory_space<semaphore_mem>>)
    %add3A_47 = arith.constant 96 : i32
    %add3A_48 = arith.addi %mul3A_40, %add3A_47 : i32
    %dma_start3A_49 = arith.constant 0 : i32
    %dma_start3A_50 = tpu.memref_slice %arg5[%add3A_48, %dma_start3A_49] : memref<10112x128xf32, #tpu.memory_space<vmem_shared>> -> memref<96x128xf32, #tpu.memory_space<vmem_shared>>
    %dma_start3A_51 = arith.constant 0 : i32
    %dma_start3A_52 = tpu.memref_slice %arg5[%add3A_48, %dma_start3A_51] : memref<10112x128xf32, #tpu.memory_space<vmem_shared>> -> memref<96x128xf32, #tpu.memory_space<vmem_shared>>
    tpu.enqueue_dma source(%arg6 : memref<96x128xf32, #tpu.memory_space<vmem>>) target(%dma_start3A_52 : memref<96x128xf32, #tpu.memory_space<vmem_shared>>) target_semaphore(%arg14 : memref<!tpu.dma_semaphore, #tpu.memory_space<semaphore_mem>>)
    %add3A_53 = arith.constant 192 : i32
    %add3A_54 = arith.addi %mul3A_40, %add3A_53 : i32
    %dma_start3A_55 = arith.constant 0 : i32
    %dma_start3A_56 = tpu.memref_slice %arg5[%add3A_54, %dma_start3A_55] : memref<10112x128xf32, #tpu.memory_space<vmem_shared>> -> memref<96x128xf32, #tpu.memory_space<vmem_shared>>
    %dma_start3A_57 = arith.constant 0 : i32
    %dma_start3A_58 = tpu.memref_slice %arg5[%add3A_54, %dma_start3A_57] : memref<10112x128xf32, #tpu.memory_space<vmem_shared>> -> memref<96x128xf32, #tpu.memory_space<vmem_shared>>
    tpu.enqueue_dma source(%arg6 : memref<96x128xf32, #tpu.memory_space<vmem>>) target(%dma_start3A_58 : memref<96x128xf32, #tpu.memory_space<vmem_shared>>) target_semaphore(%arg14 : memref<!tpu.dma_semaphore, #tpu.memory_space<semaphore_mem>>)
    %add3A_59 = arith.constant 288 : i32
    %add3A_60 = arith.addi %mul3A_40, %add3A_59 : i32
    %dma_start3A_61 = arith.constant 0 : i32
    %dma_start3A_62 = tpu.memref_slice %arg5[%add3A_60, %dma_start3A_61] : memref<10112x128xf32, #tpu.memory_space<vmem_shared>> -> memref<96x128xf32, #tpu.memory_space<vmem_shared>>
    %dma_start3A_63 = arith.constant 0 : i32
    %dma_start3A_64 = tpu.memref_slice %arg5[%add3A_60, %dma_start3A_63] : memref<10112x128xf32, #tpu.memory_space<vmem_shared>> -> memref<96x128xf32, #tpu.memory_space<vmem_shared>>
    tpu.enqueue_dma source(%arg6 : memref<96x128xf32, #tpu.memory_space<vmem>>) target(%dma_start3A_64 : memref<96x128xf32, #tpu.memory_space<vmem_shared>>) target_semaphore(%arg14 : memref<!tpu.dma_semaphore, #tpu.memory_space<semaphore_mem>>)
    %add3A_65 = arith.constant 384 : i32
    %add3A_66 = arith.addi %mul3A_40, %add3A_65 : i32
    %dma_start3A_67 = arith.constant 0 : i32
    %dma_start3A_68 = tpu.memref_slice %arg5[%add3A_66, %dma_start3A_67] : memref<10112x128xf32, #tpu.memory_space<vmem_shared>> -> memref<96x128xf32, #tpu.memory_space<vmem_shared>>
    %dma_start3A_69 = arith.constant 0 : i32
    %dma_start3A_70 = tpu.memref_slice %arg5[%add3A_66, %dma_start3A_69] : memref<10112x128xf32, #tpu.memory_space<vmem_shared>> -> memref<96x128xf32, #tpu.memory_space<vmem_shared>>
    tpu.enqueue_dma source(%arg6 : memref<96x128xf32, #tpu.memory_space<vmem>>) target(%dma_start3A_70 : memref<96x128xf32, #tpu.memory_space<vmem_shared>>) target_semaphore(%arg14 : memref<!tpu.dma_semaphore, #tpu.memory_space<semaphore_mem>>)
    %add3A_71 = arith.constant 480 : i32
    %add3A_72 = arith.addi %mul3A_40, %add3A_71 : i32
    %dma_start3A_73 = arith.constant 0 : i32
    %dma_start3A_74 = tpu.memref_slice %arg5[%add3A_72, %dma_start3A_73] : memref<10112x128xf32, #tpu.memory_space<vmem_shared>> -> memref<96x128xf32, #tpu.memory_space<vmem_shared>>
    %dma_start3A_75 = arith.constant 0 : i32
    %dma_start3A_76 = tpu.memref_slice %arg5[%add3A_72, %dma_start3A_75] : memref<10112x128xf32, #tpu.memory_space<vmem_shared>> -> memref<96x128xf32, #tpu.memory_space<vmem_shared>>
    tpu.enqueue_dma source(%arg6 : memref<96x128xf32, #tpu.memory_space<vmem>>) target(%dma_start3A_76 : memref<96x128xf32, #tpu.memory_space<vmem_shared>>) target_semaphore(%arg14 : memref<!tpu.dma_semaphore, #tpu.memory_space<semaphore_mem>>)
    %add3A_77 = arith.constant 576 : i32
    %add3A_78 = arith.addi %mul3A_40, %add3A_77 : i32
    %dma_start3A_79 = arith.constant 0 : i32
    %dma_start3A_80 = arith.constant 0 : i32
    %dma_start3A_81 = tpu.memref_slice %arg6[%dma_start3A_79, %dma_start3A_80] : memref<96x128xf32, #tpu.memory_space<vmem>> -> memref<56x128xf32, #tpu.memory_space<vmem>>
    %dma_start3A_82 = arith.constant 0 : i32
    %dma_start3A_83 = tpu.memref_slice %arg5[%add3A_78, %dma_start3A_82] : memref<10112x128xf32, #tpu.memory_space<vmem_shared>> -> memref<56x128xf32, #tpu.memory_space<vmem_shared>>
    %dma_start3A_84 = arith.constant 0 : i32
    %dma_start3A_85 = tpu.memref_slice %arg5[%add3A_78, %dma_start3A_84] : memref<10112x128xf32, #tpu.memory_space<vmem_shared>> -> memref<56x128xf32, #tpu.memory_space<vmem_shared>>
    %dma_start3A_86 = arith.constant 0 : i32
    %dma_start3A_87 = arith.constant 0 : i32
    %dma_start3A_88 = tpu.memref_slice %arg6[%dma_start3A_86, %dma_start3A_87] : memref<96x128xf32, #tpu.memory_space<vmem>> -> memref<56x128xf32, #tpu.memory_space<vmem>>
    tpu.enqueue_dma source(%dma_start3A_88 : memref<56x128xf32, #tpu.memory_space<vmem>>) target(%dma_start3A_85 : memref<56x128xf32, #tpu.memory_space<vmem_shared>>) target_semaphore(%arg14 : memref<!tpu.dma_semaphore, #tpu.memory_space<semaphore_mem>>)
    %dma_wait3A = arith.constant 0 : i32
    %dma_wait3A_89 = arith.constant 0 : i32
    %dma_wait3A_90 = tpu.memref_slice %arg3[%mul3A_3, %dma_wait3A, %dma_wait3A_89] : memref<3456x2x96xi32, #tpu.memory_space<hbm>> -> memref<1x2x96xi32, #tpu.memory_space<hbm>>
    %dma_wait3A_91 = tpu.memref_squeeze %dma_wait3A_90 : memref<1x2x96xi32, #tpu.memory_space<hbm>> -> memref<2x96xi32, #tpu.memory_space<hbm>>
    %dma_wait3A_92 = arith.constant 0 : i32
    %dma_wait3A_93 = arith.constant 0 : i32
    %dma_wait3A_94 = tpu.memref_slice %arg3[%mul3A_3, %dma_wait3A_92, %dma_wait3A_93] : memref<3456x2x96xi32, #tpu.memory_space<hbm>> -> memref<1x2x96xi32, #tpu.memory_space<hbm>>
    %dma_wait3A_95 = tpu.memref_squeeze %dma_wait3A_94 : memref<1x2x96xi32, #tpu.memory_space<hbm>> -> memref<2x96xi32, #tpu.memory_space<hbm>>
    tpu.wait_dma2 semaphore(%arg22 : memref<!tpu.dma_semaphore, #tpu.memory_space<semaphore_mem>>) src(%dma_wait3A_95 : memref<2x96xi32, #tpu.memory_space<hbm>>) dst(%arg10 : memref<2x96xi32, #tpu.memory_space<vmem>>)
    %dma_start3A_96 = arith.constant 0 : i32
    %dma_start3A_97 = arith.constant 0 : i32
    %dma_start3A_98 = tpu.memref_slice %arg10[%dma_start3A_96, %dma_start3A_97] : memref<2x96xi32, #tpu.memory_space<vmem>> -> memref<1x96xi32, #tpu.memory_space<vmem>>
    %dma_start3A_99 = tpu.memref_squeeze %dma_start3A_98 : memref<1x96xi32, #tpu.memory_space<vmem>> -> memref<96xi32, #tpu.memory_space<vmem>>
    %dma_start3A_100 = arith.constant 0 : i32
    %dma_start3A_101 = arith.constant 0 : i32
    %dma_start3A_102 = tpu.memref_slice %arg2[%dma_start3A_100, %dma_start3A_101] : memref<10112x128xf32, #tpu.memory_space<hbm>> -> memref<10112x128xf32, #tpu.memory_space<hbm>>
    tpu.enqueue_indirect_dma source(%dma_start3A_102 : memref<10112x128xf32, #tpu.memory_space<hbm>>) target(%arg7 : memref<96x128xf32, #tpu.memory_space<vmem>>) offsets(%dma_start3A_99 : memref<96xi32, #tpu.memory_space<vmem>>) semaphore(%arg15 : memref<!tpu.dma_semaphore, #tpu.memory_space<semaphore_mem>>)
    %dma_wait3A_103 = arith.constant 0 : i32
    %dma_wait3A_104 = arith.constant 0 : i32
    %dma_wait3A_105 = tpu.memref_slice %arg3[%mul3A_3, %dma_wait3A_103, %dma_wait3A_104] : memref<3456x2x96xi32, #tpu.memory_space<hbm>> -> memref<1x2x96xi32, #tpu.memory_space<hbm>>
    %dma_wait3A_106 = tpu.memref_squeeze %dma_wait3A_105 : memref<1x2x96xi32, #tpu.memory_space<hbm>> -> memref<2x96xi32, #tpu.memory_space<hbm>>
    %dma_wait3A_107 = arith.constant 0 : i32
    %dma_wait3A_108 = arith.constant 0 : i32
    %dma_wait3A_109 = tpu.memref_slice %arg3[%mul3A_3, %dma_wait3A_107, %dma_wait3A_108] : memref<3456x2x96xi32, #tpu.memory_space<hbm>> -> memref<1x2x96xi32, #tpu.memory_space<hbm>>
    %dma_wait3A_110 = tpu.memref_squeeze %dma_wait3A_109 : memref<1x2x96xi32, #tpu.memory_space<hbm>> -> memref<2x96xi32, #tpu.memory_space<hbm>>
    tpu.wait_dma2 semaphore(%arg23 : memref<!tpu.dma_semaphore, #tpu.memory_space<semaphore_mem>>) src(%dma_wait3A_110 : memref<2x96xi32, #tpu.memory_space<hbm>>) dst(%arg11 : memref<2x96xi32, #tpu.memory_space<vmem>>)
    %dma_start3A_111 = arith.constant 0 : i32
    %dma_start3A_112 = arith.constant 0 : i32
    %dma_start3A_113 = tpu.memref_slice %arg11[%dma_start3A_111, %dma_start3A_112] : memref<2x96xi32, #tpu.memory_space<vmem>> -> memref<1x96xi32, #tpu.memory_space<vmem>>
    %dma_start3A_114 = tpu.memref_squeeze %dma_start3A_113 : memref<1x96xi32, #tpu.memory_space<vmem>> -> memref<96xi32, #tpu.memory_space<vmem>>
    %dma_start3A_115 = arith.constant 0 : i32
    %dma_start3A_116 = arith.constant 0 : i32
    %dma_start3A_117 = tpu.memref_slice %arg2[%dma_start3A_115, %dma_start3A_116] : memref<10112x128xf32, #tpu.memory_space<hbm>> -> memref<10112x128xf32, #tpu.memory_space<hbm>>
    tpu.enqueue_indirect_dma source(%dma_start3A_117 : memref<10112x128xf32, #tpu.memory_space<hbm>>) target(%arg8 : memref<96x128xf32, #tpu.memory_space<vmem>>) offsets(%dma_start3A_114 : memref<96xi32, #tpu.memory_space<vmem>>) semaphore(%arg16 : memref<!tpu.dma_semaphore, #tpu.memory_space<semaphore_mem>>)
    %dma_wait3A_118 = arith.constant 0 : i32
    %dma_wait3A_119 = tpu.memref_slice %arg5[%mul3A_40, %dma_wait3A_118] : memref<10112x128xf32, #tpu.memory_space<vmem_shared>> -> memref<96x128xf32, #tpu.memory_space<vmem_shared>>
    %dma_wait3A_120 = arith.constant 0 : i32
    %dma_wait3A_121 = tpu.memref_slice %arg5[%mul3A_40, %dma_wait3A_120] : memref<10112x128xf32, #tpu.memory_space<vmem_shared>> -> memref<96x128xf32, #tpu.memory_space<vmem_shared>>
    tpu.wait_dma2 semaphore(%arg14 : memref<!tpu.dma_semaphore, #tpu.memory_space<semaphore_mem>>) src(%arg6 : memref<96x128xf32, #tpu.memory_space<vmem>>) dst(%dma_wait3A_121 : memref<96x128xf32, #tpu.memory_space<vmem_shared>>)
    %dma_wait3A_122 = arith.constant 0 : i32
    %dma_wait3A_123 = tpu.memref_slice %arg5[%mul3A_40, %dma_wait3A_122] : memref<10112x128xf32, #tpu.memory_space<vmem_shared>> -> memref<96x128xf32, #tpu.memory_space<vmem_shared>>
    %dma_wait3A_124 = arith.constant 0 : i32
    %dma_wait3A_125 = tpu.memref_slice %arg5[%mul3A_40, %dma_wait3A_124] : memref<10112x128xf32, #tpu.memory_space<vmem_shared>> -> memref<96x128xf32, #tpu.memory_space<vmem_shared>>
    tpu.wait_dma2 semaphore(%arg14 : memref<!tpu.dma_semaphore, #tpu.memory_space<semaphore_mem>>) src(%arg6 : memref<96x128xf32, #tpu.memory_space<vmem>>) dst(%dma_wait3A_125 : memref<96x128xf32, #tpu.memory_space<vmem_shared>>)
    %dma_wait3A_126 = arith.constant 0 : i32
    %dma_wait3A_127 = tpu.memref_slice %arg5[%mul3A_40, %dma_wait3A_126] : memref<10112x128xf32, #tpu.memory_space<vmem_shared>> -> memref<96x128xf32, #tpu.memory_space<vmem_shared>>
    %dma_wait3A_128 = arith.constant 0 : i32
    %dma_wait3A_129 = tpu.memref_slice %arg5[%mul3A_40, %dma_wait3A_128] : memref<10112x128xf32, #tpu.memory_space<vmem_shared>> -> memref<96x128xf32, #tpu.memory_space<vmem_shared>>
    tpu.wait_dma2 semaphore(%arg14 : memref<!tpu.dma_semaphore, #tpu.memory_space<semaphore_mem>>) src(%arg6 : memref<96x128xf32, #tpu.memory_space<vmem>>) dst(%dma_wait3A_129 : memref<96x128xf32, #tpu.memory_space<vmem_shared>>)
    %dma_wait3A_130 = arith.constant 0 : i32
    %dma_wait3A_131 = tpu.memref_slice %arg5[%mul3A_40, %dma_wait3A_130] : memref<10112x128xf32, #tpu.memory_space<vmem_shared>> -> memref<96x128xf32, #tpu.memory_space<vmem_shared>>
    %dma_wait3A_132 = arith.constant 0 : i32
    %dma_wait3A_133 = tpu.memref_slice %arg5[%mul3A_40, %dma_wait3A_132] : memref<10112x128xf32, #tpu.memory_space<vmem_shared>> -> memref<96x128xf32, #tpu.memory_space<vmem_shared>>
    tpu.wait_dma2 semaphore(%arg14 : memref<!tpu.dma_semaphore, #tpu.memory_space<semaphore_mem>>) src(%arg6 : memref<96x128xf32, #tpu.memory_space<vmem>>) dst(%dma_wait3A_133 : memref<96x128xf32, #tpu.memory_space<vmem_shared>>)
    %dma_wait3A_134 = arith.constant 0 : i32
    %dma_wait3A_135 = tpu.memref_slice %arg5[%mul3A_40, %dma_wait3A_134] : memref<10112x128xf32, #tpu.memory_space<vmem_shared>> -> memref<96x128xf32, #tpu.memory_space<vmem_shared>>
    %dma_wait3A_136 = arith.constant 0 : i32
    %dma_wait3A_137 = tpu.memref_slice %arg5[%mul3A_40, %dma_wait3A_136] : memref<10112x128xf32, #tpu.memory_space<vmem_shared>> -> memref<96x128xf32, #tpu.memory_space<vmem_shared>>
    tpu.wait_dma2 semaphore(%arg14 : memref<!tpu.dma_semaphore, #tpu.memory_space<semaphore_mem>>) src(%arg6 : memref<96x128xf32, #tpu.memory_space<vmem>>) dst(%dma_wait3A_137 : memref<96x128xf32, #tpu.memory_space<vmem_shared>>)
    %dma_wait3A_138 = arith.constant 0 : i32
    %dma_wait3A_139 = tpu.memref_slice %arg5[%mul3A_40, %dma_wait3A_138] : memref<10112x128xf32, #tpu.memory_space<vmem_shared>> -> memref<96x128xf32, #tpu.memory_space<vmem_shared>>
    %dma_wait3A_140 = arith.constant 0 : i32
    %dma_wait3A_141 = tpu.memref_slice %arg5[%mul3A_40, %dma_wait3A_140] : memref<10112x128xf32, #tpu.memory_space<vmem_shared>> -> memref<96x128xf32, #tpu.memory_space<vmem_shared>>
    tpu.wait_dma2 semaphore(%arg14 : memref<!tpu.dma_semaphore, #tpu.memory_space<semaphore_mem>>) src(%arg6 : memref<96x128xf32, #tpu.memory_space<vmem>>) dst(%dma_wait3A_141 : memref<96x128xf32, #tpu.memory_space<vmem_shared>>)
    %dma_wait3A_142 = arith.constant 0 : i32
    %dma_wait3A_143 = arith.constant 0 : i32
    %dma_wait3A_144 = tpu.memref_slice %arg6[%dma_wait3A_142, %dma_wait3A_143] : memref<96x128xf32, #tpu.memory_space<vmem>> -> memref<56x128xf32, #tpu.memory_space<vmem>>
    %dma_wait3A_145 = arith.constant 0 : i32
    %dma_wait3A_146 = tpu.memref_slice %arg5[%mul3A_40, %dma_wait3A_145] : memref<10112x128xf32, #tpu.memory_space<vmem_shared>> -> memref<56x128xf32, #tpu.memory_space<vmem_shared>>
    %dma_wait3A_147 = arith.constant 0 : i32
    %dma_wait3A_148 = tpu.memref_slice %arg5[%mul3A_40, %dma_wait3A_147] : memref<10112x128xf32, #tpu.memory_space<vmem_shared>> -> memref<56x128xf32, #tpu.memory_space<vmem_shared>>
    %dma_wait3A_149 = arith.constant 0 : i32
    %dma_wait3A_150 = arith.constant 0 : i32
    %dma_wait3A_151 = tpu.memref_slice %arg6[%dma_wait3A_149, %dma_wait3A_150] : memref<96x128xf32, #tpu.memory_space<vmem>> -> memref<56x128xf32, #tpu.memory_space<vmem>>
    tpu.wait_dma2 semaphore(%arg14 : memref<!tpu.dma_semaphore, #tpu.memory_space<semaphore_mem>>) src(%dma_wait3A_151 : memref<56x128xf32, #tpu.memory_space<vmem>>) dst(%dma_wait3A_148 : memref<56x128xf32, #tpu.memory_space<vmem_shared>>)
    %barrier3A = arith.constant 0 : index
    tpu.barrier barrier_id(%barrier3A)
    %dma_wait3A_152 = arith.constant 0 : i32
    %dma_wait3A_153 = arith.constant 0 : i32
    %dma_wait3A_154 = tpu.memref_slice %arg10[%dma_wait3A_152, %dma_wait3A_153] : memref<2x96xi32, #tpu.memory_space<vmem>> -> memref<1x96xi32, #tpu.memory_space<vmem>>
    %dma_wait3A_155 = tpu.memref_squeeze %dma_wait3A_154 : memref<1x96xi32, #tpu.memory_space<vmem>> -> memref<96xi32, #tpu.memory_space<vmem>>
    %dma_wait3A_156 = arith.constant 0 : i32
    %dma_wait3A_157 = arith.constant 0 : i32
    %dma_wait3A_158 = tpu.memref_slice %arg2[%dma_wait3A_156, %dma_wait3A_157] : memref<10112x128xf32, #tpu.memory_space<hbm>> -> memref<10112x128xf32, #tpu.memory_space<hbm>>
    tpu.wait_indirect_dma semaphore(%arg15 : memref<!tpu.dma_semaphore, #tpu.memory_space<semaphore_mem>>) src(%dma_wait3A_158 : memref<10112x128xf32, #tpu.memory_space<hbm>>) dst(%arg7 : memref<96x128xf32, #tpu.memory_space<vmem>>)
    %dma_start3A_159 = arith.constant 1 : i32
    %dma_start3A_160 = arith.constant 0 : i32
    %dma_start3A_161 = tpu.memref_slice %arg10[%dma_start3A_159, %dma_start3A_160] : memref<2x96xi32, #tpu.memory_space<vmem>> -> memref<1x96xi32, #tpu.memory_space<vmem>>
    %dma_start3A_162 = tpu.memref_squeeze %dma_start3A_161 : memref<1x96xi32, #tpu.memory_space<vmem>> -> memref<96xi32, #tpu.memory_space<vmem>>
    %dma_start3A_163 = arith.constant 0 : i32
    %dma_start3A_164 = arith.constant 0 : i32
    %dma_start3A_165 = tpu.memref_slice %arg5[%dma_start3A_163, %dma_start3A_164] : memref<10112x128xf32, #tpu.memory_space<vmem_shared>> -> memref<10112x128xf32, #tpu.memory_space<vmem_shared>>
    tpu.enqueue_indirect_dma source(%arg7 : memref<96x128xf32, #tpu.memory_space<vmem>>) target(%dma_start3A_165 : memref<10112x128xf32, #tpu.memory_space<vmem_shared>>) offsets(%dma_start3A_162 : memref<96xi32, #tpu.memory_space<vmem>>) semaphore(%arg19 : memref<!tpu.dma_semaphore, #tpu.memory_space<semaphore_mem>>) {add = true}
    %add3A_166 = arith.constant 3 : i32
    %add3A_167 = arith.addi %mul3A_3, %add3A_166 : i32
    %dma_start3A_168 = arith.constant 0 : i32
    %dma_start3A_169 = arith.constant 0 : i32
    %dma_start3A_170 = tpu.memref_slice %arg3[%add3A_167, %dma_start3A_168, %dma_start3A_169] : memref<3456x2x96xi32, #tpu.memory_space<hbm>> -> memref<1x2x96xi32, #tpu.memory_space<hbm>>
    %dma_start3A_171 = tpu.memref_squeeze %dma_start3A_170 : memref<1x2x96xi32, #tpu.memory_space<hbm>> -> memref<2x96xi32, #tpu.memory_space<hbm>>
    %dma_start3A_172 = arith.constant 0 : i32
    %dma_start3A_173 = arith.constant 0 : i32
    %dma_start3A_174 = tpu.memref_slice %arg3[%add3A_167, %dma_start3A_172, %dma_start3A_173] : memref<3456x2x96xi32, #tpu.memory_space<hbm>> -> memref<1x2x96xi32, #tpu.memory_space<hbm>>
    %dma_start3A_175 = tpu.memref_squeeze %dma_start3A_174 : memref<1x2x96xi32, #tpu.memory_space<hbm>> -> memref<2x96xi32, #tpu.memory_space<hbm>>
    tpu.enqueue_dma source(%dma_start3A_175 : memref<2x96xi32, #tpu.memory_space<hbm>>) target(%arg13 : memref<2x96xi32, #tpu.memory_space<vmem>>) target_semaphore(%arg25 : memref<!tpu.dma_semaphore, #tpu.memory_space<semaphore_mem>>)
    %dma_wait3A_176 = arith.constant 0 : i32
    %dma_wait3A_177 = arith.constant 0 : i32
    %dma_wait3A_178 = tpu.memref_slice %arg3[%mul3A_3, %dma_wait3A_176, %dma_wait3A_177] : memref<3456x2x96xi32, #tpu.memory_space<hbm>> -> memref<1x2x96xi32, #tpu.memory_space<hbm>>
    %dma_wait3A_179 = tpu.memref_squeeze %dma_wait3A_178 : memref<1x2x96xi32, #tpu.memory_space<hbm>> -> memref<2x96xi32, #tpu.memory_space<hbm>>
    %dma_wait3A_180 = arith.constant 0 : i32
    %dma_wait3A_181 = arith.constant 0 : i32
    %dma_wait3A_182 = tpu.memref_slice %arg3[%mul3A_3, %dma_wait3A_180, %dma_wait3A_181] : memref<3456x2x96xi32, #tpu.memory_space<hbm>> -> memref<1x2x96xi32, #tpu.memory_space<hbm>>
    %dma_wait3A_183 = tpu.memref_squeeze %dma_wait3A_182 : memref<1x2x96xi32, #tpu.memory_space<hbm>> -> memref<2x96xi32, #tpu.memory_space<hbm>>
    tpu.wait_dma2 semaphore(%arg24 : memref<!tpu.dma_semaphore, #tpu.memory_space<semaphore_mem>>) src(%dma_wait3A_183 : memref<2x96xi32, #tpu.memory_space<hbm>>) dst(%arg12 : memref<2x96xi32, #tpu.memory_space<vmem>>)
    %dma_start3A_184 = arith.constant 0 : i32
    %dma_start3A_185 = arith.constant 0 : i32
    %dma_start3A_186 = tpu.memref_slice %arg12[%dma_start3A_184, %dma_start3A_185] : memref<2x96xi32, #tpu.memory_space<vmem>> -> memref<1x96xi32, #tpu.memory_space<vmem>>
    %dma_start3A_187 = tpu.memref_squeeze %dma_start3A_186 : memref<1x96xi32, #tpu.memory_space<vmem>> -> memref<96xi32, #tpu.memory_space<vmem>>
    %dma_start3A_188 = arith.constant 0 : i32
    %dma_start3A_189 = arith.constant 0 : i32
    %dma_start3A_190 = tpu.memref_slice %arg2[%dma_start3A_188, %dma_start3A_189] : memref<10112x128xf32, #tpu.memory_space<hbm>> -> memref<10112x128xf32, #tpu.memory_space<hbm>>
    tpu.enqueue_indirect_dma source(%dma_start3A_190 : memref<10112x128xf32, #tpu.memory_space<hbm>>) target(%arg9 : memref<96x128xf32, #tpu.memory_space<vmem>>) offsets(%dma_start3A_187 : memref<96xi32, #tpu.memory_space<vmem>>) semaphore(%arg17 : memref<!tpu.dma_semaphore, #tpu.memory_space<semaphore_mem>>)
    %dma_wait3A_191 = arith.constant 0 : i32
    %dma_wait3A_192 = arith.constant 0 : i32
    %dma_wait3A_193 = tpu.memref_slice %arg10[%dma_wait3A_191, %dma_wait3A_192] : memref<2x96xi32, #tpu.memory_space<vmem>> -> memref<1x96xi32, #tpu.memory_space<vmem>>
    %dma_wait3A_194 = tpu.memref_squeeze %dma_wait3A_193 : memref<1x96xi32, #tpu.memory_space<vmem>> -> memref<96xi32, #tpu.memory_space<vmem>>
    %dma_wait3A_195 = arith.constant 0 : i32
    %dma_wait3A_196 = arith.constant 0 : i32
    %dma_wait3A_197 = tpu.memref_slice %arg2[%dma_wait3A_195, %dma_wait3A_196] : memref<10112x128xf32, #tpu.memory_space<hbm>> -> memref<10112x128xf32, #tpu.memory_space<hbm>>
    tpu.wait_indirect_dma semaphore(%arg16 : memref<!tpu.dma_semaphore, #tpu.memory_space<semaphore_mem>>) src(%dma_wait3A_197 : memref<10112x128xf32, #tpu.memory_space<hbm>>) dst(%arg8 : memref<96x128xf32, #tpu.memory_space<vmem>>)
    %dma_start3A_198 = arith.constant 1 : i32
    %dma_start3A_199 = arith.constant 0 : i32
    %dma_start3A_200 = tpu.memref_slice %arg11[%dma_start3A_198, %dma_start3A_199] : memref<2x96xi32, #tpu.memory_space<vmem>> -> memref<1x96xi32, #tpu.memory_space<vmem>>
    %dma_start3A_201 = tpu.memref_squeeze %dma_start3A_200 : memref<1x96xi32, #tpu.memory_space<vmem>> -> memref<96xi32, #tpu.memory_space<vmem>>
    %dma_start3A_202 = arith.constant 0 : i32
    %dma_start3A_203 = arith.constant 0 : i32
    %dma_start3A_204 = tpu.memref_slice %arg5[%dma_start3A_202, %dma_start3A_203] : memref<10112x128xf32, #tpu.memory_space<vmem_shared>> -> memref<10112x128xf32, #tpu.memory_space<vmem_shared>>
    tpu.enqueue_indirect_dma source(%arg8 : memref<96x128xf32, #tpu.memory_space<vmem>>) target(%dma_start3A_204 : memref<10112x128xf32, #tpu.memory_space<vmem_shared>>) offsets(%dma_start3A_201 : memref<96xi32, #tpu.memory_space<vmem>>) semaphore(%arg20 : memref<!tpu.dma_semaphore, #tpu.memory_space<semaphore_mem>>) {add = true}
    %dma_wait3A_205 = arith.constant 1 : i32
    %dma_wait3A_206 = arith.constant 0 : i32
    %dma_wait3A_207 = tpu.memref_slice %arg10[%dma_wait3A_205, %dma_wait3A_206] : memref<2x96xi32, #tpu.memory_space<vmem>> -> memref<1x96xi32, #tpu.memory_space<vmem>>
    %dma_wait3A_208 = tpu.memref_squeeze %dma_wait3A_207 : memref<1x96xi32, #tpu.memory_space<vmem>> -> memref<96xi32, #tpu.memory_space<vmem>>
    %dma_wait3A_209 = arith.constant 0 : i32
    %dma_wait3A_210 = arith.constant 0 : i32
    %dma_wait3A_211 = tpu.memref_slice %arg5[%dma_wait3A_209, %dma_wait3A_210] : memref<10112x128xf32, #tpu.memory_space<vmem_shared>> -> memref<10112x128xf32, #tpu.memory_space<vmem_shared>>
    tpu.wait_indirect_dma semaphore(%arg19 : memref<!tpu.dma_semaphore, #tpu.memory_space<semaphore_mem>>) src(%arg6 : memref<96x128xf32, #tpu.memory_space<vmem>>) dst(%dma_wait3A_211 : memref<10112x128xf32, #tpu.memory_space<vmem_shared>>)
    %add3A_212 = arith.constant 4 : i32
    %add3A_213 = arith.addi %mul3A_3, %add3A_212 : i32
    %dma_start3A_214 = arith.constant 0 : i32
    %dma_start3A_215 = arith.constant 0 : i32
    %dma_start3A_216 = tpu.memref_slice %arg3[%add3A_213, %dma_start3A_214, %dma_start3A_215] : memref<3456x2x96xi32, #tpu.memory_space<hbm>> -> memref<1x2x96xi32, #tpu.memory_space<hbm>>
    %dma_start3A_217 = tpu.memref_squeeze %dma_start3A_216 : memref<1x2x96xi32, #tpu.memory_space<hbm>> -> memref<2x96xi32, #tpu.memory_space<hbm>>
    %dma_start3A_218 = arith.constant 0 : i32
    %dma_start3A_219 = arith.constant 0 : i32
    %dma_start3A_220 = tpu.memref_slice %arg3[%add3A_213, %dma_start3A_218, %dma_start3A_219] : memref<3456x2x96xi32, #tpu.memory_space<hbm>> -> memref<1x2x96xi32, #tpu.memory_space<hbm>>
    %dma_start3A_221 = tpu.memref_squeeze %dma_start3A_220 : memref<1x2x96xi32, #tpu.memory_space<hbm>> -> memref<2x96xi32, #tpu.memory_space<hbm>>
    tpu.enqueue_dma source(%dma_start3A_221 : memref<2x96xi32, #tpu.memory_space<hbm>>) target(%arg10 : memref<2x96xi32, #tpu.memory_space<vmem>>) target_semaphore(%arg22 : memref<!tpu.dma_semaphore, #tpu.memory_space<semaphore_mem>>)
    %dma_wait3A_222 = arith.constant 0 : i32
    %dma_wait3A_223 = arith.constant 0 : i32
    %dma_wait3A_224 = tpu.memref_slice %arg3[%mul3A_3, %dma_wait3A_222, %dma_wait3A_223] : memref<3456x2x96xi32, #tpu.memory_space<hbm>> -> memref<1x2x96xi32, #tpu.memory_space<hbm>>
    %dma_wait3A_225 = tpu.memref_squeeze %dma_wait3A_224 : memref<1x2x96xi32, #tpu.memory_space<hbm>> -> memref<2x96xi32, #tpu.memory_space<hbm>>
    %dma_wait3A_226 = arith.constant 0 : i32
    %dma_wait3A_227 = arith.constant 0 : i32
    %dma_wait3A_228 = tpu.memref_slice %arg3[%mul3A_3, %dma_wait3A_226, %dma_wait3A_227] : memref<3456x2x96xi32, #tpu.memory_space<hbm>> -> memref<1x2x96xi32, #tpu.memory_space<hbm>>
    %dma_wait3A_229 = tpu.memref_squeeze %dma_wait3A_228 : memref<1x2x96xi32, #tpu.memory_space<hbm>> -> memref<2x96xi32, #tpu.memory_space<hbm>>
    tpu.wait_dma2 semaphore(%arg25 : memref<!tpu.dma_semaphore, #tpu.memory_space<semaphore_mem>>) src(%dma_wait3A_229 : memref<2x96xi32, #tpu.memory_space<hbm>>) dst(%arg13 : memref<2x96xi32, #tpu.memory_space<vmem>>)
    %dma_start3A_230 = arith.constant 0 : i32
    %dma_start3A_231 = arith.constant 0 : i32
    %dma_start3A_232 = tpu.memref_slice %arg13[%dma_start3A_230, %dma_start3A_231] : memref<2x96xi32, #tpu.memory_space<vmem>> -> memref<1x96xi32, #tpu.memory_space<vmem>>
    %dma_start3A_233 = tpu.memref_squeeze %dma_start3A_232 : memref<1x96xi32, #tpu.memory_space<vmem>> -> memref<96xi32, #tpu.memory_space<vmem>>
    %dma_start3A_234 = arith.constant 0 : i32
    %dma_start3A_235 = arith.constant 0 : i32
    %dma_start3A_236 = tpu.memref_slice %arg2[%dma_start3A_234, %dma_start3A_235] : memref<10112x128xf32, #tpu.memory_space<hbm>> -> memref<10112x128xf32, #tpu.memory_space<hbm>>
    tpu.enqueue_indirect_dma source(%dma_start3A_236 : memref<10112x128xf32, #tpu.memory_space<hbm>>) target(%arg6 : memref<96x128xf32, #tpu.memory_space<vmem>>) offsets(%dma_start3A_233 : memref<96xi32, #tpu.memory_space<vmem>>) semaphore(%arg14 : memref<!tpu.dma_semaphore, #tpu.memory_space<semaphore_mem>>)
    %dma_wait3A_237 = arith.constant 0 : i32
    %dma_wait3A_238 = arith.constant 0 : i32
    %dma_wait3A_239 = tpu.memref_slice %arg10[%dma_wait3A_237, %dma_wait3A_238] : memref<2x96xi32, #tpu.memory_space<vmem>> -> memref<1x96xi32, #tpu.memory_space<vmem>>
    %dma_wait3A_240 = tpu.memref_squeeze %dma_wait3A_239 : memref<1x96xi32, #tpu.memory_space<vmem>> -> memref<96xi32, #tpu.memory_space<vmem>>
    %dma_wait3A_241 = arith.constant 0 : i32
    %dma_wait3A_242 = arith.constant 0 : i32
    %dma_wait3A_243 = tpu.memref_slice %arg2[%dma_wait3A_241, %dma_wait3A_242] : memref<10112x128xf32, #tpu.memory_space<hbm>> -> memref<10112x128xf32, #tpu.memory_space<hbm>>
    tpu.wait_indirect_dma semaphore(%arg17 : memref<!tpu.dma_semaphore, #tpu.memory_space<semaphore_mem>>) src(%dma_wait3A_243 : memref<10112x128xf32, #tpu.memory_space<hbm>>) dst(%arg9 : memref<96x128xf32, #tpu.memory_space<vmem>>)
    %dma_start3A_244 = arith.constant 1 : i32
    %dma_start3A_245 = arith.constant 0 : i32
    %dma_start3A_246 = tpu.memref_slice %arg12[%dma_start3A_244, %dma_start3A_245] : memref<2x96xi32, #tpu.memory_space<vmem>> -> memref<1x96xi32, #tpu.memory_space<vmem>>
    %dma_start3A_247 = tpu.memref_squeeze %dma_start3A_246 : memref<1x96xi32, #tpu.memory_space<vmem>> -> memref<96xi32, #tpu.memory_space<vmem>>
    %dma_start3A_248 = arith.constant 0 : i32
    %dma_start3A_249 = arith.constant 0 : i32
    %dma_start3A_250 = tpu.memref_slice %arg5[%dma_start3A_248, %dma_start3A_249] : memref<10112x128xf32, #tpu.memory_space<vmem_shared>> -> memref<10112x128xf32, #tpu.memory_space<vmem_shared>>
    tpu.enqueue_indirect_dma source(%arg9 : memref<96x128xf32, #tpu.memory_space<vmem>>) target(%dma_start3A_250 : memref<10112x128xf32, #tpu.memory_space<vmem_shared>>) offsets(%dma_start3A_247 : memref<96xi32, #tpu.memory_space<vmem>>) semaphore(%arg21 : memref<!tpu.dma_semaphore, #tpu.memory_space<semaphore_mem>>) {add = true}
    %dma_wait3A_251 = arith.constant 1 : i32
    %dma_wait3A_252 = arith.constant 0 : i32
    %dma_wait3A_253 = tpu.memref_slice %arg10[%dma_wait3A_251, %dma_wait3A_252] : memref<2x96xi32, #tpu.memory_space<vmem>> -> memref<1x96xi32, #tpu.memory_space<vmem>>
    %dma_wait3A_254 = tpu.memref_squeeze %dma_wait3A_253 : memref<1x96xi32, #tpu.memory_space<vmem>> -> memref<96xi32, #tpu.memory_space<vmem>>
    %dma_wait3A_255 = arith.constant 0 : i32
    %dma_wait3A_256 = arith.constant 0 : i32
    %dma_wait3A_257 = tpu.memref_slice %arg5[%dma_wait3A_255, %dma_wait3A_256] : memref<10112x128xf32, #tpu.memory_space<vmem_shared>> -> memref<10112x128xf32, #tpu.memory_space<vmem_shared>>
    tpu.wait_indirect_dma semaphore(%arg20 : memref<!tpu.dma_semaphore, #tpu.memory_space<semaphore_mem>>) src(%arg6 : memref<96x128xf32, #tpu.memory_space<vmem>>) dst(%dma_wait3A_257 : memref<10112x128xf32, #tpu.memory_space<vmem_shared>>)
    %add3A_258 = arith.constant 5 : i32
    %add3A_259 = arith.addi %mul3A_3, %add3A_258 : i32
    %dma_start3A_260 = arith.constant 0 : i32
    %dma_start3A_261 = arith.constant 0 : i32
    %dma_start3A_262 = tpu.memref_slice %arg3[%add3A_259, %dma_start3A_260, %dma_start3A_261] : memref<3456x2x96xi32, #tpu.memory_space<hbm>> -> memref<1x2x96xi32, #tpu.memory_space<hbm>>
    %dma_start3A_263 = tpu.memref_squeeze %dma_start3A_262 : memref<1x2x96xi32, #tpu.memory_space<hbm>> -> memref<2x96xi32, #tpu.memory_space<hbm>>
    %dma_start3A_264 = arith.constant 0 : i32
    %dma_start3A_265 = arith.constant 0 : i32
    %dma_start3A_266 = tpu.memref_slice %arg3[%add3A_259, %dma_start3A_264, %dma_start3A_265] : memref<3456x2x96xi32, #tpu.memory_space<hbm>> -> memref<1x2x96xi32, #tpu.memory_space<hbm>>
    %dma_start3A_267 = tpu.memref_squeeze %dma_start3A_266 : memref<1x2x96xi32, #tpu.memory_space<hbm>> -> memref<2x96xi32, #tpu.memory_space<hbm>>
    tpu.enqueue_dma source(%dma_start3A_267 : memref<2x96xi32, #tpu.memory_space<hbm>>) target(%arg11 : memref<2x96xi32, #tpu.memory_space<vmem>>) target_semaphore(%arg23 : memref<!tpu.dma_semaphore, #tpu.memory_space<semaphore_mem>>)
    %dma_wait3A_268 = arith.constant 0 : i32
    %dma_wait3A_269 = arith.constant 0 : i32
    %dma_wait3A_270 = tpu.memref_slice %arg3[%mul3A_3, %dma_wait3A_268, %dma_wait3A_269] : memref<3456x2x96xi32, #tpu.memory_space<hbm>> -> memref<1x2x96xi32, #tpu.memory_space<hbm>>
    %dma_wait3A_271 = tpu.memref_squeeze %dma_wait3A_270 : memref<1x2x96xi32, #tpu.memory_space<hbm>> -> memref<2x96xi32, #tpu.memory_space<hbm>>
    %dma_wait3A_272 = arith.constant 0 : i32
    %dma_wait3A_273 = arith.constant 0 : i32
    %dma_wait3A_274 = tpu.memref_slice %arg3[%mul3A_3, %dma_wait3A_272, %dma_wait3A_273] : memref<3456x2x96xi32, #tpu.memory_space<hbm>> -> memref<1x2x96xi32, #tpu.memory_space<hbm>>
    %dma_wait3A_275 = tpu.memref_squeeze %dma_wait3A_274 : memref<1x2x96xi32, #tpu.memory_space<hbm>> -> memref<2x96xi32, #tpu.memory_space<hbm>>
    tpu.wait_dma2 semaphore(%arg22 : memref<!tpu.dma_semaphore, #tpu.memory_space<semaphore_mem>>) src(%dma_wait3A_275 : memref<2x96xi32, #tpu.memory_space<hbm>>) dst(%arg10 : memref<2x96xi32, #tpu.memory_space<vmem>>)
    %dma_start3A_276 = arith.constant 0 : i32
    %dma_start3A_277 = arith.constant 0 : i32
    %dma_start3A_278 = tpu.memref_slice %arg10[%dma_start3A_276, %dma_start3A_277] : memref<2x96xi32, #tpu.memory_space<vmem>> -> memref<1x96xi32, #tpu.memory_space<vmem>>
    %dma_start3A_279 = tpu.memref_squeeze %dma_start3A_278 : memref<1x96xi32, #tpu.memory_space<vmem>> -> memref<96xi32, #tpu.memory_space<vmem>>
    %dma_start3A_280 = arith.constant 0 : i32
    %dma_start3A_281 = arith.constant 0 : i32
    %dma_start3A_282 = tpu.memref_slice %arg2[%dma_start3A_280, %dma_start3A_281] : memref<10112x128xf32, #tpu.memory_space<hbm>> -> memref<10112x128xf32, #tpu.memory_space<hbm>>
    tpu.enqueue_indirect_dma source(%dma_start3A_282 : memref<10112x128xf32, #tpu.memory_space<hbm>>) target(%arg7 : memref<96x128xf32, #tpu.memory_space<vmem>>) offsets(%dma_start3A_279 : memref<96xi32, #tpu.memory_space<vmem>>) semaphore(%arg15 : memref<!tpu.dma_semaphore, #tpu.memory_space<semaphore_mem>>)
    %dma_wait3A_283 = arith.constant 0 : i32
    %dma_wait3A_284 = arith.constant 0 : i32
    %dma_wait3A_285 = tpu.memref_slice %arg10[%dma_wait3A_283, %dma_wait3A_284] : memref<2x96xi32, #tpu.memory_space<vmem>> -> memref<1x96xi32, #tpu.memory_space<vmem>>
    %dma_wait3A_286 = tpu.memref_squeeze %dma_wait3A_285 : memref<1x96xi32, #tpu.memory_space<vmem>> -> memref<96xi32, #tpu.memory_space<vmem>>
    %dma_wait3A_287 = arith.constant 0 : i32
    %dma_wait3A_288 = arith.constant 0 : i32
    %dma_wait3A_289 = tpu.memref_slice %arg2[%dma_wait3A_287, %dma_wait3A_288] : memref<10112x128xf32, #tpu.memory_space<hbm>> -> memref<10112x128xf32, #tpu.memory_space<hbm>>
    tpu.wait_indirect_dma semaphore(%arg14 : memref<!tpu.dma_semaphore, #tpu.memory_space<semaphore_mem>>) src(%dma_wait3A_289 : memref<10112x128xf32, #tpu.memory_space<hbm>>) dst(%arg6 : memref<96x128xf32, #tpu.memory_space<vmem>>)
    %dma_start3A_290 = arith.constant 1 : i32
    %dma_start3A_291 = arith.constant 0 : i32
    %dma_start3A_292 = tpu.memref_slice %arg13[%dma_start3A_290, %dma_start3A_291] : memref<2x96xi32, #tpu.memory_space<vmem>> -> memref<1x96xi32, #tpu.memory_space<vmem>>
    %dma_start3A_293 = tpu.memref_squeeze %dma_start3A_292 : memref<1x96xi32, #tpu.memory_space<vmem>> -> memref<96xi32, #tpu.memory_space<vmem>>
    %dma_start3A_294 = arith.constant 0 : i32
    %dma_start3A_295 = arith.constant 0 : i32
    %dma_start3A_296 = tpu.memref_slice %arg5[%dma_start3A_294, %dma_start3A_295] : memref<10112x128xf32, #tpu.memory_space<vmem_shared>> -> memref<10112x128xf32, #tpu.memory_space<vmem_shared>>
    tpu.enqueue_indirect_dma source(%arg6 : memref<96x128xf32, #tpu.memory_space<vmem>>) target(%dma_start3A_296 : memref<10112x128xf32, #tpu.memory_space<vmem_shared>>) offsets(%dma_start3A_293 : memref<96xi32, #tpu.memory_space<vmem>>) semaphore(%arg18 : memref<!tpu.dma_semaphore, #tpu.memory_space<semaphore_mem>>) {add = true}
    %dma_wait3A_297 = arith.constant 1 : i32
    %dma_wait3A_298 = arith.constant 0 : i32
    %dma_wait3A_299 = tpu.memref_slice %arg10[%dma_wait3A_297, %dma_wait3A_298] : memref<2x96xi32, #tpu.memory_space<vmem>> -> memref<1x96xi32, #tpu.memory_space<vmem>>
    %dma_wait3A_300 = tpu.memref_squeeze %dma_wait3A_299 : memref<1x96xi32, #tpu.memory_space<vmem>> -> memref<96xi32, #tpu.memory_space<vmem>>
    %dma_wait3A_301 = arith.constant 0 : i32
    %dma_wait3A_302 = arith.constant 0 : i32
    %dma_wait3A_303 = tpu.memref_slice %arg5[%dma_wait3A_301, %dma_wait3A_302] : memref<10112x128xf32, #tpu.memory_space<vmem_shared>> -> memref<10112x128xf32, #tpu.memory_space<vmem_shared>>
    tpu.wait_indirect_dma semaphore(%arg21 : memref<!tpu.dma_semaphore, #tpu.memory_space<semaphore_mem>>) src(%arg6 : memref<96x128xf32, #tpu.memory_space<vmem>>) dst(%dma_wait3A_303 : memref<10112x128xf32, #tpu.memory_space<vmem_shared>>)
    %add3A_304 = arith.constant 6 : i32
    %add3A_305 = arith.addi %mul3A_3, %add3A_304 : i32
    %dma_start3A_306 = arith.constant 0 : i32
    %dma_start3A_307 = arith.constant 0 : i32
    %dma_start3A_308 = tpu.memref_slice %arg3[%add3A_305, %dma_start3A_306, %dma_start3A_307] : memref<3456x2x96xi32, #tpu.memory_space<hbm>> -> memref<1x2x96xi32, #tpu.memory_space<hbm>>
    %dma_start3A_309 = tpu.memref_squeeze %dma_start3A_308 : memref<1x2x96xi32, #tpu.memory_space<hbm>> -> memref<2x96xi32, #tpu.memory_space<hbm>>
    %dma_start3A_310 = arith.constant 0 : i32
    %dma_start3A_311 = arith.constant 0 : i32
    %dma_start3A_312 = tpu.memref_slice %arg3[%add3A_305, %dma_start3A_310, %dma_start3A_311] : memref<3456x2x96xi32, #tpu.memory_space<hbm>> -> memref<1x2x96xi32, #tpu.memory_space<hbm>>
    %dma_start3A_313 = tpu.memref_squeeze %dma_start3A_312 : memref<1x2x96xi32, #tpu.memory_space<hbm>> -> memref<2x96xi32, #tpu.memory_space<hbm>>
    tpu.enqueue_dma source(%dma_start3A_313 : memref<2x96xi32, #tpu.memory_space<hbm>>) target(%arg12 : memref<2x96xi32, #tpu.memory_space<vmem>>) target_semaphore(%arg24 : memref<!tpu.dma_semaphore, #tpu.memory_space<semaphore_mem>>)
    %dma_wait3A_314 = arith.constant 0 : i32
    %dma_wait3A_315 = arith.constant 0 : i32
    %dma_wait3A_316 = tpu.memref_slice %arg3[%mul3A_3, %dma_wait3A_314, %dma_wait3A_315] : memref<3456x2x96xi32, #tpu.memory_space<hbm>> -> memref<1x2x96xi32, #tpu.memory_space<hbm>>
    %dma_wait3A_317 = tpu.memref_squeeze %dma_wait3A_316 : memref<1x2x96xi32, #tpu.memory_space<hbm>> -> memref<2x96xi32, #tpu.memory_space<hbm>>
    %dma_wait3A_318 = arith.constant 0 : i32
    %dma_wait3A_319 = arith.constant 0 : i32
    %dma_wait3A_320 = tpu.memref_slice %arg3[%mul3A_3, %dma_wait3A_318, %dma_wait3A_319] : memref<3456x2x96xi32, #tpu.memory_space<hbm>> -> memref<1x2x96xi32, #tpu.memory_space<hbm>>
    %dma_wait3A_321 = tpu.memref_squeeze %dma_wait3A_320 : memref<1x2x96xi32, #tpu.memory_space<hbm>> -> memref<2x96xi32, #tpu.memory_space<hbm>>
    tpu.wait_dma2 semaphore(%arg23 : memref<!tpu.dma_semaphore, #tpu.memory_space<semaphore_mem>>) src(%dma_wait3A_321 : memref<2x96xi32, #tpu.memory_space<hbm>>) dst(%arg11 : memref<2x96xi32, #tpu.memory_space<vmem>>)
    %dma_start3A_322 = arith.constant 0 : i32
    %dma_start3A_323 = arith.constant 0 : i32
    %dma_start3A_324 = tpu.memref_slice %arg11[%dma_start3A_322, %dma_start3A_323] : memref<2x96xi32, #tpu.memory_space<vmem>> -> memref<1x96xi32, #tpu.memory_space<vmem>>
    %dma_start3A_325 = tpu.memref_squeeze %dma_start3A_324 : memref<1x96xi32, #tpu.memory_space<vmem>> -> memref<96xi32, #tpu.memory_space<vmem>>
    %dma_start3A_326 = arith.constant 0 : i32
    %dma_start3A_327 = arith.constant 0 : i32
    %dma_start3A_328 = tpu.memref_slice %arg2[%dma_start3A_326, %dma_start3A_327] : memref<10112x128xf32, #tpu.memory_space<hbm>> -> memref<10112x128xf32, #tpu.memory_space<hbm>>
    tpu.enqueue_indirect_dma source(%dma_start3A_328 : memref<10112x128xf32, #tpu.memory_space<hbm>>) target(%arg8 : memref<96x128xf32, #tpu.memory_space<vmem>>) offsets(%dma_start3A_325 : memref<96xi32, #tpu.memory_space<vmem>>) semaphore(%arg16 : memref<!tpu.dma_semaphore, #tpu.memory_space<semaphore_mem>>)
    %scan3A_329 = arith.constant 0 : i32
    %scan3A_330 = arith.constant 1 : i32
    %scan3A_331 = arith.constant 25 : i32
    %scan3A_332 = arith.addi %scan3A_330, %scan3A_331 : i32
    %scan3A_333 = arith.constant 1 : i32
    %scan3A_334 = scf.for %scan3A_471 = %scan3A_330 to %scan3A_332 step %scan3A_333 iter_args(%scan3A_472 = %scan3A_329) -> (i32)  : i32 {
      %mul3A_473 = arith.constant 4 : i32
      %mul3A_474 = arith.muli %scan3A_471, %mul3A_473 : i32
      %add3A_475 = arith.constant 0 : i32
      %add3A_476 = arith.addi %mul3A_474, %add3A_475 : i32
      %dma_wait3A_477 = arith.constant 0 : i32
      %dma_wait3A_478 = arith.constant 0 : i32
      %dma_wait3A_479 = tpu.memref_slice %arg10[%dma_wait3A_477, %dma_wait3A_478] : memref<2x96xi32, #tpu.memory_space<vmem>> -> memref<1x96xi32, #tpu.memory_space<vmem>>
      %dma_wait3A_480 = tpu.memref_squeeze %dma_wait3A_479 : memref<1x96xi32, #tpu.memory_space<vmem>> -> memref<96xi32, #tpu.memory_space<vmem>>
      %dma_wait3A_481 = arith.constant 0 : i32
      %dma_wait3A_482 = arith.constant 0 : i32
      %dma_wait3A_483 = tpu.memref_slice %arg2[%dma_wait3A_481, %dma_wait3A_482] : memref<10112x128xf32, #tpu.memory_space<hbm>> -> memref<10112x128xf32, #tpu.memory_space<hbm>>
      tpu.wait_indirect_dma semaphore(%arg15 : memref<!tpu.dma_semaphore, #tpu.memory_space<semaphore_mem>>) src(%dma_wait3A_483 : memref<10112x128xf32, #tpu.memory_space<hbm>>) dst(%arg7 : memref<96x128xf32, #tpu.memory_space<vmem>>)
      %dma_start3A_484 = arith.constant 1 : i32
      %dma_start3A_485 = arith.constant 0 : i32
      %dma_start3A_486 = tpu.memref_slice %arg10[%dma_start3A_484, %dma_start3A_485] : memref<2x96xi32, #tpu.memory_space<vmem>> -> memref<1x96xi32, #tpu.memory_space<vmem>>
      %dma_start3A_487 = tpu.memref_squeeze %dma_start3A_486 : memref<1x96xi32, #tpu.memory_space<vmem>> -> memref<96xi32, #tpu.memory_space<vmem>>
      %dma_start3A_488 = arith.constant 0 : i32
      %dma_start3A_489 = arith.constant 0 : i32
      %dma_start3A_490 = tpu.memref_slice %arg5[%dma_start3A_488, %dma_start3A_489] : memref<10112x128xf32, #tpu.memory_space<vmem_shared>> -> memref<10112x128xf32, #tpu.memory_space<vmem_shared>>
      tpu.enqueue_indirect_dma source(%arg7 : memref<96x128xf32, #tpu.memory_space<vmem>>) target(%dma_start3A_490 : memref<10112x128xf32, #tpu.memory_space<vmem_shared>>) offsets(%dma_start3A_487 : memref<96xi32, #tpu.memory_space<vmem>>) semaphore(%arg19 : memref<!tpu.dma_semaphore, #tpu.memory_space<semaphore_mem>>) {add = true}
      %dma_wait3A_491 = arith.constant 1 : i32
      %dma_wait3A_492 = arith.constant 0 : i32
      %dma_wait3A_493 = tpu.memref_slice %arg10[%dma_wait3A_491, %dma_wait3A_492] : memref<2x96xi32, #tpu.memory_space<vmem>> -> memref<1x96xi32, #tpu.memory_space<vmem>>
      %dma_wait3A_494 = tpu.memref_squeeze %dma_wait3A_493 : memref<1x96xi32, #tpu.memory_space<vmem>> -> memref<96xi32, #tpu.memory_space<vmem>>
      %dma_wait3A_495 = arith.constant 0 : i32
      %dma_wait3A_496 = arith.constant 0 : i32
      %dma_wait3A_497 = tpu.memref_slice %arg5[%dma_wait3A_495, %dma_wait3A_496] : memref<10112x128xf32, #tpu.memory_space<vmem_shared>> -> memref<10112x128xf32, #tpu.memory_space<vmem_shared>>
      tpu.wait_indirect_dma semaphore(%arg18 : memref<!tpu.dma_semaphore, #tpu.memory_space<semaphore_mem>>) src(%arg6 : memref<96x128xf32, #tpu.memory_space<vmem>>) dst(%dma_wait3A_497 : memref<10112x128xf32, #tpu.memory_space<vmem_shared>>)
      %add3A_498 = arith.constant 3 : i32
      %add3A_499 = arith.addi %add3A_476, %add3A_498 : i32
      %add3A_500 = arith.addi %mul3A_3, %add3A_499 : i32
      %dma_start3A_501 = arith.constant 0 : i32
      %dma_start3A_502 = arith.constant 0 : i32
      %dma_start3A_503 = tpu.memref_slice %arg3[%add3A_500, %dma_start3A_501, %dma_start3A_502] : memref<3456x2x96xi32, #tpu.memory_space<hbm>> -> memref<1x2x96xi32, #tpu.memory_space<hbm>>
      %dma_start3A_504 = tpu.memref_squeeze %dma_start3A_503 : memref<1x2x96xi32, #tpu.memory_space<hbm>> -> memref<2x96xi32, #tpu.memory_space<hbm>>
      %dma_start3A_505 = arith.constant 0 : i32
      %dma_start3A_506 = arith.constant 0 : i32
      %dma_start3A_507 = tpu.memref_slice %arg3[%add3A_500, %dma_start3A_505, %dma_start3A_506] : memref<3456x2x96xi32, #tpu.memory_space<hbm>> -> memref<1x2x96xi32, #tpu.memory_space<hbm>>
      %dma_start3A_508 = tpu.memref_squeeze %dma_start3A_507 : memref<1x2x96xi32, #tpu.memory_space<hbm>> -> memref<2x96xi32, #tpu.memory_space<hbm>>
      tpu.enqueue_dma source(%dma_start3A_508 : memref<2x96xi32, #tpu.memory_space<hbm>>) target(%arg13 : memref<2x96xi32, #tpu.memory_space<vmem>>) target_semaphore(%arg25 : memref<!tpu.dma_semaphore, #tpu.memory_space<semaphore_mem>>)
      %dma_wait3A_509 = arith.constant 0 : i32
      %dma_wait3A_510 = arith.constant 0 : i32
      %dma_wait3A_511 = tpu.memref_slice %arg3[%mul3A_3, %dma_wait3A_509, %dma_wait3A_510] : memref<3456x2x96xi32, #tpu.memory_space<hbm>> -> memref<1x2x96xi32, #tpu.memory_space<hbm>>
      %dma_wait3A_512 = tpu.memref_squeeze %dma_wait3A_511 : memref<1x2x96xi32, #tpu.memory_space<hbm>> -> memref<2x96xi32, #tpu.memory_space<hbm>>
      %dma_wait3A_513 = arith.constant 0 : i32
      %dma_wait3A_514 = arith.constant 0 : i32
      %dma_wait3A_515 = tpu.memref_slice %arg3[%mul3A_3, %dma_wait3A_513, %dma_wait3A_514] : memref<3456x2x96xi32, #tpu.memory_space<hbm>> -> memref<1x2x96xi32, #tpu.memory_space<hbm>>
      %dma_wait3A_516 = tpu.memref_squeeze %dma_wait3A_515 : memref<1x2x96xi32, #tpu.memory_space<hbm>> -> memref<2x96xi32, #tpu.memory_space<hbm>>
      tpu.wait_dma2 semaphore(%arg24 : memref<!tpu.dma_semaphore, #tpu.memory_space<semaphore_mem>>) src(%dma_wait3A_516 : memref<2x96xi32, #tpu.memory_space<hbm>>) dst(%arg12 : memref<2x96xi32, #tpu.memory_space<vmem>>)
      %dma_start3A_517 = arith.constant 0 : i32
      %dma_start3A_518 = arith.constant 0 : i32
      %dma_start3A_519 = tpu.memref_slice %arg12[%dma_start3A_517, %dma_start3A_518] : memref<2x96xi32, #tpu.memory_space<vmem>> -> memref<1x96xi32, #tpu.memory_space<vmem>>
      %dma_start3A_520 = tpu.memref_squeeze %dma_start3A_519 : memref<1x96xi32, #tpu.memory_space<vmem>> -> memref<96xi32, #tpu.memory_space<vmem>>
      %dma_start3A_521 = arith.constant 0 : i32
      %dma_start3A_522 = arith.constant 0 : i32
      %dma_start3A_523 = tpu.memref_slice %arg2[%dma_start3A_521, %dma_start3A_522] : memref<10112x128xf32, #tpu.memory_space<hbm>> -> memref<10112x128xf32, #tpu.memory_space<hbm>>
      tpu.enqueue_indirect_dma source(%dma_start3A_523 : memref<10112x128xf32, #tpu.memory_space<hbm>>) target(%arg9 : memref<96x128xf32, #tpu.memory_space<vmem>>) offsets(%dma_start3A_520 : memref<96xi32, #tpu.memory_space<vmem>>) semaphore(%arg17 : memref<!tpu.dma_semaphore, #tpu.memory_space<semaphore_mem>>)
      %mul3A_524 = arith.constant 4 : i32
      %mul3A_525 = arith.muli %scan3A_471, %mul3A_524 : i32
      %add3A_526 = arith.constant 1 : i32
      %add3A_527 = arith.addi %mul3A_525, %add3A_526 : i32
      %dma_wait3A_528 = arith.constant 0 : i32
      %dma_wait3A_529 = arith.constant 0 : i32
      %dma_wait3A_530 = tpu.memref_slice %arg10[%dma_wait3A_528, %dma_wait3A_529] : memref<2x96xi32, #tpu.memory_space<vmem>> -> memref<1x96xi32, #tpu.memory_space<vmem>>
      %dma_wait3A_531 = tpu.memref_squeeze %dma_wait3A_530 : memref<1x96xi32, #tpu.memory_space<vmem>> -> memref<96xi32, #tpu.memory_space<vmem>>
      %dma_wait3A_532 = arith.constant 0 : i32
      %dma_wait3A_533 = arith.constant 0 : i32
      %dma_wait3A_534 = tpu.memref_slice %arg2[%dma_wait3A_532, %dma_wait3A_533] : memref<10112x128xf32, #tpu.memory_space<hbm>> -> memref<10112x128xf32, #tpu.memory_space<hbm>>
      tpu.wait_indirect_dma semaphore(%arg16 : memref<!tpu.dma_semaphore, #tpu.memory_space<semaphore_mem>>) src(%dma_wait3A_534 : memref<10112x128xf32, #tpu.memory_space<hbm>>) dst(%arg8 : memref<96x128xf32, #tpu.memory_space<vmem>>)
      %dma_start3A_535 = arith.constant 1 : i32
      %dma_start3A_536 = arith.constant 0 : i32
      %dma_start3A_537 = tpu.memref_slice %arg11[%dma_start3A_535, %dma_start3A_536] : memref<2x96xi32, #tpu.memory_space<vmem>> -> memref<1x96xi32, #tpu.memory_space<vmem>>
      %dma_start3A_538 = tpu.memref_squeeze %dma_start3A_537 : memref<1x96xi32, #tpu.memory_space<vmem>> -> memref<96xi32, #tpu.memory_space<vmem>>
      %dma_start3A_539 = arith.constant 0 : i32
      %dma_start3A_540 = arith.constant 0 : i32
      %dma_start3A_541 = tpu.memref_slice %arg5[%dma_start3A_539, %dma_start3A_540] : memref<10112x128xf32, #tpu.memory_space<vmem_shared>> -> memref<10112x128xf32, #tpu.memory_space<vmem_shared>>
      tpu.enqueue_indirect_dma source(%arg8 : memref<96x128xf32, #tpu.memory_space<vmem>>) target(%dma_start3A_541 : memref<10112x128xf32, #tpu.memory_space<vmem_shared>>) offsets(%dma_start3A_538 : memref<96xi32, #tpu.memory_space<vmem>>) semaphore(%arg20 : memref<!tpu.dma_semaphore, #tpu.memory_space<semaphore_mem>>) {add = true}
      %dma_wait3A_542 = arith.constant 1 : i32
      %dma_wait3A_543 = arith.constant 0 : i32
      %dma_wait3A_544 = tpu.memref_slice %arg10[%dma_wait3A_542, %dma_wait3A_543] : memref<2x96xi32, #tpu.memory_space<vmem>> -> memref<1x96xi32, #tpu.memory_space<vmem>>
      %dma_wait3A_545 = tpu.memref_squeeze %dma_wait3A_544 : memref<1x96xi32, #tpu.memory_space<vmem>> -> memref<96xi32, #tpu.memory_space<vmem>>
      %dma_wait3A_546 = arith.constant 0 : i32
      %dma_wait3A_547 = arith.constant 0 : i32
      %dma_wait3A_548 = tpu.memref_slice %arg5[%dma_wait3A_546, %dma_wait3A_547] : memref<10112x128xf32, #tpu.memory_space<vmem_shared>> -> memref<10112x128xf32, #tpu.memory_space<vmem_shared>>
      tpu.wait_indirect_dma semaphore(%arg19 : memref<!tpu.dma_semaphore, #tpu.memory_space<semaphore_mem>>) src(%arg6 : memref<96x128xf32, #tpu.memory_space<vmem>>) dst(%dma_wait3A_548 : memref<10112x128xf32, #tpu.memory_space<vmem_shared>>)
      %add3A_549 = arith.constant 3 : i32
      %add3A_550 = arith.addi %add3A_527, %add3A_549 : i32
      %add3A_551 = arith.addi %mul3A_3, %add3A_550 : i32
      %dma_start3A_552 = arith.constant 0 : i32
      %dma_start3A_553 = arith.constant 0 : i32
      %dma_start3A_554 = tpu.memref_slice %arg3[%add3A_551, %dma_start3A_552, %dma_start3A_553] : memref<3456x2x96xi32, #tpu.memory_space<hbm>> -> memref<1x2x96xi32, #tpu.memory_space<hbm>>
      %dma_start3A_555 = tpu.memref_squeeze %dma_start3A_554 : memref<1x2x96xi32, #tpu.memory_space<hbm>> -> memref<2x96xi32, #tpu.memory_space<hbm>>
      %dma_start3A_556 = arith.constant 0 : i32
      %dma_start3A_557 = arith.constant 0 : i32
      %dma_start3A_558 = tpu.memref_slice %arg3[%add3A_551, %dma_start3A_556, %dma_start3A_557] : memref<3456x2x96xi32, #tpu.memory_space<hbm>> -> memref<1x2x96xi32, #tpu.memory_space<hbm>>
      %dma_start3A_559 = tpu.memref_squeeze %dma_start3A_558 : memref<1x2x96xi32, #tpu.memory_space<hbm>> -> memref<2x96xi32, #tpu.memory_space<hbm>>
      tpu.enqueue_dma source(%dma_start3A_559 : memref<2x96xi32, #tpu.memory_space<hbm>>) target(%arg10 : memref<2x96xi32, #tpu.memory_space<vmem>>) target_semaphore(%arg22 : memref<!tpu.dma_semaphore, #tpu.memory_space<semaphore_mem>>)
      %dma_wait3A_560 = arith.constant 0 : i32
      %dma_wait3A_561 = arith.constant 0 : i32
      %dma_wait3A_562 = tpu.memref_slice %arg3[%mul3A_3, %dma_wait3A_560, %dma_wait3A_561] : memref<3456x2x96xi32, #tpu.memory_space<hbm>> -> memref<1x2x96xi32, #tpu.memory_space<hbm>>
      %dma_wait3A_563 = tpu.memref_squeeze %dma_wait3A_562 : memref<1x2x96xi32, #tpu.memory_space<hbm>> -> memref<2x96xi32, #tpu.memory_space<hbm>>
      %dma_wait3A_564 = arith.constant 0 : i32
      %dma_wait3A_565 = arith.constant 0 : i32
      %dma_wait3A_566 = tpu.memref_slice %arg3[%mul3A_3, %dma_wait3A_564, %dma_wait3A_565] : memref<3456x2x96xi32, #tpu.memory_space<hbm>> -> memref<1x2x96xi32, #tpu.memory_space<hbm>>
      %dma_wait3A_567 = tpu.memref_squeeze %dma_wait3A_566 : memref<1x2x96xi32, #tpu.memory_space<hbm>> -> memref<2x96xi32, #tpu.memory_space<hbm>>
      tpu.wait_dma2 semaphore(%arg25 : memref<!tpu.dma_semaphore, #tpu.memory_space<semaphore_mem>>) src(%dma_wait3A_567 : memref<2x96xi32, #tpu.memory_space<hbm>>) dst(%arg13 : memref<2x96xi32, #tpu.memory_space<vmem>>)
      %dma_start3A_568 = arith.constant 0 : i32
      %dma_start3A_569 = arith.constant 0 : i32
      %dma_start3A_570 = tpu.memref_slice %arg13[%dma_start3A_568, %dma_start3A_569] : memref<2x96xi32, #tpu.memory_space<vmem>> -> memref<1x96xi32, #tpu.memory_space<vmem>>
      %dma_start3A_571 = tpu.memref_squeeze %dma_start3A_570 : memref<1x96xi32, #tpu.memory_space<vmem>> -> memref<96xi32, #tpu.memory_space<vmem>>
      %dma_start3A_572 = arith.constant 0 : i32
      %dma_start3A_573 = arith.constant 0 : i32
      %dma_start3A_574 = tpu.memref_slice %arg2[%dma_start3A_572, %dma_start3A_573] : memref<10112x128xf32, #tpu.memory_space<hbm>> -> memref<10112x128xf32, #tpu.memory_space<hbm>>
      tpu.enqueue_indirect_dma source(%dma_start3A_574 : memref<10112x128xf32, #tpu.memory_space<hbm>>) target(%arg6 : memref<96x128xf32, #tpu.memory_space<vmem>>) offsets(%dma_start3A_571 : memref<96xi32, #tpu.memory_space<vmem>>) semaphore(%arg14 : memref<!tpu.dma_semaphore, #tpu.memory_space<semaphore_mem>>)
      %mul3A_575 = arith.constant 4 : i32
      %mul3A_576 = arith.muli %scan3A_471, %mul3A_575 : i32
      %add3A_577 = arith.constant 2 : i32
      %add3A_578 = arith.addi %mul3A_576, %add3A_577 : i32
      %dma_wait3A_579 = arith.constant 0 : i32
      %dma_wait3A_580 = arith.constant 0 : i32
      %dma_wait3A_581 = tpu.memref_slice %arg10[%dma_wait3A_579, %dma_wait3A_580] : memref<2x96xi32, #tpu.memory_space<vmem>> -> memref<1x96xi32, #tpu.memory_space<vmem>>
      %dma_wait3A_582 = tpu.memref_squeeze %dma_wait3A_581 : memref<1x96xi32, #tpu.memory_space<vmem>> -> memref<96xi32, #tpu.memory_space<vmem>>
      %dma_wait3A_583 = arith.constant 0 : i32
      %dma_wait3A_584 = arith.constant 0 : i32
      %dma_wait3A_585 = tpu.memref_slice %arg2[%dma_wait3A_583, %dma_wait3A_584] : memref<10112x128xf32, #tpu.memory_space<hbm>> -> memref<10112x128xf32, #tpu.memory_space<hbm>>
      tpu.wait_indirect_dma semaphore(%arg17 : memref<!tpu.dma_semaphore, #tpu.memory_space<semaphore_mem>>) src(%dma_wait3A_585 : memref<10112x128xf32, #tpu.memory_space<hbm>>) dst(%arg9 : memref<96x128xf32, #tpu.memory_space<vmem>>)
      %dma_start3A_586 = arith.constant 1 : i32
      %dma_start3A_587 = arith.constant 0 : i32
      %dma_start3A_588 = tpu.memref_slice %arg12[%dma_start3A_586, %dma_start3A_587] : memref<2x96xi32, #tpu.memory_space<vmem>> -> memref<1x96xi32, #tpu.memory_space<vmem>>
      %dma_start3A_589 = tpu.memref_squeeze %dma_start3A_588 : memref<1x96xi32, #tpu.memory_space<vmem>> -> memref<96xi32, #tpu.memory_space<vmem>>
      %dma_start3A_590 = arith.constant 0 : i32
      %dma_start3A_591 = arith.constant 0 : i32
      %dma_start3A_592 = tpu.memref_slice %arg5[%dma_start3A_590, %dma_start3A_591] : memref<10112x128xf32, #tpu.memory_space<vmem_shared>> -> memref<10112x128xf32, #tpu.memory_space<vmem_shared>>
      tpu.enqueue_indirect_dma source(%arg9 : memref<96x128xf32, #tpu.memory_space<vmem>>) target(%dma_start3A_592 : memref<10112x128xf32, #tpu.memory_space<vmem_shared>>) offsets(%dma_start3A_589 : memref<96xi32, #tpu.memory_space<vmem>>) semaphore(%arg21 : memref<!tpu.dma_semaphore, #tpu.memory_space<semaphore_mem>>) {add = true}
      %dma_wait3A_593 = arith.constant 1 : i32
      %dma_wait3A_594 = arith.constant 0 : i32
      %dma_wait3A_595 = tpu.memref_slice %arg10[%dma_wait3A_593, %dma_wait3A_594] : memref<2x96xi32, #tpu.memory_space<vmem>> -> memref<1x96xi32, #tpu.memory_space<vmem>>
      %dma_wait3A_596 = tpu.memref_squeeze %dma_wait3A_595 : memref<1x96xi32, #tpu.memory_space<vmem>> -> memref<96xi32, #tpu.memory_space<vmem>>
      %dma_wait3A_597 = arith.constant 0 : i32
      %dma_wait3A_598 = arith.constant 0 : i32
      %dma_wait3A_599 = tpu.memref_slice %arg5[%dma_wait3A_597, %dma_wait3A_598] : memref<10112x128xf32, #tpu.memory_space<vmem_shared>> -> memref<10112x128xf32, #tpu.memory_space<vmem_shared>>
      tpu.wait_indirect_dma semaphore(%arg20 : memref<!tpu.dma_semaphore, #tpu.memory_space<semaphore_mem>>) src(%arg6 : memref<96x128xf32, #tpu.memory_space<vmem>>) dst(%dma_wait3A_599 : memref<10112x128xf32, #tpu.memory_space<vmem_shared>>)
      %add3A_600 = arith.constant 3 : i32
      %add3A_601 = arith.addi %add3A_578, %add3A_600 : i32
      %add3A_602 = arith.addi %mul3A_3, %add3A_601 : i32
      %dma_start3A_603 = arith.constant 0 : i32
      %dma_start3A_604 = arith.constant 0 : i32
      %dma_start3A_605 = tpu.memref_slice %arg3[%add3A_602, %dma_start3A_603, %dma_start3A_604] : memref<3456x2x96xi32, #tpu.memory_space<hbm>> -> memref<1x2x96xi32, #tpu.memory_space<hbm>>
      %dma_start3A_606 = tpu.memref_squeeze %dma_start3A_605 : memref<1x2x96xi32, #tpu.memory_space<hbm>> -> memref<2x96xi32, #tpu.memory_space<hbm>>
      %dma_start3A_607 = arith.constant 0 : i32
      %dma_start3A_608 = arith.constant 0 : i32
      %dma_start3A_609 = tpu.memref_slice %arg3[%add3A_602, %dma_start3A_607, %dma_start3A_608] : memref<3456x2x96xi32, #tpu.memory_space<hbm>> -> memref<1x2x96xi32, #tpu.memory_space<hbm>>
      %dma_start3A_610 = tpu.memref_squeeze %dma_start3A_609 : memref<1x2x96xi32, #tpu.memory_space<hbm>> -> memref<2x96xi32, #tpu.memory_space<hbm>>
      tpu.enqueue_dma source(%dma_start3A_610 : memref<2x96xi32, #tpu.memory_space<hbm>>) target(%arg11 : memref<2x96xi32, #tpu.memory_space<vmem>>) target_semaphore(%arg23 : memref<!tpu.dma_semaphore, #tpu.memory_space<semaphore_mem>>)
      %dma_wait3A_611 = arith.constant 0 : i32
      %dma_wait3A_612 = arith.constant 0 : i32
      %dma_wait3A_613 = tpu.memref_slice %arg3[%mul3A_3, %dma_wait3A_611, %dma_wait3A_612] : memref<3456x2x96xi32, #tpu.memory_space<hbm>> -> memref<1x2x96xi32, #tpu.memory_space<hbm>>
      %dma_wait3A_614 = tpu.memref_squeeze %dma_wait3A_613 : memref<1x2x96xi32, #tpu.memory_space<hbm>> -> memref<2x96xi32, #tpu.memory_space<hbm>>
      %dma_wait3A_615 = arith.constant 0 : i32
      %dma_wait3A_616 = arith.constant 0 : i32
      %dma_wait3A_617 = tpu.memref_slice %arg3[%mul3A_3, %dma_wait3A_615, %dma_wait3A_616] : memref<3456x2x96xi32, #tpu.memory_space<hbm>> -> memref<1x2x96xi32, #tpu.memory_space<hbm>>
      %dma_wait3A_618 = tpu.memref_squeeze %dma_wait3A_617 : memref<1x2x96xi32, #tpu.memory_space<hbm>> -> memref<2x96xi32, #tpu.memory_space<hbm>>
      tpu.wait_dma2 semaphore(%arg22 : memref<!tpu.dma_semaphore, #tpu.memory_space<semaphore_mem>>) src(%dma_wait3A_618 : memref<2x96xi32, #tpu.memory_space<hbm>>) dst(%arg10 : memref<2x96xi32, #tpu.memory_space<vmem>>)
      %dma_start3A_619 = arith.constant 0 : i32
      %dma_start3A_620 = arith.constant 0 : i32
      %dma_start3A_621 = tpu.memref_slice %arg10[%dma_start3A_619, %dma_start3A_620] : memref<2x96xi32, #tpu.memory_space<vmem>> -> memref<1x96xi32, #tpu.memory_space<vmem>>
      %dma_start3A_622 = tpu.memref_squeeze %dma_start3A_621 : memref<1x96xi32, #tpu.memory_space<vmem>> -> memref<96xi32, #tpu.memory_space<vmem>>
      %dma_start3A_623 = arith.constant 0 : i32
      %dma_start3A_624 = arith.constant 0 : i32
      %dma_start3A_625 = tpu.memref_slice %arg2[%dma_start3A_623, %dma_start3A_624] : memref<10112x128xf32, #tpu.memory_space<hbm>> -> memref<10112x128xf32, #tpu.memory_space<hbm>>
      tpu.enqueue_indirect_dma source(%dma_start3A_625 : memref<10112x128xf32, #tpu.memory_space<hbm>>) target(%arg7 : memref<96x128xf32, #tpu.memory_space<vmem>>) offsets(%dma_start3A_622 : memref<96xi32, #tpu.memory_space<vmem>>) semaphore(%arg15 : memref<!tpu.dma_semaphore, #tpu.memory_space<semaphore_mem>>)
      %mul3A_626 = arith.constant 4 : i32
      %mul3A_627 = arith.muli %scan3A_471, %mul3A_626 : i32
      %add3A_628 = arith.constant 3 : i32
      %add3A_629 = arith.addi %mul3A_627, %add3A_628 : i32
      %dma_wait3A_630 = arith.constant 0 : i32
      %dma_wait3A_631 = arith.constant 0 : i32
      %dma_wait3A_632 = tpu.memref_slice %arg10[%dma_wait3A_630, %dma_wait3A_631] : memref<2x96xi32, #tpu.memory_space<vmem>> -> memref<1x96xi32, #tpu.memory_space<vmem>>
      %dma_wait3A_633 = tpu.memref_squeeze %dma_wait3A_632 : memref<1x96xi32, #tpu.memory_space<vmem>> -> memref<96xi32, #tpu.memory_space<vmem>>
      %dma_wait3A_634 = arith.constant 0 : i32
      %dma_wait3A_635 = arith.constant 0 : i32
      %dma_wait3A_636 = tpu.memref_slice %arg2[%dma_wait3A_634, %dma_wait3A_635] : memref<10112x128xf32, #tpu.memory_space<hbm>> -> memref<10112x128xf32, #tpu.memory_space<hbm>>
      tpu.wait_indirect_dma semaphore(%arg14 : memref<!tpu.dma_semaphore, #tpu.memory_space<semaphore_mem>>) src(%dma_wait3A_636 : memref<10112x128xf32, #tpu.memory_space<hbm>>) dst(%arg6 : memref<96x128xf32, #tpu.memory_space<vmem>>)
      %dma_start3A_637 = arith.constant 1 : i32
      %dma_start3A_638 = arith.constant 0 : i32
      %dma_start3A_639 = tpu.memref_slice %arg13[%dma_start3A_637, %dma_start3A_638] : memref<2x96xi32, #tpu.memory_space<vmem>> -> memref<1x96xi32, #tpu.memory_space<vmem>>
      %dma_start3A_640 = tpu.memref_squeeze %dma_start3A_639 : memref<1x96xi32, #tpu.memory_space<vmem>> -> memref<96xi32, #tpu.memory_space<vmem>>
      %dma_start3A_641 = arith.constant 0 : i32
      %dma_start3A_642 = arith.constant 0 : i32
      %dma_start3A_643 = tpu.memref_slice %arg5[%dma_start3A_641, %dma_start3A_642] : memref<10112x128xf32, #tpu.memory_space<vmem_shared>> -> memref<10112x128xf32, #tpu.memory_space<vmem_shared>>
      tpu.enqueue_indirect_dma source(%arg6 : memref<96x128xf32, #tpu.memory_space<vmem>>) target(%dma_start3A_643 : memref<10112x128xf32, #tpu.memory_space<vmem_shared>>) offsets(%dma_start3A_640 : memref<96xi32, #tpu.memory_space<vmem>>) semaphore(%arg18 : memref<!tpu.dma_semaphore, #tpu.memory_space<semaphore_mem>>) {add = true}
      %dma_wait3A_644 = arith.constant 1 : i32
      %dma_wait3A_645 = arith.constant 0 : i32
      %dma_wait3A_646 = tpu.memref_slice %arg10[%dma_wait3A_644, %dma_wait3A_645] : memref<2x96xi32, #tpu.memory_space<vmem>> -> memref<1x96xi32, #tpu.memory_space<vmem>>
      %dma_wait3A_647 = tpu.memref_squeeze %dma_wait3A_646 : memref<1x96xi32, #tpu.memory_space<vmem>> -> memref<96xi32, #tpu.memory_space<vmem>>
      %dma_wait3A_648 = arith.constant 0 : i32
      %dma_wait3A_649 = arith.constant 0 : i32
      %dma_wait3A_650 = tpu.memref_slice %arg5[%dma_wait3A_648, %dma_wait3A_649] : memref<10112x128xf32, #tpu.memory_space<vmem_shared>> -> memref<10112x128xf32, #tpu.memory_space<vmem_shared>>
      tpu.wait_indirect_dma semaphore(%arg21 : memref<!tpu.dma_semaphore, #tpu.memory_space<semaphore_mem>>) src(%arg6 : memref<96x128xf32, #tpu.memory_space<vmem>>) dst(%dma_wait3A_650 : memref<10112x128xf32, #tpu.memory_space<vmem_shared>>)
      %add3A_651 = arith.constant 3 : i32
      %add3A_652 = arith.addi %add3A_629, %add3A_651 : i32
      %add3A_653 = arith.addi %mul3A_3, %add3A_652 : i32
      %dma_start3A_654 = arith.constant 0 : i32
      %dma_start3A_655 = arith.constant 0 : i32
      %dma_start3A_656 = tpu.memref_slice %arg3[%add3A_653, %dma_start3A_654, %dma_start3A_655] : memref<3456x2x96xi32, #tpu.memory_space<hbm>> -> memref<1x2x96xi32, #tpu.memory_space<hbm>>
      %dma_start3A_657 = tpu.memref_squeeze %dma_start3A_656 : memref<1x2x96xi32, #tpu.memory_space<hbm>> -> memref<2x96xi32, #tpu.memory_space<hbm>>
      %dma_start3A_658 = arith.constant 0 : i32
      %dma_start3A_659 = arith.constant 0 : i32
      %dma_start3A_660 = tpu.memref_slice %arg3[%add3A_653, %dma_start3A_658, %dma_start3A_659] : memref<3456x2x96xi32, #tpu.memory_space<hbm>> -> memref<1x2x96xi32, #tpu.memory_space<hbm>>
      %dma_start3A_661 = tpu.memref_squeeze %dma_start3A_660 : memref<1x2x96xi32, #tpu.memory_space<hbm>> -> memref<2x96xi32, #tpu.memory_space<hbm>>
      tpu.enqueue_dma source(%dma_start3A_661 : memref<2x96xi32, #tpu.memory_space<hbm>>) target(%arg12 : memref<2x96xi32, #tpu.memory_space<vmem>>) target_semaphore(%arg24 : memref<!tpu.dma_semaphore, #tpu.memory_space<semaphore_mem>>)
      %dma_wait3A_662 = arith.constant 0 : i32
      %dma_wait3A_663 = arith.constant 0 : i32
      %dma_wait3A_664 = tpu.memref_slice %arg3[%mul3A_3, %dma_wait3A_662, %dma_wait3A_663] : memref<3456x2x96xi32, #tpu.memory_space<hbm>> -> memref<1x2x96xi32, #tpu.memory_space<hbm>>
      %dma_wait3A_665 = tpu.memref_squeeze %dma_wait3A_664 : memref<1x2x96xi32, #tpu.memory_space<hbm>> -> memref<2x96xi32, #tpu.memory_space<hbm>>
      %dma_wait3A_666 = arith.constant 0 : i32
      %dma_wait3A_667 = arith.constant 0 : i32
      %dma_wait3A_668 = tpu.memref_slice %arg3[%mul3A_3, %dma_wait3A_666, %dma_wait3A_667] : memref<3456x2x96xi32, #tpu.memory_space<hbm>> -> memref<1x2x96xi32, #tpu.memory_space<hbm>>
      %dma_wait3A_669 = tpu.memref_squeeze %dma_wait3A_668 : memref<1x2x96xi32, #tpu.memory_space<hbm>> -> memref<2x96xi32, #tpu.memory_space<hbm>>
      tpu.wait_dma2 semaphore(%arg23 : memref<!tpu.dma_semaphore, #tpu.memory_space<semaphore_mem>>) src(%dma_wait3A_669 : memref<2x96xi32, #tpu.memory_space<hbm>>) dst(%arg11 : memref<2x96xi32, #tpu.memory_space<vmem>>)
      %dma_start3A_670 = arith.constant 0 : i32
      %dma_start3A_671 = arith.constant 0 : i32
      %dma_start3A_672 = tpu.memref_slice %arg11[%dma_start3A_670, %dma_start3A_671] : memref<2x96xi32, #tpu.memory_space<vmem>> -> memref<1x96xi32, #tpu.memory_space<vmem>>
      %dma_start3A_673 = tpu.memref_squeeze %dma_start3A_672 : memref<1x96xi32, #tpu.memory_space<vmem>> -> memref<96xi32, #tpu.memory_space<vmem>>
      %dma_start3A_674 = arith.constant 0 : i32
      %dma_start3A_675 = arith.constant 0 : i32
      %dma_start3A_676 = tpu.memref_slice %arg2[%dma_start3A_674, %dma_start3A_675] : memref<10112x128xf32, #tpu.memory_space<hbm>> -> memref<10112x128xf32, #tpu.memory_space<hbm>>
      tpu.enqueue_indirect_dma source(%dma_start3A_676 : memref<10112x128xf32, #tpu.memory_space<hbm>>) target(%arg8 : memref<96x128xf32, #tpu.memory_space<vmem>>) offsets(%dma_start3A_673 : memref<96xi32, #tpu.memory_space<vmem>>) semaphore(%arg16 : memref<!tpu.dma_semaphore, #tpu.memory_space<semaphore_mem>>)
      %scan3A_677 = arith.constant 0 : i32
      scf.yield %scan3A_677 : i32
    }
    %scan3A_335 = arith.constant 25 : i32
    %dma_wait3A_336 = arith.constant 0 : i32
    %dma_wait3A_337 = arith.constant 0 : i32
    %dma_wait3A_338 = tpu.memref_slice %arg10[%dma_wait3A_336, %dma_wait3A_337] : memref<2x96xi32, #tpu.memory_space<vmem>> -> memref<1x96xi32, #tpu.memory_space<vmem>>
    %dma_wait3A_339 = tpu.memref_squeeze %dma_wait3A_338 : memref<1x96xi32, #tpu.memory_space<vmem>> -> memref<96xi32, #tpu.memory_space<vmem>>
    %dma_wait3A_340 = arith.constant 0 : i32
    %dma_wait3A_341 = arith.constant 0 : i32
    %dma_wait3A_342 = tpu.memref_slice %arg2[%dma_wait3A_340, %dma_wait3A_341] : memref<10112x128xf32, #tpu.memory_space<hbm>> -> memref<10112x128xf32, #tpu.memory_space<hbm>>
    tpu.wait_indirect_dma semaphore(%arg15 : memref<!tpu.dma_semaphore, #tpu.memory_space<semaphore_mem>>) src(%dma_wait3A_342 : memref<10112x128xf32, #tpu.memory_space<hbm>>) dst(%arg7 : memref<96x128xf32, #tpu.memory_space<vmem>>)
    %dma_start3A_343 = arith.constant 1 : i32
    %dma_start3A_344 = arith.constant 0 : i32
    %dma_start3A_345 = tpu.memref_slice %arg10[%dma_start3A_343, %dma_start3A_344] : memref<2x96xi32, #tpu.memory_space<vmem>> -> memref<1x96xi32, #tpu.memory_space<vmem>>
    %dma_start3A_346 = tpu.memref_squeeze %dma_start3A_345 : memref<1x96xi32, #tpu.memory_space<vmem>> -> memref<96xi32, #tpu.memory_space<vmem>>
    %dma_start3A_347 = arith.constant 0 : i32
    %dma_start3A_348 = arith.constant 0 : i32
    %dma_start3A_349 = tpu.memref_slice %arg5[%dma_start3A_347, %dma_start3A_348] : memref<10112x128xf32, #tpu.memory_space<vmem_shared>> -> memref<10112x128xf32, #tpu.memory_space<vmem_shared>>
    tpu.enqueue_indirect_dma source(%arg7 : memref<96x128xf32, #tpu.memory_space<vmem>>) target(%dma_start3A_349 : memref<10112x128xf32, #tpu.memory_space<vmem_shared>>) offsets(%dma_start3A_346 : memref<96xi32, #tpu.memory_space<vmem>>) semaphore(%arg19 : memref<!tpu.dma_semaphore, #tpu.memory_space<semaphore_mem>>) {add = true}
    %dma_wait3A_350 = arith.constant 1 : i32
    %dma_wait3A_351 = arith.constant 0 : i32
    %dma_wait3A_352 = tpu.memref_slice %arg10[%dma_wait3A_350, %dma_wait3A_351] : memref<2x96xi32, #tpu.memory_space<vmem>> -> memref<1x96xi32, #tpu.memory_space<vmem>>
    %dma_wait3A_353 = tpu.memref_squeeze %dma_wait3A_352 : memref<1x96xi32, #tpu.memory_space<vmem>> -> memref<96xi32, #tpu.memory_space<vmem>>
    %dma_wait3A_354 = arith.constant 0 : i32
    %dma_wait3A_355 = arith.constant 0 : i32
    %dma_wait3A_356 = tpu.memref_slice %arg5[%dma_wait3A_354, %dma_wait3A_355] : memref<10112x128xf32, #tpu.memory_space<vmem_shared>> -> memref<10112x128xf32, #tpu.memory_space<vmem_shared>>
    tpu.wait_indirect_dma semaphore(%arg18 : memref<!tpu.dma_semaphore, #tpu.memory_space<semaphore_mem>>) src(%arg6 : memref<96x128xf32, #tpu.memory_space<vmem>>) dst(%dma_wait3A_356 : memref<10112x128xf32, #tpu.memory_space<vmem_shared>>)
    %add3A_357 = arith.constant 107 : i32
    %add3A_358 = arith.addi %mul3A_3, %add3A_357 : i32
    %dma_start3A_359 = arith.constant 0 : i32
    %dma_start3A_360 = arith.constant 0 : i32
    %dma_start3A_361 = tpu.memref_slice %arg3[%add3A_358, %dma_start3A_359, %dma_start3A_360] : memref<3456x2x96xi32, #tpu.memory_space<hbm>> -> memref<1x2x96xi32, #tpu.memory_space<hbm>>
    %dma_start3A_362 = tpu.memref_squeeze %dma_start3A_361 : memref<1x2x96xi32, #tpu.memory_space<hbm>> -> memref<2x96xi32, #tpu.memory_space<hbm>>
    %dma_start3A_363 = arith.constant 0 : i32
    %dma_start3A_364 = arith.constant 0 : i32
    %dma_start3A_365 = tpu.memref_slice %arg3[%add3A_358, %dma_start3A_363, %dma_start3A_364] : memref<3456x2x96xi32, #tpu.memory_space<hbm>> -> memref<1x2x96xi32, #tpu.memory_space<hbm>>
    %dma_start3A_366 = tpu.memref_squeeze %dma_start3A_365 : memref<1x2x96xi32, #tpu.memory_space<hbm>> -> memref<2x96xi32, #tpu.memory_space<hbm>>
    tpu.enqueue_dma source(%dma_start3A_366 : memref<2x96xi32, #tpu.memory_space<hbm>>) target(%arg13 : memref<2x96xi32, #tpu.memory_space<vmem>>) target_semaphore(%arg25 : memref<!tpu.dma_semaphore, #tpu.memory_space<semaphore_mem>>)
    %dma_wait3A_367 = arith.constant 0 : i32
    %dma_wait3A_368 = arith.constant 0 : i32
    %dma_wait3A_369 = tpu.memref_slice %arg3[%mul3A_3, %dma_wait3A_367, %dma_wait3A_368] : memref<3456x2x96xi32, #tpu.memory_space<hbm>> -> memref<1x2x96xi32, #tpu.memory_space<hbm>>
    %dma_wait3A_370 = tpu.memref_squeeze %dma_wait3A_369 : memref<1x2x96xi32, #tpu.memory_space<hbm>> -> memref<2x96xi32, #tpu.memory_space<hbm>>
    %dma_wait3A_371 = arith.constant 0 : i32
    %dma_wait3A_372 = arith.constant 0 : i32
    %dma_wait3A_373 = tpu.memref_slice %arg3[%mul3A_3, %dma_wait3A_371, %dma_wait3A_372] : memref<3456x2x96xi32, #tpu.memory_space<hbm>> -> memref<1x2x96xi32, #tpu.memory_space<hbm>>
    %dma_wait3A_374 = tpu.memref_squeeze %dma_wait3A_373 : memref<1x2x96xi32, #tpu.memory_space<hbm>> -> memref<2x96xi32, #tpu.memory_space<hbm>>
    tpu.wait_dma2 semaphore(%arg24 : memref<!tpu.dma_semaphore, #tpu.memory_space<semaphore_mem>>) src(%dma_wait3A_374 : memref<2x96xi32, #tpu.memory_space<hbm>>) dst(%arg12 : memref<2x96xi32, #tpu.memory_space<vmem>>)
    %dma_start3A_375 = arith.constant 0 : i32
    %dma_start3A_376 = arith.constant 0 : i32
    %dma_start3A_377 = tpu.memref_slice %arg12[%dma_start3A_375, %dma_start3A_376] : memref<2x96xi32, #tpu.memory_space<vmem>> -> memref<1x96xi32, #tpu.memory_space<vmem>>
    %dma_start3A_378 = tpu.memref_squeeze %dma_start3A_377 : memref<1x96xi32, #tpu.memory_space<vmem>> -> memref<96xi32, #tpu.memory_space<vmem>>
    %dma_start3A_379 = arith.constant 0 : i32
    %dma_start3A_380 = arith.constant 0 : i32
    %dma_start3A_381 = tpu.memref_slice %arg2[%dma_start3A_379, %dma_start3A_380] : memref<10112x128xf32, #tpu.memory_space<hbm>> -> memref<10112x128xf32, #tpu.memory_space<hbm>>
    tpu.enqueue_indirect_dma source(%dma_start3A_381 : memref<10112x128xf32, #tpu.memory_space<hbm>>) target(%arg9 : memref<96x128xf32, #tpu.memory_space<vmem>>) offsets(%dma_start3A_378 : memref<96xi32, #tpu.memory_space<vmem>>) semaphore(%arg17 : memref<!tpu.dma_semaphore, #tpu.memory_space<semaphore_mem>>)
    %dma_wait3A_382 = arith.constant 0 : i32
    %dma_wait3A_383 = arith.constant 0 : i32
    %dma_wait3A_384 = tpu.memref_slice %arg10[%dma_wait3A_382, %dma_wait3A_383] : memref<2x96xi32, #tpu.memory_space<vmem>> -> memref<1x96xi32, #tpu.memory_space<vmem>>
    %dma_wait3A_385 = tpu.memref_squeeze %dma_wait3A_384 : memref<1x96xi32, #tpu.memory_space<vmem>> -> memref<96xi32, #tpu.memory_space<vmem>>
    %dma_wait3A_386 = arith.constant 0 : i32
    %dma_wait3A_387 = arith.constant 0 : i32
    %dma_wait3A_388 = tpu.memref_slice %arg2[%dma_wait3A_386, %dma_wait3A_387] : memref<10112x128xf32, #tpu.memory_space<hbm>> -> memref<10112x128xf32, #tpu.memory_space<hbm>>
    tpu.wait_indirect_dma semaphore(%arg16 : memref<!tpu.dma_semaphore, #tpu.memory_space<semaphore_mem>>) src(%dma_wait3A_388 : memref<10112x128xf32, #tpu.memory_space<hbm>>) dst(%arg8 : memref<96x128xf32, #tpu.memory_space<vmem>>)
    %dma_start3A_389 = arith.constant 1 : i32
    %dma_start3A_390 = arith.constant 0 : i32
    %dma_start3A_391 = tpu.memref_slice %arg11[%dma_start3A_389, %dma_start3A_390] : memref<2x96xi32, #tpu.memory_space<vmem>> -> memref<1x96xi32, #tpu.memory_space<vmem>>
    %dma_start3A_392 = tpu.memref_squeeze %dma_start3A_391 : memref<1x96xi32, #tpu.memory_space<vmem>> -> memref<96xi32, #tpu.memory_space<vmem>>
    %dma_start3A_393 = arith.constant 0 : i32
    %dma_start3A_394 = arith.constant 0 : i32
    %dma_start3A_395 = tpu.memref_slice %arg5[%dma_start3A_393, %dma_start3A_394] : memref<10112x128xf32, #tpu.memory_space<vmem_shared>> -> memref<10112x128xf32, #tpu.memory_space<vmem_shared>>
    tpu.enqueue_indirect_dma source(%arg8 : memref<96x128xf32, #tpu.memory_space<vmem>>) target(%dma_start3A_395 : memref<10112x128xf32, #tpu.memory_space<vmem_shared>>) offsets(%dma_start3A_392 : memref<96xi32, #tpu.memory_space<vmem>>) semaphore(%arg20 : memref<!tpu.dma_semaphore, #tpu.memory_space<semaphore_mem>>) {add = true}
    %dma_wait3A_396 = arith.constant 1 : i32
    %dma_wait3A_397 = arith.constant 0 : i32
    %dma_wait3A_398 = tpu.memref_slice %arg10[%dma_wait3A_396, %dma_wait3A_397] : memref<2x96xi32, #tpu.memory_space<vmem>> -> memref<1x96xi32, #tpu.memory_space<vmem>>
    %dma_wait3A_399 = tpu.memref_squeeze %dma_wait3A_398 : memref<1x96xi32, #tpu.memory_space<vmem>> -> memref<96xi32, #tpu.memory_space<vmem>>
    %dma_wait3A_400 = arith.constant 0 : i32
    %dma_wait3A_401 = arith.constant 0 : i32
    %dma_wait3A_402 = tpu.memref_slice %arg5[%dma_wait3A_400, %dma_wait3A_401] : memref<10112x128xf32, #tpu.memory_space<vmem_shared>> -> memref<10112x128xf32, #tpu.memory_space<vmem_shared>>
    tpu.wait_indirect_dma semaphore(%arg19 : memref<!tpu.dma_semaphore, #tpu.memory_space<semaphore_mem>>) src(%arg6 : memref<96x128xf32, #tpu.memory_space<vmem>>) dst(%dma_wait3A_402 : memref<10112x128xf32, #tpu.memory_space<vmem_shared>>)
    %dma_wait3A_403 = arith.constant 0 : i32
    %dma_wait3A_404 = arith.constant 0 : i32
    %dma_wait3A_405 = tpu.memref_slice %arg3[%mul3A_3, %dma_wait3A_403, %dma_wait3A_404] : memref<3456x2x96xi32, #tpu.memory_space<hbm>> -> memref<1x2x96xi32, #tpu.memory_space<hbm>>
    %dma_wait3A_406 = tpu.memref_squeeze %dma_wait3A_405 : memref<1x2x96xi32, #tpu.memory_space<hbm>> -> memref<2x96xi32, #tpu.memory_space<hbm>>
    %dma_wait3A_407 = arith.constant 0 : i32
    %dma_wait3A_408 = arith.constant 0 : i32
    %dma_wait3A_409 = tpu.memref_slice %arg3[%mul3A_3, %dma_wait3A_407, %dma_wait3A_408] : memref<3456x2x96xi32, #tpu.memory_space<hbm>> -> memref<1x2x96xi32, #tpu.memory_space<hbm>>
    %dma_wait3A_410 = tpu.memref_squeeze %dma_wait3A_409 : memref<1x2x96xi32, #tpu.memory_space<hbm>> -> memref<2x96xi32, #tpu.memory_space<hbm>>
    tpu.wait_dma2 semaphore(%arg25 : memref<!tpu.dma_semaphore, #tpu.memory_space<semaphore_mem>>) src(%dma_wait3A_410 : memref<2x96xi32, #tpu.memory_space<hbm>>) dst(%arg13 : memref<2x96xi32, #tpu.memory_space<vmem>>)
    %dma_start3A_411 = arith.constant 0 : i32
    %dma_start3A_412 = arith.constant 0 : i32
    %dma_start3A_413 = tpu.memref_slice %arg13[%dma_start3A_411, %dma_start3A_412] : memref<2x96xi32, #tpu.memory_space<vmem>> -> memref<1x96xi32, #tpu.memory_space<vmem>>
    %dma_start3A_414 = tpu.memref_squeeze %dma_start3A_413 : memref<1x96xi32, #tpu.memory_space<vmem>> -> memref<96xi32, #tpu.memory_space<vmem>>
    %dma_start3A_415 = arith.constant 0 : i32
    %dma_start3A_416 = arith.constant 0 : i32
    %dma_start3A_417 = tpu.memref_slice %arg2[%dma_start3A_415, %dma_start3A_416] : memref<10112x128xf32, #tpu.memory_space<hbm>> -> memref<10112x128xf32, #tpu.memory_space<hbm>>
    tpu.enqueue_indirect_dma source(%dma_start3A_417 : memref<10112x128xf32, #tpu.memory_space<hbm>>) target(%arg6 : memref<96x128xf32, #tpu.memory_space<vmem>>) offsets(%dma_start3A_414 : memref<96xi32, #tpu.memory_space<vmem>>) semaphore(%arg14 : memref<!tpu.dma_semaphore, #tpu.memory_space<semaphore_mem>>)
    %dma_wait3A_418 = arith.constant 0 : i32
    %dma_wait3A_419 = arith.constant 0 : i32
    %dma_wait3A_420 = tpu.memref_slice %arg10[%dma_wait3A_418, %dma_wait3A_419] : memref<2x96xi32, #tpu.memory_space<vmem>> -> memref<1x96xi32, #tpu.memory_space<vmem>>
    %dma_wait3A_421 = tpu.memref_squeeze %dma_wait3A_420 : memref<1x96xi32, #tpu.memory_space<vmem>> -> memref<96xi32, #tpu.memory_space<vmem>>
    %dma_wait3A_422 = arith.constant 0 : i32
    %dma_wait3A_423 = arith.constant 0 : i32
    %dma_wait3A_424 = tpu.memref_slice %arg2[%dma_wait3A_422, %dma_wait3A_423] : memref<10112x128xf32, #tpu.memory_space<hbm>> -> memref<10112x128xf32, #tpu.memory_space<hbm>>
    tpu.wait_indirect_dma semaphore(%arg17 : memref<!tpu.dma_semaphore, #tpu.memory_space<semaphore_mem>>) src(%dma_wait3A_424 : memref<10112x128xf32, #tpu.memory_space<hbm>>) dst(%arg9 : memref<96x128xf32, #tpu.memory_space<vmem>>)
    %dma_start3A_425 = arith.constant 1 : i32
    %dma_start3A_426 = arith.constant 0 : i32
    %dma_start3A_427 = tpu.memref_slice %arg12[%dma_start3A_425, %dma_start3A_426] : memref<2x96xi32, #tpu.memory_space<vmem>> -> memref<1x96xi32, #tpu.memory_space<vmem>>
    %dma_start3A_428 = tpu.memref_squeeze %dma_start3A_427 : memref<1x96xi32, #tpu.memory_space<vmem>> -> memref<96xi32, #tpu.memory_space<vmem>>
    %dma_start3A_429 = arith.constant 0 : i32
    %dma_start3A_430 = arith.constant 0 : i32
    %dma_start3A_431 = tpu.memref_slice %arg5[%dma_start3A_429, %dma_start3A_430] : memref<10112x128xf32, #tpu.memory_space<vmem_shared>> -> memref<10112x128xf32, #tpu.memory_space<vmem_shared>>
    tpu.enqueue_indirect_dma source(%arg9 : memref<96x128xf32, #tpu.memory_space<vmem>>) target(%dma_start3A_431 : memref<10112x128xf32, #tpu.memory_space<vmem_shared>>) offsets(%dma_start3A_428 : memref<96xi32, #tpu.memory_space<vmem>>) semaphore(%arg21 : memref<!tpu.dma_semaphore, #tpu.memory_space<semaphore_mem>>) {add = true}
    %dma_wait3A_432 = arith.constant 1 : i32
    %dma_wait3A_433 = arith.constant 0 : i32
    %dma_wait3A_434 = tpu.memref_slice %arg10[%dma_wait3A_432, %dma_wait3A_433] : memref<2x96xi32, #tpu.memory_space<vmem>> -> memref<1x96xi32, #tpu.memory_space<vmem>>
    %dma_wait3A_435 = tpu.memref_squeeze %dma_wait3A_434 : memref<1x96xi32, #tpu.memory_space<vmem>> -> memref<96xi32, #tpu.memory_space<vmem>>
    %dma_wait3A_436 = arith.constant 0 : i32
    %dma_wait3A_437 = arith.constant 0 : i32
    %dma_wait3A_438 = tpu.memref_slice %arg5[%dma_wait3A_436, %dma_wait3A_437] : memref<10112x128xf32, #tpu.memory_space<vmem_shared>> -> memref<10112x128xf32, #tpu.memory_space<vmem_shared>>
    tpu.wait_indirect_dma semaphore(%arg20 : memref<!tpu.dma_semaphore, #tpu.memory_space<semaphore_mem>>) src(%arg6 : memref<96x128xf32, #tpu.memory_space<vmem>>) dst(%dma_wait3A_438 : memref<10112x128xf32, #tpu.memory_space<vmem_shared>>)
    %dma_wait3A_439 = arith.constant 0 : i32
    %dma_wait3A_440 = arith.constant 0 : i32
    %dma_wait3A_441 = tpu.memref_slice %arg10[%dma_wait3A_439, %dma_wait3A_440] : memref<2x96xi32, #tpu.memory_space<vmem>> -> memref<1x96xi32, #tpu.memory_space<vmem>>
    %dma_wait3A_442 = tpu.memref_squeeze %dma_wait3A_441 : memref<1x96xi32, #tpu.memory_space<vmem>> -> memref<96xi32, #tpu.memory_space<vmem>>
    %dma_wait3A_443 = arith.constant 0 : i32
    %dma_wait3A_444 = arith.constant 0 : i32
    %dma_wait3A_445 = tpu.memref_slice %arg2[%dma_wait3A_443, %dma_wait3A_444] : memref<10112x128xf32, #tpu.memory_space<hbm>> -> memref<10112x128xf32, #tpu.memory_space<hbm>>
    tpu.wait_indirect_dma semaphore(%arg14 : memref<!tpu.dma_semaphore, #tpu.memory_space<semaphore_mem>>) src(%dma_wait3A_445 : memref<10112x128xf32, #tpu.memory_space<hbm>>) dst(%arg6 : memref<96x128xf32, #tpu.memory_space<vmem>>)
    %dma_start3A_446 = arith.constant 1 : i32
    %dma_start3A_447 = arith.constant 0 : i32
    %dma_start3A_448 = tpu.memref_slice %arg13[%dma_start3A_446, %dma_start3A_447] : memref<2x96xi32, #tpu.memory_space<vmem>> -> memref<1x96xi32, #tpu.memory_space<vmem>>
    %dma_start3A_449 = tpu.memref_squeeze %dma_start3A_448 : memref<1x96xi32, #tpu.memory_space<vmem>> -> memref<96xi32, #tpu.memory_space<vmem>>
    %dma_start3A_450 = arith.constant 0 : i32
    %dma_start3A_451 = arith.constant 0 : i32
    %dma_start3A_452 = tpu.memref_slice %arg5[%dma_start3A_450, %dma_start3A_451] : memref<10112x128xf32, #tpu.memory_space<vmem_shared>> -> memref<10112x128xf32, #tpu.memory_space<vmem_shared>>
    tpu.enqueue_indirect_dma source(%arg6 : memref<96x128xf32, #tpu.memory_space<vmem>>) target(%dma_start3A_452 : memref<10112x128xf32, #tpu.memory_space<vmem_shared>>) offsets(%dma_start3A_449 : memref<96xi32, #tpu.memory_space<vmem>>) semaphore(%arg18 : memref<!tpu.dma_semaphore, #tpu.memory_space<semaphore_mem>>) {add = true}
    %dma_wait3A_453 = arith.constant 1 : i32
    %dma_wait3A_454 = arith.constant 0 : i32
    %dma_wait3A_455 = tpu.memref_slice %arg10[%dma_wait3A_453, %dma_wait3A_454] : memref<2x96xi32, #tpu.memory_space<vmem>> -> memref<1x96xi32, #tpu.memory_space<vmem>>
    %dma_wait3A_456 = tpu.memref_squeeze %dma_wait3A_455 : memref<1x96xi32, #tpu.memory_space<vmem>> -> memref<96xi32, #tpu.memory_space<vmem>>
    %dma_wait3A_457 = arith.constant 0 : i32
    %dma_wait3A_458 = arith.constant 0 : i32
    %dma_wait3A_459 = tpu.memref_slice %arg5[%dma_wait3A_457, %dma_wait3A_458] : memref<10112x128xf32, #tpu.memory_space<vmem_shared>> -> memref<10112x128xf32, #tpu.memory_space<vmem_shared>>
    tpu.wait_indirect_dma semaphore(%arg21 : memref<!tpu.dma_semaphore, #tpu.memory_space<semaphore_mem>>) src(%arg6 : memref<96x128xf32, #tpu.memory_space<vmem>>) dst(%dma_wait3A_459 : memref<10112x128xf32, #tpu.memory_space<vmem_shared>>)
    %dma_wait3A_460 = arith.constant 1 : i32
    %dma_wait3A_461 = arith.constant 0 : i32
    %dma_wait3A_462 = tpu.memref_slice %arg10[%dma_wait3A_460, %dma_wait3A_461] : memref<2x96xi32, #tpu.memory_space<vmem>> -> memref<1x96xi32, #tpu.memory_space<vmem>>
    %dma_wait3A_463 = tpu.memref_squeeze %dma_wait3A_462 : memref<1x96xi32, #tpu.memory_space<vmem>> -> memref<96xi32, #tpu.memory_space<vmem>>
    %dma_wait3A_464 = arith.constant 0 : i32
    %dma_wait3A_465 = arith.constant 0 : i32
    %dma_wait3A_466 = tpu.memref_slice %arg5[%dma_wait3A_464, %dma_wait3A_465] : memref<10112x128xf32, #tpu.memory_space<vmem_shared>> -> memref<10112x128xf32, #tpu.memory_space<vmem_shared>>
    tpu.wait_indirect_dma semaphore(%arg18 : memref<!tpu.dma_semaphore, #tpu.memory_space<semaphore_mem>>) src(%arg6 : memref<96x128xf32, #tpu.memory_space<vmem>>) dst(%dma_wait3A_466 : memref<10112x128xf32, #tpu.memory_space<vmem_shared>>)
    %barrier3A_467 = arith.constant 0 : index
    tpu.barrier barrier_id(%barrier3A_467)
    %mul3A_468 = arith.constant 10112 : i32
    %mul3A_469 = arith.muli %arg0, %mul3A_468 : i32
    %add3A_470 = arith.addi %mul3A_469, %mul3A_40 : i32
    "tpu.region"() ({
      %run_scoped3A = tpu.sem_alloc : memref<!tpu.dma_semaphore, #tpu.memory_space<semaphore_mem>>
      %dma_start3A_471 = arith.constant 0 : i32
      %dma_start3A_472 = tpu.memref_slice %arg4[%add3A_470, %dma_start3A_471] : memref<20224x128xf32, #tpu.memory_space<hbm>> -> memref<632x128xf32, #tpu.memory_space<hbm>>
      %dma_start3A_473 = arith.constant 0 : i32
      %dma_start3A_474 = tpu.memref_slice %arg5[%mul3A_40, %dma_start3A_473] : memref<10112x128xf32, #tpu.memory_space<vmem_shared>> -> memref<632x128xf32, #tpu.memory_space<vmem_shared>>
      tpu.enqueue_dma source(%dma_start3A_474 : memref<632x128xf32, #tpu.memory_space<vmem_shared>>) target(%dma_start3A_472 : memref<632x128xf32, #tpu.memory_space<hbm>>) target_semaphore(%run_scoped3A : memref<!tpu.dma_semaphore, #tpu.memory_space<semaphore_mem>>)
      %dma_wait3A_475 = arith.constant 0 : i32
      %dma_wait3A_476 = tpu.memref_slice %arg4[%add3A_470, %dma_wait3A_475] : memref<20224x128xf32, #tpu.memory_space<hbm>> -> memref<632x128xf32, #tpu.memory_space<hbm>>
      %dma_wait3A_477 = arith.constant 0 : i32
      %dma_wait3A_478 = tpu.memref_slice %arg5[%mul3A_40, %dma_wait3A_477] : memref<10112x128xf32, #tpu.memory_space<vmem_shared>> -> memref<632x128xf32, #tpu.memory_space<vmem_shared>>
      tpu.wait_dma2 semaphore(%run_scoped3A : memref<!tpu.dma_semaphore, #tpu.memory_space<semaphore_mem>>) src(%dma_wait3A_478 : memref<632x128xf32, #tpu.memory_space<vmem_shared>>) dst(%dma_wait3A_476 : memref<632x128xf32, #tpu.memory_space<hbm>>)
      tpu.yield
    }) : () -> ()
    return
  }
}

#map = affine_map<(d0, d1) -> (0, 0)>
#map1 = affine_map<(d0, d1) -> (0, 0, 0)>
module attributes {stable_mosaic.version = 14 : i64} {
  func.func @k(%arg0: i32, %arg1: i32, %arg2: memref<10112x128xf32, #tpu.memory_space<hbm>>, %arg3: memref<3456x2x96xi32, #tpu.memory_space<hbm>>, %arg4: memref<20224x128xf32, #tpu.memory_space<hbm>>, %arg5: memref<10112x128xf32, #tpu.memory_space<vmem_shared>>, %arg6: memref<96x128xf32, #tpu.memory_space<vmem>>, %arg7: memref<96x128xf32, #tpu.memory_space<vmem>>, %arg8: memref<96x128xf32, #tpu.memory_space<vmem>>, %arg9: memref<96x128xf32, #tpu.memory_space<vmem>>, %arg10: memref<2x96xi32, #tpu.memory_space<vmem>>, %arg11: memref<2x96xi32, #tpu.memory_space<vmem>>, %arg12: memref<2x96xi32, #tpu.memory_space<vmem>>, %arg13: memref<2x96xi32, #tpu.memory_space<vmem>>, %arg14: memref<!tpu.dma_semaphore, #tpu.memory_space<semaphore_mem>>, %arg15: memref<!tpu.dma_semaphore, #tpu.memory_space<semaphore_mem>>, %arg16: memref<!tpu.dma_semaphore, #tpu.memory_space<semaphore_mem>>, %arg17: memref<!tpu.dma_semaphore, #tpu.memory_space<semaphore_mem>>, %arg18: memref<!tpu.dma_semaphore, #tpu.memory_space<semaphore_mem>>, %arg19: memref<!tpu.dma_semaphore, #tpu.memory_space<semaphore_mem>>, %arg20: memref<!tpu.dma_semaphore, #tpu.memory_space<semaphore_mem>>, %arg21: memref<!tpu.dma_semaphore, #tpu.memory_space<semaphore_mem>>, %arg22: memref<!tpu.dma_semaphore, #tpu.memory_space<semaphore_mem>>, %arg23: memref<!tpu.dma_semaphore, #tpu.memory_space<semaphore_mem>>, %arg24: memref<!tpu.dma_semaphore, #tpu.memory_space<semaphore_mem>>, %arg25: memref<!tpu.dma_semaphore, #tpu.memory_space<semaphore_mem>>) attributes {dimension_semantics = [#tpu.dimension_semantics<core_parallel>, #tpu.dimension_semantics<subcore_parallel>], iteration_bounds = array<i64: 2, 16>, scalar_prefetch = 0 : i64, scratch_operands = 21 : i64, tpu.core_type = #tpu.core_type<sc_vector_subcore>, window_params = [{transform_indices = #map}, {transform_indices = #map1}, {transform_indices = #map}]} {
    %mul3A = arith.constant 16 : i32
    %mul3A_0 = arith.muli %arg0, %mul3A : i32
    %add3A = arith.addi %mul3A_0, %arg1 : i32
    %broadcast_in_dim3A = arith.constant 0.000000e+00 : f32
    %broadcast_in_dim3A_1 = vector.broadcast %broadcast_in_dim3A : f32 to vector<16xf32>
    %mul3A_2 = arith.constant 108 : i32
    %mul3A_3 = arith.muli %add3A, %mul3A_2 : i32
    %add3A_4 = arith.constant 0 : i32
    %add3A_5 = arith.addi %mul3A_3, %add3A_4 : i32
    %dma_start3A = arith.constant 0 : i32
    %dma_start3A_6 = arith.constant 0 : i32
    %dma_start3A_7 = tpu.memref_slice %arg3[%add3A_5, %dma_start3A, %dma_start3A_6] : memref<3456x2x96xi32, #tpu.memory_space<hbm>> -> memref<1x2x96xi32, #tpu.memory_space<hbm>>
    %dma_start3A_8 = tpu.memref_squeeze %dma_start3A_7 : memref<1x2x96xi32, #tpu.memory_space<hbm>> -> memref<2x96xi32, #tpu.memory_space<hbm>>
    %dma_start3A_9 = arith.constant 0 : i32
    %dma_start3A_10 = arith.constant 0 : i32
    %dma_start3A_11 = tpu.memref_slice %arg3[%add3A_5, %dma_start3A_9, %dma_start3A_10] : memref<3456x2x96xi32, #tpu.memory_space<hbm>> -> memref<1x2x96xi32, #tpu.memory_space<hbm>>
    %dma_start3A_12 = tpu.memref_squeeze %dma_start3A_11 : memref<1x2x96xi32, #tpu.memory_space<hbm>> -> memref<2x96xi32, #tpu.memory_space<hbm>>
    tpu.enqueue_dma source(%dma_start3A_12 : memref<2x96xi32, #tpu.memory_space<hbm>>) target(%arg10 : memref<2x96xi32, #tpu.memory_space<vmem>>) target_semaphore(%arg22 : memref<!tpu.dma_semaphore, #tpu.memory_space<semaphore_mem>>)
    %add3A_13 = arith.constant 1 : i32
    %add3A_14 = arith.addi %mul3A_3, %add3A_13 : i32
    %dma_start3A_15 = arith.constant 0 : i32
    %dma_start3A_16 = arith.constant 0 : i32
    %dma_start3A_17 = tpu.memref_slice %arg3[%add3A_14, %dma_start3A_15, %dma_start3A_16] : memref<3456x2x96xi32, #tpu.memory_space<hbm>> -> memref<1x2x96xi32, #tpu.memory_space<hbm>>
    %dma_start3A_18 = tpu.memref_squeeze %dma_start3A_17 : memref<1x2x96xi32, #tpu.memory_space<hbm>> -> memref<2x96xi32, #tpu.memory_space<hbm>>
    %dma_start3A_19 = arith.constant 0 : i32
    %dma_start3A_20 = arith.constant 0 : i32
    %dma_start3A_21 = tpu.memref_slice %arg3[%add3A_14, %dma_start3A_19, %dma_start3A_20] : memref<3456x2x96xi32, #tpu.memory_space<hbm>> -> memref<1x2x96xi32, #tpu.memory_space<hbm>>
    %dma_start3A_22 = tpu.memref_squeeze %dma_start3A_21 : memref<1x2x96xi32, #tpu.memory_space<hbm>> -> memref<2x96xi32, #tpu.memory_space<hbm>>
    tpu.enqueue_dma source(%dma_start3A_22 : memref<2x96xi32, #tpu.memory_space<hbm>>) target(%arg11 : memref<2x96xi32, #tpu.memory_space<vmem>>) target_semaphore(%arg23 : memref<!tpu.dma_semaphore, #tpu.memory_space<semaphore_mem>>)
    %add3A_23 = arith.constant 2 : i32
    %add3A_24 = arith.addi %mul3A_3, %add3A_23 : i32
    %dma_start3A_25 = arith.constant 0 : i32
    %dma_start3A_26 = arith.constant 0 : i32
    %dma_start3A_27 = tpu.memref_slice %arg3[%add3A_24, %dma_start3A_25, %dma_start3A_26] : memref<3456x2x96xi32, #tpu.memory_space<hbm>> -> memref<1x2x96xi32, #tpu.memory_space<hbm>>
    %dma_start3A_28 = tpu.memref_squeeze %dma_start3A_27 : memref<1x2x96xi32, #tpu.memory_space<hbm>> -> memref<2x96xi32, #tpu.memory_space<hbm>>
    %dma_start3A_29 = arith.constant 0 : i32
    %dma_start3A_30 = arith.constant 0 : i32
    %dma_start3A_31 = tpu.memref_slice %arg3[%add3A_24, %dma_start3A_29, %dma_start3A_30] : memref<3456x2x96xi32, #tpu.memory_space<hbm>> -> memref<1x2x96xi32, #tpu.memory_space<hbm>>
    %dma_start3A_32 = tpu.memref_squeeze %dma_start3A_31 : memref<1x2x96xi32, #tpu.memory_space<hbm>> -> memref<2x96xi32, #tpu.memory_space<hbm>>
    tpu.enqueue_dma source(%dma_start3A_32 : memref<2x96xi32, #tpu.memory_space<hbm>>) target(%arg12 : memref<2x96xi32, #tpu.memory_space<vmem>>) target_semaphore(%arg24 : memref<!tpu.dma_semaphore, #tpu.memory_space<semaphore_mem>>)
    %scan3A = arith.constant 0 : i32
    %scan3A_33 = arith.constant 0 : i32
    %scan3A_34 = arith.constant 96 : i32
    %scan3A_35 = arith.addi %scan3A_33, %scan3A_34 : i32
    %scan3A_36 = arith.constant 1 : i32
    %scan3A_37 = scf.for %scan3A_471 = %scan3A_33 to %scan3A_35 step %scan3A_36 iter_args(%scan3A_472 = %scan3A) -> (i32)  : i32 {
      %swap3A = arith.index_cast %scan3A_471 : i32 to index
      %swap3A_473 = arith.constant 0 : index
      %swap3A_474 = tpu.vector_load %arg6[%swap3A, %swap3A_473] {strides = array<i32>} : memref<96x128xf32, #tpu.memory_space<vmem>>, vector<1x16xf32>,
      %swap3A_475 = vector.shape_cast %swap3A_474 : vector<1x16xf32> to vector<16xf32>
      %swap3A_476 = vector.shape_cast %broadcast_in_dim3A_1 : vector<16xf32> to vector<1x16xf32>
      tpu.vector_store %arg6[%swap3A, %swap3A_473], %swap3A_476 {strides = array<i32>} : memref<96x128xf32, #tpu.memory_space<vmem>>, vector<1x16xf32>,
      %swap3A_477 = arith.index_cast %scan3A_471 : i32 to index
      %swap3A_478 = arith.constant 16 : index
      %swap3A_479 = tpu.vector_load %arg6[%swap3A_477, %swap3A_478] {strides = array<i32>} : memref<96x128xf32, #tpu.memory_space<vmem>>, vector<1x16xf32>,
      %swap3A_480 = vector.shape_cast %swap3A_479 : vector<1x16xf32> to vector<16xf32>
      %swap3A_481 = vector.shape_cast %broadcast_in_dim3A_1 : vector<16xf32> to vector<1x16xf32>
      tpu.vector_store %arg6[%swap3A_477, %swap3A_478], %swap3A_481 {strides = array<i32>} : memref<96x128xf32, #tpu.memory_space<vmem>>, vector<1x16xf32>,
      %swap3A_482 = arith.index_cast %scan3A_471 : i32 to index
      %swap3A_483 = arith.constant 32 : index
      %swap3A_484 = tpu.vector_load %arg6[%swap3A_482, %swap3A_483] {strides = array<i32>} : memref<96x128xf32, #tpu.memory_space<vmem>>, vector<1x16xf32>,
      %swap3A_485 = vector.shape_cast %swap3A_484 : vector<1x16xf32> to vector<16xf32>
      %swap3A_486 = vector.shape_cast %broadcast_in_dim3A_1 : vector<16xf32> to vector<1x16xf32>
      tpu.vector_store %arg6[%swap3A_482, %swap3A_483], %swap3A_486 {strides = array<i32>} : memref<96x128xf32, #tpu.memory_space<vmem>>, vector<1x16xf32>,
      %swap3A_487 = arith.index_cast %scan3A_471 : i32 to index
      %swap3A_488 = arith.constant 48 : index
      %swap3A_489 = tpu.vector_load %arg6[%swap3A_487, %swap3A_488] {strides = array<i32>} : memref<96x128xf32, #tpu.memory_space<vmem>>, vector<1x16xf32>,
      %swap3A_490 = vector.shape_cast %swap3A_489 : vector<1x16xf32> to vector<16xf32>
      %swap3A_491 = vector.shape_cast %broadcast_in_dim3A_1 : vector<16xf32> to vector<1x16xf32>
      tpu.vector_store %arg6[%swap3A_487, %swap3A_488], %swap3A_491 {strides = array<i32>} : memref<96x128xf32, #tpu.memory_space<vmem>>, vector<1x16xf32>,
      %swap3A_492 = arith.index_cast %scan3A_471 : i32 to index
      %swap3A_493 = arith.constant 64 : index
      %swap3A_494 = tpu.vector_load %arg6[%swap3A_492, %swap3A_493] {strides = array<i32>} : memref<96x128xf32, #tpu.memory_space<vmem>>, vector<1x16xf32>,
      %swap3A_495 = vector.shape_cast %swap3A_494 : vector<1x16xf32> to vector<16xf32>
      %swap3A_496 = vector.shape_cast %broadcast_in_dim3A_1 : vector<16xf32> to vector<1x16xf32>
      tpu.vector_store %arg6[%swap3A_492, %swap3A_493], %swap3A_496 {strides = array<i32>} : memref<96x128xf32, #tpu.memory_space<vmem>>, vector<1x16xf32>,
      %swap3A_497 = arith.index_cast %scan3A_471 : i32 to index
      %swap3A_498 = arith.constant 80 : index
      %swap3A_499 = tpu.vector_load %arg6[%swap3A_497, %swap3A_498] {strides = array<i32>} : memref<96x128xf32, #tpu.memory_space<vmem>>, vector<1x16xf32>,
      %swap3A_500 = vector.shape_cast %swap3A_499 : vector<1x16xf32> to vector<16xf32>
      %swap3A_501 = vector.shape_cast %broadcast_in_dim3A_1 : vector<16xf32> to vector<1x16xf32>
      tpu.vector_store %arg6[%swap3A_497, %swap3A_498], %swap3A_501 {strides = array<i32>} : memref<96x128xf32, #tpu.memory_space<vmem>>, vector<1x16xf32>,
      %swap3A_502 = arith.index_cast %scan3A_471 : i32 to index
      %swap3A_503 = arith.constant 96 : index
      %swap3A_504 = tpu.vector_load %arg6[%swap3A_502, %swap3A_503] {strides = array<i32>} : memref<96x128xf32, #tpu.memory_space<vmem>>, vector<1x16xf32>,
      %swap3A_505 = vector.shape_cast %swap3A_504 : vector<1x16xf32> to vector<16xf32>
      %swap3A_506 = vector.shape_cast %broadcast_in_dim3A_1 : vector<16xf32> to vector<1x16xf32>
      tpu.vector_store %arg6[%swap3A_502, %swap3A_503], %swap3A_506 {strides = array<i32>} : memref<96x128xf32, #tpu.memory_space<vmem>>, vector<1x16xf32>,
      %swap3A_507 = arith.index_cast %scan3A_471 : i32 to index
      %swap3A_508 = arith.constant 112 : index
      %swap3A_509 = tpu.vector_load %arg6[%swap3A_507, %swap3A_508] {strides = array<i32>} : memref<96x128xf32, #tpu.memory_space<vmem>>, vector<1x16xf32>,
      %swap3A_510 = vector.shape_cast %swap3A_509 : vector<1x16xf32> to vector<16xf32>
      %swap3A_511 = vector.shape_cast %broadcast_in_dim3A_1 : vector<16xf32> to vector<1x16xf32>
      tpu.vector_store %arg6[%swap3A_507, %swap3A_508], %swap3A_511 {strides = array<i32>} : memref<96x128xf32, #tpu.memory_space<vmem>>, vector<1x16xf32>,
      %scan3A_512 = arith.constant 0 : i32
      scf.yield %scan3A_512 : i32
    }
    %scan3A_38 = arith.constant 96 : i32
    %mul3A_39 = arith.constant 632 : i32
    %mul3A_40 = arith.muli %arg1, %mul3A_39 : i32
    %add3A_41 = arith.constant 0 : i32
    %add3A_42 = arith.addi %mul3A_40, %add3A_41 : i32
    %dma_start3A_43 = arith.constant 0 : i32
    %dma_start3A_44 = tpu.memref_slice %arg5[%add3A_42, %dma_start3A_43] : memref<10112x128xf32, #tpu.memory_space<vmem_shared>> -> memref<96x128xf32, #tpu.memory_space<vmem_shared>>
    %dma_start3A_45 = arith.constant 0 : i32
    %dma_start3A_46 = tpu.memref_slice %arg5[%add3A_42, %dma_start3A_45] : memref<10112x128xf32, #tpu.memory_space<vmem_shared>> -> memref<96x128xf32, #tpu.memory_space<vmem_shared>>
    tpu.enqueue_dma source(%arg6 : memref<96x128xf32, #tpu.memory_space<vmem>>) target(%dma_start3A_46 : memref<96x128xf32, #tpu.memory_space<vmem_shared>>) target_semaphore(%arg14 : memref<!tpu.dma_semaphore, #tpu.memory_space<semaphore_mem>>)
    %add3A_47 = arith.constant 96 : i32
    %add3A_48 = arith.addi %mul3A_40, %add3A_47 : i32
    %dma_start3A_49 = arith.constant 0 : i32
    %dma_start3A_50 = tpu.memref_slice %arg5[%add3A_48, %dma_start3A_49] : memref<10112x128xf32, #tpu.memory_space<vmem_shared>> -> memref<96x128xf32, #tpu.memory_space<vmem_shared>>
    %dma_start3A_51 = arith.constant 0 : i32
    %dma_start3A_52 = tpu.memref_slice %arg5[%add3A_48, %dma_start3A_51] : memref<10112x128xf32, #tpu.memory_space<vmem_shared>> -> memref<96x128xf32, #tpu.memory_space<vmem_shared>>
    tpu.enqueue_dma source(%arg6 : memref<96x128xf32, #tpu.memory_space<vmem>>) target(%dma_start3A_52 : memref<96x128xf32, #tpu.memory_space<vmem_shared>>) target_semaphore(%arg14 : memref<!tpu.dma_semaphore, #tpu.memory_space<semaphore_mem>>)
    %add3A_53 = arith.constant 192 : i32
    %add3A_54 = arith.addi %mul3A_40, %add3A_53 : i32
    %dma_start3A_55 = arith.constant 0 : i32
    %dma_start3A_56 = tpu.memref_slice %arg5[%add3A_54, %dma_start3A_55] : memref<10112x128xf32, #tpu.memory_space<vmem_shared>> -> memref<96x128xf32, #tpu.memory_space<vmem_shared>>
    %dma_start3A_57 = arith.constant 0 : i32
    %dma_start3A_58 = tpu.memref_slice %arg5[%add3A_54, %dma_start3A_57] : memref<10112x128xf32, #tpu.memory_space<vmem_shared>> -> memref<96x128xf32, #tpu.memory_space<vmem_shared>>
    tpu.enqueue_dma source(%arg6 : memref<96x128xf32, #tpu.memory_space<vmem>>) target(%dma_start3A_58 : memref<96x128xf32, #tpu.memory_space<vmem_shared>>) target_semaphore(%arg14 : memref<!tpu.dma_semaphore, #tpu.memory_space<semaphore_mem>>)
    %add3A_59 = arith.constant 288 : i32
    %add3A_60 = arith.addi %mul3A_40, %add3A_59 : i32
    %dma_start3A_61 = arith.constant 0 : i32
    %dma_start3A_62 = tpu.memref_slice %arg5[%add3A_60, %dma_start3A_61] : memref<10112x128xf32, #tpu.memory_space<vmem_shared>> -> memref<96x128xf32, #tpu.memory_space<vmem_shared>>
    %dma_start3A_63 = arith.constant 0 : i32
    %dma_start3A_64 = tpu.memref_slice %arg5[%add3A_60, %dma_start3A_63] : memref<10112x128xf32, #tpu.memory_space<vmem_shared>> -> memref<96x128xf32, #tpu.memory_space<vmem_shared>>
    tpu.enqueue_dma source(%arg6 : memref<96x128xf32, #tpu.memory_space<vmem>>) target(%dma_start3A_64 : memref<96x128xf32, #tpu.memory_space<vmem_shared>>) target_semaphore(%arg14 : memref<!tpu.dma_semaphore, #tpu.memory_space<semaphore_mem>>)
    %add3A_65 = arith.constant 384 : i32
    %add3A_66 = arith.addi %mul3A_40, %add3A_65 : i32
    %dma_start3A_67 = arith.constant 0 : i32
    %dma_start3A_68 = tpu.memref_slice %arg5[%add3A_66, %dma_start3A_67] : memref<10112x128xf32, #tpu.memory_space<vmem_shared>> -> memref<96x128xf32, #tpu.memory_space<vmem_shared>>
    %dma_start3A_69 = arith.constant 0 : i32
    %dma_start3A_70 = tpu.memref_slice %arg5[%add3A_66, %dma_start3A_69] : memref<10112x128xf32, #tpu.memory_space<vmem_shared>> -> memref<96x128xf32, #tpu.memory_space<vmem_shared>>
    tpu.enqueue_dma source(%arg6 : memref<96x128xf32, #tpu.memory_space<vmem>>) target(%dma_start3A_70 : memref<96x128xf32, #tpu.memory_space<vmem_shared>>) target_semaphore(%arg14 : memref<!tpu.dma_semaphore, #tpu.memory_space<semaphore_mem>>)
    %add3A_71 = arith.constant 480 : i32
    %add3A_72 = arith.addi %mul3A_40, %add3A_71 : i32
    %dma_start3A_73 = arith.constant 0 : i32
    %dma_start3A_74 = tpu.memref_slice %arg5[%add3A_72, %dma_start3A_73] : memref<10112x128xf32, #tpu.memory_space<vmem_shared>> -> memref<96x128xf32, #tpu.memory_space<vmem_shared>>
    %dma_start3A_75 = arith.constant 0 : i32
    %dma_start3A_76 = tpu.memref_slice %arg5[%add3A_72, %dma_start3A_75] : memref<10112x128xf32, #tpu.memory_space<vmem_shared>> -> memref<96x128xf32, #tpu.memory_space<vmem_shared>>
    tpu.enqueue_dma source(%arg6 : memref<96x128xf32, #tpu.memory_space<vmem>>) target(%dma_start3A_76 : memref<96x128xf32, #tpu.memory_space<vmem_shared>>) target_semaphore(%arg14 : memref<!tpu.dma_semaphore, #tpu.memory_space<semaphore_mem>>)
    %add3A_77 = arith.constant 576 : i32
    %add3A_78 = arith.addi %mul3A_40, %add3A_77 : i32
    %dma_start3A_79 = arith.constant 0 : i32
    %dma_start3A_80 = arith.constant 0 : i32
    %dma_start3A_81 = tpu.memref_slice %arg6[%dma_start3A_79, %dma_start3A_80] : memref<96x128xf32, #tpu.memory_space<vmem>> -> memref<56x128xf32, #tpu.memory_space<vmem>>
    %dma_start3A_82 = arith.constant 0 : i32
    %dma_start3A_83 = tpu.memref_slice %arg5[%add3A_78, %dma_start3A_82] : memref<10112x128xf32, #tpu.memory_space<vmem_shared>> -> memref<56x128xf32, #tpu.memory_space<vmem_shared>>
    %dma_start3A_84 = arith.constant 0 : i32
    %dma_start3A_85 = tpu.memref_slice %arg5[%add3A_78, %dma_start3A_84] : memref<10112x128xf32, #tpu.memory_space<vmem_shared>> -> memref<56x128xf32, #tpu.memory_space<vmem_shared>>
    %dma_start3A_86 = arith.constant 0 : i32
    %dma_start3A_87 = arith.constant 0 : i32
    %dma_start3A_88 = tpu.memref_slice %arg6[%dma_start3A_86, %dma_start3A_87] : memref<96x128xf32, #tpu.memory_space<vmem>> -> memref<56x128xf32, #tpu.memory_space<vmem>>
    tpu.enqueue_dma source(%dma_start3A_88 : memref<56x128xf32, #tpu.memory_space<vmem>>) target(%dma_start3A_85 : memref<56x128xf32, #tpu.memory_space<vmem_shared>>) target_semaphore(%arg14 : memref<!tpu.dma_semaphore, #tpu.memory_space<semaphore_mem>>)
    %dma_wait3A = arith.constant 0 : i32
    %dma_wait3A_89 = arith.constant 0 : i32
    %dma_wait3A_90 = tpu.memref_slice %arg3[%mul3A_3, %dma_wait3A, %dma_wait3A_89] : memref<3456x2x96xi32, #tpu.memory_space<hbm>> -> memref<1x2x96xi32, #tpu.memory_space<hbm>>
    %dma_wait3A_91 = tpu.memref_squeeze %dma_wait3A_90 : memref<1x2x96xi32, #tpu.memory_space<hbm>> -> memref<2x96xi32, #tpu.memory_space<hbm>>
    %dma_wait3A_92 = arith.constant 0 : i32
    %dma_wait3A_93 = arith.constant 0 : i32
    %dma_wait3A_94 = tpu.memref_slice %arg3[%mul3A_3, %dma_wait3A_92, %dma_wait3A_93] : memref<3456x2x96xi32, #tpu.memory_space<hbm>> -> memref<1x2x96xi32, #tpu.memory_space<hbm>>
    %dma_wait3A_95 = tpu.memref_squeeze %dma_wait3A_94 : memref<1x2x96xi32, #tpu.memory_space<hbm>> -> memref<2x96xi32, #tpu.memory_space<hbm>>
    tpu.wait_dma2 semaphore(%arg22 : memref<!tpu.dma_semaphore, #tpu.memory_space<semaphore_mem>>) src(%dma_wait3A_95 : memref<2x96xi32, #tpu.memory_space<hbm>>) dst(%arg10 : memref<2x96xi32, #tpu.memory_space<vmem>>)
    %dma_start3A_96 = arith.constant 0 : i32
    %dma_start3A_97 = arith.constant 0 : i32
    %dma_start3A_98 = tpu.memref_slice %arg10[%dma_start3A_96, %dma_start3A_97] : memref<2x96xi32, #tpu.memory_space<vmem>> -> memref<1x96xi32, #tpu.memory_space<vmem>>
    %dma_start3A_99 = tpu.memref_squeeze %dma_start3A_98 : memref<1x96xi32, #tpu.memory_space<vmem>> -> memref<96xi32, #tpu.memory_space<vmem>>
    %dma_start3A_100 = arith.constant 0 : i32
    %dma_start3A_101 = arith.constant 0 : i32
    %dma_start3A_102 = tpu.memref_slice %arg2[%dma_start3A_100, %dma_start3A_101] : memref<10112x128xf32, #tpu.memory_space<hbm>> -> memref<10112x128xf32, #tpu.memory_space<hbm>>
    tpu.enqueue_indirect_dma source(%dma_start3A_102 : memref<10112x128xf32, #tpu.memory_space<hbm>>) target(%arg7 : memref<96x128xf32, #tpu.memory_space<vmem>>) offsets(%dma_start3A_99 : memref<96xi32, #tpu.memory_space<vmem>>) semaphore(%arg15 : memref<!tpu.dma_semaphore, #tpu.memory_space<semaphore_mem>>)
    %dma_wait3A_103 = arith.constant 0 : i32
    %dma_wait3A_104 = arith.constant 0 : i32
    %dma_wait3A_105 = tpu.memref_slice %arg3[%mul3A_3, %dma_wait3A_103, %dma_wait3A_104] : memref<3456x2x96xi32, #tpu.memory_space<hbm>> -> memref<1x2x96xi32, #tpu.memory_space<hbm>>
    %dma_wait3A_106 = tpu.memref_squeeze %dma_wait3A_105 : memref<1x2x96xi32, #tpu.memory_space<hbm>> -> memref<2x96xi32, #tpu.memory_space<hbm>>
    %dma_wait3A_107 = arith.constant 0 : i32
    %dma_wait3A_108 = arith.constant 0 : i32
    %dma_wait3A_109 = tpu.memref_slice %arg3[%mul3A_3, %dma_wait3A_107, %dma_wait3A_108] : memref<3456x2x96xi32, #tpu.memory_space<hbm>> -> memref<1x2x96xi32, #tpu.memory_space<hbm>>
    %dma_wait3A_110 = tpu.memref_squeeze %dma_wait3A_109 : memref<1x2x96xi32, #tpu.memory_space<hbm>> -> memref<2x96xi32, #tpu.memory_space<hbm>>
    tpu.wait_dma2 semaphore(%arg23 : memref<!tpu.dma_semaphore, #tpu.memory_space<semaphore_mem>>) src(%dma_wait3A_110 : memref<2x96xi32, #tpu.memory_space<hbm>>) dst(%arg11 : memref<2x96xi32, #tpu.memory_space<vmem>>)
    %dma_start3A_111 = arith.constant 0 : i32
    %dma_start3A_112 = arith.constant 0 : i32
    %dma_start3A_113 = tpu.memref_slice %arg11[%dma_start3A_111, %dma_start3A_112] : memref<2x96xi32, #tpu.memory_space<vmem>> -> memref<1x96xi32, #tpu.memory_space<vmem>>
    %dma_start3A_114 = tpu.memref_squeeze %dma_start3A_113 : memref<1x96xi32, #tpu.memory_space<vmem>> -> memref<96xi32, #tpu.memory_space<vmem>>
    %dma_start3A_115 = arith.constant 0 : i32
    %dma_start3A_116 = arith.constant 0 : i32
    %dma_start3A_117 = tpu.memref_slice %arg2[%dma_start3A_115, %dma_start3A_116] : memref<10112x128xf32, #tpu.memory_space<hbm>> -> memref<10112x128xf32, #tpu.memory_space<hbm>>
    tpu.enqueue_indirect_dma source(%dma_start3A_117 : memref<10112x128xf32, #tpu.memory_space<hbm>>) target(%arg8 : memref<96x128xf32, #tpu.memory_space<vmem>>) offsets(%dma_start3A_114 : memref<96xi32, #tpu.memory_space<vmem>>) semaphore(%arg16 : memref<!tpu.dma_semaphore, #tpu.memory_space<semaphore_mem>>)
    %dma_wait3A_118 = arith.constant 0 : i32
    %dma_wait3A_119 = tpu.memref_slice %arg5[%mul3A_40, %dma_wait3A_118] : memref<10112x128xf32, #tpu.memory_space<vmem_shared>> -> memref<96x128xf32, #tpu.memory_space<vmem_shared>>
    %dma_wait3A_120 = arith.constant 0 : i32
    %dma_wait3A_121 = tpu.memref_slice %arg5[%mul3A_40, %dma_wait3A_120] : memref<10112x128xf32, #tpu.memory_space<vmem_shared>> -> memref<96x128xf32, #tpu.memory_space<vmem_shared>>
    tpu.wait_dma2 semaphore(%arg14 : memref<!tpu.dma_semaphore, #tpu.memory_space<semaphore_mem>>) src(%arg6 : memref<96x128xf32, #tpu.memory_space<vmem>>) dst(%dma_wait3A_121 : memref<96x128xf32, #tpu.memory_space<vmem_shared>>)
    %dma_wait3A_122 = arith.constant 0 : i32
    %dma_wait3A_123 = tpu.memref_slice %arg5[%mul3A_40, %dma_wait3A_122] : memref<10112x128xf32, #tpu.memory_space<vmem_shared>> -> memref<96x128xf32, #tpu.memory_space<vmem_shared>>
    %dma_wait3A_124 = arith.constant 0 : i32
    %dma_wait3A_125 = tpu.memref_slice %arg5[%mul3A_40, %dma_wait3A_124] : memref<10112x128xf32, #tpu.memory_space<vmem_shared>> -> memref<96x128xf32, #tpu.memory_space<vmem_shared>>
    tpu.wait_dma2 semaphore(%arg14 : memref<!tpu.dma_semaphore, #tpu.memory_space<semaphore_mem>>) src(%arg6 : memref<96x128xf32, #tpu.memory_space<vmem>>) dst(%dma_wait3A_125 : memref<96x128xf32, #tpu.memory_space<vmem_shared>>)
    %dma_wait3A_126 = arith.constant 0 : i32
    %dma_wait3A_127 = tpu.memref_slice %arg5[%mul3A_40, %dma_wait3A_126] : memref<10112x128xf32, #tpu.memory_space<vmem_shared>> -> memref<96x128xf32, #tpu.memory_space<vmem_shared>>
    %dma_wait3A_128 = arith.constant 0 : i32
    %dma_wait3A_129 = tpu.memref_slice %arg5[%mul3A_40, %dma_wait3A_128] : memref<10112x128xf32, #tpu.memory_space<vmem_shared>> -> memref<96x128xf32, #tpu.memory_space<vmem_shared>>
    tpu.wait_dma2 semaphore(%arg14 : memref<!tpu.dma_semaphore, #tpu.memory_space<semaphore_mem>>) src(%arg6 : memref<96x128xf32, #tpu.memory_space<vmem>>) dst(%dma_wait3A_129 : memref<96x128xf32, #tpu.memory_space<vmem_shared>>)
    %dma_wait3A_130 = arith.constant 0 : i32
    %dma_wait3A_131 = tpu.memref_slice %arg5[%mul3A_40, %dma_wait3A_130] : memref<10112x128xf32, #tpu.memory_space<vmem_shared>> -> memref<96x128xf32, #tpu.memory_space<vmem_shared>>
    %dma_wait3A_132 = arith.constant 0 : i32
    %dma_wait3A_133 = tpu.memref_slice %arg5[%mul3A_40, %dma_wait3A_132] : memref<10112x128xf32, #tpu.memory_space<vmem_shared>> -> memref<96x128xf32, #tpu.memory_space<vmem_shared>>
    tpu.wait_dma2 semaphore(%arg14 : memref<!tpu.dma_semaphore, #tpu.memory_space<semaphore_mem>>) src(%arg6 : memref<96x128xf32, #tpu.memory_space<vmem>>) dst(%dma_wait3A_133 : memref<96x128xf32, #tpu.memory_space<vmem_shared>>)
    %dma_wait3A_134 = arith.constant 0 : i32
    %dma_wait3A_135 = tpu.memref_slice %arg5[%mul3A_40, %dma_wait3A_134] : memref<10112x128xf32, #tpu.memory_space<vmem_shared>> -> memref<96x128xf32, #tpu.memory_space<vmem_shared>>
    %dma_wait3A_136 = arith.constant 0 : i32
    %dma_wait3A_137 = tpu.memref_slice %arg5[%mul3A_40, %dma_wait3A_136] : memref<10112x128xf32, #tpu.memory_space<vmem_shared>> -> memref<96x128xf32, #tpu.memory_space<vmem_shared>>
    tpu.wait_dma2 semaphore(%arg14 : memref<!tpu.dma_semaphore, #tpu.memory_space<semaphore_mem>>) src(%arg6 : memref<96x128xf32, #tpu.memory_space<vmem>>) dst(%dma_wait3A_137 : memref<96x128xf32, #tpu.memory_space<vmem_shared>>)
    %dma_wait3A_138 = arith.constant 0 : i32
    %dma_wait3A_139 = tpu.memref_slice %arg5[%mul3A_40, %dma_wait3A_138] : memref<10112x128xf32, #tpu.memory_space<vmem_shared>> -> memref<96x128xf32, #tpu.memory_space<vmem_shared>>
    %dma_wait3A_140 = arith.constant 0 : i32
    %dma_wait3A_141 = tpu.memref_slice %arg5[%mul3A_40, %dma_wait3A_140] : memref<10112x128xf32, #tpu.memory_space<vmem_shared>> -> memref<96x128xf32, #tpu.memory_space<vmem_shared>>
    tpu.wait_dma2 semaphore(%arg14 : memref<!tpu.dma_semaphore, #tpu.memory_space<semaphore_mem>>) src(%arg6 : memref<96x128xf32, #tpu.memory_space<vmem>>) dst(%dma_wait3A_141 : memref<96x128xf32, #tpu.memory_space<vmem_shared>>)
    %dma_wait3A_142 = arith.constant 0 : i32
    %dma_wait3A_143 = arith.constant 0 : i32
    %dma_wait3A_144 = tpu.memref_slice %arg6[%dma_wait3A_142, %dma_wait3A_143] : memref<96x128xf32, #tpu.memory_space<vmem>> -> memref<56x128xf32, #tpu.memory_space<vmem>>
    %dma_wait3A_145 = arith.constant 0 : i32
    %dma_wait3A_146 = tpu.memref_slice %arg5[%mul3A_40, %dma_wait3A_145] : memref<10112x128xf32, #tpu.memory_space<vmem_shared>> -> memref<56x128xf32, #tpu.memory_space<vmem_shared>>
    %dma_wait3A_147 = arith.constant 0 : i32
    %dma_wait3A_148 = tpu.memref_slice %arg5[%mul3A_40, %dma_wait3A_147] : memref<10112x128xf32, #tpu.memory_space<vmem_shared>> -> memref<56x128xf32, #tpu.memory_space<vmem_shared>>
    %dma_wait3A_149 = arith.constant 0 : i32
    %dma_wait3A_150 = arith.constant 0 : i32
    %dma_wait3A_151 = tpu.memref_slice %arg6[%dma_wait3A_149, %dma_wait3A_150] : memref<96x128xf32, #tpu.memory_space<vmem>> -> memref<56x128xf32, #tpu.memory_space<vmem>>
    tpu.wait_dma2 semaphore(%arg14 : memref<!tpu.dma_semaphore, #tpu.memory_space<semaphore_mem>>) src(%dma_wait3A_151 : memref<56x128xf32, #tpu.memory_space<vmem>>) dst(%dma_wait3A_148 : memref<56x128xf32, #tpu.memory_space<vmem_shared>>)
    %barrier3A = arith.constant 0 : index
    tpu.barrier barrier_id(%barrier3A)
    %dma_wait3A_152 = arith.constant 0 : i32
    %dma_wait3A_153 = arith.constant 0 : i32
    %dma_wait3A_154 = tpu.memref_slice %arg10[%dma_wait3A_152, %dma_wait3A_153] : memref<2x96xi32, #tpu.memory_space<vmem>> -> memref<1x96xi32, #tpu.memory_space<vmem>>
    %dma_wait3A_155 = tpu.memref_squeeze %dma_wait3A_154 : memref<1x96xi32, #tpu.memory_space<vmem>> -> memref<96xi32, #tpu.memory_space<vmem>>
    %dma_wait3A_156 = arith.constant 0 : i32
    %dma_wait3A_157 = arith.constant 0 : i32
    %dma_wait3A_158 = tpu.memref_slice %arg2[%dma_wait3A_156, %dma_wait3A_157] : memref<10112x128xf32, #tpu.memory_space<hbm>> -> memref<10112x128xf32, #tpu.memory_space<hbm>>
    tpu.wait_indirect_dma semaphore(%arg15 : memref<!tpu.dma_semaphore, #tpu.memory_space<semaphore_mem>>) src(%dma_wait3A_158 : memref<10112x128xf32, #tpu.memory_space<hbm>>) dst(%arg7 : memref<96x128xf32, #tpu.memory_space<vmem>>)
    %dma_start3A_159 = arith.constant 1 : i32
    %dma_start3A_160 = arith.constant 0 : i32
    %dma_start3A_161 = tpu.memref_slice %arg10[%dma_start3A_159, %dma_start3A_160] : memref<2x96xi32, #tpu.memory_space<vmem>> -> memref<1x96xi32, #tpu.memory_space<vmem>>
    %dma_start3A_162 = tpu.memref_squeeze %dma_start3A_161 : memref<1x96xi32, #tpu.memory_space<vmem>> -> memref<96xi32, #tpu.memory_space<vmem>>
    %dma_start3A_163 = arith.constant 0 : i32
    %dma_start3A_164 = arith.constant 0 : i32
    %dma_start3A_165 = tpu.memref_slice %arg5[%dma_start3A_163, %dma_start3A_164] : memref<10112x128xf32, #tpu.memory_space<vmem_shared>> -> memref<10112x128xf32, #tpu.memory_space<vmem_shared>>
    tpu.enqueue_indirect_dma source(%arg7 : memref<96x128xf32, #tpu.memory_space<vmem>>) target(%dma_start3A_165 : memref<10112x128xf32, #tpu.memory_space<vmem_shared>>) offsets(%dma_start3A_162 : memref<96xi32, #tpu.memory_space<vmem>>) semaphore(%arg19 : memref<!tpu.dma_semaphore, #tpu.memory_space<semaphore_mem>>) {add = true}
    %add3A_166 = arith.constant 3 : i32
    %add3A_167 = arith.addi %mul3A_3, %add3A_166 : i32
    %dma_start3A_168 = arith.constant 0 : i32
    %dma_start3A_169 = arith.constant 0 : i32
    %dma_start3A_170 = tpu.memref_slice %arg3[%add3A_167, %dma_start3A_168, %dma_start3A_169] : memref<3456x2x96xi32, #tpu.memory_space<hbm>> -> memref<1x2x96xi32, #tpu.memory_space<hbm>>
    %dma_start3A_171 = tpu.memref_squeeze %dma_start3A_170 : memref<1x2x96xi32, #tpu.memory_space<hbm>> -> memref<2x96xi32, #tpu.memory_space<hbm>>
    %dma_start3A_172 = arith.constant 0 : i32
    %dma_start3A_173 = arith.constant 0 : i32
    %dma_start3A_174 = tpu.memref_slice %arg3[%add3A_167, %dma_start3A_172, %dma_start3A_173] : memref<3456x2x96xi32, #tpu.memory_space<hbm>> -> memref<1x2x96xi32, #tpu.memory_space<hbm>>
    %dma_start3A_175 = tpu.memref_squeeze %dma_start3A_174 : memref<1x2x96xi32, #tpu.memory_space<hbm>> -> memref<2x96xi32, #tpu.memory_space<hbm>>
    tpu.enqueue_dma source(%dma_start3A_175 : memref<2x96xi32, #tpu.memory_space<hbm>>) target(%arg13 : memref<2x96xi32, #tpu.memory_space<vmem>>) target_semaphore(%arg25 : memref<!tpu.dma_semaphore, #tpu.memory_space<semaphore_mem>>)
    %dma_wait3A_176 = arith.constant 0 : i32
    %dma_wait3A_177 = arith.constant 0 : i32
    %dma_wait3A_178 = tpu.memref_slice %arg3[%mul3A_3, %dma_wait3A_176, %dma_wait3A_177] : memref<3456x2x96xi32, #tpu.memory_space<hbm>> -> memref<1x2x96xi32, #tpu.memory_space<hbm>>
    %dma_wait3A_179 = tpu.memref_squeeze %dma_wait3A_178 : memref<1x2x96xi32, #tpu.memory_space<hbm>> -> memref<2x96xi32, #tpu.memory_space<hbm>>
    %dma_wait3A_180 = arith.constant 0 : i32
    %dma_wait3A_181 = arith.constant 0 : i32
    %dma_wait3A_182 = tpu.memref_slice %arg3[%mul3A_3, %dma_wait3A_180, %dma_wait3A_181] : memref<3456x2x96xi32, #tpu.memory_space<hbm>> -> memref<1x2x96xi32, #tpu.memory_space<hbm>>
    %dma_wait3A_183 = tpu.memref_squeeze %dma_wait3A_182 : memref<1x2x96xi32, #tpu.memory_space<hbm>> -> memref<2x96xi32, #tpu.memory_space<hbm>>
    tpu.wait_dma2 semaphore(%arg24 : memref<!tpu.dma_semaphore, #tpu.memory_space<semaphore_mem>>) src(%dma_wait3A_183 : memref<2x96xi32, #tpu.memory_space<hbm>>) dst(%arg12 : memref<2x96xi32, #tpu.memory_space<vmem>>)
    %dma_start3A_184 = arith.constant 0 : i32
    %dma_start3A_185 = arith.constant 0 : i32
    %dma_start3A_186 = tpu.memref_slice %arg12[%dma_start3A_184, %dma_start3A_185] : memref<2x96xi32, #tpu.memory_space<vmem>> -> memref<1x96xi32, #tpu.memory_space<vmem>>
    %dma_start3A_187 = tpu.memref_squeeze %dma_start3A_186 : memref<1x96xi32, #tpu.memory_space<vmem>> -> memref<96xi32, #tpu.memory_space<vmem>>
    %dma_start3A_188 = arith.constant 0 : i32
    %dma_start3A_189 = arith.constant 0 : i32
    %dma_start3A_190 = tpu.memref_slice %arg2[%dma_start3A_188, %dma_start3A_189] : memref<10112x128xf32, #tpu.memory_space<hbm>> -> memref<10112x128xf32, #tpu.memory_space<hbm>>
    tpu.enqueue_indirect_dma source(%dma_start3A_190 : memref<10112x128xf32, #tpu.memory_space<hbm>>) target(%arg9 : memref<96x128xf32, #tpu.memory_space<vmem>>) offsets(%dma_start3A_187 : memref<96xi32, #tpu.memory_space<vmem>>) semaphore(%arg17 : memref<!tpu.dma_semaphore, #tpu.memory_space<semaphore_mem>>)
    %dma_wait3A_191 = arith.constant 0 : i32
    %dma_wait3A_192 = arith.constant 0 : i32
    %dma_wait3A_193 = tpu.memref_slice %arg10[%dma_wait3A_191, %dma_wait3A_192] : memref<2x96xi32, #tpu.memory_space<vmem>> -> memref<1x96xi32, #tpu.memory_space<vmem>>
    %dma_wait3A_194 = tpu.memref_squeeze %dma_wait3A_193 : memref<1x96xi32, #tpu.memory_space<vmem>> -> memref<96xi32, #tpu.memory_space<vmem>>
    %dma_wait3A_195 = arith.constant 0 : i32
    %dma_wait3A_196 = arith.constant 0 : i32
    %dma_wait3A_197 = tpu.memref_slice %arg2[%dma_wait3A_195, %dma_wait3A_196] : memref<10112x128xf32, #tpu.memory_space<hbm>> -> memref<10112x128xf32, #tpu.memory_space<hbm>>
    tpu.wait_indirect_dma semaphore(%arg16 : memref<!tpu.dma_semaphore, #tpu.memory_space<semaphore_mem>>) src(%dma_wait3A_197 : memref<10112x128xf32, #tpu.memory_space<hbm>>) dst(%arg8 : memref<96x128xf32, #tpu.memory_space<vmem>>)
    %dma_start3A_198 = arith.constant 1 : i32
    %dma_start3A_199 = arith.constant 0 : i32
    %dma_start3A_200 = tpu.memref_slice %arg11[%dma_start3A_198, %dma_start3A_199] : memref<2x96xi32, #tpu.memory_space<vmem>> -> memref<1x96xi32, #tpu.memory_space<vmem>>
    %dma_start3A_201 = tpu.memref_squeeze %dma_start3A_200 : memref<1x96xi32, #tpu.memory_space<vmem>> -> memref<96xi32, #tpu.memory_space<vmem>>
    %dma_start3A_202 = arith.constant 0 : i32
    %dma_start3A_203 = arith.constant 0 : i32
    %dma_start3A_204 = tpu.memref_slice %arg5[%dma_start3A_202, %dma_start3A_203] : memref<10112x128xf32, #tpu.memory_space<vmem_shared>> -> memref<10112x128xf32, #tpu.memory_space<vmem_shared>>
    tpu.enqueue_indirect_dma source(%arg8 : memref<96x128xf32, #tpu.memory_space<vmem>>) target(%dma_start3A_204 : memref<10112x128xf32, #tpu.memory_space<vmem_shared>>) offsets(%dma_start3A_201 : memref<96xi32, #tpu.memory_space<vmem>>) semaphore(%arg20 : memref<!tpu.dma_semaphore, #tpu.memory_space<semaphore_mem>>) {add = true}
    %dma_wait3A_205 = arith.constant 1 : i32
    %dma_wait3A_206 = arith.constant 0 : i32
    %dma_wait3A_207 = tpu.memref_slice %arg10[%dma_wait3A_205, %dma_wait3A_206] : memref<2x96xi32, #tpu.memory_space<vmem>> -> memref<1x96xi32, #tpu.memory_space<vmem>>
    %dma_wait3A_208 = tpu.memref_squeeze %dma_wait3A_207 : memref<1x96xi32, #tpu.memory_space<vmem>> -> memref<96xi32, #tpu.memory_space<vmem>>
    %dma_wait3A_209 = arith.constant 0 : i32
    %dma_wait3A_210 = arith.constant 0 : i32
    %dma_wait3A_211 = tpu.memref_slice %arg5[%dma_wait3A_209, %dma_wait3A_210] : memref<10112x128xf32, #tpu.memory_space<vmem_shared>> -> memref<10112x128xf32, #tpu.memory_space<vmem_shared>>
    tpu.wait_indirect_dma semaphore(%arg19 : memref<!tpu.dma_semaphore, #tpu.memory_space<semaphore_mem>>) src(%arg6 : memref<96x128xf32, #tpu.memory_space<vmem>>) dst(%dma_wait3A_211 : memref<10112x128xf32, #tpu.memory_space<vmem_shared>>)
    %add3A_212 = arith.constant 4 : i32
    %add3A_213 = arith.addi %mul3A_3, %add3A_212 : i32
    %dma_start3A_214 = arith.constant 0 : i32
    %dma_start3A_215 = arith.constant 0 : i32
    %dma_start3A_216 = tpu.memref_slice %arg3[%add3A_213, %dma_start3A_214, %dma_start3A_215] : memref<3456x2x96xi32, #tpu.memory_space<hbm>> -> memref<1x2x96xi32, #tpu.memory_space<hbm>>
    %dma_start3A_217 = tpu.memref_squeeze %dma_start3A_216 : memref<1x2x96xi32, #tpu.memory_space<hbm>> -> memref<2x96xi32, #tpu.memory_space<hbm>>
    %dma_start3A_218 = arith.constant 0 : i32
    %dma_start3A_219 = arith.constant 0 : i32
    %dma_start3A_220 = tpu.memref_slice %arg3[%add3A_213, %dma_start3A_218, %dma_start3A_219] : memref<3456x2x96xi32, #tpu.memory_space<hbm>> -> memref<1x2x96xi32, #tpu.memory_space<hbm>>
    %dma_start3A_221 = tpu.memref_squeeze %dma_start3A_220 : memref<1x2x96xi32, #tpu.memory_space<hbm>> -> memref<2x96xi32, #tpu.memory_space<hbm>>
    tpu.enqueue_dma source(%dma_start3A_221 : memref<2x96xi32, #tpu.memory_space<hbm>>) target(%arg10 : memref<2x96xi32, #tpu.memory_space<vmem>>) target_semaphore(%arg22 : memref<!tpu.dma_semaphore, #tpu.memory_space<semaphore_mem>>)
    %dma_wait3A_222 = arith.constant 0 : i32
    %dma_wait3A_223 = arith.constant 0 : i32
    %dma_wait3A_224 = tpu.memref_slice %arg3[%mul3A_3, %dma_wait3A_222, %dma_wait3A_223] : memref<3456x2x96xi32, #tpu.memory_space<hbm>> -> memref<1x2x96xi32, #tpu.memory_space<hbm>>
    %dma_wait3A_225 = tpu.memref_squeeze %dma_wait3A_224 : memref<1x2x96xi32, #tpu.memory_space<hbm>> -> memref<2x96xi32, #tpu.memory_space<hbm>>
    %dma_wait3A_226 = arith.constant 0 : i32
    %dma_wait3A_227 = arith.constant 0 : i32
    %dma_wait3A_228 = tpu.memref_slice %arg3[%mul3A_3, %dma_wait3A_226, %dma_wait3A_227] : memref<3456x2x96xi32, #tpu.memory_space<hbm>> -> memref<1x2x96xi32, #tpu.memory_space<hbm>>
    %dma_wait3A_229 = tpu.memref_squeeze %dma_wait3A_228 : memref<1x2x96xi32, #tpu.memory_space<hbm>> -> memref<2x96xi32, #tpu.memory_space<hbm>>
    tpu.wait_dma2 semaphore(%arg25 : memref<!tpu.dma_semaphore, #tpu.memory_space<semaphore_mem>>) src(%dma_wait3A_229 : memref<2x96xi32, #tpu.memory_space<hbm>>) dst(%arg13 : memref<2x96xi32, #tpu.memory_space<vmem>>)
    %dma_start3A_230 = arith.constant 0 : i32
    %dma_start3A_231 = arith.constant 0 : i32
    %dma_start3A_232 = tpu.memref_slice %arg13[%dma_start3A_230, %dma_start3A_231] : memref<2x96xi32, #tpu.memory_space<vmem>> -> memref<1x96xi32, #tpu.memory_space<vmem>>
    %dma_start3A_233 = tpu.memref_squeeze %dma_start3A_232 : memref<1x96xi32, #tpu.memory_space<vmem>> -> memref<96xi32, #tpu.memory_space<vmem>>
    %dma_start3A_234 = arith.constant 0 : i32
    %dma_start3A_235 = arith.constant 0 : i32
    %dma_start3A_236 = tpu.memref_slice %arg2[%dma_start3A_234, %dma_start3A_235] : memref<10112x128xf32, #tpu.memory_space<hbm>> -> memref<10112x128xf32, #tpu.memory_space<hbm>>
    tpu.enqueue_indirect_dma source(%dma_start3A_236 : memref<10112x128xf32, #tpu.memory_space<hbm>>) target(%arg6 : memref<96x128xf32, #tpu.memory_space<vmem>>) offsets(%dma_start3A_233 : memref<96xi32, #tpu.memory_space<vmem>>) semaphore(%arg14 : memref<!tpu.dma_semaphore, #tpu.memory_space<semaphore_mem>>)
    %dma_wait3A_237 = arith.constant 0 : i32
    %dma_wait3A_238 = arith.constant 0 : i32
    %dma_wait3A_239 = tpu.memref_slice %arg10[%dma_wait3A_237, %dma_wait3A_238] : memref<2x96xi32, #tpu.memory_space<vmem>> -> memref<1x96xi32, #tpu.memory_space<vmem>>
    %dma_wait3A_240 = tpu.memref_squeeze %dma_wait3A_239 : memref<1x96xi32, #tpu.memory_space<vmem>> -> memref<96xi32, #tpu.memory_space<vmem>>
    %dma_wait3A_241 = arith.constant 0 : i32
    %dma_wait3A_242 = arith.constant 0 : i32
    %dma_wait3A_243 = tpu.memref_slice %arg2[%dma_wait3A_241, %dma_wait3A_242] : memref<10112x128xf32, #tpu.memory_space<hbm>> -> memref<10112x128xf32, #tpu.memory_space<hbm>>
    tpu.wait_indirect_dma semaphore(%arg17 : memref<!tpu.dma_semaphore, #tpu.memory_space<semaphore_mem>>) src(%dma_wait3A_243 : memref<10112x128xf32, #tpu.memory_space<hbm>>) dst(%arg9 : memref<96x128xf32, #tpu.memory_space<vmem>>)
    %dma_start3A_244 = arith.constant 1 : i32
    %dma_start3A_245 = arith.constant 0 : i32
    %dma_start3A_246 = tpu.memref_slice %arg12[%dma_start3A_244, %dma_start3A_245] : memref<2x96xi32, #tpu.memory_space<vmem>> -> memref<1x96xi32, #tpu.memory_space<vmem>>
    %dma_start3A_247 = tpu.memref_squeeze %dma_start3A_246 : memref<1x96xi32, #tpu.memory_space<vmem>> -> memref<96xi32, #tpu.memory_space<vmem>>
    %dma_start3A_248 = arith.constant 0 : i32
    %dma_start3A_249 = arith.constant 0 : i32
    %dma_start3A_250 = tpu.memref_slice %arg5[%dma_start3A_248, %dma_start3A_249] : memref<10112x128xf32, #tpu.memory_space<vmem_shared>> -> memref<10112x128xf32, #tpu.memory_space<vmem_shared>>
    tpu.enqueue_indirect_dma source(%arg9 : memref<96x128xf32, #tpu.memory_space<vmem>>) target(%dma_start3A_250 : memref<10112x128xf32, #tpu.memory_space<vmem_shared>>) offsets(%dma_start3A_247 : memref<96xi32, #tpu.memory_space<vmem>>) semaphore(%arg21 : memref<!tpu.dma_semaphore, #tpu.memory_space<semaphore_mem>>) {add = true}
    %dma_wait3A_251 = arith.constant 1 : i32
    %dma_wait3A_252 = arith.constant 0 : i32
    %dma_wait3A_253 = tpu.memref_slice %arg10[%dma_wait3A_251, %dma_wait3A_252] : memref<2x96xi32, #tpu.memory_space<vmem>> -> memref<1x96xi32, #tpu.memory_space<vmem>>
    %dma_wait3A_254 = tpu.memref_squeeze %dma_wait3A_253 : memref<1x96xi32, #tpu.memory_space<vmem>> -> memref<96xi32, #tpu.memory_space<vmem>>
    %dma_wait3A_255 = arith.constant 0 : i32
    %dma_wait3A_256 = arith.constant 0 : i32
    %dma_wait3A_257 = tpu.memref_slice %arg5[%dma_wait3A_255, %dma_wait3A_256] : memref<10112x128xf32, #tpu.memory_space<vmem_shared>> -> memref<10112x128xf32, #tpu.memory_space<vmem_shared>>
    tpu.wait_indirect_dma semaphore(%arg20 : memref<!tpu.dma_semaphore, #tpu.memory_space<semaphore_mem>>) src(%arg6 : memref<96x128xf32, #tpu.memory_space<vmem>>) dst(%dma_wait3A_257 : memref<10112x128xf32, #tpu.memory_space<vmem_shared>>)
    %add3A_258 = arith.constant 5 : i32
    %add3A_259 = arith.addi %mul3A_3, %add3A_258 : i32
    %dma_start3A_260 = arith.constant 0 : i32
    %dma_start3A_261 = arith.constant 0 : i32
    %dma_start3A_262 = tpu.memref_slice %arg3[%add3A_259, %dma_start3A_260, %dma_start3A_261] : memref<3456x2x96xi32, #tpu.memory_space<hbm>> -> memref<1x2x96xi32, #tpu.memory_space<hbm>>
    %dma_start3A_263 = tpu.memref_squeeze %dma_start3A_262 : memref<1x2x96xi32, #tpu.memory_space<hbm>> -> memref<2x96xi32, #tpu.memory_space<hbm>>
    %dma_start3A_264 = arith.constant 0 : i32
    %dma_start3A_265 = arith.constant 0 : i32
    %dma_start3A_266 = tpu.memref_slice %arg3[%add3A_259, %dma_start3A_264, %dma_start3A_265] : memref<3456x2x96xi32, #tpu.memory_space<hbm>> -> memref<1x2x96xi32, #tpu.memory_space<hbm>>
    %dma_start3A_267 = tpu.memref_squeeze %dma_start3A_266 : memref<1x2x96xi32, #tpu.memory_space<hbm>> -> memref<2x96xi32, #tpu.memory_space<hbm>>
    tpu.enqueue_dma source(%dma_start3A_267 : memref<2x96xi32, #tpu.memory_space<hbm>>) target(%arg11 : memref<2x96xi32, #tpu.memory_space<vmem>>) target_semaphore(%arg23 : memref<!tpu.dma_semaphore, #tpu.memory_space<semaphore_mem>>)
    %dma_wait3A_268 = arith.constant 0 : i32
    %dma_wait3A_269 = arith.constant 0 : i32
    %dma_wait3A_270 = tpu.memref_slice %arg3[%mul3A_3, %dma_wait3A_268, %dma_wait3A_269] : memref<3456x2x96xi32, #tpu.memory_space<hbm>> -> memref<1x2x96xi32, #tpu.memory_space<hbm>>
    %dma_wait3A_271 = tpu.memref_squeeze %dma_wait3A_270 : memref<1x2x96xi32, #tpu.memory_space<hbm>> -> memref<2x96xi32, #tpu.memory_space<hbm>>
    %dma_wait3A_272 = arith.constant 0 : i32
    %dma_wait3A_273 = arith.constant 0 : i32
    %dma_wait3A_274 = tpu.memref_slice %arg3[%mul3A_3, %dma_wait3A_272, %dma_wait3A_273] : memref<3456x2x96xi32, #tpu.memory_space<hbm>> -> memref<1x2x96xi32, #tpu.memory_space<hbm>>
    %dma_wait3A_275 = tpu.memref_squeeze %dma_wait3A_274 : memref<1x2x96xi32, #tpu.memory_space<hbm>> -> memref<2x96xi32, #tpu.memory_space<hbm>>
    tpu.wait_dma2 semaphore(%arg22 : memref<!tpu.dma_semaphore, #tpu.memory_space<semaphore_mem>>) src(%dma_wait3A_275 : memref<2x96xi32, #tpu.memory_space<hbm>>) dst(%arg10 : memref<2x96xi32, #tpu.memory_space<vmem>>)
    %dma_start3A_276 = arith.constant 0 : i32
    %dma_start3A_277 = arith.constant 0 : i32
    %dma_start3A_278 = tpu.memref_slice %arg10[%dma_start3A_276, %dma_start3A_277] : memref<2x96xi32, #tpu.memory_space<vmem>> -> memref<1x96xi32, #tpu.memory_space<vmem>>
    %dma_start3A_279 = tpu.memref_squeeze %dma_start3A_278 : memref<1x96xi32, #tpu.memory_space<vmem>> -> memref<96xi32, #tpu.memory_space<vmem>>
    %dma_start3A_280 = arith.constant 0 : i32
    %dma_start3A_281 = arith.constant 0 : i32
    %dma_start3A_282 = tpu.memref_slice %arg2[%dma_start3A_280, %dma_start3A_281] : memref<10112x128xf32, #tpu.memory_space<hbm>> -> memref<10112x128xf32, #tpu.memory_space<hbm>>
    tpu.enqueue_indirect_dma source(%dma_start3A_282 : memref<10112x128xf32, #tpu.memory_space<hbm>>) target(%arg7 : memref<96x128xf32, #tpu.memory_space<vmem>>) offsets(%dma_start3A_279 : memref<96xi32, #tpu.memory_space<vmem>>) semaphore(%arg15 : memref<!tpu.dma_semaphore, #tpu.memory_space<semaphore_mem>>)
    %dma_wait3A_283 = arith.constant 0 : i32
    %dma_wait3A_284 = arith.constant 0 : i32
    %dma_wait3A_285 = tpu.memref_slice %arg10[%dma_wait3A_283, %dma_wait3A_284] : memref<2x96xi32, #tpu.memory_space<vmem>> -> memref<1x96xi32, #tpu.memory_space<vmem>>
    %dma_wait3A_286 = tpu.memref_squeeze %dma_wait3A_285 : memref<1x96xi32, #tpu.memory_space<vmem>> -> memref<96xi32, #tpu.memory_space<vmem>>
    %dma_wait3A_287 = arith.constant 0 : i32
    %dma_wait3A_288 = arith.constant 0 : i32
    %dma_wait3A_289 = tpu.memref_slice %arg2[%dma_wait3A_287, %dma_wait3A_288] : memref<10112x128xf32, #tpu.memory_space<hbm>> -> memref<10112x128xf32, #tpu.memory_space<hbm>>
    tpu.wait_indirect_dma semaphore(%arg14 : memref<!tpu.dma_semaphore, #tpu.memory_space<semaphore_mem>>) src(%dma_wait3A_289 : memref<10112x128xf32, #tpu.memory_space<hbm>>) dst(%arg6 : memref<96x128xf32, #tpu.memory_space<vmem>>)
    %dma_start3A_290 = arith.constant 1 : i32
    %dma_start3A_291 = arith.constant 0 : i32
    %dma_start3A_292 = tpu.memref_slice %arg13[%dma_start3A_290, %dma_start3A_291] : memref<2x96xi32, #tpu.memory_space<vmem>> -> memref<1x96xi32, #tpu.memory_space<vmem>>
    %dma_start3A_293 = tpu.memref_squeeze %dma_start3A_292 : memref<1x96xi32, #tpu.memory_space<vmem>> -> memref<96xi32, #tpu.memory_space<vmem>>
    %dma_start3A_294 = arith.constant 0 : i32
    %dma_start3A_295 = arith.constant 0 : i32
    %dma_start3A_296 = tpu.memref_slice %arg5[%dma_start3A_294, %dma_start3A_295] : memref<10112x128xf32, #tpu.memory_space<vmem_shared>> -> memref<10112x128xf32, #tpu.memory_space<vmem_shared>>
    tpu.enqueue_indirect_dma source(%arg6 : memref<96x128xf32, #tpu.memory_space<vmem>>) target(%dma_start3A_296 : memref<10112x128xf32, #tpu.memory_space<vmem_shared>>) offsets(%dma_start3A_293 : memref<96xi32, #tpu.memory_space<vmem>>) semaphore(%arg18 : memref<!tpu.dma_semaphore, #tpu.memory_space<semaphore_mem>>) {add = true}
    %dma_wait3A_297 = arith.constant 1 : i32
    %dma_wait3A_298 = arith.constant 0 : i32
    %dma_wait3A_299 = tpu.memref_slice %arg10[%dma_wait3A_297, %dma_wait3A_298] : memref<2x96xi32, #tpu.memory_space<vmem>> -> memref<1x96xi32, #tpu.memory_space<vmem>>
    %dma_wait3A_300 = tpu.memref_squeeze %dma_wait3A_299 : memref<1x96xi32, #tpu.memory_space<vmem>> -> memref<96xi32, #tpu.memory_space<vmem>>
    %dma_wait3A_301 = arith.constant 0 : i32
    %dma_wait3A_302 = arith.constant 0 : i32
    %dma_wait3A_303 = tpu.memref_slice %arg5[%dma_wait3A_301, %dma_wait3A_302] : memref<10112x128xf32, #tpu.memory_space<vmem_shared>> -> memref<10112x128xf32, #tpu.memory_space<vmem_shared>>
    tpu.wait_indirect_dma semaphore(%arg21 : memref<!tpu.dma_semaphore, #tpu.memory_space<semaphore_mem>>) src(%arg6 : memref<96x128xf32, #tpu.memory_space<vmem>>) dst(%dma_wait3A_303 : memref<10112x128xf32, #tpu.memory_space<vmem_shared>>)
    %add3A_304 = arith.constant 6 : i32
    %add3A_305 = arith.addi %mul3A_3, %add3A_304 : i32
    %dma_start3A_306 = arith.constant 0 : i32
    %dma_start3A_307 = arith.constant 0 : i32
    %dma_start3A_308 = tpu.memref_slice %arg3[%add3A_305, %dma_start3A_306, %dma_start3A_307] : memref<3456x2x96xi32, #tpu.memory_space<hbm>> -> memref<1x2x96xi32, #tpu.memory_space<hbm>>
    %dma_start3A_309 = tpu.memref_squeeze %dma_start3A_308 : memref<1x2x96xi32, #tpu.memory_space<hbm>> -> memref<2x96xi32, #tpu.memory_space<hbm>>
    %dma_start3A_310 = arith.constant 0 : i32
    %dma_start3A_311 = arith.constant 0 : i32
    %dma_start3A_312 = tpu.memref_slice %arg3[%add3A_305, %dma_start3A_310, %dma_start3A_311] : memref<3456x2x96xi32, #tpu.memory_space<hbm>> -> memref<1x2x96xi32, #tpu.memory_space<hbm>>
    %dma_start3A_313 = tpu.memref_squeeze %dma_start3A_312 : memref<1x2x96xi32, #tpu.memory_space<hbm>> -> memref<2x96xi32, #tpu.memory_space<hbm>>
    tpu.enqueue_dma source(%dma_start3A_313 : memref<2x96xi32, #tpu.memory_space<hbm>>) target(%arg12 : memref<2x96xi32, #tpu.memory_space<vmem>>) target_semaphore(%arg24 : memref<!tpu.dma_semaphore, #tpu.memory_space<semaphore_mem>>)
    %dma_wait3A_314 = arith.constant 0 : i32
    %dma_wait3A_315 = arith.constant 0 : i32
    %dma_wait3A_316 = tpu.memref_slice %arg3[%mul3A_3, %dma_wait3A_314, %dma_wait3A_315] : memref<3456x2x96xi32, #tpu.memory_space<hbm>> -> memref<1x2x96xi32, #tpu.memory_space<hbm>>
    %dma_wait3A_317 = tpu.memref_squeeze %dma_wait3A_316 : memref<1x2x96xi32, #tpu.memory_space<hbm>> -> memref<2x96xi32, #tpu.memory_space<hbm>>
    %dma_wait3A_318 = arith.constant 0 : i32
    %dma_wait3A_319 = arith.constant 0 : i32
    %dma_wait3A_320 = tpu.memref_slice %arg3[%mul3A_3, %dma_wait3A_318, %dma_wait3A_319] : memref<3456x2x96xi32, #tpu.memory_space<hbm>> -> memref<1x2x96xi32, #tpu.memory_space<hbm>>
    %dma_wait3A_321 = tpu.memref_squeeze %dma_wait3A_320 : memref<1x2x96xi32, #tpu.memory_space<hbm>> -> memref<2x96xi32, #tpu.memory_space<hbm>>
    tpu.wait_dma2 semaphore(%arg23 : memref<!tpu.dma_semaphore, #tpu.memory_space<semaphore_mem>>) src(%dma_wait3A_321 : memref<2x96xi32, #tpu.memory_space<hbm>>) dst(%arg11 : memref<2x96xi32, #tpu.memory_space<vmem>>)
    %dma_start3A_322 = arith.constant 0 : i32
    %dma_start3A_323 = arith.constant 0 : i32
    %dma_start3A_324 = tpu.memref_slice %arg11[%dma_start3A_322, %dma_start3A_323] : memref<2x96xi32, #tpu.memory_space<vmem>> -> memref<1x96xi32, #tpu.memory_space<vmem>>
    %dma_start3A_325 = tpu.memref_squeeze %dma_start3A_324 : memref<1x96xi32, #tpu.memory_space<vmem>> -> memref<96xi32, #tpu.memory_space<vmem>>
    %dma_start3A_326 = arith.constant 0 : i32
    %dma_start3A_327 = arith.constant 0 : i32
    %dma_start3A_328 = tpu.memref_slice %arg2[%dma_start3A_326, %dma_start3A_327] : memref<10112x128xf32, #tpu.memory_space<hbm>> -> memref<10112x128xf32, #tpu.memory_space<hbm>>
    tpu.enqueue_indirect_dma source(%dma_start3A_328 : memref<10112x128xf32, #tpu.memory_space<hbm>>) target(%arg8 : memref<96x128xf32, #tpu.memory_space<vmem>>) offsets(%dma_start3A_325 : memref<96xi32, #tpu.memory_space<vmem>>) semaphore(%arg16 : memref<!tpu.dma_semaphore, #tpu.memory_space<semaphore_mem>>)
    %scan3A_329 = arith.constant 0 : i32
    %scan3A_330 = arith.constant 1 : i32
    %scan3A_331 = arith.constant 25 : i32
    %scan3A_332 = arith.addi %scan3A_330, %scan3A_331 : i32
    %scan3A_333 = arith.constant 1 : i32
    %scan3A_334 = scf.for %scan3A_471 = %scan3A_330 to %scan3A_332 step %scan3A_333 iter_args(%scan3A_472 = %scan3A_329) -> (i32)  : i32 {
      %mul3A_473 = arith.constant 4 : i32
      %mul3A_474 = arith.muli %scan3A_471, %mul3A_473 : i32
      %add3A_475 = arith.constant 0 : i32
      %add3A_476 = arith.addi %mul3A_474, %add3A_475 : i32
      %dma_wait3A_477 = arith.constant 0 : i32
      %dma_wait3A_478 = arith.constant 0 : i32
      %dma_wait3A_479 = tpu.memref_slice %arg10[%dma_wait3A_477, %dma_wait3A_478] : memref<2x96xi32, #tpu.memory_space<vmem>> -> memref<1x96xi32, #tpu.memory_space<vmem>>
      %dma_wait3A_480 = tpu.memref_squeeze %dma_wait3A_479 : memref<1x96xi32, #tpu.memory_space<vmem>> -> memref<96xi32, #tpu.memory_space<vmem>>
      %dma_wait3A_481 = arith.constant 0 : i32
      %dma_wait3A_482 = arith.constant 0 : i32
      %dma_wait3A_483 = tpu.memref_slice %arg2[%dma_wait3A_481, %dma_wait3A_482] : memref<10112x128xf32, #tpu.memory_space<hbm>> -> memref<10112x128xf32, #tpu.memory_space<hbm>>
      tpu.wait_indirect_dma semaphore(%arg15 : memref<!tpu.dma_semaphore, #tpu.memory_space<semaphore_mem>>) src(%dma_wait3A_483 : memref<10112x128xf32, #tpu.memory_space<hbm>>) dst(%arg7 : memref<96x128xf32, #tpu.memory_space<vmem>>)
      %dma_start3A_484 = arith.constant 1 : i32
      %dma_start3A_485 = arith.constant 0 : i32
      %dma_start3A_486 = tpu.memref_slice %arg10[%dma_start3A_484, %dma_start3A_485] : memref<2x96xi32, #tpu.memory_space<vmem>> -> memref<1x96xi32, #tpu.memory_space<vmem>>
      %dma_start3A_487 = tpu.memref_squeeze %dma_start3A_486 : memref<1x96xi32, #tpu.memory_space<vmem>> -> memref<96xi32, #tpu.memory_space<vmem>>
      %dma_start3A_488 = arith.constant 0 : i32
      %dma_start3A_489 = arith.constant 0 : i32
      %dma_start3A_490 = tpu.memref_slice %arg5[%dma_start3A_488, %dma_start3A_489] : memref<10112x128xf32, #tpu.memory_space<vmem_shared>> -> memref<10112x128xf32, #tpu.memory_space<vmem_shared>>
      tpu.enqueue_indirect_dma source(%arg7 : memref<96x128xf32, #tpu.memory_space<vmem>>) target(%dma_start3A_490 : memref<10112x128xf32, #tpu.memory_space<vmem_shared>>) offsets(%dma_start3A_487 : memref<96xi32, #tpu.memory_space<vmem>>) semaphore(%arg19 : memref<!tpu.dma_semaphore, #tpu.memory_space<semaphore_mem>>) {add = true}
      %dma_wait3A_491 = arith.constant 1 : i32
      %dma_wait3A_492 = arith.constant 0 : i32
      %dma_wait3A_493 = tpu.memref_slice %arg10[%dma_wait3A_491, %dma_wait3A_492] : memref<2x96xi32, #tpu.memory_space<vmem>> -> memref<1x96xi32, #tpu.memory_space<vmem>>
      %dma_wait3A_494 = tpu.memref_squeeze %dma_wait3A_493 : memref<1x96xi32, #tpu.memory_space<vmem>> -> memref<96xi32, #tpu.memory_space<vmem>>
      %dma_wait3A_495 = arith.constant 0 : i32
      %dma_wait3A_496 = arith.constant 0 : i32
      %dma_wait3A_497 = tpu.memref_slice %arg5[%dma_wait3A_495, %dma_wait3A_496] : memref<10112x128xf32, #tpu.memory_space<vmem_shared>> -> memref<10112x128xf32, #tpu.memory_space<vmem_shared>>
      tpu.wait_indirect_dma semaphore(%arg18 : memref<!tpu.dma_semaphore, #tpu.memory_space<semaphore_mem>>) src(%arg6 : memref<96x128xf32, #tpu.memory_space<vmem>>) dst(%dma_wait3A_497 : memref<10112x128xf32, #tpu.memory_space<vmem_shared>>)
      %add3A_498 = arith.constant 3 : i32
      %add3A_499 = arith.addi %add3A_476, %add3A_498 : i32
      %add3A_500 = arith.addi %mul3A_3, %add3A_499 : i32
      %dma_start3A_501 = arith.constant 0 : i32
      %dma_start3A_502 = arith.constant 0 : i32
      %dma_start3A_503 = tpu.memref_slice %arg3[%add3A_500, %dma_start3A_501, %dma_start3A_502] : memref<3456x2x96xi32, #tpu.memory_space<hbm>> -> memref<1x2x96xi32, #tpu.memory_space<hbm>>
      %dma_start3A_504 = tpu.memref_squeeze %dma_start3A_503 : memref<1x2x96xi32, #tpu.memory_space<hbm>> -> memref<2x96xi32, #tpu.memory_space<hbm>>
      %dma_start3A_505 = arith.constant 0 : i32
      %dma_start3A_506 = arith.constant 0 : i32
      %dma_start3A_507 = tpu.memref_slice %arg3[%add3A_500, %dma_start3A_505, %dma_start3A_506] : memref<3456x2x96xi32, #tpu.memory_space<hbm>> -> memref<1x2x96xi32, #tpu.memory_space<hbm>>
      %dma_start3A_508 = tpu.memref_squeeze %dma_start3A_507 : memref<1x2x96xi32, #tpu.memory_space<hbm>> -> memref<2x96xi32, #tpu.memory_space<hbm>>
      tpu.enqueue_dma source(%dma_start3A_508 : memref<2x96xi32, #tpu.memory_space<hbm>>) target(%arg13 : memref<2x96xi32, #tpu.memory_space<vmem>>) target_semaphore(%arg25 : memref<!tpu.dma_semaphore, #tpu.memory_space<semaphore_mem>>)
      %dma_wait3A_509 = arith.constant 0 : i32
      %dma_wait3A_510 = arith.constant 0 : i32
      %dma_wait3A_511 = tpu.memref_slice %arg3[%mul3A_3, %dma_wait3A_509, %dma_wait3A_510] : memref<3456x2x96xi32, #tpu.memory_space<hbm>> -> memref<1x2x96xi32, #tpu.memory_space<hbm>>
      %dma_wait3A_512 = tpu.memref_squeeze %dma_wait3A_511 : memref<1x2x96xi32, #tpu.memory_space<hbm>> -> memref<2x96xi32, #tpu.memory_space<hbm>>
      %dma_wait3A_513 = arith.constant 0 : i32
      %dma_wait3A_514 = arith.constant 0 : i32
      %dma_wait3A_515 = tpu.memref_slice %arg3[%mul3A_3, %dma_wait3A_513, %dma_wait3A_514] : memref<3456x2x96xi32, #tpu.memory_space<hbm>> -> memref<1x2x96xi32, #tpu.memory_space<hbm>>
      %dma_wait3A_516 = tpu.memref_squeeze %dma_wait3A_515 : memref<1x2x96xi32, #tpu.memory_space<hbm>> -> memref<2x96xi32, #tpu.memory_space<hbm>>
      tpu.wait_dma2 semaphore(%arg24 : memref<!tpu.dma_semaphore, #tpu.memory_space<semaphore_mem>>) src(%dma_wait3A_516 : memref<2x96xi32, #tpu.memory_space<hbm>>) dst(%arg12 : memref<2x96xi32, #tpu.memory_space<vmem>>)
      %dma_start3A_517 = arith.constant 0 : i32
      %dma_start3A_518 = arith.constant 0 : i32
      %dma_start3A_519 = tpu.memref_slice %arg12[%dma_start3A_517, %dma_start3A_518] : memref<2x96xi32, #tpu.memory_space<vmem>> -> memref<1x96xi32, #tpu.memory_space<vmem>>
      %dma_start3A_520 = tpu.memref_squeeze %dma_start3A_519 : memref<1x96xi32, #tpu.memory_space<vmem>> -> memref<96xi32, #tpu.memory_space<vmem>>
      %dma_start3A_521 = arith.constant 0 : i32
      %dma_start3A_522 = arith.constant 0 : i32
      %dma_start3A_523 = tpu.memref_slice %arg2[%dma_start3A_521, %dma_start3A_522] : memref<10112x128xf32, #tpu.memory_space<hbm>> -> memref<10112x128xf32, #tpu.memory_space<hbm>>
      tpu.enqueue_indirect_dma source(%dma_start3A_523 : memref<10112x128xf32, #tpu.memory_space<hbm>>) target(%arg9 : memref<96x128xf32, #tpu.memory_space<vmem>>) offsets(%dma_start3A_520 : memref<96xi32, #tpu.memory_space<vmem>>) semaphore(%arg17 : memref<!tpu.dma_semaphore, #tpu.memory_space<semaphore_mem>>)
      %mul3A_524 = arith.constant 4 : i32
      %mul3A_525 = arith.muli %scan3A_471, %mul3A_524 : i32
      %add3A_526 = arith.constant 1 : i32
      %add3A_527 = arith.addi %mul3A_525, %add3A_526 : i32
      %dma_wait3A_528 = arith.constant 0 : i32
      %dma_wait3A_529 = arith.constant 0 : i32
      %dma_wait3A_530 = tpu.memref_slice %arg10[%dma_wait3A_528, %dma_wait3A_529] : memref<2x96xi32, #tpu.memory_space<vmem>> -> memref<1x96xi32, #tpu.memory_space<vmem>>
      %dma_wait3A_531 = tpu.memref_squeeze %dma_wait3A_530 : memref<1x96xi32, #tpu.memory_space<vmem>> -> memref<96xi32, #tpu.memory_space<vmem>>
      %dma_wait3A_532 = arith.constant 0 : i32
      %dma_wait3A_533 = arith.constant 0 : i32
      %dma_wait3A_534 = tpu.memref_slice %arg2[%dma_wait3A_532, %dma_wait3A_533] : memref<10112x128xf32, #tpu.memory_space<hbm>> -> memref<10112x128xf32, #tpu.memory_space<hbm>>
      tpu.wait_indirect_dma semaphore(%arg16 : memref<!tpu.dma_semaphore, #tpu.memory_space<semaphore_mem>>) src(%dma_wait3A_534 : memref<10112x128xf32, #tpu.memory_space<hbm>>) dst(%arg8 : memref<96x128xf32, #tpu.memory_space<vmem>>)
      %dma_start3A_535 = arith.constant 1 : i32
      %dma_start3A_536 = arith.constant 0 : i32
      %dma_start3A_537 = tpu.memref_slice %arg11[%dma_start3A_535, %dma_start3A_536] : memref<2x96xi32, #tpu.memory_space<vmem>> -> memref<1x96xi32, #tpu.memory_space<vmem>>
      %dma_start3A_538 = tpu.memref_squeeze %dma_start3A_537 : memref<1x96xi32, #tpu.memory_space<vmem>> -> memref<96xi32, #tpu.memory_space<vmem>>
      %dma_start3A_539 = arith.constant 0 : i32
      %dma_start3A_540 = arith.constant 0 : i32
      %dma_start3A_541 = tpu.memref_slice %arg5[%dma_start3A_539, %dma_start3A_540] : memref<10112x128xf32, #tpu.memory_space<vmem_shared>> -> memref<10112x128xf32, #tpu.memory_space<vmem_shared>>
      tpu.enqueue_indirect_dma source(%arg8 : memref<96x128xf32, #tpu.memory_space<vmem>>) target(%dma_start3A_541 : memref<10112x128xf32, #tpu.memory_space<vmem_shared>>) offsets(%dma_start3A_538 : memref<96xi32, #tpu.memory_space<vmem>>) semaphore(%arg20 : memref<!tpu.dma_semaphore, #tpu.memory_space<semaphore_mem>>) {add = true}
      %dma_wait3A_542 = arith.constant 1 : i32
      %dma_wait3A_543 = arith.constant 0 : i32
      %dma_wait3A_544 = tpu.memref_slice %arg10[%dma_wait3A_542, %dma_wait3A_543] : memref<2x96xi32, #tpu.memory_space<vmem>> -> memref<1x96xi32, #tpu.memory_space<vmem>>
      %dma_wait3A_545 = tpu.memref_squeeze %dma_wait3A_544 : memref<1x96xi32, #tpu.memory_space<vmem>> -> memref<96xi32, #tpu.memory_space<vmem>>
      %dma_wait3A_546 = arith.constant 0 : i32
      %dma_wait3A_547 = arith.constant 0 : i32
      %dma_wait3A_548 = tpu.memref_slice %arg5[%dma_wait3A_546, %dma_wait3A_547] : memref<10112x128xf32, #tpu.memory_space<vmem_shared>> -> memref<10112x128xf32, #tpu.memory_space<vmem_shared>>
      tpu.wait_indirect_dma semaphore(%arg19 : memref<!tpu.dma_semaphore, #tpu.memory_space<semaphore_mem>>) src(%arg6 : memref<96x128xf32, #tpu.memory_space<vmem>>) dst(%dma_wait3A_548 : memref<10112x128xf32, #tpu.memory_space<vmem_shared>>)
      %add3A_549 = arith.constant 3 : i32
      %add3A_550 = arith.addi %add3A_527, %add3A_549 : i32
      %add3A_551 = arith.addi %mul3A_3, %add3A_550 : i32
      %dma_start3A_552 = arith.constant 0 : i32
      %dma_start3A_553 = arith.constant 0 : i32
      %dma_start3A_554 = tpu.memref_slice %arg3[%add3A_551, %dma_start3A_552, %dma_start3A_553] : memref<3456x2x96xi32, #tpu.memory_space<hbm>> -> memref<1x2x96xi32, #tpu.memory_space<hbm>>
      %dma_start3A_555 = tpu.memref_squeeze %dma_start3A_554 : memref<1x2x96xi32, #tpu.memory_space<hbm>> -> memref<2x96xi32, #tpu.memory_space<hbm>>
      %dma_start3A_556 = arith.constant 0 : i32
      %dma_start3A_557 = arith.constant 0 : i32
      %dma_start3A_558 = tpu.memref_slice %arg3[%add3A_551, %dma_start3A_556, %dma_start3A_557] : memref<3456x2x96xi32, #tpu.memory_space<hbm>> -> memref<1x2x96xi32, #tpu.memory_space<hbm>>
      %dma_start3A_559 = tpu.memref_squeeze %dma_start3A_558 : memref<1x2x96xi32, #tpu.memory_space<hbm>> -> memref<2x96xi32, #tpu.memory_space<hbm>>
      tpu.enqueue_dma source(%dma_start3A_559 : memref<2x96xi32, #tpu.memory_space<hbm>>) target(%arg10 : memref<2x96xi32, #tpu.memory_space<vmem>>) target_semaphore(%arg22 : memref<!tpu.dma_semaphore, #tpu.memory_space<semaphore_mem>>)
      %dma_wait3A_560 = arith.constant 0 : i32
      %dma_wait3A_561 = arith.constant 0 : i32
      %dma_wait3A_562 = tpu.memref_slice %arg3[%mul3A_3, %dma_wait3A_560, %dma_wait3A_561] : memref<3456x2x96xi32, #tpu.memory_space<hbm>> -> memref<1x2x96xi32, #tpu.memory_space<hbm>>
      %dma_wait3A_563 = tpu.memref_squeeze %dma_wait3A_562 : memref<1x2x96xi32, #tpu.memory_space<hbm>> -> memref<2x96xi32, #tpu.memory_space<hbm>>
      %dma_wait3A_564 = arith.constant 0 : i32
      %dma_wait3A_565 = arith.constant 0 : i32
      %dma_wait3A_566 = tpu.memref_slice %arg3[%mul3A_3, %dma_wait3A_564, %dma_wait3A_565] : memref<3456x2x96xi32, #tpu.memory_space<hbm>> -> memref<1x2x96xi32, #tpu.memory_space<hbm>>
      %dma_wait3A_567 = tpu.memref_squeeze %dma_wait3A_566 : memref<1x2x96xi32, #tpu.memory_space<hbm>> -> memref<2x96xi32, #tpu.memory_space<hbm>>
      tpu.wait_dma2 semaphore(%arg25 : memref<!tpu.dma_semaphore, #tpu.memory_space<semaphore_mem>>) src(%dma_wait3A_567 : memref<2x96xi32, #tpu.memory_space<hbm>>) dst(%arg13 : memref<2x96xi32, #tpu.memory_space<vmem>>)
      %dma_start3A_568 = arith.constant 0 : i32
      %dma_start3A_569 = arith.constant 0 : i32
      %dma_start3A_570 = tpu.memref_slice %arg13[%dma_start3A_568, %dma_start3A_569] : memref<2x96xi32, #tpu.memory_space<vmem>> -> memref<1x96xi32, #tpu.memory_space<vmem>>
      %dma_start3A_571 = tpu.memref_squeeze %dma_start3A_570 : memref<1x96xi32, #tpu.memory_space<vmem>> -> memref<96xi32, #tpu.memory_space<vmem>>
      %dma_start3A_572 = arith.constant 0 : i32
      %dma_start3A_573 = arith.constant 0 : i32
      %dma_start3A_574 = tpu.memref_slice %arg2[%dma_start3A_572, %dma_start3A_573] : memref<10112x128xf32, #tpu.memory_space<hbm>> -> memref<10112x128xf32, #tpu.memory_space<hbm>>
      tpu.enqueue_indirect_dma source(%dma_start3A_574 : memref<10112x128xf32, #tpu.memory_space<hbm>>) target(%arg6 : memref<96x128xf32, #tpu.memory_space<vmem>>) offsets(%dma_start3A_571 : memref<96xi32, #tpu.memory_space<vmem>>) semaphore(%arg14 : memref<!tpu.dma_semaphore, #tpu.memory_space<semaphore_mem>>)
      %mul3A_575 = arith.constant 4 : i32
      %mul3A_576 = arith.muli %scan3A_471, %mul3A_575 : i32
      %add3A_577 = arith.constant 2 : i32
      %add3A_578 = arith.addi %mul3A_576, %add3A_577 : i32
      %dma_wait3A_579 = arith.constant 0 : i32
      %dma_wait3A_580 = arith.constant 0 : i32
      %dma_wait3A_581 = tpu.memref_slice %arg10[%dma_wait3A_579, %dma_wait3A_580] : memref<2x96xi32, #tpu.memory_space<vmem>> -> memref<1x96xi32, #tpu.memory_space<vmem>>
      %dma_wait3A_582 = tpu.memref_squeeze %dma_wait3A_581 : memref<1x96xi32, #tpu.memory_space<vmem>> -> memref<96xi32, #tpu.memory_space<vmem>>
      %dma_wait3A_583 = arith.constant 0 : i32
      %dma_wait3A_584 = arith.constant 0 : i32
      %dma_wait3A_585 = tpu.memref_slice %arg2[%dma_wait3A_583, %dma_wait3A_584] : memref<10112x128xf32, #tpu.memory_space<hbm>> -> memref<10112x128xf32, #tpu.memory_space<hbm>>
      tpu.wait_indirect_dma semaphore(%arg17 : memref<!tpu.dma_semaphore, #tpu.memory_space<semaphore_mem>>) src(%dma_wait3A_585 : memref<10112x128xf32, #tpu.memory_space<hbm>>) dst(%arg9 : memref<96x128xf32, #tpu.memory_space<vmem>>)
      %dma_start3A_586 = arith.constant 1 : i32
      %dma_start3A_587 = arith.constant 0 : i32
      %dma_start3A_588 = tpu.memref_slice %arg12[%dma_start3A_586, %dma_start3A_587] : memref<2x96xi32, #tpu.memory_space<vmem>> -> memref<1x96xi32, #tpu.memory_space<vmem>>
      %dma_start3A_589 = tpu.memref_squeeze %dma_start3A_588 : memref<1x96xi32, #tpu.memory_space<vmem>> -> memref<96xi32, #tpu.memory_space<vmem>>
      %dma_start3A_590 = arith.constant 0 : i32
      %dma_start3A_591 = arith.constant 0 : i32
      %dma_start3A_592 = tpu.memref_slice %arg5[%dma_start3A_590, %dma_start3A_591] : memref<10112x128xf32, #tpu.memory_space<vmem_shared>> -> memref<10112x128xf32, #tpu.memory_space<vmem_shared>>
      tpu.enqueue_indirect_dma source(%arg9 : memref<96x128xf32, #tpu.memory_space<vmem>>) target(%dma_start3A_592 : memref<10112x128xf32, #tpu.memory_space<vmem_shared>>) offsets(%dma_start3A_589 : memref<96xi32, #tpu.memory_space<vmem>>) semaphore(%arg21 : memref<!tpu.dma_semaphore, #tpu.memory_space<semaphore_mem>>) {add = true}
      %dma_wait3A_593 = arith.constant 1 : i32
      %dma_wait3A_594 = arith.constant 0 : i32
      %dma_wait3A_595 = tpu.memref_slice %arg10[%dma_wait3A_593, %dma_wait3A_594] : memref<2x96xi32, #tpu.memory_space<vmem>> -> memref<1x96xi32, #tpu.memory_space<vmem>>
      %dma_wait3A_596 = tpu.memref_squeeze %dma_wait3A_595 : memref<1x96xi32, #tpu.memory_space<vmem>> -> memref<96xi32, #tpu.memory_space<vmem>>
      %dma_wait3A_597 = arith.constant 0 : i32
      %dma_wait3A_598 = arith.constant 0 : i32
      %dma_wait3A_599 = tpu.memref_slice %arg5[%dma_wait3A_597, %dma_wait3A_598] : memref<10112x128xf32, #tpu.memory_space<vmem_shared>> -> memref<10112x128xf32, #tpu.memory_space<vmem_shared>>
      tpu.wait_indirect_dma semaphore(%arg20 : memref<!tpu.dma_semaphore, #tpu.memory_space<semaphore_mem>>) src(%arg6 : memref<96x128xf32, #tpu.memory_space<vmem>>) dst(%dma_wait3A_599 : memref<10112x128xf32, #tpu.memory_space<vmem_shared>>)
      %add3A_600 = arith.constant 3 : i32
      %add3A_601 = arith.addi %add3A_578, %add3A_600 : i32
      %add3A_602 = arith.addi %mul3A_3, %add3A_601 : i32
      %dma_start3A_603 = arith.constant 0 : i32
      %dma_start3A_604 = arith.constant 0 : i32
      %dma_start3A_605 = tpu.memref_slice %arg3[%add3A_602, %dma_start3A_603, %dma_start3A_604] : memref<3456x2x96xi32, #tpu.memory_space<hbm>> -> memref<1x2x96xi32, #tpu.memory_space<hbm>>
      %dma_start3A_606 = tpu.memref_squeeze %dma_start3A_605 : memref<1x2x96xi32, #tpu.memory_space<hbm>> -> memref<2x96xi32, #tpu.memory_space<hbm>>
      %dma_start3A_607 = arith.constant 0 : i32
      %dma_start3A_608 = arith.constant 0 : i32
      %dma_start3A_609 = tpu.memref_slice %arg3[%add3A_602, %dma_start3A_607, %dma_start3A_608] : memref<3456x2x96xi32, #tpu.memory_space<hbm>> -> memref<1x2x96xi32, #tpu.memory_space<hbm>>
      %dma_start3A_610 = tpu.memref_squeeze %dma_start3A_609 : memref<1x2x96xi32, #tpu.memory_space<hbm>> -> memref<2x96xi32, #tpu.memory_space<hbm>>
      tpu.enqueue_dma source(%dma_start3A_610 : memref<2x96xi32, #tpu.memory_space<hbm>>) target(%arg11 : memref<2x96xi32, #tpu.memory_space<vmem>>) target_semaphore(%arg23 : memref<!tpu.dma_semaphore, #tpu.memory_space<semaphore_mem>>)
      %dma_wait3A_611 = arith.constant 0 : i32
      %dma_wait3A_612 = arith.constant 0 : i32
      %dma_wait3A_613 = tpu.memref_slice %arg3[%mul3A_3, %dma_wait3A_611, %dma_wait3A_612] : memref<3456x2x96xi32, #tpu.memory_space<hbm>> -> memref<1x2x96xi32, #tpu.memory_space<hbm>>
      %dma_wait3A_614 = tpu.memref_squeeze %dma_wait3A_613 : memref<1x2x96xi32, #tpu.memory_space<hbm>> -> memref<2x96xi32, #tpu.memory_space<hbm>>
      %dma_wait3A_615 = arith.constant 0 : i32
      %dma_wait3A_616 = arith.constant 0 : i32
      %dma_wait3A_617 = tpu.memref_slice %arg3[%mul3A_3, %dma_wait3A_615, %dma_wait3A_616] : memref<3456x2x96xi32, #tpu.memory_space<hbm>> -> memref<1x2x96xi32, #tpu.memory_space<hbm>>
      %dma_wait3A_618 = tpu.memref_squeeze %dma_wait3A_617 : memref<1x2x96xi32, #tpu.memory_space<hbm>> -> memref<2x96xi32, #tpu.memory_space<hbm>>
      tpu.wait_dma2 semaphore(%arg22 : memref<!tpu.dma_semaphore, #tpu.memory_space<semaphore_mem>>) src(%dma_wait3A_618 : memref<2x96xi32, #tpu.memory_space<hbm>>) dst(%arg10 : memref<2x96xi32, #tpu.memory_space<vmem>>)
      %dma_start3A_619 = arith.constant 0 : i32
      %dma_start3A_620 = arith.constant 0 : i32
      %dma_start3A_621 = tpu.memref_slice %arg10[%dma_start3A_619, %dma_start3A_620] : memref<2x96xi32, #tpu.memory_space<vmem>> -> memref<1x96xi32, #tpu.memory_space<vmem>>
      %dma_start3A_622 = tpu.memref_squeeze %dma_start3A_621 : memref<1x96xi32, #tpu.memory_space<vmem>> -> memref<96xi32, #tpu.memory_space<vmem>>
      %dma_start3A_623 = arith.constant 0 : i32
      %dma_start3A_624 = arith.constant 0 : i32
      %dma_start3A_625 = tpu.memref_slice %arg2[%dma_start3A_623, %dma_start3A_624] : memref<10112x128xf32, #tpu.memory_space<hbm>> -> memref<10112x128xf32, #tpu.memory_space<hbm>>
      tpu.enqueue_indirect_dma source(%dma_start3A_625 : memref<10112x128xf32, #tpu.memory_space<hbm>>) target(%arg7 : memref<96x128xf32, #tpu.memory_space<vmem>>) offsets(%dma_start3A_622 : memref<96xi32, #tpu.memory_space<vmem>>) semaphore(%arg15 : memref<!tpu.dma_semaphore, #tpu.memory_space<semaphore_mem>>)
      %mul3A_626 = arith.constant 4 : i32
      %mul3A_627 = arith.muli %scan3A_471, %mul3A_626 : i32
      %add3A_628 = arith.constant 3 : i32
      %add3A_629 = arith.addi %mul3A_627, %add3A_628 : i32
      %dma_wait3A_630 = arith.constant 0 : i32
      %dma_wait3A_631 = arith.constant 0 : i32
      %dma_wait3A_632 = tpu.memref_slice %arg10[%dma_wait3A_630, %dma_wait3A_631] : memref<2x96xi32, #tpu.memory_space<vmem>> -> memref<1x96xi32, #tpu.memory_space<vmem>>
      %dma_wait3A_633 = tpu.memref_squeeze %dma_wait3A_632 : memref<1x96xi32, #tpu.memory_space<vmem>> -> memref<96xi32, #tpu.memory_space<vmem>>
      %dma_wait3A_634 = arith.constant 0 : i32
      %dma_wait3A_635 = arith.constant 0 : i32
      %dma_wait3A_636 = tpu.memref_slice %arg2[%dma_wait3A_634, %dma_wait3A_635] : memref<10112x128xf32, #tpu.memory_space<hbm>> -> memref<10112x128xf32, #tpu.memory_space<hbm>>
      tpu.wait_indirect_dma semaphore(%arg14 : memref<!tpu.dma_semaphore, #tpu.memory_space<semaphore_mem>>) src(%dma_wait3A_636 : memref<10112x128xf32, #tpu.memory_space<hbm>>) dst(%arg6 : memref<96x128xf32, #tpu.memory_space<vmem>>)
      %dma_start3A_637 = arith.constant 1 : i32
      %dma_start3A_638 = arith.constant 0 : i32
      %dma_start3A_639 = tpu.memref_slice %arg13[%dma_start3A_637, %dma_start3A_638] : memref<2x96xi32, #tpu.memory_space<vmem>> -> memref<1x96xi32, #tpu.memory_space<vmem>>
      %dma_start3A_640 = tpu.memref_squeeze %dma_start3A_639 : memref<1x96xi32, #tpu.memory_space<vmem>> -> memref<96xi32, #tpu.memory_space<vmem>>
      %dma_start3A_641 = arith.constant 0 : i32
      %dma_start3A_642 = arith.constant 0 : i32
      %dma_start3A_643 = tpu.memref_slice %arg5[%dma_start3A_641, %dma_start3A_642] : memref<10112x128xf32, #tpu.memory_space<vmem_shared>> -> memref<10112x128xf32, #tpu.memory_space<vmem_shared>>
      tpu.enqueue_indirect_dma source(%arg6 : memref<96x128xf32, #tpu.memory_space<vmem>>) target(%dma_start3A_643 : memref<10112x128xf32, #tpu.memory_space<vmem_shared>>) offsets(%dma_start3A_640 : memref<96xi32, #tpu.memory_space<vmem>>) semaphore(%arg18 : memref<!tpu.dma_semaphore, #tpu.memory_space<semaphore_mem>>) {add = true}
      %dma_wait3A_644 = arith.constant 1 : i32
      %dma_wait3A_645 = arith.constant 0 : i32
      %dma_wait3A_646 = tpu.memref_slice %arg10[%dma_wait3A_644, %dma_wait3A_645] : memref<2x96xi32, #tpu.memory_space<vmem>> -> memref<1x96xi32, #tpu.memory_space<vmem>>
      %dma_wait3A_647 = tpu.memref_squeeze %dma_wait3A_646 : memref<1x96xi32, #tpu.memory_space<vmem>> -> memref<96xi32, #tpu.memory_space<vmem>>
      %dma_wait3A_648 = arith.constant 0 : i32
      %dma_wait3A_649 = arith.constant 0 : i32
      %dma_wait3A_650 = tpu.memref_slice %arg5[%dma_wait3A_648, %dma_wait3A_649] : memref<10112x128xf32, #tpu.memory_space<vmem_shared>> -> memref<10112x128xf32, #tpu.memory_space<vmem_shared>>
      tpu.wait_indirect_dma semaphore(%arg21 : memref<!tpu.dma_semaphore, #tpu.memory_space<semaphore_mem>>) src(%arg6 : memref<96x128xf32, #tpu.memory_space<vmem>>) dst(%dma_wait3A_650 : memref<10112x128xf32, #tpu.memory_space<vmem_shared>>)
      %add3A_651 = arith.constant 3 : i32
      %add3A_652 = arith.addi %add3A_629, %add3A_651 : i32
      %add3A_653 = arith.addi %mul3A_3, %add3A_652 : i32
      %dma_start3A_654 = arith.constant 0 : i32
      %dma_start3A_655 = arith.constant 0 : i32
      %dma_start3A_656 = tpu.memref_slice %arg3[%add3A_653, %dma_start3A_654, %dma_start3A_655] : memref<3456x2x96xi32, #tpu.memory_space<hbm>> -> memref<1x2x96xi32, #tpu.memory_space<hbm>>
      %dma_start3A_657 = tpu.memref_squeeze %dma_start3A_656 : memref<1x2x96xi32, #tpu.memory_space<hbm>> -> memref<2x96xi32, #tpu.memory_space<hbm>>
      %dma_start3A_658 = arith.constant 0 : i32
      %dma_start3A_659 = arith.constant 0 : i32
      %dma_start3A_660 = tpu.memref_slice %arg3[%add3A_653, %dma_start3A_658, %dma_start3A_659] : memref<3456x2x96xi32, #tpu.memory_space<hbm>> -> memref<1x2x96xi32, #tpu.memory_space<hbm>>
      %dma_start3A_661 = tpu.memref_squeeze %dma_start3A_660 : memref<1x2x96xi32, #tpu.memory_space<hbm>> -> memref<2x96xi32, #tpu.memory_space<hbm>>
      tpu.enqueue_dma source(%dma_start3A_661 : memref<2x96xi32, #tpu.memory_space<hbm>>) target(%arg12 : memref<2x96xi32, #tpu.memory_space<vmem>>) target_semaphore(%arg24 : memref<!tpu.dma_semaphore, #tpu.memory_space<semaphore_mem>>)
      %dma_wait3A_662 = arith.constant 0 : i32
      %dma_wait3A_663 = arith.constant 0 : i32
      %dma_wait3A_664 = tpu.memref_slice %arg3[%mul3A_3, %dma_wait3A_662, %dma_wait3A_663] : memref<3456x2x96xi32, #tpu.memory_space<hbm>> -> memref<1x2x96xi32, #tpu.memory_space<hbm>>
      %dma_wait3A_665 = tpu.memref_squeeze %dma_wait3A_664 : memref<1x2x96xi32, #tpu.memory_space<hbm>> -> memref<2x96xi32, #tpu.memory_space<hbm>>
      %dma_wait3A_666 = arith.constant 0 : i32
      %dma_wait3A_667 = arith.constant 0 : i32
      %dma_wait3A_668 = tpu.memref_slice %arg3[%mul3A_3, %dma_wait3A_666, %dma_wait3A_667] : memref<3456x2x96xi32, #tpu.memory_space<hbm>> -> memref<1x2x96xi32, #tpu.memory_space<hbm>>
      %dma_wait3A_669 = tpu.memref_squeeze %dma_wait3A_668 : memref<1x2x96xi32, #tpu.memory_space<hbm>> -> memref<2x96xi32, #tpu.memory_space<hbm>>
      tpu.wait_dma2 semaphore(%arg23 : memref<!tpu.dma_semaphore, #tpu.memory_space<semaphore_mem>>) src(%dma_wait3A_669 : memref<2x96xi32, #tpu.memory_space<hbm>>) dst(%arg11 : memref<2x96xi32, #tpu.memory_space<vmem>>)
      %dma_start3A_670 = arith.constant 0 : i32
      %dma_start3A_671 = arith.constant 0 : i32
      %dma_start3A_672 = tpu.memref_slice %arg11[%dma_start3A_670, %dma_start3A_671] : memref<2x96xi32, #tpu.memory_space<vmem>> -> memref<1x96xi32, #tpu.memory_space<vmem>>
      %dma_start3A_673 = tpu.memref_squeeze %dma_start3A_672 : memref<1x96xi32, #tpu.memory_space<vmem>> -> memref<96xi32, #tpu.memory_space<vmem>>
      %dma_start3A_674 = arith.constant 0 : i32
      %dma_start3A_675 = arith.constant 0 : i32
      %dma_start3A_676 = tpu.memref_slice %arg2[%dma_start3A_674, %dma_start3A_675] : memref<10112x128xf32, #tpu.memory_space<hbm>> -> memref<10112x128xf32, #tpu.memory_space<hbm>>
      tpu.enqueue_indirect_dma source(%dma_start3A_676 : memref<10112x128xf32, #tpu.memory_space<hbm>>) target(%arg8 : memref<96x128xf32, #tpu.memory_space<vmem>>) offsets(%dma_start3A_673 : memref<96xi32, #tpu.memory_space<vmem>>) semaphore(%arg16 : memref<!tpu.dma_semaphore, #tpu.memory_space<semaphore_mem>>)
      %scan3A_677 = arith.constant 0 : i32
      scf.yield %scan3A_677 : i32
    }
    %scan3A_335 = arith.constant 25 : i32
    %dma_wait3A_336 = arith.constant 0 : i32
    %dma_wait3A_337 = arith.constant 0 : i32
    %dma_wait3A_338 = tpu.memref_slice %arg10[%dma_wait3A_336, %dma_wait3A_337] : memref<2x96xi32, #tpu.memory_space<vmem>> -> memref<1x96xi32, #tpu.memory_space<vmem>>
    %dma_wait3A_339 = tpu.memref_squeeze %dma_wait3A_338 : memref<1x96xi32, #tpu.memory_space<vmem>> -> memref<96xi32, #tpu.memory_space<vmem>>
    %dma_wait3A_340 = arith.constant 0 : i32
    %dma_wait3A_341 = arith.constant 0 : i32
    %dma_wait3A_342 = tpu.memref_slice %arg2[%dma_wait3A_340, %dma_wait3A_341] : memref<10112x128xf32, #tpu.memory_space<hbm>> -> memref<10112x128xf32, #tpu.memory_space<hbm>>
    tpu.wait_indirect_dma semaphore(%arg15 : memref<!tpu.dma_semaphore, #tpu.memory_space<semaphore_mem>>) src(%dma_wait3A_342 : memref<10112x128xf32, #tpu.memory_space<hbm>>) dst(%arg7 : memref<96x128xf32, #tpu.memory_space<vmem>>)
    %dma_start3A_343 = arith.constant 1 : i32
    %dma_start3A_344 = arith.constant 0 : i32
    %dma_start3A_345 = tpu.memref_slice %arg10[%dma_start3A_343, %dma_start3A_344] : memref<2x96xi32, #tpu.memory_space<vmem>> -> memref<1x96xi32, #tpu.memory_space<vmem>>
    %dma_start3A_346 = tpu.memref_squeeze %dma_start3A_345 : memref<1x96xi32, #tpu.memory_space<vmem>> -> memref<96xi32, #tpu.memory_space<vmem>>
    %dma_start3A_347 = arith.constant 0 : i32
    %dma_start3A_348 = arith.constant 0 : i32
    %dma_start3A_349 = tpu.memref_slice %arg5[%dma_start3A_347, %dma_start3A_348] : memref<10112x128xf32, #tpu.memory_space<vmem_shared>> -> memref<10112x128xf32, #tpu.memory_space<vmem_shared>>
    tpu.enqueue_indirect_dma source(%arg7 : memref<96x128xf32, #tpu.memory_space<vmem>>) target(%dma_start3A_349 : memref<10112x128xf32, #tpu.memory_space<vmem_shared>>) offsets(%dma_start3A_346 : memref<96xi32, #tpu.memory_space<vmem>>) semaphore(%arg19 : memref<!tpu.dma_semaphore, #tpu.memory_space<semaphore_mem>>) {add = true}
    %dma_wait3A_350 = arith.constant 1 : i32
    %dma_wait3A_351 = arith.constant 0 : i32
    %dma_wait3A_352 = tpu.memref_slice %arg10[%dma_wait3A_350, %dma_wait3A_351] : memref<2x96xi32, #tpu.memory_space<vmem>> -> memref<1x96xi32, #tpu.memory_space<vmem>>
    %dma_wait3A_353 = tpu.memref_squeeze %dma_wait3A_352 : memref<1x96xi32, #tpu.memory_space<vmem>> -> memref<96xi32, #tpu.memory_space<vmem>>
    %dma_wait3A_354 = arith.constant 0 : i32
    %dma_wait3A_355 = arith.constant 0 : i32
    %dma_wait3A_356 = tpu.memref_slice %arg5[%dma_wait3A_354, %dma_wait3A_355] : memref<10112x128xf32, #tpu.memory_space<vmem_shared>> -> memref<10112x128xf32, #tpu.memory_space<vmem_shared>>
    tpu.wait_indirect_dma semaphore(%arg18 : memref<!tpu.dma_semaphore, #tpu.memory_space<semaphore_mem>>) src(%arg6 : memref<96x128xf32, #tpu.memory_space<vmem>>) dst(%dma_wait3A_356 : memref<10112x128xf32, #tpu.memory_space<vmem_shared>>)
    %add3A_357 = arith.constant 107 : i32
    %add3A_358 = arith.addi %mul3A_3, %add3A_357 : i32
    %dma_start3A_359 = arith.constant 0 : i32
    %dma_start3A_360 = arith.constant 0 : i32
    %dma_start3A_361 = tpu.memref_slice %arg3[%add3A_358, %dma_start3A_359, %dma_start3A_360] : memref<3456x2x96xi32, #tpu.memory_space<hbm>> -> memref<1x2x96xi32, #tpu.memory_space<hbm>>
    %dma_start3A_362 = tpu.memref_squeeze %dma_start3A_361 : memref<1x2x96xi32, #tpu.memory_space<hbm>> -> memref<2x96xi32, #tpu.memory_space<hbm>>
    %dma_start3A_363 = arith.constant 0 : i32
    %dma_start3A_364 = arith.constant 0 : i32
    %dma_start3A_365 = tpu.memref_slice %arg3[%add3A_358, %dma_start3A_363, %dma_start3A_364] : memref<3456x2x96xi32, #tpu.memory_space<hbm>> -> memref<1x2x96xi32, #tpu.memory_space<hbm>>
    %dma_start3A_366 = tpu.memref_squeeze %dma_start3A_365 : memref<1x2x96xi32, #tpu.memory_space<hbm>> -> memref<2x96xi32, #tpu.memory_space<hbm>>
    tpu.enqueue_dma source(%dma_start3A_366 : memref<2x96xi32, #tpu.memory_space<hbm>>) target(%arg13 : memref<2x96xi32, #tpu.memory_space<vmem>>) target_semaphore(%arg25 : memref<!tpu.dma_semaphore, #tpu.memory_space<semaphore_mem>>)
    %dma_wait3A_367 = arith.constant 0 : i32
    %dma_wait3A_368 = arith.constant 0 : i32
    %dma_wait3A_369 = tpu.memref_slice %arg3[%mul3A_3, %dma_wait3A_367, %dma_wait3A_368] : memref<3456x2x96xi32, #tpu.memory_space<hbm>> -> memref<1x2x96xi32, #tpu.memory_space<hbm>>
    %dma_wait3A_370 = tpu.memref_squeeze %dma_wait3A_369 : memref<1x2x96xi32, #tpu.memory_space<hbm>> -> memref<2x96xi32, #tpu.memory_space<hbm>>
    %dma_wait3A_371 = arith.constant 0 : i32
    %dma_wait3A_372 = arith.constant 0 : i32
    %dma_wait3A_373 = tpu.memref_slice %arg3[%mul3A_3, %dma_wait3A_371, %dma_wait3A_372] : memref<3456x2x96xi32, #tpu.memory_space<hbm>> -> memref<1x2x96xi32, #tpu.memory_space<hbm>>
    %dma_wait3A_374 = tpu.memref_squeeze %dma_wait3A_373 : memref<1x2x96xi32, #tpu.memory_space<hbm>> -> memref<2x96xi32, #tpu.memory_space<hbm>>
    tpu.wait_dma2 semaphore(%arg24 : memref<!tpu.dma_semaphore, #tpu.memory_space<semaphore_mem>>) src(%dma_wait3A_374 : memref<2x96xi32, #tpu.memory_space<hbm>>) dst(%arg12 : memref<2x96xi32, #tpu.memory_space<vmem>>)
    %dma_start3A_375 = arith.constant 0 : i32
    %dma_start3A_376 = arith.constant 0 : i32
    %dma_start3A_377 = tpu.memref_slice %arg12[%dma_start3A_375, %dma_start3A_376] : memref<2x96xi32, #tpu.memory_space<vmem>> -> memref<1x96xi32, #tpu.memory_space<vmem>>
    %dma_start3A_378 = tpu.memref_squeeze %dma_start3A_377 : memref<1x96xi32, #tpu.memory_space<vmem>> -> memref<96xi32, #tpu.memory_space<vmem>>
    %dma_start3A_379 = arith.constant 0 : i32
    %dma_start3A_380 = arith.constant 0 : i32
    %dma_start3A_381 = tpu.memref_slice %arg2[%dma_start3A_379, %dma_start3A_380] : memref<10112x128xf32, #tpu.memory_space<hbm>> -> memref<10112x128xf32, #tpu.memory_space<hbm>>
    tpu.enqueue_indirect_dma source(%dma_start3A_381 : memref<10112x128xf32, #tpu.memory_space<hbm>>) target(%arg9 : memref<96x128xf32, #tpu.memory_space<vmem>>) offsets(%dma_start3A_378 : memref<96xi32, #tpu.memory_space<vmem>>) semaphore(%arg17 : memref<!tpu.dma_semaphore, #tpu.memory_space<semaphore_mem>>)
    %dma_wait3A_382 = arith.constant 0 : i32
    %dma_wait3A_383 = arith.constant 0 : i32
    %dma_wait3A_384 = tpu.memref_slice %arg10[%dma_wait3A_382, %dma_wait3A_383] : memref<2x96xi32, #tpu.memory_space<vmem>> -> memref<1x96xi32, #tpu.memory_space<vmem>>
    %dma_wait3A_385 = tpu.memref_squeeze %dma_wait3A_384 : memref<1x96xi32, #tpu.memory_space<vmem>> -> memref<96xi32, #tpu.memory_space<vmem>>
    %dma_wait3A_386 = arith.constant 0 : i32
    %dma_wait3A_387 = arith.constant 0 : i32
    %dma_wait3A_388 = tpu.memref_slice %arg2[%dma_wait3A_386, %dma_wait3A_387] : memref<10112x128xf32, #tpu.memory_space<hbm>> -> memref<10112x128xf32, #tpu.memory_space<hbm>>
    tpu.wait_indirect_dma semaphore(%arg16 : memref<!tpu.dma_semaphore, #tpu.memory_space<semaphore_mem>>) src(%dma_wait3A_388 : memref<10112x128xf32, #tpu.memory_space<hbm>>) dst(%arg8 : memref<96x128xf32, #tpu.memory_space<vmem>>)
    %dma_start3A_389 = arith.constant 1 : i32
    %dma_start3A_390 = arith.constant 0 : i32
    %dma_start3A_391 = tpu.memref_slice %arg11[%dma_start3A_389, %dma_start3A_390] : memref<2x96xi32, #tpu.memory_space<vmem>> -> memref<1x96xi32, #tpu.memory_space<vmem>>
    %dma_start3A_392 = tpu.memref_squeeze %dma_start3A_391 : memref<1x96xi32, #tpu.memory_space<vmem>> -> memref<96xi32, #tpu.memory_space<vmem>>
    %dma_start3A_393 = arith.constant 0 : i32
    %dma_start3A_394 = arith.constant 0 : i32
    %dma_start3A_395 = tpu.memref_slice %arg5[%dma_start3A_393, %dma_start3A_394] : memref<10112x128xf32, #tpu.memory_space<vmem_shared>> -> memref<10112x128xf32, #tpu.memory_space<vmem_shared>>
    tpu.enqueue_indirect_dma source(%arg8 : memref<96x128xf32, #tpu.memory_space<vmem>>) target(%dma_start3A_395 : memref<10112x128xf32, #tpu.memory_space<vmem_shared>>) offsets(%dma_start3A_392 : memref<96xi32, #tpu.memory_space<vmem>>) semaphore(%arg20 : memref<!tpu.dma_semaphore, #tpu.memory_space<semaphore_mem>>) {add = true}
    %dma_wait3A_396 = arith.constant 1 : i32
    %dma_wait3A_397 = arith.constant 0 : i32
    %dma_wait3A_398 = tpu.memref_slice %arg10[%dma_wait3A_396, %dma_wait3A_397] : memref<2x96xi32, #tpu.memory_space<vmem>> -> memref<1x96xi32, #tpu.memory_space<vmem>>
    %dma_wait3A_399 = tpu.memref_squeeze %dma_wait3A_398 : memref<1x96xi32, #tpu.memory_space<vmem>> -> memref<96xi32, #tpu.memory_space<vmem>>
    %dma_wait3A_400 = arith.constant 0 : i32
    %dma_wait3A_401 = arith.constant 0 : i32
    %dma_wait3A_402 = tpu.memref_slice %arg5[%dma_wait3A_400, %dma_wait3A_401] : memref<10112x128xf32, #tpu.memory_space<vmem_shared>> -> memref<10112x128xf32, #tpu.memory_space<vmem_shared>>
    tpu.wait_indirect_dma semaphore(%arg19 : memref<!tpu.dma_semaphore, #tpu.memory_space<semaphore_mem>>) src(%arg6 : memref<96x128xf32, #tpu.memory_space<vmem>>) dst(%dma_wait3A_402 : memref<10112x128xf32, #tpu.memory_space<vmem_shared>>)
    %dma_wait3A_403 = arith.constant 0 : i32
    %dma_wait3A_404 = arith.constant 0 : i32
    %dma_wait3A_405 = tpu.memref_slice %arg3[%mul3A_3, %dma_wait3A_403, %dma_wait3A_404] : memref<3456x2x96xi32, #tpu.memory_space<hbm>> -> memref<1x2x96xi32, #tpu.memory_space<hbm>>
    %dma_wait3A_406 = tpu.memref_squeeze %dma_wait3A_405 : memref<1x2x96xi32, #tpu.memory_space<hbm>> -> memref<2x96xi32, #tpu.memory_space<hbm>>
    %dma_wait3A_407 = arith.constant 0 : i32
    %dma_wait3A_408 = arith.constant 0 : i32
    %dma_wait3A_409 = tpu.memref_slice %arg3[%mul3A_3, %dma_wait3A_407, %dma_wait3A_408] : memref<3456x2x96xi32, #tpu.memory_space<hbm>> -> memref<1x2x96xi32, #tpu.memory_space<hbm>>
    %dma_wait3A_410 = tpu.memref_squeeze %dma_wait3A_409 : memref<1x2x96xi32, #tpu.memory_space<hbm>> -> memref<2x96xi32, #tpu.memory_space<hbm>>
    tpu.wait_dma2 semaphore(%arg25 : memref<!tpu.dma_semaphore, #tpu.memory_space<semaphore_mem>>) src(%dma_wait3A_410 : memref<2x96xi32, #tpu.memory_space<hbm>>) dst(%arg13 : memref<2x96xi32, #tpu.memory_space<vmem>>)
    %dma_start3A_411 = arith.constant 0 : i32
    %dma_start3A_412 = arith.constant 0 : i32
    %dma_start3A_413 = tpu.memref_slice %arg13[%dma_start3A_411, %dma_start3A_412] : memref<2x96xi32, #tpu.memory_space<vmem>> -> memref<1x96xi32, #tpu.memory_space<vmem>>
    %dma_start3A_414 = tpu.memref_squeeze %dma_start3A_413 : memref<1x96xi32, #tpu.memory_space<vmem>> -> memref<96xi32, #tpu.memory_space<vmem>>
    %dma_start3A_415 = arith.constant 0 : i32
    %dma_start3A_416 = arith.constant 0 : i32
    %dma_start3A_417 = tpu.memref_slice %arg2[%dma_start3A_415, %dma_start3A_416] : memref<10112x128xf32, #tpu.memory_space<hbm>> -> memref<10112x128xf32, #tpu.memory_space<hbm>>
    tpu.enqueue_indirect_dma source(%dma_start3A_417 : memref<10112x128xf32, #tpu.memory_space<hbm>>) target(%arg6 : memref<96x128xf32, #tpu.memory_space<vmem>>) offsets(%dma_start3A_414 : memref<96xi32, #tpu.memory_space<vmem>>) semaphore(%arg14 : memref<!tpu.dma_semaphore, #tpu.memory_space<semaphore_mem>>)
    %dma_wait3A_418 = arith.constant 0 : i32
    %dma_wait3A_419 = arith.constant 0 : i32
    %dma_wait3A_420 = tpu.memref_slice %arg10[%dma_wait3A_418, %dma_wait3A_419] : memref<2x96xi32, #tpu.memory_space<vmem>> -> memref<1x96xi32, #tpu.memory_space<vmem>>
    %dma_wait3A_421 = tpu.memref_squeeze %dma_wait3A_420 : memref<1x96xi32, #tpu.memory_space<vmem>> -> memref<96xi32, #tpu.memory_space<vmem>>
    %dma_wait3A_422 = arith.constant 0 : i32
    %dma_wait3A_423 = arith.constant 0 : i32
    %dma_wait3A_424 = tpu.memref_slice %arg2[%dma_wait3A_422, %dma_wait3A_423] : memref<10112x128xf32, #tpu.memory_space<hbm>> -> memref<10112x128xf32, #tpu.memory_space<hbm>>
    tpu.wait_indirect_dma semaphore(%arg17 : memref<!tpu.dma_semaphore, #tpu.memory_space<semaphore_mem>>) src(%dma_wait3A_424 : memref<10112x128xf32, #tpu.memory_space<hbm>>) dst(%arg9 : memref<96x128xf32, #tpu.memory_space<vmem>>)
    %dma_start3A_425 = arith.constant 1 : i32
    %dma_start3A_426 = arith.constant 0 : i32
    %dma_start3A_427 = tpu.memref_slice %arg12[%dma_start3A_425, %dma_start3A_426] : memref<2x96xi32, #tpu.memory_space<vmem>> -> memref<1x96xi32, #tpu.memory_space<vmem>>
    %dma_start3A_428 = tpu.memref_squeeze %dma_start3A_427 : memref<1x96xi32, #tpu.memory_space<vmem>> -> memref<96xi32, #tpu.memory_space<vmem>>
    %dma_start3A_429 = arith.constant 0 : i32
    %dma_start3A_430 = arith.constant 0 : i32
    %dma_start3A_431 = tpu.memref_slice %arg5[%dma_start3A_429, %dma_start3A_430] : memref<10112x128xf32, #tpu.memory_space<vmem_shared>> -> memref<10112x128xf32, #tpu.memory_space<vmem_shared>>
    tpu.enqueue_indirect_dma source(%arg9 : memref<96x128xf32, #tpu.memory_space<vmem>>) target(%dma_start3A_431 : memref<10112x128xf32, #tpu.memory_space<vmem_shared>>) offsets(%dma_start3A_428 : memref<96xi32, #tpu.memory_space<vmem>>) semaphore(%arg21 : memref<!tpu.dma_semaphore, #tpu.memory_space<semaphore_mem>>) {add = true}
    %dma_wait3A_432 = arith.constant 1 : i32
    %dma_wait3A_433 = arith.constant 0 : i32
    %dma_wait3A_434 = tpu.memref_slice %arg10[%dma_wait3A_432, %dma_wait3A_433] : memref<2x96xi32, #tpu.memory_space<vmem>> -> memref<1x96xi32, #tpu.memory_space<vmem>>
    %dma_wait3A_435 = tpu.memref_squeeze %dma_wait3A_434 : memref<1x96xi32, #tpu.memory_space<vmem>> -> memref<96xi32, #tpu.memory_space<vmem>>
    %dma_wait3A_436 = arith.constant 0 : i32
    %dma_wait3A_437 = arith.constant 0 : i32
    %dma_wait3A_438 = tpu.memref_slice %arg5[%dma_wait3A_436, %dma_wait3A_437] : memref<10112x128xf32, #tpu.memory_space<vmem_shared>> -> memref<10112x128xf32, #tpu.memory_space<vmem_shared>>
    tpu.wait_indirect_dma semaphore(%arg20 : memref<!tpu.dma_semaphore, #tpu.memory_space<semaphore_mem>>) src(%arg6 : memref<96x128xf32, #tpu.memory_space<vmem>>) dst(%dma_wait3A_438 : memref<10112x128xf32, #tpu.memory_space<vmem_shared>>)
    %dma_wait3A_439 = arith.constant 0 : i32
    %dma_wait3A_440 = arith.constant 0 : i32
    %dma_wait3A_441 = tpu.memref_slice %arg10[%dma_wait3A_439, %dma_wait3A_440] : memref<2x96xi32, #tpu.memory_space<vmem>> -> memref<1x96xi32, #tpu.memory_space<vmem>>
    %dma_wait3A_442 = tpu.memref_squeeze %dma_wait3A_441 : memref<1x96xi32, #tpu.memory_space<vmem>> -> memref<96xi32, #tpu.memory_space<vmem>>
    %dma_wait3A_443 = arith.constant 0 : i32
    %dma_wait3A_444 = arith.constant 0 : i32
    %dma_wait3A_445 = tpu.memref_slice %arg2[%dma_wait3A_443, %dma_wait3A_444] : memref<10112x128xf32, #tpu.memory_space<hbm>> -> memref<10112x128xf32, #tpu.memory_space<hbm>>
    tpu.wait_indirect_dma semaphore(%arg14 : memref<!tpu.dma_semaphore, #tpu.memory_space<semaphore_mem>>) src(%dma_wait3A_445 : memref<10112x128xf32, #tpu.memory_space<hbm>>) dst(%arg6 : memref<96x128xf32, #tpu.memory_space<vmem>>)
    %dma_start3A_446 = arith.constant 1 : i32
    %dma_start3A_447 = arith.constant 0 : i32
    %dma_start3A_448 = tpu.memref_slice %arg13[%dma_start3A_446, %dma_start3A_447] : memref<2x96xi32, #tpu.memory_space<vmem>> -> memref<1x96xi32, #tpu.memory_space<vmem>>
    %dma_start3A_449 = tpu.memref_squeeze %dma_start3A_448 : memref<1x96xi32, #tpu.memory_space<vmem>> -> memref<96xi32, #tpu.memory_space<vmem>>
    %dma_start3A_450 = arith.constant 0 : i32
    %dma_start3A_451 = arith.constant 0 : i32
    %dma_start3A_452 = tpu.memref_slice %arg5[%dma_start3A_450, %dma_start3A_451] : memref<10112x128xf32, #tpu.memory_space<vmem_shared>> -> memref<10112x128xf32, #tpu.memory_space<vmem_shared>>
    tpu.enqueue_indirect_dma source(%arg6 : memref<96x128xf32, #tpu.memory_space<vmem>>) target(%dma_start3A_452 : memref<10112x128xf32, #tpu.memory_space<vmem_shared>>) offsets(%dma_start3A_449 : memref<96xi32, #tpu.memory_space<vmem>>) semaphore(%arg18 : memref<!tpu.dma_semaphore, #tpu.memory_space<semaphore_mem>>) {add = true}
    %dma_wait3A_453 = arith.constant 1 : i32
    %dma_wait3A_454 = arith.constant 0 : i32
    %dma_wait3A_455 = tpu.memref_slice %arg10[%dma_wait3A_453, %dma_wait3A_454] : memref<2x96xi32, #tpu.memory_space<vmem>> -> memref<1x96xi32, #tpu.memory_space<vmem>>
    %dma_wait3A_456 = tpu.memref_squeeze %dma_wait3A_455 : memref<1x96xi32, #tpu.memory_space<vmem>> -> memref<96xi32, #tpu.memory_space<vmem>>
    %dma_wait3A_457 = arith.constant 0 : i32
    %dma_wait3A_458 = arith.constant 0 : i32
    %dma_wait3A_459 = tpu.memref_slice %arg5[%dma_wait3A_457, %dma_wait3A_458] : memref<10112x128xf32, #tpu.memory_space<vmem_shared>> -> memref<10112x128xf32, #tpu.memory_space<vmem_shared>>
    tpu.wait_indirect_dma semaphore(%arg21 : memref<!tpu.dma_semaphore, #tpu.memory_space<semaphore_mem>>) src(%arg6 : memref<96x128xf32, #tpu.memory_space<vmem>>) dst(%dma_wait3A_459 : memref<10112x128xf32, #tpu.memory_space<vmem_shared>>)
    %dma_wait3A_460 = arith.constant 1 : i32
    %dma_wait3A_461 = arith.constant 0 : i32
    %dma_wait3A_462 = tpu.memref_slice %arg10[%dma_wait3A_460, %dma_wait3A_461] : memref<2x96xi32, #tpu.memory_space<vmem>> -> memref<1x96xi32, #tpu.memory_space<vmem>>
    %dma_wait3A_463 = tpu.memref_squeeze %dma_wait3A_462 : memref<1x96xi32, #tpu.memory_space<vmem>> -> memref<96xi32, #tpu.memory_space<vmem>>
    %dma_wait3A_464 = arith.constant 0 : i32
    %dma_wait3A_465 = arith.constant 0 : i32
    %dma_wait3A_466 = tpu.memref_slice %arg5[%dma_wait3A_464, %dma_wait3A_465] : memref<10112x128xf32, #tpu.memory_space<vmem_shared>> -> memref<10112x128xf32, #tpu.memory_space<vmem_shared>>
    tpu.wait_indirect_dma semaphore(%arg18 : memref<!tpu.dma_semaphore, #tpu.memory_space<semaphore_mem>>) src(%arg6 : memref<96x128xf32, #tpu.memory_space<vmem>>) dst(%dma_wait3A_466 : memref<10112x128xf32, #tpu.memory_space<vmem_shared>>)
    %barrier3A_467 = arith.constant 0 : index
    tpu.barrier barrier_id(%barrier3A_467)
    %mul3A_468 = arith.constant 10112 : i32
    %mul3A_469 = arith.muli %arg0, %mul3A_468 : i32
    %add3A_470 = arith.addi %mul3A_469, %mul3A_40 : i32
    "tpu.region"() ({
      %run_scoped3A = tpu.sem_alloc : memref<!tpu.dma_semaphore, #tpu.memory_space<semaphore_mem>>
      %dma_start3A_471 = arith.constant 0 : i32
      %dma_start3A_472 = tpu.memref_slice %arg4[%add3A_470, %dma_start3A_471] : memref<20224x128xf32, #tpu.memory_space<hbm>> -> memref<632x128xf32, #tpu.memory_space<hbm>>
      %dma_start3A_473 = arith.constant 0 : i32
      %dma_start3A_474 = tpu.memref_slice %arg5[%mul3A_40, %dma_start3A_473] : memref<10112x128xf32, #tpu.memory_space<vmem_shared>> -> memref<632x128xf32, #tpu.memory_space<vmem_shared>>
      tpu.enqueue_dma source(%dma_start3A_474 : memref<632x128xf32, #tpu.memory_space<vmem_shared>>) target(%dma_start3A_472 : memref<632x128xf32, #tpu.memory_space<hbm>>) target_semaphore(%run_scoped3A : memref<!tpu.dma_semaphore, #tpu.memory_space<semaphore_mem>>)
      %dma_wait3A_475 = arith.constant 0 : i32
      %dma_wait3A_476 = tpu.memref_slice %arg4[%add3A_470, %dma_wait3A_475] : memref<20224x128xf32, #tpu.memory_space<hbm>> -> memref<632x128xf32, #tpu.memory_space<hbm>>
      %dma_wait3A_477 = arith.constant 0 : i32
      %dma_wait3A_478 = tpu.memref_slice %arg5[%mul3A_40, %dma_wait3A_477] : memref<10112x128xf32, #tpu.memory_space<vmem_shared>> -> memref<632x128xf32, #tpu.memory_space<vmem_shared>>
      tpu.wait_dma2 semaphore(%run_scoped3A : memref<!tpu.dma_semaphore, #tpu.memory_space<semaphore_mem>>) src(%dma_wait3A_478 : memref<632x128xf32, #tpu.memory_space<vmem_shared>>) dst(%dma_wait3A_476 : memref<632x128xf32, #tpu.memory_space<hbm>>)
      tpu.yield
    }) : () -> ()
    return
  }
}

module attributes {stable_mosaic.version = 14 : i64} {
  func.func @body(%arg0: i32, %arg1: memref<1264x128xf32, #tpu.memory_space<vmem>>, %arg2: memref<128x128xf32, #tpu.memory_space<vmem>>, %arg3: memref<1x128xf32, #tpu.memory_space<vmem>>, %arg4: memref<2x1264x1xf32, #tpu.memory_space<vmem>>, %arg5: memref<1264x128xf32, #tpu.memory_space<vmem>>, %arg6: memref<1264x128xf32, #tpu.memory_space<vmem>>, %arg7: memref<1264x1xf32, #tpu.memory_space<vmem>>) attributes {dimension_semantics = [#tpu.dimension_semantics<arbitrary>], iteration_bounds = array<i64: 8>, scalar_prefetch = 0 : i64, scratch_operands = 0 : i64, tpu.core_type = #tpu.core_type<tc>, window_params = [{transform_indices = @transform_0, window_bounds = array<i64: 1264, 128>}, {pipeline_mode = #tpu.pipeline_mode<synchronous>, transform_indices = @transform_1, window_bounds = array<i64: 128, 128>}, {pipeline_mode = #tpu.pipeline_mode<synchronous>, transform_indices = @transform_2, window_bounds = array<i64: 1, 128>}, {transform_indices = @transform_3, window_bounds = array<i64: 2, 1264, 1>}, {transform_indices = @transform_4, window_bounds = array<i64: 1264, 128>}, {transform_indices = @transform_5, window_bounds = array<i64: 1264, 128>}, {transform_indices = @transform_6, window_bounds = array<i64: 1264, 1>}]} {
    %get3A = arith.constant 0 : index
    %get3A_0 = arith.constant 0 : index
    %get3A_1 = vector.load %arg1[%get3A, %get3A_0] : memref<1264x128xf32, #tpu.memory_space<vmem>>, vector<1264x128xf32>
    %get3A_2 = arith.constant 0 : index
    %get3A_3 = arith.constant 0 : index
    %get3A_4 = vector.load %arg2[%get3A_2, %get3A_3] : memref<128x128xf32, #tpu.memory_space<vmem>>, vector<128x128xf32>
    %dot_general3A = arith.constant dense<0.000000e+00> : vector<1264x128xf32>
    %dot_general3A_5 = tpu.matmul %get3A_1, %get3A_4, %dot_general3A {dimension_numbers = #tpu.dot_dimension_numbers<[1], [0], [0], [1], [0, 0, 1, 1], [], []>, transpose_lhs_hint = false} : vector<1264x128xf32>, vector<128x128xf32>, vector<1264x128xf32> -> vector<1264x128xf32>
    %get3A_6 = arith.constant 0 : index
    %get3A_7 = arith.constant 0 : index
    %get3A_8 = vector.load %arg3[%get3A_6, %get3A_7] : memref<1x128xf32, #tpu.memory_space<vmem>>, vector<1x128xf32>
    %add3A = vector.broadcast %get3A_8 : vector<1x128xf32> to vector<1264x128xf32>
    %add3A_9 = arith.addf %dot_general3A_5, %add3A : vector<1264x128xf32>
    %max3A = arith.constant 0.000000e+00 : f32
    %max3A_10 = vector.broadcast %max3A : f32 to vector<1264x128xf32>
    %max3A_11 = arith.maximumf %add3A_9, %max3A_10 : vector<1264x128xf32>
    %get3A_12 = arith.constant 0 : index
    %get3A_13 = arith.constant 0 : index
    %get3A_14 = arith.constant 0 : index
    %get3A_15 = vector.load %arg4[%get3A_12, %get3A_13, %get3A_14] : memref<2x1264x1xf32, #tpu.memory_space<vmem>>, vector<1x1264x1xf32>
    %get3A_16 = vector.shape_cast %get3A_15 : vector<1x1264x1xf32> to vector<1264x1xf32>
    %get3A_17 = arith.constant 1 : index
    %get3A_18 = arith.constant 0 : index
    %get3A_19 = arith.constant 0 : index
    %get3A_20 = vector.load %arg4[%get3A_17, %get3A_18, %get3A_19] : memref<2x1264x1xf32, #tpu.memory_space<vmem>>, vector<1x1264x1xf32>
    %get3A_21 = vector.shape_cast %get3A_20 : vector<1x1264x1xf32> to vector<1264x1xf32>
    %add3A_22 = arith.addf %get3A_16, %get3A_21 : vector<1264x1xf32>
    %iota3A = tpu.iota {dimensions = array<i32: 0>} : vector<1264x1xi32>
    %mul3A = arith.constant 1264 : i32
    %mul3A_23 = arith.muli %arg0, %mul3A : i32
    %add3A_24 = vector.broadcast %mul3A_23 : i32 to vector<1264x1xi32>
    %add3A_25 = arith.addi %iota3A, %add3A_24 : vector<1264x1xi32>
    %lt3A = arith.constant 10000 : i32
    %lt3A_26 = vector.broadcast %lt3A : i32 to vector<1264x1xi32>
    %lt3A_27 = arith.cmpi slt, %add3A_25, %lt3A_26 : vector<1264x1xi32>
    %jit3A = arith.constant 1.000000e+00 : f32
    %jit3A_28 = arith.constant 0.000000e+00 : f32
    %broadcast_in_dim3A = vector.broadcast %jit3A : f32 to vector<1264x1xf32>
    %broadcast_in_dim3A_29 = vector.broadcast %jit3A_28 : f32 to vector<1264x1xf32>
    %select_n3A = arith.select %lt3A_27, %broadcast_in_dim3A, %broadcast_in_dim3A_29 : vector<1264x1xi1>, vector<1264x1xf32>
    %add3A_30 = arith.addf %add3A_22, %select_n3A : vector<1264x1xf32>
    %gt3A = arith.constant 0.000000e+00 : f32
    %gt3A_31 = vector.broadcast %gt3A : f32 to vector<1264x1xf32>
    %gt3A_32 = arith.cmpf ogt, %add3A_30, %gt3A_31 : vector<1264x1xf32>
    %rsqrt3A = math.rsqrt %add3A_30 : vector<1264x1xf32>
    %jit3A_33 = arith.constant 0.000000e+00 : f32
    %broadcast_in_dim3A_34 = vector.broadcast %jit3A_33 : f32 to vector<1264x1xf32>
    %select_n3A_35 = arith.select %gt3A_32, %rsqrt3A, %broadcast_in_dim3A_34 : vector<1264x1xi1>, vector<1264x1xf32>
    %swap3A = arith.constant 0 : index
    %swap3A_36 = arith.constant 0 : index
    %swap3A_37 = vector.load %arg5[%swap3A, %swap3A_36] : memref<1264x128xf32, #tpu.memory_space<vmem>>, vector<1264x128xf32>
    tpu.vector_store %arg5[%swap3A, %swap3A_36], %max3A_11 {strides = array<i32>} : memref<1264x128xf32, #tpu.memory_space<vmem>>, vector<1264x128xf32>,
    %mul3A_38 = vector.broadcast %select_n3A_35 : vector<1264x1xf32> to vector<1264x128xf32>
    %mul3A_39 = arith.mulf %max3A_11, %mul3A_38 : vector<1264x128xf32>
    %swap3A_40 = arith.constant 0 : index
    %swap3A_41 = arith.constant 0 : index
    %swap3A_42 = vector.load %arg6[%swap3A_40, %swap3A_41] : memref<1264x128xf32, #tpu.memory_space<vmem>>, vector<1264x128xf32>
    tpu.vector_store %arg6[%swap3A_40, %swap3A_41], %mul3A_39 {strides = array<i32>} : memref<1264x128xf32, #tpu.memory_space<vmem>>, vector<1264x128xf32>,
    %swap3A_43 = arith.constant 0 : index
    %swap3A_44 = arith.constant 0 : index
    %swap3A_45 = vector.load %arg7[%swap3A_43, %swap3A_44] : memref<1264x1xf32, #tpu.memory_space<vmem>>, vector<1264x1xf32>
    tpu.vector_store %arg7[%swap3A_43, %swap3A_44], %select_n3A_35 {strides = array<i32>} : memref<1264x1xf32, #tpu.memory_space<vmem>>, vector<1264x1xf32>,
    return
  }
  func.func @transform_0(%arg0: i32) -> (i32, i32) {
    %c0_i32 = arith.constant 0 : i32
    %c0_i32_0 = arith.constant 0 : i32
    return %arg0, %c0_i32 : i32, i32
  }
  func.func @transform_1(%arg0: i32) -> (i32, i32) {
    %c0_i32 = arith.constant 0 : i32
    %c0_i32_0 = arith.constant 0 : i32
    %c0_i32_1 = arith.constant 0 : i32
    return %c0_i32, %c0_i32_0 : i32, i32
  }
  func.func @transform_2(%arg0: i32) -> (i32, i32) {
    %c0_i32 = arith.constant 0 : i32
    %c0_i32_0 = arith.constant 0 : i32
    %c0_i32_1 = arith.constant 0 : i32
    return %c0_i32, %c0_i32_0 : i32, i32
  }
  func.func @transform_3(%arg0: i32) -> (i32, i32, i32) {
    %c0_i32 = arith.constant 0 : i32
    %c0_i32_0 = arith.constant 0 : i32
    %c0_i32_1 = arith.constant 0 : i32
    return %c0_i32, %arg0, %c0_i32_0 : i32, i32, i32
  }
  func.func @transform_4(%arg0: i32) -> (i32, i32) {
    %c0_i32 = arith.constant 0 : i32
    %c0_i32_0 = arith.constant 0 : i32
    return %arg0, %c0_i32 : i32, i32
  }
  func.func @transform_5(%arg0: i32) -> (i32, i32) {
    %c0_i32 = arith.constant 0 : i32
    %c0_i32_0 = arith.constant 0 : i32
    return %arg0, %c0_i32 : i32, i32
  }
  func.func @transform_6(%arg0: i32) -> (i32, i32) {
    %c0_i32 = arith.constant 0 : i32
    %c0_i32_0 = arith.constant 0 : i32
    return %arg0, %c0_i32 : i32, i32
  }
}

module attributes {stable_mosaic.version = 14 : i64} {
  func.func @body(%arg0: i32, %arg1: memref<2x1264x128xf32, #tpu.memory_space<vmem>>, %arg2: memref<1264x128xf32, #tpu.memory_space<vmem>>, %arg3: memref<1264x128xf32, #tpu.memory_space<vmem>>, %arg4: memref<1264x1xf32, #tpu.memory_space<vmem>>, %arg5: memref<128x128xf32, #tpu.memory_space<vmem>>, %arg6: memref<1264x128xf32, #tpu.memory_space<vmem>>) attributes {dimension_semantics = [#tpu.dimension_semantics<arbitrary>], iteration_bounds = array<i64: 8>, scalar_prefetch = 0 : i64, scratch_operands = 0 : i64, tpu.core_type = #tpu.core_type<tc>, window_params = [{transform_indices = @transform_0, window_bounds = array<i64: 2, 1264, 128>}, {transform_indices = @transform_1, window_bounds = array<i64: 1264, 128>}, {transform_indices = @transform_2, window_bounds = array<i64: 1264, 128>}, {transform_indices = @transform_3, window_bounds = array<i64: 1264, 1>}, {pipeline_mode = #tpu.pipeline_mode<synchronous>, transform_indices = @transform_4, window_bounds = array<i64: 128, 128>}, {transform_indices = @transform_5, window_bounds = array<i64: 1264, 128>}]} {
    %get3A = arith.constant 0 : index
    %get3A_0 = arith.constant 0 : index
    %get3A_1 = vector.load %arg4[%get3A, %get3A_0] : memref<1264x1xf32, #tpu.memory_space<vmem>>, vector<1264x1xf32>
    %get3A_2 = arith.constant 0 : index
    %get3A_3 = arith.constant 0 : index
    %get3A_4 = arith.constant 0 : index
    %get3A_5 = vector.load %arg1[%get3A_2, %get3A_3, %get3A_4] : memref<2x1264x128xf32, #tpu.memory_space<vmem>>, vector<1x1264x128xf32>
    %get3A_6 = vector.shape_cast %get3A_5 : vector<1x1264x128xf32> to vector<1264x128xf32>
    %get3A_7 = arith.constant 1 : index
    %get3A_8 = arith.constant 0 : index
    %get3A_9 = arith.constant 0 : index
    %get3A_10 = vector.load %arg1[%get3A_7, %get3A_8, %get3A_9] : memref<2x1264x128xf32, #tpu.memory_space<vmem>>, vector<1x1264x128xf32>
    %get3A_11 = vector.shape_cast %get3A_10 : vector<1x1264x128xf32> to vector<1264x128xf32>
    %add3A = arith.addf %get3A_6, %get3A_11 : vector<1264x128xf32>
    %get3A_12 = arith.constant 0 : index
    %get3A_13 = arith.constant 0 : index
    %get3A_14 = vector.load %arg2[%get3A_12, %get3A_13] : memref<1264x128xf32, #tpu.memory_space<vmem>>, vector<1264x128xf32>
    %add3A_15 = arith.addf %add3A, %get3A_14 : vector<1264x128xf32>
    %mul3A = vector.broadcast %get3A_1 : vector<1264x1xf32> to vector<1264x128xf32>
    %mul3A_16 = arith.mulf %add3A_15, %mul3A : vector<1264x128xf32>
    %mul3A_17 = arith.constant 0.899999976 : f32
    %mul3A_18 = vector.broadcast %mul3A_17 : f32 to vector<1264x128xf32>
    %mul3A_19 = arith.mulf %mul3A_18, %mul3A_16 : vector<1264x128xf32>
    %get3A_20 = arith.constant 0 : index
    %get3A_21 = arith.constant 0 : index
    %get3A_22 = vector.load %arg3[%get3A_20, %get3A_21] : memref<1264x128xf32, #tpu.memory_space<vmem>>, vector<1264x128xf32>
    %mul3A_23 = arith.constant 1.000000e-01 : f32
    %mul3A_24 = vector.broadcast %mul3A_23 : f32 to vector<1264x128xf32>
    %mul3A_25 = arith.mulf %mul3A_24, %get3A_22 : vector<1264x128xf32>
    %add3A_26 = arith.addf %mul3A_19, %mul3A_25 : vector<1264x128xf32>
    %mul3A_27 = arith.constant 0.594534874 : f32
    %mul3A_28 = vector.broadcast %mul3A_27 : f32 to vector<1264x128xf32>
    %mul3A_29 = arith.mulf %mul3A_28, %add3A_26 : vector<1264x128xf32>
    %get3A_30 = arith.constant 0 : index
    %get3A_31 = arith.constant 0 : index
    %get3A_32 = vector.load %arg5[%get3A_30, %get3A_31] : memref<128x128xf32, #tpu.memory_space<vmem>>, vector<128x128xf32>
    %dot_general3A = arith.constant dense<0.000000e+00> : vector<1264x128xf32>
    %dot_general3A_33 = tpu.matmul %add3A_26, %get3A_32, %dot_general3A {dimension_numbers = #tpu.dot_dimension_numbers<[1], [0], [0], [1], [0, 0, 1, 1], [], []>, transpose_lhs_hint = false} : vector<1264x128xf32>, vector<128x128xf32>, vector<1264x128xf32> -> vector<1264x128xf32>
    %mul3A_34 = arith.constant 0.405465096 : f32
    %mul3A_35 = vector.broadcast %mul3A_34 : f32 to vector<1264x128xf32>
    %mul3A_36 = arith.mulf %mul3A_35, %dot_general3A_33 : vector<1264x128xf32>
    %add3A_37 = arith.addf %mul3A_29, %mul3A_36 : vector<1264x128xf32>
    %max3A = arith.constant 0.000000e+00 : f32
    %max3A_38 = vector.broadcast %max3A : f32 to vector<1264x128xf32>
    %max3A_39 = arith.maximumf %add3A_37, %max3A_38 : vector<1264x128xf32>
    %mul3A_40 = vector.broadcast %get3A_1 : vector<1264x1xf32> to vector<1264x128xf32>
    %mul3A_41 = arith.mulf %max3A_39, %mul3A_40 : vector<1264x128xf32>
    %swap3A = arith.constant 0 : index
    %swap3A_42 = arith.constant 0 : index
    %swap3A_43 = vector.load %arg6[%swap3A, %swap3A_42] : memref<1264x128xf32, #tpu.memory_space<vmem>>, vector<1264x128xf32>
    tpu.vector_store %arg6[%swap3A, %swap3A_42], %mul3A_41 {strides = array<i32>} : memref<1264x128xf32, #tpu.memory_space<vmem>>, vector<1264x128xf32>,
    return
  }
  func.func @transform_0(%arg0: i32) -> (i32, i32, i32) {
    %c0_i32 = arith.constant 0 : i32
    %c0_i32_0 = arith.constant 0 : i32
    %c0_i32_1 = arith.constant 0 : i32
    return %c0_i32, %arg0, %c0_i32_0 : i32, i32, i32
  }
  func.func @transform_1(%arg0: i32) -> (i32, i32) {
    %c0_i32 = arith.constant 0 : i32
    %c0_i32_0 = arith.constant 0 : i32
    return %arg0, %c0_i32 : i32, i32
  }
  func.func @transform_2(%arg0: i32) -> (i32, i32) {
    %c0_i32 = arith.constant 0 : i32
    %c0_i32_0 = arith.constant 0 : i32
    return %arg0, %c0_i32 : i32, i32
  }
  func.func @transform_3(%arg0: i32) -> (i32, i32) {
    %c0_i32 = arith.constant 0 : i32
    %c0_i32_0 = arith.constant 0 : i32
    return %arg0, %c0_i32 : i32, i32
  }
  func.func @transform_4(%arg0: i32) -> (i32, i32) {
    %c0_i32 = arith.constant 0 : i32
    %c0_i32_0 = arith.constant 0 : i32
    %c0_i32_1 = arith.constant 0 : i32
    return %c0_i32, %c0_i32_0 : i32, i32
  }
  func.func @transform_5(%arg0: i32) -> (i32, i32) {
    %c0_i32 = arith.constant 0 : i32
    %c0_i32_0 = arith.constant 0 : i32
    return %arg0, %c0_i32 : i32, i32
  }
}

module attributes {stable_mosaic.version = 14 : i64} {
  func.func @body(%arg0: i32, %arg1: memref<2x2000x128xf32, #tpu.memory_space<vmem>>, %arg2: memref<2000x128xf32, #tpu.memory_space<vmem>>, %arg3: memref<2000x128xf32, #tpu.memory_space<vmem>>, %arg4: memref<2000x1xf32, #tpu.memory_space<vmem>>, %arg5: memref<128x128xf32, #tpu.memory_space<vmem>>, %arg6: memref<128x64xf32, #tpu.memory_space<vmem>>, %arg7: memref<1x64xf32, #tpu.memory_space<vmem>>, %arg8: memref<2000x64xf32, #tpu.memory_space<vmem>>, %arg9: memref<2000x128xf32, #tpu.memory_space<vmem>>, %arg10: memref<2000x64xf32, #tpu.memory_space<vmem>>, %arg11: memref<2000x1xi32, #tpu.memory_space<vmem>>) attributes {dimension_semantics = [#tpu.dimension_semantics<arbitrary>], iteration_bounds = array<i64: 5>, scalar_prefetch = 0 : i64, scratch_operands = 0 : i64, tpu.core_type = #tpu.core_type<tc>, window_params = [{transform_indices = @transform_0, window_bounds = array<i64: 2, 2000, 128>}, {transform_indices = @transform_1, window_bounds = array<i64: 2000, 128>}, {transform_indices = @transform_2, window_bounds = array<i64: 2000, 128>}, {transform_indices = @transform_3, window_bounds = array<i64: 2000, 1>}, {pipeline_mode = #tpu.pipeline_mode<synchronous>, transform_indices = @transform_4, window_bounds = array<i64: 128, 128>}, {pipeline_mode = #tpu.pipeline_mode<synchronous>, transform_indices = @transform_5, window_bounds = array<i64: 128, 64>}, {pipeline_mode = #tpu.pipeline_mode<synchronous>, transform_indices = @transform_6, window_bounds = array<i64: 1, 64>}, {transform_indices = @transform_7, window_bounds = array<i64: 2000, 64>}, {transform_indices = @transform_8, window_bounds = array<i64: 2000, 128>}, {transform_indices = @transform_9, window_bounds = array<i64: 2000, 64>}, {transform_indices = @transform_10, window_bounds = array<i64: 2000, 1>}]} {
    %get3A = arith.constant 0 : index
    %get3A_0 = arith.constant 0 : index
    %get3A_1 = vector.load %arg4[%get3A, %get3A_0] : memref<2000x1xf32, #tpu.memory_space<vmem>>, vector<2000x1xf32>
    %get3A_2 = arith.constant 0 : index
    %get3A_3 = arith.constant 0 : index
    %get3A_4 = arith.constant 0 : index
    %get3A_5 = vector.load %arg1[%get3A_2, %get3A_3, %get3A_4] : memref<2x2000x128xf32, #tpu.memory_space<vmem>>, vector<1x2000x128xf32>
    %get3A_6 = vector.shape_cast %get3A_5 : vector<1x2000x128xf32> to vector<2000x128xf32>
    %get3A_7 = arith.constant 1 : index
    %get3A_8 = arith.constant 0 : index
    %get3A_9 = arith.constant 0 : index
    %get3A_10 = vector.load %arg1[%get3A_7, %get3A_8, %get3A_9] : memref<2x2000x128xf32, #tpu.memory_space<vmem>>, vector<1x2000x128xf32>
    %get3A_11 = vector.shape_cast %get3A_10 : vector<1x2000x128xf32> to vector<2000x128xf32>
    %add3A = arith.addf %get3A_6, %get3A_11 : vector<2000x128xf32>
    %get3A_12 = arith.constant 0 : index
    %get3A_13 = arith.constant 0 : index
    %get3A_14 = vector.load %arg2[%get3A_12, %get3A_13] : memref<2000x128xf32, #tpu.memory_space<vmem>>, vector<2000x128xf32>
    %add3A_15 = arith.addf %add3A, %get3A_14 : vector<2000x128xf32>
    %mul3A = vector.broadcast %get3A_1 : vector<2000x1xf32> to vector<2000x128xf32>
    %mul3A_16 = arith.mulf %add3A_15, %mul3A : vector<2000x128xf32>
    %mul3A_17 = arith.constant 0.899999976 : f32
    %mul3A_18 = vector.broadcast %mul3A_17 : f32 to vector<2000x128xf32>
    %mul3A_19 = arith.mulf %mul3A_18, %mul3A_16 : vector<2000x128xf32>
    %get3A_20 = arith.constant 0 : index
    %get3A_21 = arith.constant 0 : index
    %get3A_22 = vector.load %arg3[%get3A_20, %get3A_21] : memref<2000x128xf32, #tpu.memory_space<vmem>>, vector<2000x128xf32>
    %mul3A_23 = arith.constant 1.000000e-01 : f32
    %mul3A_24 = vector.broadcast %mul3A_23 : f32 to vector<2000x128xf32>
    %mul3A_25 = arith.mulf %mul3A_24, %get3A_22 : vector<2000x128xf32>
    %add3A_26 = arith.addf %mul3A_19, %mul3A_25 : vector<2000x128xf32>
    %mul3A_27 = arith.constant 0.776856422 : f32
    %mul3A_28 = vector.broadcast %mul3A_27 : f32 to vector<2000x128xf32>
    %mul3A_29 = arith.mulf %mul3A_28, %add3A_26 : vector<2000x128xf32>
    %get3A_30 = arith.constant 0 : index
    %get3A_31 = arith.constant 0 : index
    %get3A_32 = vector.load %arg5[%get3A_30, %get3A_31] : memref<128x128xf32, #tpu.memory_space<vmem>>, vector<128x128xf32>
    %dot_general3A = arith.constant dense<0.000000e+00> : vector<2000x128xf32>
    %dot_general3A_33 = tpu.matmul %add3A_26, %get3A_32, %dot_general3A {dimension_numbers = #tpu.dot_dimension_numbers<[1], [0], [0], [1], [0, 0, 1, 1], [], []>, transpose_lhs_hint = false} : vector<2000x128xf32>, vector<128x128xf32>, vector<2000x128xf32> -> vector<2000x128xf32>
    %mul3A_34 = arith.constant 0.223143548 : f32
    %mul3A_35 = vector.broadcast %mul3A_34 : f32 to vector<2000x128xf32>
    %mul3A_36 = arith.mulf %mul3A_35, %dot_general3A_33 : vector<2000x128xf32>
    %add3A_37 = arith.addf %mul3A_29, %mul3A_36 : vector<2000x128xf32>
    %max3A = arith.constant 0.000000e+00 : f32
    %max3A_38 = vector.broadcast %max3A : f32 to vector<2000x128xf32>
    %max3A_39 = arith.maximumf %add3A_37, %max3A_38 : vector<2000x128xf32>
    %get3A_40 = arith.constant 0 : index
    %get3A_41 = arith.constant 0 : index
    %get3A_42 = vector.load %arg6[%get3A_40, %get3A_41] : memref<128x64xf32, #tpu.memory_space<vmem>>, vector<128x64xf32>
    %dot_general3A_43 = arith.constant dense<0.000000e+00> : vector<2000x64xf32>
    %dot_general3A_44 = tpu.matmul %max3A_39, %get3A_42, %dot_general3A_43 {dimension_numbers = #tpu.dot_dimension_numbers<[1], [0], [0], [1], [0, 0, 1, 1], [], []>, transpose_lhs_hint = false} : vector<2000x128xf32>, vector<128x64xf32>, vector<2000x64xf32> -> vector<2000x64xf32>
    %get3A_45 = arith.constant 0 : index
    %get3A_46 = arith.constant 0 : index
    %get3A_47 = vector.load %arg7[%get3A_45, %get3A_46] : memref<1x64xf32, #tpu.memory_space<vmem>>, vector<1x64xf32>
    %add3A_48 = vector.broadcast %get3A_47 : vector<1x64xf32> to vector<2000x64xf32>
    %add3A_49 = arith.addf %dot_general3A_44, %add3A_48 : vector<2000x64xf32>
    %reduce_max3A = arith.constant dense<0xFF800000> : vector<2000xf32>
    %reduce_max3A_50 = vector.multi_reduction <maximumf>, %add3A_49, %reduce_max3A [1] : vector<2000x64xf32> to vector<2000xf32>
    %broadcast_in_dim3A = vector.shape_cast %reduce_max3A_50 : vector<2000xf32> to vector<2000x1xf32>
    %sub3A = vector.broadcast %broadcast_in_dim3A : vector<2000x1xf32> to vector<2000x64xf32>
    %sub3A_51 = arith.subf %add3A_49, %sub3A : vector<2000x64xf32>
    %exp3A = math.exp %sub3A_51 : vector<2000x64xf32>
    %reduce_sum3A = arith.constant dense<0.000000e+00> : vector<2000xf32>
    %reduce_sum3A_52 = vector.multi_reduction <add>, %exp3A, %reduce_sum3A [1] : vector<2000x64xf32> to vector<2000xf32>
    %broadcast_in_dim3A_53 = vector.shape_cast %reduce_sum3A_52 : vector<2000xf32> to vector<2000x1xf32>
    %div3A = vector.broadcast %broadcast_in_dim3A_53 : vector<2000x1xf32> to vector<2000x64xf32>
    %div3A_54 = arith.divf %exp3A, %div3A : vector<2000x64xf32>
    %iota3A = tpu.iota {dimensions = array<i32: 1>} : vector<2000x64xi32>
    %eq3A = vector.broadcast %broadcast_in_dim3A : vector<2000x1xf32> to vector<2000x64xf32>
    %eq3A_55 = arith.cmpf oeq, %add3A_49, %eq3A : vector<2000x64xf32>
    %jit3A = arith.constant 64 : i32
    %broadcast_in_dim3A_56 = vector.broadcast %jit3A : i32 to vector<2000x64xi32>
    %select_n3A = arith.select %eq3A_55, %iota3A, %broadcast_in_dim3A_56 : vector<2000x64xi1>, vector<2000x64xi32>
    %reduce_min3A = arith.constant dense<2147483647> : vector<2000xi32>
    %reduce_min3A_57 = vector.multi_reduction <minsi>, %select_n3A, %reduce_min3A [1] : vector<2000x64xi32> to vector<2000xi32>
    %broadcast_in_dim3A_58 = vector.shape_cast %reduce_min3A_57 : vector<2000xi32> to vector<2000x1xi32>
    %swap3A = arith.constant 0 : index
    %swap3A_59 = arith.constant 0 : index
    %swap3A_60 = vector.load %arg8[%swap3A, %swap3A_59] : memref<2000x64xf32, #tpu.memory_space<vmem>>, vector<2000x64xf32>
    tpu.vector_store %arg8[%swap3A, %swap3A_59], %add3A_49 {strides = array<i32>} : memref<2000x64xf32, #tpu.memory_space<vmem>>, vector<2000x64xf32>,
    %swap3A_61 = arith.constant 0 : index
    %swap3A_62 = arith.constant 0 : index
    %swap3A_63 = vector.load %arg9[%swap3A_61, %swap3A_62] : memref<2000x128xf32, #tpu.memory_space<vmem>>, vector<2000x128xf32>
    tpu.vector_store %arg9[%swap3A_61, %swap3A_62], %max3A_39 {strides = array<i32>} : memref<2000x128xf32, #tpu.memory_space<vmem>>, vector<2000x128xf32>,
    %swap3A_64 = arith.constant 0 : index
    %swap3A_65 = arith.constant 0 : index
    %swap3A_66 = vector.load %arg10[%swap3A_64, %swap3A_65] : memref<2000x64xf32, #tpu.memory_space<vmem>>, vector<2000x64xf32>
    tpu.vector_store %arg10[%swap3A_64, %swap3A_65], %div3A_54 {strides = array<i32>} : memref<2000x64xf32, #tpu.memory_space<vmem>>, vector<2000x64xf32>,
    %swap3A_67 = arith.constant 0 : index
    %swap3A_68 = arith.constant 0 : index
    %swap3A_69 = vector.load %arg11[%swap3A_67, %swap3A_68] : memref<2000x1xi32, #tpu.memory_space<vmem>>, vector<2000x1xi32>
    tpu.vector_store %arg11[%swap3A_67, %swap3A_68], %broadcast_in_dim3A_58 {strides = array<i32>} : memref<2000x1xi32, #tpu.memory_space<vmem>>, vector<2000x1xi32>,
    return
  }
  func.func @transform_0(%arg0: i32) -> (i32, i32, i32) {
    %c0_i32 = arith.constant 0 : i32
    %c0_i32_0 = arith.constant 0 : i32
    %c0_i32_1 = arith.constant 0 : i32
    return %c0_i32, %arg0, %c0_i32_0 : i32, i32, i32
  }
  func.func @transform_1(%arg0: i32) -> (i32, i32) {
    %c0_i32 = arith.constant 0 : i32
    %c0_i32_0 = arith.constant 0 : i32
    return %arg0, %c0_i32 : i32, i32
  }
  func.func @transform_2(%arg0: i32) -> (i32, i32) {
    %c0_i32 = arith.constant 0 : i32
    %c0_i32_0 = arith.constant 0 : i32
    return %arg0, %c0_i32 : i32, i32
  }
  func.func @transform_3(%arg0: i32) -> (i32, i32) {
    %c0_i32 = arith.constant 0 : i32
    %c0_i32_0 = arith.constant 0 : i32
    return %arg0, %c0_i32 : i32, i32
  }
  func.func @transform_4(%arg0: i32) -> (i32, i32) {
    %c0_i32 = arith.constant 0 : i32
    %c0_i32_0 = arith.constant 0 : i32
    %c0_i32_1 = arith.constant 0 : i32
    return %c0_i32, %c0_i32_0 : i32, i32
  }
  func.func @transform_5(%arg0: i32) -> (i32, i32) {
    %c0_i32 = arith.constant 0 : i32
    %c0_i32_0 = arith.constant 0 : i32
    %c0_i32_1 = arith.constant 0 : i32
    return %c0_i32, %c0_i32_0 : i32, i32
  }
  func.func @transform_6(%arg0: i32) -> (i32, i32) {
    %c0_i32 = arith.constant 0 : i32
    %c0_i32_0 = arith.constant 0 : i32
    %c0_i32_1 = arith.constant 0 : i32
    return %c0_i32, %c0_i32_0 : i32, i32
  }
  func.func @transform_7(%arg0: i32) -> (i32, i32) {
    %c0_i32 = arith.constant 0 : i32
    %c0_i32_0 = arith.constant 0 : i32
    return %arg0, %c0_i32 : i32, i32
  }
  func.func @transform_8(%arg0: i32) -> (i32, i32) {
    %c0_i32 = arith.constant 0 : i32
    %c0_i32_0 = arith.constant 0 : i32
    return %arg0, %c0_i32 : i32, i32
  }
  func.func @transform_9(%arg0: i32) -> (i32, i32) {
    %c0_i32 = arith.constant 0 : i32
    %c0_i32_0 = arith.constant 0 : i32
    return %arg0, %c0_i32 : i32, i32
  }
  func.func @transform_10(%arg0: i32) -> (i32, i32) {
    %c0_i32 = arith.constant 0 : i32
    %c0_i32_0 = arith.constant 0 : i32
    return %arg0, %c0_i32 : i32, i32
  }
}

</mosaic_0001>

<sc_bundles>
// kernel: kernel.11.cloned.1.call-start
scs
__scs_entry_jumppad:
0x0: {  	(pc) =	sbr.rel $0x88, $3  }
0x1: {  	(tag) =	ssettag $0x0;
	lr =	simm.s32 $0x1  }
0x2: {  	[smem:$0x3F99] =	sst lr;
	_ =	strace $0xD0000000  }
0x3: {  	_ = 	snop  }
0x4: {  	_ = 	snop  }
0x5: {  	_ = 	snop  }
0x6: {  	_ = 	snop  }
0x7: {  	_ = 	snop  }
__scs_overlays_trampoline_lowered:
0x8: {  	[smem:$0x3FA8] =	sst s0  }
0x9: {  	[smem:$0x3FA9] =	sst s1  }
0xa: {  	[smem:$0x3FAA] =	sst s2  }
0xb: {  	[smem:$0x3FAB] =	sst s3  }
0xc: {  	[smem:$0x3FAC] =	sst s4  }
0xd: {  	[smem:$0x3FAD] =	sst s5  }
0xe: {  	[smem:$0x3FAE] =	sst s6  }
0xf: {  	[smem:$0x3FAF] =	sst s7  }
0x10: {  	[smem:$0x3FB0] =	sst s8  }
0x11: {  	[smem:$0x3FB1] =	sst s9;
	s0 =	simm.s32 @!p0 $0x0  }
0x12: {  	s1 =	sld [smem:$0x3F97];
	s0 =	simm.s32 @p0 $0x1  }
0x13: {  	[smem:$0x3FB2] =	sst s0;
	s0 =	simm.s32 @!p1 $0x0  }
0x14: {  	s2 =	sld [smem:$0x3F96];
	s0 =	simm.s32 @p1 $0x1  }
0x15: {  	[smem:$0x3FB3] =	sst s0;
	s0 =	simm.s32 @!p2 $0x0  }
0x16: {  	s3 =	sld [smem:$0x3FDB];
	s0 =	simm.s32 @p2 $0x1  }
0x17: {  	s4 =	simm.s32 $0x1BF5;
	[smem:$0x3FB5] =	sst s0  }
0x18: {  	s0 =	sld [smem:$0x3F98];
	_ =	swait.ge [sflag:s4], $0x0  }
0x19: {  	s7 =	sld [smem:$0x3F99]  }
0x1a: {  	s8 =	sadd.s32 $0xFFFFE003, lr  }
0x1b: {  	s9 =	sadd.s32 $0xFFFFFEF7, lr;
	s5 =	simm.s32 $0xFFFFFFFF;
	p2 =	slt.u32 s8, $0xFFFFF086  }
0x1c: {  	p1 =	slt.u32 s9, $0xF7A;
	s5 =	simm.s32 @!p2 $0x0  }
0x1d: {  	s5 =	simm.s32 @p1 $0x1;
	p0 =	seq.s32 s7, s2  }
0x1e: {  	s7 =	smul.u32 @!p0 $0xF7A, s2;
	p2 =	seq.s32 @!p0 s5, $0x0  }
0x1f: {  	s9 =	smul.u32 $0xF7A, s1;
	s8 =	simm.s32 @!p0 $0x1BF5;
	p2 =	por !p2, p0  }
0x20: {  	[sflag:s8] =	ssyncset.s32 @!p0 $0xFFFFF086;
	s6 =	sadd.s32 @!p0 s3, s7;
	s7 =	simm.s32 @!p0 $0x108  }
0x21: {  	s3 =	sadd.s32 s3, s9;
	s6 =	sadd.s32 @!p0 $0x88, s6;
	s7 =	simm.s32 @p2 $0x1082  }
0x22: {  	[simem:s7], [sflag:s8] =	dma.local @!p0 [hbm:s6], $0xF7A  }
0x23: {  	s9 =	sor.u32 $0xD0000000, s2;
	s6 =	simm.s32 $0x108;
	_ =	swait.ge @!p0 [sflag:s8], $0x0  }
0x24: {  	s3 =	sadd.s32 $0x88, s3;
	s6 =	simm.s32 @!p1 $0x1082;
	[sflag:s4] =	ssyncset.s32 $0xFFFFF086  }
0x25: {  	[simem:s6], [sflag:s4] =	dma.local [hbm:s3], $0xF7A  }
0x26: {  	[smem:$0x3F99] =	sst s1;
	(tag) =	ssettag s2;
	_ =	strace s9  }
0x27: {  	s1 =	sld [smem:$0x3FA9]  }
0x28: {  	s2 =	sld [smem:$0x3FAA]  }
0x29: {  	s4 =	sld [smem:$0x3FAC]  }
0x2a: {  	p0 =	seq.s32 s5, $0x0;
	s5 =	sld [smem:$0x3FAD]  }
0x2b: {  	s6 =	sld [smem:$0x3FAE]  }
0x2c: {  	s7 =	sld [smem:$0x3FAF]  }
0x2d: {  	s3 =	simm.s32 $0x108;
	s8 =	sld [smem:$0x3FB0]  }
0x2e: {  	s3 =	simm.s32 @!p0 $0x1082;
	s9 =	sld [smem:$0x3FB1]  }
0x2f: {  	lr =	sadd.s32 s0, s3;
	s0 =	sld [smem:$0x3FA8]  }
0x30: {  	s3 =	sld [smem:$0x3FAB]  }
0x31: {  	[smem:$0x3FB4] =	sst s10  }
0x32: {  	s10 =	sld [smem:$0x3FB2];
	_ =	sdelay $0x3  }
0x33: {  	p0 =	seq.s32 s10, $0x1;
	s10 =	sld [smem:$0x3FB4];
	_ =	sdelay $0x3  }
0x34: {  	[smem:$0x3FB4] =	sst s10  }
0x35: {  	s10 =	sld [smem:$0x3FB3];
	_ =	sdelay $0x3  }
0x36: {  	p1 =	seq.s32 s10, $0x1;
	s10 =	sld [smem:$0x3FB4];
	_ =	sdelay $0x3  }
0x37: {  	[smem:$0x3FB4] =	sst s10  }
0x38: {  	s10 =	sld [smem:$0x3FB5]  }
0x39: {  	_ = 	snop;
	(pc) =	sbr.ind lr, $3  }
0x3a: {  	_ = 	snop  }
0x3b: {  	_ = 	snop  }
0x3c: {  	p2 =	seq.s32 s10, $0x1;
	s10 =	sld [smem:$0x3FB4]  }
0x3d: {  	_ =	shalt  }
0x3e: {  	_ =	shalt  }
0x3f: {  	_ =	shalt  }
0x40: {  	_ =	shalt  }
0x41: {  	_ =	shalt  }
0x42: {  	_ =	shalt  }
0x43: {  	_ =	shalt  }
0x44: {  	_ =	shalt  }
0x45: {  	_ =	shalt  }
0x46: {  	_ =	shalt  }
0x47: {  	_ =	shalt  }
0x48: {  	_ =	shalt  }
0x49: {  	_ =	shalt  }
0x4a: {  	_ =	shalt  }
0x4b: {  	_ =	shalt  }
0x4c: {  	_ =	shalt  }
0x4d: {  	_ =	shalt  }
0x4e: {  	_ =	shalt  }
0x4f: {  	_ =	shalt  }
0x50: {  	_ =	shalt  }
0x51: {  	_ =	shalt  }
0x52: {  	_ =	shalt  }
0x53: {  	_ =	shalt  }
0x54: {  	_ =	shalt  }
0x55: {  	_ =	shalt  }
0x56: {  	_ =	shalt  }
0x57: {  	_ =	shalt  }
0x58: {  	_ =	shalt  }
0x59: {  	_ =	shalt  }
0x5a: {  	_ =	shalt  }
0x5b: {  	_ =	shalt  }
0x5c: {  	_ =	shalt  }
0x5d: {  	_ =	shalt  }
0x5e: {  	_ =	shalt  }
0x5f: {  	_ =	shalt  }
0x60: {  	_ =	shalt  }
0x61: {  	_ =	shalt  }
0x62: {  	_ =	shalt  }
0x63: {  	_ =	shalt  }
0x64: {  	_ =	shalt  }
0x65: {  	_ =	shalt  }
0x66: {  	_ =	shalt  }
0x67: {  	_ =	shalt  }
0x68: {  	_ =	shalt  }
0x69: {  	_ =	shalt  }
0x6a: {  	_ =	shalt  }
0x6b: {  	_ =	shalt  }
0x6c: {  	_ =	shalt  }
0x6d: {  	_ =	shalt  }
0x6e: {  	_ =	shalt  }
0x6f: {  	_ =	shalt  }
0x70: {  	_ =	shalt  }
0x71: {  	_ =	shalt  }
0x72: {  	_ =	shalt  }
0x73: {  	_ =	shalt  }
0x74: {  	_ =	shalt  }
0x75: {  	_ =	shalt  }
0x76: {  	_ =	shalt  }
0x77: {  	_ =	shalt  }
0x78: {  	_ =	shalt  }
0x79: {  	_ =	shalt  }
0x7a: {  	_ =	shalt  }
0x7b: {  	_ =	shalt  }
0x7c: {  	_ =	shalt  }
0x7d: {  	_ =	shalt  }
0x7e: {  	_ =	shalt  }
0x7f: {  	_ =	shalt  }
0x80: {  	_ =	shalt  }
0x81: {  	_ =	shalt  }
0x82: {  	_ =	shalt  }
0x83: {  	_ =	shalt  }
0x84: {  	_ =	shalt  }
0x85: {  	_ =	shalt  }
0x86: {  	_ =	shalt  }
0x87: {  	_ =	shalt  }
.Lfunc_end0:
.L_simem_size_0:
called_computation.1_lowered:
.L_overlay_start_0:
0x88: {  	s2 =	sld [smem:$0x3FD9]  }
0x89: {  	s3 =	sld [smem:$0x3FFE];
	_ =	sdelay $0x1  }
0x8a: {  	s1 =	srdreg.scid  }
0x8b: {  	s0 =	sand.u32 $0x1, s1  }
0x8c: {  	s14 =	sshll.u32 s0, $0xA;
	s2 =	sadd.s32 s3, s2  }
0x8d: {  	s2 =	sadd.s32 s2, s14  }
0x8e: {  	[smem:$0x3FC0] =	sst s2  }
0x8f: {  	_ = 	snop  }
0x90: {  	s2 =	sld [smem:$0x3FD0];
	_ =	sdelay $0x2  }
0x91: {  	s15 =	simm.s32 $0xA;
	s4 =	simm.s32 $0x10  }
0x92: {  	[smem:s4], [sflag:s15] =	dma.local [hbm:s2], $0x1  }
0x93: {  	_ =	swait.eq [sflag:s15], $0x1  }
0x94: {  	[sflag:s15] =	ssyncset.done $0x0  }
0x95: {  	[sflag:s15] =	ssyncadd.s32 $0xFFFFFFFF  }
0x96: {  	s16 =	sld [smem:$0x11];
	(tm) =	ssettm $0x1  }
0x97: {  	s17 =	sld [smem:$0x3FFB];
	_ =	sdelay $0x3  }
0x98: {  	_ =	strace s17  }
0x99: {  	s3 =	sld [smem:$0x3FFC];
	_ =	sdelay $0x3  }
0x9a: {  	_ =	strace s3  }
0x9b: {  	s3 =	sld [smem:$0x3FFD];
	_ =	sdelay $0x3  }
0x9c: {  	_ =	strace s3  }
0x9d: {  	_ =	strace $0x8FFFFFFF  }
0x9e: {  	s18 =	sld [smem:$0x3FDB];
	_ =	sdelay $0x1  }
0x9f: {  	s19 =	simm.s32 $_scs_section_size  }
0xa0: {  	s5 =	simm.s32 $_size__tile_overlayer_lowered;
	s6 =	simm.s32 $_tile_overlayer_lowered  }
0xa1: {  	s22 =	simm.s32 $0x1BFF;
	s21 =	sshll.u32 s6, $0x1;
	s3 =	sadd.s32 s19, s18  }
0xa2: {  	s7 =	simm.s32 $0x0;
	s20 =	sshll.u32 s5, $0x1;
	s5 =	sadd.s32 s21, s3  }
0xa3: {  	[timem:s7], [sflag:s22] =	dma.local [hbm:s5], s20  }
0xa4: {  	_ =	swait.ge [sflag:s22], s20  }
0xa5: {  	s4 =	ssub.s32 $0x0, s20;
	[sflag:s22] =	ssyncset.done $0x0  }
0xa6: {  	[sflag:s22] =	ssyncadd.s32 s4;
	_ =	sdelay $0x1  }
0xa7: {  	s23 =	simm.s32 $0x1B8B  }
0xa8: {  	_ =	swait.ge [sflag:s23], $0x1  }
0xa9: {  	[sflag:s23] =	ssyncset.done $0x0  }
0xaa: {  	s25 =	simm.s32 $0x1B8E;
	s24 =	sld [smem:$0x3FFE];
	[sflag:s23] =	ssyncadd.s32 $0xFFFFFFFF  }
0xab: {  	s26 =	simm.s32 $execute0_lowered;
	[smem:$0x3FD2] =	sst s25  }
0xac: {  	s5 =	sshll.u32 s26, $0x1;
	_ =	strace $0x80000049;
	[dreg:$0x1] =	wrdreg $0xFFFFFFFF  }
0xad: {  	s28 =	simm.s32 $_size_execute0_lowered;
	s3 =	sadd.s32 s3, s5;
	[dreg:$0x0] =	wrdreg $0x0  }
0xae: {  	s5 =	sshll.u32 s28, $0x1;
	[dreg:$0x2] =	wrdreg s3  }
0xaf: {  	[dreg:$0x3] =	wrdreg s5  }
0xb0: {  	[dreg:$0x4] =	wrdreg $0xC0  }
0xb1: {  	_ =	task [dreg:s7], $0x5FFFF  }
0xb2: {  	[dreg:$0x1] =	wrdreg $0xFFFFFFFF  }
0xb3: {  	[dreg:$0x0] =	wrdreg $0x60  }
0xb4: {  	[dreg:$0x2] =	wrdreg s24  }
0xb5: {  	[dreg:$0x3] =	wrdreg s16  }
0xb6: {  	[dreg:$0x4] =	wrdreg $0x0  }
0xb7: {  	[dreg:$0x5] =	wrdreg $0x9  }
0xb8: {  	_ =	task.clear_ibuf [dreg:s7], $0x6FFFF;
	_ =	strace $0x90000049  }
0xb9: {  	s29 =	simm.s32 $0x9;
	_ =	strace $0x8000004B  }
0xba: {  	_ =	swait.ge [sflag:s29], $0x1  }
0xbb: {  	[sflag:s29] =	ssyncadd.s32 $0xFFFFFFFF  }
0xbc: {  	_ =	strace $0x9000004B  }
0xbd: {  	_ =	sfence  }
0xbe: {  	s30 =	sld [smem:$0x0];
	_ =	sdelay $0x2  }
0xbf: {  	s31 =	sshll.u32 s1, $0xD;
	s1 =	sshrl.u32 s1, $0x2  }
0xc0: {  	s3 =	sand.u32 $0x4000, s31;
	s1 =	sadd.s32 s1, s30  }
0xc1: {  	s0 =	sor.u32 s3, s0;
	s1 =	sshll.u32 s1, $0x11  }
0xc2: {  	s0 =	sor.u32 s1, s0  }
0xc3: {  	s0 =	sadd.s32 $0x8F2B, s0  }
0xc4: {  	[sflag:s0] =	ssyncadd.remote.s32 $0x1  }
0xc5: {  	_ =	sfence.sel $0xFFFF  }
0xc6: {  	[dreg:$0x0] =	wrdreg $0xFFFFFFFF;
	(pc) =	sbr.abs _section_cstart, $3  }
0xc7: {  	[dreg:$0x1] =	wrdreg $0xFFFFFFFF  }
0xc8: {  	_ =	task.clear_ibuf [dreg:s7], $0x2FFFF;
	_ =	strace $0x9FFFFFFF  }
0xc9: {  	(tm) =	ssettm $0x7FFFFFFF  }
tec
execute0_lowered:
.L_overlay_start_1:
0x0: {  	(tag) =	ssettag $0x1  }
0x1: {  	s0 =	rddreg [dreg:$0x0]  }
0x2: {  	s1 =	rddreg [dreg:$0x1]  }
0x3: {  	s2 =	rddreg [dreg:$0x2]  }
0x4: {  	s4 =	srdreg.scid;
	s11 =	stileid.u32;
	s3 =	simm.s32 $0x0  }
0x5: {  	s28 =	simm.s32 $0x60;
	s29 =	simm.s32 $0x16C00;
	s30 =	simm.s32 $0xA  }
0x6: {  	s31 =	simm.s32 $0x19C00;
	s5 =	sand.u32 $0x1, s4;
	s6 =	smul.u32 $0x2780, s11  }
0x7: {  	[smem:$0x7FF] =	sst s3;
	s4 =	sadd.s32 $0x2A00, s0;
	s10 =	smul.u32 $0x4F000, s11  }
0x8: {  	s25 =	sadd.s32 $0x20, s1;
	s14 =	smul.u32 $0x6C, s11;
	s19 =	sadd.s32 $0x60, s1  }
0x9: {  	s7 =	smul.u32 $0x27800, s5;
	s8 =	sshll.u32 s5, $0x4;
	_ =	strace $0x8000004A  }
0xa: {  	s23 =	ssub.s32 $0x2, s5;
	s5 =	smul.u32 $0x6C0, s5;
	s8 =	sor.u32 s11, s8  }
0xb: {  	s24 =	sshrl.u32 s23, $0x1;
	s10 =	sshrl.u32 s10, $0x2;
	s9 =	smul.u32 $0xD80, s8  }
0xc: {  	s11 =	simm.s32 $0x3;
	s6 =	sadd.s32 s6, s7;
	s8 =	smul.u32 $0x6C00, s8  }
0xd: {  	s26 =	sadd.s32 s10, s2;
	s5 =	sadd.s32 s14, s5;
	s14 =	simm.s32 $0x4  }
0xe: {  	s0 =	sadd.s32 s6, s0;
	s10 =	sadd.s32 $0x3000, s26;
	[dreg:$0xb] =	wrdreg s26  }
0xf: {  	s6 =	ssub.s32 s23, s24;
	s15 =	sadd.s32 $0x9000, s26;
	[dreg:$0xc] =	wrdreg s10  }
0x10: {  	s16 =	sadd.s32 $0xC000, s26;
	s17 =	sadd.s32 $0xF000, s26;
	[dreg:$0xe] =	wrdreg s15  }
0x11: {  	s18 =	sadd.s32 $0x12000, s26;
	s5 =	sshll.u32 s5, $0x5;
	[dreg:$0xf] =	wrdreg s16  }
0x12: {  	s12 =	sadd.s32 s1, s9;
	s13 =	sadd.s32 s9, s25;
	[dreg:$0x10] =	wrdreg s17  }
0x13: {  	[dreg:$0x11] =	wrdreg s18;
	s8 =	sshrl.u32 s8, $0x3;
	s9 =	sadd.s32 s9, s19  }
0x14: {  	s7 =	sadd.s32 s25, s5;
	s0 =	sadd.s32 $0x79200, s0;
	[dreg:$0x9] =	wrdreg s13  }
0x15: {  	s10 =	simm.s32 $0x1CC00;
	s15 =	simm.s32 $0x1FE80;
	[dreg:$0x8] =	wrdreg s12  }
0x16: {  	s16 =	simm.s32 $0x7;
	s17 =	simm.s32 $0x1FF80;
	[dreg:$0x12] =	wrdreg s9  }
0x17: {  	s18 =	simm.s32 $0x8;
	s12 =	sadd.s32 $0x40, s12;
	[dreg:$0x17] =	wrdreg s0  }
0x18: {  	s13 =	sadd.s32 $0x6000, s26;
	s8 =	sadd.s32 s1, s8;
	[dreg:$0xa] =	wrdreg s12  }
0x19: {  	s1 =	sadd.s32 s1, s5;
	s7 =	sadd.s32 $0x100, s7;
	[dreg:$0xd] =	wrdreg s13  }
0x1a: {  	s5 =	sadd.s32 s19, s5;
	s26 =	smax.u32 s6, $0x1;
	[dreg:$0x5] =	wrdreg s7  }
0x1b: {  	s0 =	simm.s32 $0x1;
	s20 =	sadd.s32 $0x80, s8;
	[dreg:$0x18] =	wrdreg s26  }
0x1c: {  	s6 =	simm.s32 $0x1FC80;
	s21 =	sadd.s32 $0xA0, s8;
	[dreg:$0x13] =	wrdreg s20  }
0x1d: {  	s9 =	simm.s32 $0xB;
	s22 =	sadd.s32 $0x140, s1;
	[dreg:$0x14] =	wrdreg s21  }
0x1e: {  	s19 =	simm.s32 $0x5;
	s23 =	sadd.s32 $0xC0, s8;
	[dreg:$0x4] =	wrdreg s22  }
0x1f: {  	s1 =	sadd.s32 $0x100, s1;
	s24 =	sadd.s32 $0xD60, s8;
	[dreg:$0x15] =	wrdreg s23  }
0x20: {  	s25 =	sadd.s32 $0x80, s5;
	s26 =	simm.s32 $0x9;
	[dreg:$0x16] =	wrdreg s24  }
0x21: {  	s7 =	simm.s32 $0x1FF00;
	s12 =	simm.s32 $0x1FD80;
	[dreg:$0x6] =	wrdreg s1  }
0x22: {  	s5 =	simm.s32 $0x6;
	s13 =	simm.s32 $0xC;
	[dreg:$0x7] =	wrdreg s25  }
0x23: {  	s22 =	simm.s32 $0x1FC00;
	s23 =	simm.s32 $0x1FD00;
	s24 =	simm.s32 $0x1FE00  }
0x24: {  	v0 =	vimm.f32 $0.0e+00;
	s25 =	simm.s32 $0x13C00;
	s1 =	simm.s32 $0x2;
	s21 =	simm.s32 $0x0  }
.LBB2_1:
0x25: {  	s8 =	rddreg [dreg:$0x8]  }
0x26: {  	[tilespmem:s22], [sflag:$0x9] =	stream.linear.gather [hbm4b:s8+s3], $0x100, $0x38;
	v63 =	vld [tilespmem:$0x0]  }
0x27: {  	s20 =	rddreg [dreg:$0x9]  }
0x28: {  	[tilespmem:s23], [sflag:$0xA] =	stream.linear.gather [hbm4b:s20+s3], $0x100, $0x38;
	v63 =	vld [tilespmem:$0x0]  }
0x29: {  	s20 =	rddreg [dreg:$0xa]  }
0x2a: {  	[tilespmem:s24], [sflag:$0xB] =	stream.linear.gather [hbm4b:s20+s3], $0x100, $0x38;
	v63 =	vld [tilespmem:$0x0]  }
0x2b: {  	s8 =	simm.s32 $0x0;
	s20 =	simm.s32 $0x200  }
.LBB2_2:
0x2c: {  	p0 =	sne.s32 s20, $0xBE00;
	[tilespmem:s8+$0x13C70] =	vst v0  }
0x2d: {  	[tilespmem:s8+$0x13C00] =	vst v0  }
0x2e: {  	[tilespmem:s8+$0x13C10] =	vst v0  }
.Ltmp0:
0x2f: {  	[tilespmem:s8+$0x13C20] =	vst v0;
	(pc) =	sbr.rel @p0 .LBB2_2-.Ltmp0, $4  }
0x30: {  	[tilespmem:s8+$0x13C30] =	vst v0  }
0x31: {  	[tilespmem:s8+$0x13C40] =	vst v0  }
0x32: {  	[tilespmem:s8+$0x13C50] =	vst v0  }
0x33: {  	[tilespmem:s8+$0x13C60] =	vst v0;
	s8 =	sshra.s32 s20, $0x2;
	s20 =	sadd.s32 $0x200, s20  }
0x34: {  	[tilespmem:s8+$0x13C70] =	vst v0  }
0x35: {  	[tilespmem:s8+$0x13C00] =	vst v0  }
0x36: {  	[tilespmem:s8+$0x13C10] =	vst v0  }
0x37: {  	[tilespmem:s8+$0x13C20] =	vst v0  }
0x38: {  	[tilespmem:s8+$0x13C30] =	vst v0  }
0x39: {  	[tilespmem:s8+$0x13C40] =	vst v0  }
0x3a: {  	[dreg:$0x19] =	wrdreg s21;
	[tilespmem:s8+$0x13C50] =	vst v0  }
0x3b: {  	[tilespmem:s8+$0x13C60] =	vst v0;
	s20 =	rddreg [dreg:$0xb]  }
0x3c: {  	[spmem:s20] =	stream.linear.scatter [tilespmem:s25], [sflag:$0x1], $0x3000, $0x38;
	v63 =	vld [tilespmem:$0x0]  }
0x3d: {  	s21 =	rddreg [dreg:$0xc]  }
0x3e: {  	[spmem:s21] =	stream.linear.scatter [tilespmem:s25], [sflag:$0x1], $0x3000, $0x38;
	v63 =	vld [tilespmem:$0x0]  }
0x3f: {  	s20 =	rddreg [dreg:$0xd]  }
0x40: {  	[spmem:s20] =	stream.linear.scatter [tilespmem:s25], [sflag:$0x1], $0x3000, $0x38;
	v63 =	vld [tilespmem:$0x0]  }
0x41: {  	s21 =	rddreg [dreg:$0xe]  }
0x42: {  	[spmem:s21] =	stream.linear.scatter [tilespmem:s25], [sflag:$0x1], $0x3000, $0x38;
	v63 =	vld [tilespmem:$0x0]  }
0x43: {  	s20 =	rddreg [dreg:$0xf]  }
0x44: {  	[spmem:s20] =	stream.linear.scatter [tilespmem:s25], [sflag:$0x1], $0x3000, $0x38;
	v63 =	vld [tilespmem:$0x0]  }
0x45: {  	s21 =	rddreg [dreg:$0x10]  }
0x46: {  	[spmem:s21] =	stream.linear.scatter [tilespmem:s25], [sflag:$0x1], $0x3000, $0x38;
	v63 =	vld [tilespmem:$0x0]  }
0x47: {  	s20 =	rddreg [dreg:$0x11]  }
0x48: {  	[spmem:s20] =	stream.linear.scatter [tilespmem:s25], [sflag:$0x1], $0x1C00, $0x38;
	v63 =	vld [tilespmem:$0x0]  }
0x49: {  	_ =	swait.ge [sflag:s26], $0x100  }
0x4a: {  	[sflag:s26] =	ssyncset.done $0x0  }
0x4b: {  	[sflag:s26] =	ssyncadd.s32 $0xFFFFFF00  }
0x4c: {  	[tilespmem:s29], [sflag:$0x2] =	stream.indirect.gather [hbm4b:s4+s28], $0x80, s22, s28, $0xb8;
	v63 =	vld [tilespmem:$0x0]  }
0x4d: {  	_ =	swait.ge [sflag:s30], $0x100  }
0x4e: {  	[sflag:s30] =	ssyncset.done $0x0  }
0x4f: {  	[sflag:s30] =	ssyncadd.s32 $0xFFFFFF00  }
0x50: {  	[tilespmem:s31], [sflag:$0x3] =	stream.indirect.gather [hbm4b:s4+s28], $0x80, s23, s28, $0xb8;
	v63 =	vld [tilespmem:$0x0]  }
0x51: {  	_ =	swait.ge [sflag:s0], $0x3000  }
0x52: {  	[sflag:s0] =	ssyncset.done $0x0  }
0x53: {  	[sflag:s0] =	ssyncadd.s32 $0xFFFFD000  }
0x54: {  	_ =	swait.ge [sflag:s0], $0x3000  }
0x55: {  	[sflag:s0] =	ssyncset.done $0x0  }
0x56: {  	[sflag:s0] =	ssyncadd.s32 $0xFFFFD000  }
0x57: {  	_ =	swait.ge [sflag:s0], $0x3000  }
0x58: {  	[sflag:s0] =	ssyncset.done $0x0  }
0x59: {  	[sflag:s0] =	ssyncadd.s32 $0xFFFFD000  }
0x5a: {  	_ =	swait.ge [sflag:s0], $0x3000  }
0x5b: {  	[sflag:s0] =	ssyncset.done $0x0  }
0x5c: {  	[sflag:s0] =	ssyncadd.s32 $0xFFFFD000  }
0x5d: {  	_ =	swait.ge [sflag:s0], $0x3000  }
0x5e: {  	[sflag:s0] =	ssyncset.done $0x0  }
0x5f: {  	[sflag:s0] =	ssyncadd.s32 $0xFFFFD000  }
0x60: {  	_ =	swait.ge [sflag:s0], $0x3000  }
0x61: {  	[sflag:s0] =	ssyncset.done $0x0  }
0x62: {  	[sflag:s0] =	ssyncadd.s32 $0xFFFFD000  }
0x63: {  	_ =	swait.ge [sflag:s0], $0x1C00  }
0x64: {  	[sflag:s0] =	ssyncset.done $0x0  }
0x65: {  	[sflag:s0] =	ssyncadd.s32 $0xFFFFE400  }
0x66: {  	[bflag:$0x0] =	sbarrier.arrive $0xFFFF  }
0x67: {  	_ =	swait.ge [sflag:s1], $0x3000  }
0x68: {  	[sflag:s1] =	ssyncset.done $0x0  }
0x69: {  	[sflag:s1] =	ssyncadd.s32 $0xFFFFD000  }
0x6a: {  	[spmem:s2] =	stream.indirect.scatter.add.f32 [tilespmem:s29], [sflag:$0x6], $0x80, s6, s28, $0xb8;
	v63 =	vld [tilespmem:$0x0]  }
0x6b: {  	s8 =	simm.s32 $0x0;
	s20 =	rddreg [dreg:$0x12]  }
0x6c: {  	[tilespmem:s7], [sflag:$0xC] =	stream.linear.gather [hbm4b:s20+s8], $0x100, $0x38;
	v63 =	vld [tilespmem:$0x0]  }
0x6d: {  	_ =	swait.ge [sflag:s9], $0x100  }
0x6e: {  	[sflag:s9] =	ssyncset.done $0x0  }
0x6f: {  	[sflag:s9] =	ssyncadd.s32 $0xFFFFFF00  }
0x70: {  	[tilespmem:s10], [sflag:$0x4] =	stream.indirect.gather [hbm4b:s4+s28], $0x80, s24, s28, $0xb8;
	v63 =	vld [tilespmem:$0x0]  }
0x71: {  	_ =	swait.ge [sflag:s11], $0x3000  }
0x72: {  	[sflag:s11] =	ssyncset.done $0x0  }
0x73: {  	[sflag:s11] =	ssyncadd.s32 $0xFFFFD000  }
0x74: {  	[spmem:s2] =	stream.indirect.scatter.add.f32 [tilespmem:s31], [sflag:$0x7], $0x80, s12, s28, $0xb8;
	v63 =	vld [tilespmem:$0x0]  }
0x75: {  	_ =	swait.ge [sflag:s5], $0x3000  }
0x76: {  	[sflag:s5] =	ssyncset.done $0x0  }
0x77: {  	s21 =	rddreg [dreg:$0x13];
	[sflag:s5] =	ssyncadd.s32 $0xFFFFD000  }
0x78: {  	[tilespmem:s22], [sflag:$0x9] =	stream.linear.gather [hbm4b:s21+s8], $0x100, $0x38;
	v63 =	vld [tilespmem:$0x0]  }
0x79: {  	_ =	swait.ge [sflag:s13], $0x100  }
0x7a: {  	[sflag:s13] =	ssyncset.done $0x0  }
0x7b: {  	[sflag:s13] =	ssyncadd.s32 $0xFFFFFF00  }
0x7c: {  	[tilespmem:s25], [sflag:$0x1] =	stream.indirect.gather [hbm4b:s4+s28], $0x80, s7, s28, $0xb8;
	v63 =	vld [tilespmem:$0x0]  }
0x7d: {  	_ =	swait.ge [sflag:s14], $0x3000  }
0x7e: {  	[sflag:s14] =	ssyncset.done $0x0  }
0x7f: {  	[sflag:s14] =	ssyncadd.s32 $0xFFFFD000  }
0x80: {  	[spmem:s2] =	stream.indirect.scatter.add.f32 [tilespmem:s10], [sflag:$0x8], $0x80, s15, s28, $0xb8;
	v63 =	vld [tilespmem:$0x0]  }
0x81: {  	_ =	swait.ge [sflag:s16], $0x3000  }
0x82: {  	[sflag:s16] =	ssyncset.done $0x0  }
0x83: {  	s21 =	rddreg [dreg:$0x14];
	[sflag:s16] =	ssyncadd.s32 $0xFFFFD000  }
0x84: {  	[tilespmem:s23], [sflag:$0xA] =	stream.linear.gather [hbm4b:s21+s8], $0x100, $0x38;
	v63 =	vld [tilespmem:$0x0]  }
0x85: {  	_ =	swait.ge [sflag:s26], $0x100  }
0x86: {  	[sflag:s26] =	ssyncset.done $0x0  }
0x87: {  	[sflag:s26] =	ssyncadd.s32 $0xFFFFFF00  }
0x88: {  	[tilespmem:s29], [sflag:$0x2] =	stream.indirect.gather [hbm4b:s4+s28], $0x80, s22, s28, $0xb8;
	v63 =	vld [tilespmem:$0x0]  }
0x89: {  	_ =	swait.ge [sflag:s0], $0x3000  }
0x8a: {  	[sflag:s0] =	ssyncset.done $0x0  }
0x8b: {  	[sflag:s0] =	ssyncadd.s32 $0xFFFFD000  }
0x8c: {  	[spmem:s2] =	stream.indirect.scatter.add.f32 [tilespmem:s25], [sflag:$0x5], $0x80, s17, s28, $0xb8;
	v63 =	vld [tilespmem:$0x0]  }
0x8d: {  	_ =	swait.ge [sflag:s18], $0x3000  }
0x8e: {  	[sflag:s18] =	ssyncset.done $0x0  }
0x8f: {  	s21 =	rddreg [dreg:$0x15];
	[sflag:s18] =	ssyncadd.s32 $0xFFFFD000  }
0x90: {  	[tilespmem:s24], [sflag:$0xB] =	stream.linear.gather [hbm4b:s21+s8], $0x100, $0x38;
	v63 =	vld [tilespmem:$0x0]  }
0x91: {  	_ =	swait.ge [sflag:s30], $0x100  }
0x92: {  	[sflag:s30] =	ssyncset.done $0x0  }
0x93: {  	[sflag:s30] =	ssyncadd.s32 $0xFFFFFF00  }
0x94: {  	[tilespmem:s31], [sflag:$0x3] =	stream.indirect.gather [hbm4b:s4+s28], $0x80, s23, s28, $0xb8;
	v63 =	vld [tilespmem:$0x0]  }
0x95: {  	_ =	swait.ge [sflag:s1], $0x3000  }
0x96: {  	[sflag:s1] =	ssyncset.done $0x0  }
0x97: {  	[sflag:s1] =	ssyncadd.s32 $0xFFFFD000  }
0x98: {  	[spmem:s2] =	stream.indirect.scatter.add.f32 [tilespmem:s29], [sflag:$0x6], $0x80, s6, s28, $0xb8;
	v63 =	vld [tilespmem:$0x0]  }
0x99: {  	_ =	swait.ge [sflag:s19], $0x3000  }
0x9a: {  	s20 =	rddreg [dreg:$0x7];
	[sflag:s19] =	ssyncset.done $0x0  }
0x9b: {  	[sflag:s19] =	ssyncadd.s32 $0xFFFFD000;
	s8 =	sadd.s32 $0x0, s20  }
0x9c: {  	[tilespmem:s7], [sflag:$0xC] =	stream.linear.gather [hbm4b:s8+s3], $0x100, $0x38;
	v63 =	vld [tilespmem:$0x0]  }
0x9d: {  	_ =	swait.ge [sflag:s9], $0x100  }
0x9e: {  	[sflag:s9] =	ssyncset.done $0x0  }
0x9f: {  	[sflag:s9] =	ssyncadd.s32 $0xFFFFFF00  }
0xa0: {  	[tilespmem:s10], [sflag:$0x4] =	stream.indirect.gather [hbm4b:s4+s28], $0x80, s24, s28, $0xb8;
	v63 =	vld [tilespmem:$0x0]  }
0xa1: {  	_ =	swait.ge [sflag:s11], $0x3000  }
0xa2: {  	[sflag:s11] =	ssyncset.done $0x0  }
0xa3: {  	[sflag:s11] =	ssyncadd.s32 $0xFFFFD000  }
0xa4: {  	[spmem:s2] =	stream.indirect.scatter.add.f32 [tilespmem:s31], [sflag:$0x7], $0x80, s12, s28, $0xb8;
	v63 =	vld [tilespmem:$0x0]  }
0xa5: {  	_ =	swait.ge [sflag:s5], $0x3000  }
0xa6: {  	s21 =	rddreg [dreg:$0x6];
	[sflag:s5] =	ssyncset.done $0x0  }
0xa7: {  	[sflag:s5] =	ssyncadd.s32 $0xFFFFD000;
	s8 =	sadd.s32 $0x0, s21  }
0xa8: {  	[tilespmem:s22], [sflag:$0x9] =	stream.linear.gather [hbm4b:s8+s3], $0x100, $0x38;
	v63 =	vld [tilespmem:$0x0]  }
0xa9: {  	_ =	swait.ge [sflag:s13], $0x100  }
0xaa: {  	[sflag:s13] =	ssyncset.done $0x0  }
0xab: {  	[sflag:s13] =	ssyncadd.s32 $0xFFFFFF00  }
0xac: {  	[tilespmem:s25], [sflag:$0x1] =	stream.indirect.gather [hbm4b:s4+s28], $0x80, s7, s28, $0xb8;
	v63 =	vld [tilespmem:$0x0]  }
0xad: {  	_ =	swait.ge [sflag:s14], $0x3000  }
0xae: {  	[sflag:s14] =	ssyncset.done $0x0  }
0xaf: {  	[sflag:s14] =	ssyncadd.s32 $0xFFFFD000  }
0xb0: {  	[spmem:s2] =	stream.indirect.scatter.add.f32 [tilespmem:s10], [sflag:$0x8], $0x80, s15, s28, $0xb8;
	v63 =	vld [tilespmem:$0x0]  }
0xb1: {  	_ =	swait.ge [sflag:s16], $0x3000  }
0xb2: {  	s20 =	rddreg [dreg:$0x5];
	[sflag:s16] =	ssyncset.done $0x0  }
0xb3: {  	[sflag:s16] =	ssyncadd.s32 $0xFFFFD000;
	s8 =	sadd.s32 $0x0, s20  }
0xb4: {  	[tilespmem:s23], [sflag:$0xA] =	stream.linear.gather [hbm4b:s8+s3], $0x100, $0x38;
	v63 =	vld [tilespmem:$0x0]  }
0xb5: {  	_ =	swait.ge [sflag:s26], $0x100  }
0xb6: {  	[sflag:s26] =	ssyncset.done $0x0  }
0xb7: {  	[sflag:s26] =	ssyncadd.s32 $0xFFFFFF00  }
0xb8: {  	[tilespmem:s29], [sflag:$0x2] =	stream.indirect.gather [hbm4b:s4+s28], $0x80, s22, s28, $0xb8;
	v63 =	vld [tilespmem:$0x0]  }
0xb9: {  	_ =	swait.ge [sflag:s0], $0x3000  }
0xba: {  	[sflag:s0] =	ssyncset.done $0x0  }
0xbb: {  	[sflag:s0] =	ssyncadd.s32 $0xFFFFD000  }
0xbc: {  	[spmem:s2] =	stream.indirect.scatter.add.f32 [tilespmem:s25], [sflag:$0x5], $0x80, s17, s28, $0xb8;
	v63 =	vld [tilespmem:$0x0]  }
0xbd: {  	_ =	swait.ge [sflag:s18], $0x3000  }
0xbe: {  	s21 =	rddreg [dreg:$0x4];
	[sflag:s18] =	ssyncset.done $0x0  }
0xbf: {  	[sflag:s18] =	ssyncadd.s32 $0xFFFFD000;
	s8 =	sadd.s32 $0x0, s21  }
0xc0: {  	[tilespmem:s24], [sflag:$0xB] =	stream.linear.gather [hbm4b:s8+s3], $0x100, $0x38;
	v63 =	vld [tilespmem:$0x0]  }
0xc1: {  	_ =	swait.ge [sflag:s30], $0x100  }
0xc2: {  	[sflag:s30] =	ssyncset.done $0x0  }
0xc3: {  	s20 =	simm.s32 $0x80;
	[sflag:s30] =	ssyncadd.s32 $0xFFFFFF00  }
.LBB2_4:
0xc4: {  	[tilespmem:s31], [sflag:$0x3] =	stream.indirect.gather [hbm4b:s4+s28], $0x80, s23, s28, $0xb8;
	v63 =	vld [tilespmem:$0x0]  }
0xc5: {  	_ =	swait.ge [sflag:s1], $0x3000  }
0xc6: {  	[sflag:s1] =	ssyncset.done $0x0  }
0xc7: {  	[sflag:s1] =	ssyncadd.s32 $0xFFFFD000  }
0xc8: {  	[spmem:s2] =	stream.indirect.scatter.add.f32 [tilespmem:s29], [sflag:$0x6], $0x80, s6, s28, $0xb8;
	v63 =	vld [tilespmem:$0x0]  }
0xc9: {  	_ =	swait.ge [sflag:s19], $0x3000  }
0xca: {  	s8 =	smov.u32 s20;
	s21 =	rddreg [dreg:$0x7];
	[sflag:s19] =	ssyncset.done $0x0  }
0xcb: {  	[sflag:s19] =	ssyncadd.s32 $0xFFFFD000;
	s21 =	sadd.s32 s8, s21  }
0xcc: {  	[tilespmem:s7], [sflag:$0xC] =	stream.linear.gather [hbm4b:s21+s3], $0x100, $0x38;
	v63 =	vld [tilespmem:$0x0]  }
0xcd: {  	_ =	swait.ge [sflag:s9], $0x100  }
0xce: {  	[sflag:s9] =	ssyncset.done $0x0  }
0xcf: {  	[sflag:s9] =	ssyncadd.s32 $0xFFFFFF00  }
0xd0: {  	[tilespmem:s10], [sflag:$0x4] =	stream.indirect.gather [hbm4b:s4+s28], $0x80, s24, s28, $0xb8;
	v63 =	vld [tilespmem:$0x0]  }
0xd1: {  	_ =	swait.ge [sflag:s11], $0x3000  }
0xd2: {  	[sflag:s11] =	ssyncset.done $0x0  }
0xd3: {  	[sflag:s11] =	ssyncadd.s32 $0xFFFFD000  }
0xd4: {  	[spmem:s2] =	stream.indirect.scatter.add.f32 [tilespmem:s31], [sflag:$0x7], $0x80, s12, s28, $0xb8;
	v63 =	vld [tilespmem:$0x0]  }
0xd5: {  	_ =	swait.ge [sflag:s5], $0x3000  }
0xd6: {  	s21 =	rddreg [dreg:$0x6];
	[sflag:s5] =	ssyncset.done $0x0  }
0xd7: {  	[sflag:s5] =	ssyncadd.s32 $0xFFFFD000;
	s21 =	sadd.s32 s8, s21  }
0xd8: {  	[tilespmem:s22], [sflag:$0x9] =	stream.linear.gather [hbm4b:s21+s3], $0x100, $0x38;
	v63 =	vld [tilespmem:$0x0]  }
0xd9: {  	_ =	swait.ge [sflag:s13], $0x100  }
0xda: {  	[sflag:s13] =	ssyncset.done $0x0  }
0xdb: {  	[sflag:s13] =	ssyncadd.s32 $0xFFFFFF00  }
0xdc: {  	[tilespmem:s25], [sflag:$0x1] =	stream.indirect.gather [hbm4b:s4+s28], $0x80, s7, s28, $0xb8;
	v63 =	vld [tilespmem:$0x0]  }
0xdd: {  	_ =	swait.ge [sflag:s14], $0x3000  }
0xde: {  	[sflag:s14] =	ssyncset.done $0x0  }
0xdf: {  	[sflag:s14] =	ssyncadd.s32 $0xFFFFD000  }
0xe0: {  	[spmem:s2] =	stream.indirect.scatter.add.f32 [tilespmem:s10], [sflag:$0x8], $0x80, s15, s28, $0xb8;
	v63 =	vld [tilespmem:$0x0]  }
0xe1: {  	_ =	swait.ge [sflag:s16], $0x3000  }
0xe2: {  	s21 =	rddreg [dreg:$0x5];
	[sflag:s16] =	ssyncset.done $0x0  }
0xe3: {  	[sflag:s16] =	ssyncadd.s32 $0xFFFFD000;
	s21 =	sadd.s32 s8, s21  }
0xe4: {  	[tilespmem:s23], [sflag:$0xA] =	stream.linear.gather [hbm4b:s21+s3], $0x100, $0x38;
	v63 =	vld [tilespmem:$0x0]  }
0xe5: {  	_ =	swait.ge [sflag:s26], $0x100  }
0xe6: {  	[sflag:s26] =	ssyncset.done $0x0  }
0xe7: {  	[sflag:s26] =	ssyncadd.s32 $0xFFFFFF00  }
0xe8: {  	[tilespmem:s29], [sflag:$0x2] =	stream.indirect.gather [hbm4b:s4+s28], $0x80, s22, s28, $0xb8;
	v63 =	vld [tilespmem:$0x0]  }
0xe9: {  	_ =	swait.ge [sflag:s0], $0x3000  }
0xea: {  	[sflag:s0] =	ssyncset.done $0x0  }
0xeb: {  	[sflag:s0] =	ssyncadd.s32 $0xFFFFD000  }
0xec: {  	[spmem:s2] =	stream.indirect.scatter.add.f32 [tilespmem:s25], [sflag:$0x5], $0x80, s17, s28, $0xb8;
	v63 =	vld [tilespmem:$0x0]  }
0xed: {  	_ =	swait.ge [sflag:s18], $0x3000  }
0xee: {  	p0 =	sne.s32 s20, $0xC00;
	s21 =	rddreg [dreg:$0x4];
	[sflag:s18] =	ssyncset.done $0x0  }
.Ltmp1:
0xef: {  	[sflag:s18] =	ssyncadd.s32 $0xFFFFD000;
	s8 =	sadd.s32 s8, s21;
	(pc) =	sbr.rel @p0 .LBB2_4-.Ltmp1, $4  }
0xf0: {  	[tilespmem:s24], [sflag:$0xB] =	stream.linear.gather [hbm4b:s8+s3], $0x100, $0x38;
	v63 =	vld [tilespmem:$0x0]  }
0xf1: {  	_ =	swait.ge [sflag:s30], $0x100  }
0xf2: {  	[sflag:s30] =	ssyncset.done $0x0  }
0xf3: {  	s20 =	sadd.s32 $0x80, s20;
	[sflag:s30] =	ssyncadd.s32 $0xFFFFFF00  }
0xf4: {  	[tilespmem:s31], [sflag:$0x3] =	stream.indirect.gather [hbm4b:s4+s28], $0x80, s23, s28, $0xb8;
	v63 =	vld [tilespmem:$0x0]  }
0xf5: {  	_ =	swait.ge [sflag:s1], $0x3000  }
0xf6: {  	[sflag:s1] =	ssyncset.done $0x0  }
0xf7: {  	[sflag:s1] =	ssyncadd.s32 $0xFFFFD000  }
0xf8: {  	[spmem:s2] =	stream.indirect.scatter.add.f32 [tilespmem:s29], [sflag:$0x6], $0x80, s6, s28, $0xb8;
	v63 =	vld [tilespmem:$0x0]  }
0xf9: {  	_ =	swait.ge [sflag:s19], $0x3000  }
0xfa: {  	[sflag:s19] =	ssyncset.done $0x0  }
0xfb: {  	s8 =	rddreg [dreg:$0x16];
	[sflag:s19] =	ssyncadd.s32 $0xFFFFD000  }
0xfc: {  	[tilespmem:s7], [sflag:$0xC] =	stream.linear.gather [hbm4b:s8+s3], $0x100, $0x38;
	v63 =	vld [tilespmem:$0x0]  }
0xfd: {  	_ =	swait.ge [sflag:s9], $0x100  }
0xfe: {  	[sflag:s9] =	ssyncset.done $0x0  }
0xff: {  	[sflag:s9] =	ssyncadd.s32 $0xFFFFFF00  }
0x100: {  	[tilespmem:s10], [sflag:$0x4] =	stream.indirect.gather [hbm4b:s4+s28], $0x80, s24, s28, $0xb8;
	v63 =	vld [tilespmem:$0x0]  }
0x101: {  	_ =	swait.ge [sflag:s11], $0x3000  }
0x102: {  	[sflag:s11] =	ssyncset.done $0x0  }
0x103: {  	[sflag:s11] =	ssyncadd.s32 $0xFFFFD000  }
0x104: {  	[spmem:s2] =	stream.indirect.scatter.add.f32 [tilespmem:s31], [sflag:$0x7], $0x80, s12, s28, $0xb8;
	v63 =	vld [tilespmem:$0x0]  }
0x105: {  	_ =	swait.ge [sflag:s5], $0x3000  }
0x106: {  	[sflag:s5] =	ssyncset.done $0x0  }
0x107: {  	[sflag:s5] =	ssyncadd.s32 $0xFFFFD000  }
0x108: {  	_ =	swait.ge [sflag:s13], $0x100  }
0x109: {  	[sflag:s13] =	ssyncset.done $0x0  }
0x10a: {  	[sflag:s13] =	ssyncadd.s32 $0xFFFFFF00  }
0x10b: {  	[tilespmem:s25], [sflag:$0x1] =	stream.indirect.gather [hbm4b:s4+s28], $0x80, s7, s28, $0xb8;
	v63 =	vld [tilespmem:$0x0]  }
0x10c: {  	_ =	swait.ge [sflag:s14], $0x3000  }
0x10d: {  	[sflag:s14] =	ssyncset.done $0x0  }
0x10e: {  	[sflag:s14] =	ssyncadd.s32 $0xFFFFD000  }
0x10f: {  	[spmem:s2] =	stream.indirect.scatter.add.f32 [tilespmem:s10], [sflag:$0x8], $0x80, s15, s28, $0xb8;
	v63 =	vld [tilespmem:$0x0]  }
0x110: {  	_ =	swait.ge [sflag:s16], $0x3000  }
0x111: {  	[sflag:s16] =	ssyncset.done $0x0  }
0x112: {  	[sflag:s16] =	ssyncadd.s32 $0xFFFFD000  }
0x113: {  	_ =	swait.ge [sflag:s0], $0x3000  }
0x114: {  	[sflag:s0] =	ssyncset.done $0x0  }
0x115: {  	[sflag:s0] =	ssyncadd.s32 $0xFFFFD000  }
0x116: {  	[spmem:s2] =	stream.indirect.scatter.add.f32 [tilespmem:s25], [sflag:$0x5], $0x80, s17, s28, $0xb8;
	v63 =	vld [tilespmem:$0x0]  }
0x117: {  	_ =	swait.ge [sflag:s18], $0x3000  }
0x118: {  	[sflag:s18] =	ssyncset.done $0x0  }
0x119: {  	[sflag:s18] =	ssyncadd.s32 $0xFFFFD000  }
0x11a: {  	_ =	swait.ge [sflag:s19], $0x3000  }
0x11b: {  	[sflag:s19] =	ssyncset.done $0x0  }
0x11c: {  	[sflag:s19] =	ssyncadd.s32 $0xFFFFD000  }
0x11d: {  	s21 =	stileid.u32;
	[bflag:$0x0] =	sbarrier.arrive $0xFFFF  }
0x11e: {  	s8 =	sshll.u32 s21, $0x6;
	s20 =	rddreg [dreg:$0xb]  }
0x11f: {  	s8 =	sor.u32 $0x1C0D, s8;
	s21 =	rddreg [dreg:$0x17];
	s20 =	sshrl.u32 s20, $0x3  }
0x120: {  	[hbm:s21], [sflag:s8] =	dma.local [spmem:s20], $0x2780  }
0x121: {  	s20 =	simm.s32 $0xD  }
0x122: {  	_ =	swait.ge [sflag:s20], $0x2780  }
0x123: {  	s8 =	rddreg [dreg:$0x19]  }
0x124: {  	s21 =	sadd.s32 $0x1, s8;
	s8 =	rddreg [dreg:$0x18]  }
0x125: {  	p0 =	sne.s32 s21, s8  }
.Ltmp2:
0x126: {  	_ = 	snop;
	(pc) =	sbr.rel @p0 .LBB2_1-.Ltmp2, $3  }
0x127: {  	_ =	sdelay $0x1  }
0x128: {  	[sflag:s20] =	ssyncset.done $0x0  }
0x129: {  	[sflag:s20] =	ssyncadd.s32 $0xFFFFD880  }
0x12a: {  	_ =	sfence.sel $0x180000  }
0x12b: {  	[bflag:$0x0] =	sbarrier.arrive $0xFFFF  }
0x12c: {  	_ =	strace $0x9000004A  }
0x12d: {  	s0 =	stileid.u32;
	[bflag:$0x2] =	sbarrier.arrive $0xFFFF  }
0x12e: {  	p0 =	sne.s32 s0, $0x0;
	s0 =	rddreg [dreg:$0x3]  }
0x12f: {  	s0 =	sadd.s32 @!p0 $0x100000, s0  }
0x130: {  	[sflag:s0] =	ssyncadd.tile.s32 @!p0 $0x1;
	_ =	shalt  }
.Lfunc_end2:
_tile_overlayer_lowered:
.L_overlay_start_2:
0x131: {  	(tag) =	ssettag $0x2  }
0x132: {  	s0 =	rddreg [dreg:$0x0];
	s2 =	stileid.u32  }
0x133: {  	s1 =	rddreg [dreg:$0x1];
	p0 =	sne.s32 s2, $0x0  }
0x134: {  	s3 =	rddreg [dreg:$0x2];
	[bflag:$0x3] =	sbarrier.arrive $0xFFFF;
	s2 =	simm.s32 @!p0 $0x1C0D  }
0x135: {  	[timem:s3], [sflag:s2] =	dma.local @!p0 [hbm:s0], s1  }
0x136: {  	s0 =	simm.s32 @!p0 $0xD  }
0x137: {  	_ =	swait.ge @!p0 [sflag:s0], s1  }
0x138: {  	s1 =	ssub.s32 @!p0 $0x0, s1;
	[sflag:s0] =	ssyncset.done @!p0 $0x0  }
0x139: {  	[sflag:s0] =	ssyncadd.s32 @!p0 s1  }
0x13a: {  	[bflag:$0x3] =	sbarrier.arrive $0xFFFF  }
0x13b: {  	_ =	shalt  }

// kernel: kernel.14.cloned.1.call-start
scs
__scs_entry_jumppad:
0x0: {  	(pc) =	sbr.rel $0x88, $3  }
0x1: {  	(tag) =	ssettag $0x0;
	lr =	simm.s32 $0x1  }
0x2: {  	[smem:$0x3F99] =	sst lr;
	_ =	strace $0xD0000000  }
0x3: {  	_ = 	snop  }
0x4: {  	_ = 	snop  }
0x5: {  	_ = 	snop  }
0x6: {  	_ = 	snop  }
0x7: {  	_ = 	snop  }
__scs_overlays_trampoline_lowered:
0x8: {  	[smem:$0x3FA8] =	sst s0  }
0x9: {  	[smem:$0x3FA9] =	sst s1  }
0xa: {  	[smem:$0x3FAA] =	sst s2  }
0xb: {  	[smem:$0x3FAB] =	sst s3  }
0xc: {  	[smem:$0x3FAC] =	sst s4  }
0xd: {  	[smem:$0x3FAD] =	sst s5  }
0xe: {  	[smem:$0x3FAE] =	sst s6  }
0xf: {  	[smem:$0x3FAF] =	sst s7  }
0x10: {  	[smem:$0x3FB0] =	sst s8  }
0x11: {  	[smem:$0x3FB1] =	sst s9;
	s0 =	simm.s32 @!p0 $0x0  }
0x12: {  	s1 =	sld [smem:$0x3F97];
	s0 =	simm.s32 @p0 $0x1  }
0x13: {  	[smem:$0x3FB2] =	sst s0;
	s0 =	simm.s32 @!p1 $0x0  }
0x14: {  	s2 =	sld [smem:$0x3F96];
	s0 =	simm.s32 @p1 $0x1  }
0x15: {  	[smem:$0x3FB3] =	sst s0;
	s0 =	simm.s32 @!p2 $0x0  }
0x16: {  	s3 =	sld [smem:$0x3FDB];
	s0 =	simm.s32 @p2 $0x1  }
0x17: {  	s4 =	simm.s32 $0x1BF5;
	[smem:$0x3FB5] =	sst s0  }
0x18: {  	s0 =	sld [smem:$0x3F98];
	_ =	swait.ge [sflag:s4], $0x0  }
0x19: {  	s7 =	sld [smem:$0x3F99]  }
0x1a: {  	s8 =	sadd.s32 $0xFFFFE003, lr  }
0x1b: {  	s9 =	sadd.s32 $0xFFFFFEF7, lr;
	s5 =	simm.s32 $0xFFFFFFFF;
	p2 =	slt.u32 s8, $0xFFFFF086  }
0x1c: {  	p1 =	slt.u32 s9, $0xF7A;
	s5 =	simm.s32 @!p2 $0x0  }
0x1d: {  	s5 =	simm.s32 @p1 $0x1;
	p0 =	seq.s32 s7, s2  }
0x1e: {  	s7 =	smul.u32 @!p0 $0xF7A, s2;
	p2 =	seq.s32 @!p0 s5, $0x0  }
0x1f: {  	s9 =	smul.u32 $0xF7A, s1;
	s8 =	simm.s32 @!p0 $0x1BF5;
	p2 =	por !p2, p0  }
0x20: {  	[sflag:s8] =	ssyncset.s32 @!p0 $0xFFFFF086;
	s6 =	sadd.s32 @!p0 s3, s7;
	s7 =	simm.s32 @!p0 $0x108  }
0x21: {  	s3 =	sadd.s32 s3, s9;
	s6 =	sadd.s32 @!p0 $0x88, s6;
	s7 =	simm.s32 @p2 $0x1082  }
0x22: {  	[simem:s7], [sflag:s8] =	dma.local @!p0 [hbm:s6], $0xF7A  }
0x23: {  	s9 =	sor.u32 $0xD0000000, s2;
	s6 =	simm.s32 $0x108;
	_ =	swait.ge @!p0 [sflag:s8], $0x0  }
0x24: {  	s3 =	sadd.s32 $0x88, s3;
	s6 =	simm.s32 @!p1 $0x1082;
	[sflag:s4] =	ssyncset.s32 $0xFFFFF086  }
0x25: {  	[simem:s6], [sflag:s4] =	dma.local [hbm:s3], $0xF7A  }
0x26: {  	[smem:$0x3F99] =	sst s1;
	(tag) =	ssettag s2;
	_ =	strace s9  }
0x27: {  	s1 =	sld [smem:$0x3FA9]  }
0x28: {  	s2 =	sld [smem:$0x3FAA]  }
0x29: {  	s4 =	sld [smem:$0x3FAC]  }
0x2a: {  	p0 =	seq.s32 s5, $0x0;
	s5 =	sld [smem:$0x3FAD]  }
0x2b: {  	s6 =	sld [smem:$0x3FAE]  }
0x2c: {  	s7 =	sld [smem:$0x3FAF]  }
0x2d: {  	s3 =	simm.s32 $0x108;
	s8 =	sld [smem:$0x3FB0]  }
0x2e: {  	s3 =	simm.s32 @!p0 $0x1082;
	s9 =	sld [smem:$0x3FB1]  }
0x2f: {  	lr =	sadd.s32 s0, s3;
	s0 =	sld [smem:$0x3FA8]  }
0x30: {  	s3 =	sld [smem:$0x3FAB]  }
0x31: {  	[smem:$0x3FB4] =	sst s10  }
0x32: {  	s10 =	sld [smem:$0x3FB2];
	_ =	sdelay $0x3  }
0x33: {  	p0 =	seq.s32 s10, $0x1;
	s10 =	sld [smem:$0x3FB4];
	_ =	sdelay $0x3  }
0x34: {  	[smem:$0x3FB4] =	sst s10  }
0x35: {  	s10 =	sld [smem:$0x3FB3];
	_ =	sdelay $0x3  }
0x36: {  	p1 =	seq.s32 s10, $0x1;
	s10 =	sld [smem:$0x3FB4];
	_ =	sdelay $0x3  }
0x37: {  	[smem:$0x3FB4] =	sst s10  }
0x38: {  	s10 =	sld [smem:$0x3FB5]  }
0x39: {  	_ = 	snop;
	(pc) =	sbr.ind lr, $3  }
0x3a: {  	_ = 	snop  }
0x3b: {  	_ = 	snop  }
0x3c: {  	p2 =	seq.s32 s10, $0x1;
	s10 =	sld [smem:$0x3FB4]  }
0x3d: {  	_ =	shalt  }
0x3e: {  	_ =	shalt  }
0x3f: {  	_ =	shalt  }
0x40: {  	_ =	shalt  }
0x41: {  	_ =	shalt  }
0x42: {  	_ =	shalt  }
0x43: {  	_ =	shalt  }
0x44: {  	_ =	shalt  }
0x45: {  	_ =	shalt  }
0x46: {  	_ =	shalt  }
0x47: {  	_ =	shalt  }
0x48: {  	_ =	shalt  }
0x49: {  	_ =	shalt  }
0x4a: {  	_ =	shalt  }
0x4b: {  	_ =	shalt  }
0x4c: {  	_ =	shalt  }
0x4d: {  	_ =	shalt  }
0x4e: {  	_ =	shalt  }
0x4f: {  	_ =	shalt  }
0x50: {  	_ =	shalt  }
0x51: {  	_ =	shalt  }
0x52: {  	_ =	shalt  }
0x53: {  	_ =	shalt  }
0x54: {  	_ =	shalt  }
0x55: {  	_ =	shalt  }
0x56: {  	_ =	shalt  }
0x57: {  	_ =	shalt  }
0x58: {  	_ =	shalt  }
0x59: {  	_ =	shalt  }
0x5a: {  	_ =	shalt  }
0x5b: {  	_ =	shalt  }
0x5c: {  	_ =	shalt  }
0x5d: {  	_ =	shalt  }
0x5e: {  	_ =	shalt  }
0x5f: {  	_ =	shalt  }
0x60: {  	_ =	shalt  }
0x61: {  	_ =	shalt  }
0x62: {  	_ =	shalt  }
0x63: {  	_ =	shalt  }
0x64: {  	_ =	shalt  }
0x65: {  	_ =	shalt  }
0x66: {  	_ =	shalt  }
0x67: {  	_ =	shalt  }
0x68: {  	_ =	shalt  }
0x69: {  	_ =	shalt  }
0x6a: {  	_ =	shalt  }
0x6b: {  	_ =	shalt  }
0x6c: {  	_ =	shalt  }
0x6d: {  	_ =	shalt  }
0x6e: {  	_ =	shalt  }
0x6f: {  	_ =	shalt  }
0x70: {  	_ =	shalt  }
0x71: {  	_ =	shalt  }
0x72: {  	_ =	shalt  }
0x73: {  	_ =	shalt  }
0x74: {  	_ =	shalt  }
0x75: {  	_ =	shalt  }
0x76: {  	_ =	shalt  }
0x77: {  	_ =	shalt  }
0x78: {  	_ =	shalt  }
0x79: {  	_ =	shalt  }
0x7a: {  	_ =	shalt  }
0x7b: {  	_ =	shalt  }
0x7c: {  	_ =	shalt  }
0x7d: {  	_ =	shalt  }
0x7e: {  	_ =	shalt  }
0x7f: {  	_ =	shalt  }
0x80: {  	_ =	shalt  }
0x81: {  	_ =	shalt  }
0x82: {  	_ =	shalt  }
0x83: {  	_ =	shalt  }
0x84: {  	_ =	shalt  }
0x85: {  	_ =	shalt  }
0x86: {  	_ =	shalt  }
0x87: {  	_ =	shalt  }
.Lfunc_end0:
.L_simem_size_0:
called_computation.2_lowered:
.L_overlay_start_0:
0x88: {  	s2 =	sld [smem:$0x3FD9]  }
0x89: {  	s3 =	sld [smem:$0x3FFE];
	_ =	sdelay $0x1  }
0x8a: {  	s1 =	srdreg.scid  }
0x8b: {  	s0 =	sand.u32 $0x1, s1  }
0x8c: {  	s14 =	sshll.u32 s0, $0xA;
	s2 =	sadd.s32 s3, s2  }
0x8d: {  	s2 =	sadd.s32 s2, s14  }
0x8e: {  	[smem:$0x3FC0] =	sst s2  }
0x8f: {  	_ = 	snop  }
0x90: {  	s2 =	sld [smem:$0x3FD0];
	_ =	sdelay $0x2  }
0x91: {  	s15 =	simm.s32 $0xA;
	s4 =	simm.s32 $0x10  }
0x92: {  	[smem:s4], [sflag:s15] =	dma.local [hbm:s2], $0x1  }
0x93: {  	_ =	swait.eq [sflag:s15], $0x1  }
0x94: {  	[sflag:s15] =	ssyncset.done $0x0  }
0x95: {  	[sflag:s15] =	ssyncadd.s32 $0xFFFFFFFF  }
0x96: {  	s16 =	sld [smem:$0x11];
	(tm) =	ssettm $0x1  }
0x97: {  	s17 =	sld [smem:$0x3FFB];
	_ =	sdelay $0x3  }
0x98: {  	_ =	strace s17  }
0x99: {  	s3 =	sld [smem:$0x3FFC];
	_ =	sdelay $0x3  }
0x9a: {  	_ =	strace s3  }
0x9b: {  	s3 =	sld [smem:$0x3FFD];
	_ =	sdelay $0x3  }
0x9c: {  	_ =	strace s3  }
0x9d: {  	_ =	strace $0x8FFFFFFF  }
0x9e: {  	s18 =	sld [smem:$0x3FDB];
	_ =	sdelay $0x1  }
0x9f: {  	s19 =	simm.s32 $_scs_section_size  }
0xa0: {  	s5 =	simm.s32 $_size__tile_overlayer_lowered;
	s6 =	simm.s32 $_tile_overlayer_lowered  }
0xa1: {  	s22 =	simm.s32 $0x1BFF;
	s21 =	sshll.u32 s6, $0x1;
	s3 =	sadd.s32 s19, s18  }
0xa2: {  	s7 =	simm.s32 $0x0;
	s20 =	sshll.u32 s5, $0x1;
	s5 =	sadd.s32 s21, s3  }
0xa3: {  	[timem:s7], [sflag:s22] =	dma.local [hbm:s5], s20  }
0xa4: {  	_ =	swait.ge [sflag:s22], s20  }
0xa5: {  	s4 =	ssub.s32 $0x0, s20;
	[sflag:s22] =	ssyncset.done $0x0  }
0xa6: {  	[sflag:s22] =	ssyncadd.s32 s4;
	_ =	sdelay $0x1  }
0xa7: {  	s23 =	simm.s32 $0x1B8B  }
0xa8: {  	_ =	swait.ge [sflag:s23], $0x1  }
0xa9: {  	[sflag:s23] =	ssyncset.done $0x0  }
0xaa: {  	s25 =	simm.s32 $0x1B8E;
	s24 =	sld [smem:$0x3FFE];
	[sflag:s23] =	ssyncadd.s32 $0xFFFFFFFF  }
0xab: {  	s26 =	simm.s32 $execute0_lowered;
	[smem:$0x3FD2] =	sst s25  }
0xac: {  	s5 =	sshll.u32 s26, $0x1;
	_ =	strace $0x8000004C;
	[dreg:$0x1] =	wrdreg $0xFFFFFFFF  }
0xad: {  	s28 =	simm.s32 $_size_execute0_lowered;
	s3 =	sadd.s32 s3, s5;
	[dreg:$0x0] =	wrdreg $0x0  }
0xae: {  	s5 =	sshll.u32 s28, $0x1;
	[dreg:$0x2] =	wrdreg s3  }
0xaf: {  	[dreg:$0x3] =	wrdreg s5  }
0xb0: {  	[dreg:$0x4] =	wrdreg $0xC0  }
0xb1: {  	_ =	task [dreg:s7], $0x5FFFF  }
0xb2: {  	[dreg:$0x1] =	wrdreg $0xFFFFFFFF  }
0xb3: {  	[dreg:$0x0] =	wrdreg $0x60  }
0xb4: {  	[dreg:$0x2] =	wrdreg s24  }
0xb5: {  	[dreg:$0x3] =	wrdreg s16  }
0xb6: {  	[dreg:$0x4] =	wrdreg $0x0  }
0xb7: {  	[dreg:$0x5] =	wrdreg $0x9  }
0xb8: {  	_ =	task.clear_ibuf [dreg:s7], $0x6FFFF;
	_ =	strace $0x9000004C  }
0xb9: {  	s29 =	simm.s32 $0x9;
	_ =	strace $0x8000004E  }
0xba: {  	_ =	swait.ge [sflag:s29], $0x1  }
0xbb: {  	[sflag:s29] =	ssyncadd.s32 $0xFFFFFFFF  }
0xbc: {  	_ =	strace $0x9000004E  }
0xbd: {  	_ =	sfence  }
0xbe: {  	s30 =	sld [smem:$0x0];
	_ =	sdelay $0x2  }
0xbf: {  	s31 =	sshll.u32 s1, $0xD;
	s1 =	sshrl.u32 s1, $0x2  }
0xc0: {  	s3 =	sand.u32 $0x4000, s31;
	s1 =	sadd.s32 s1, s30  }
0xc1: {  	s0 =	sor.u32 s3, s0;
	s1 =	sshll.u32 s1, $0x11  }
0xc2: {  	s0 =	sor.u32 s1, s0  }
0xc3: {  	s0 =	sadd.s32 $0x8F2B, s0  }
0xc4: {  	[sflag:s0] =	ssyncadd.remote.s32 $0x1  }
0xc5: {  	_ =	sfence.sel $0xFFFF  }
0xc6: {  	[dreg:$0x0] =	wrdreg $0xFFFFFFFF;
	(pc) =	sbr.abs _section_cstart, $3  }
0xc7: {  	[dreg:$0x1] =	wrdreg $0xFFFFFFFF  }
0xc8: {  	_ =	task.clear_ibuf [dreg:s7], $0x2FFFF;
	_ =	strace $0x9FFFFFFF  }
0xc9: {  	(tm) =	ssettm $0x7FFFFFFF  }
tec
execute0_lowered:
.L_overlay_start_1:
0x0: {  	(tag) =	ssettag $0x1  }
0x1: {  	s0 =	rddreg [dreg:$0x0]  }
0x2: {  	s1 =	rddreg [dreg:$0x1]  }
0x3: {  	s2 =	rddreg [dreg:$0x2]  }
0x4: {  	s4 =	srdreg.scid;
	s11 =	stileid.u32;
	s3 =	simm.s32 $0x0  }
0x5: {  	s28 =	simm.s32 $0x60;
	s29 =	simm.s32 $0x16C00;
	s30 =	simm.s32 $0xA  }
0x6: {  	s31 =	simm.s32 $0x19C00;
	s5 =	sand.u32 $0x1, s4;
	s6 =	smul.u32 $0x2780, s11  }
0x7: {  	[smem:$0x7FF] =	sst s3;
	s4 =	sadd.s32 $0x2A00, s0;
	s10 =	smul.u32 $0x4F000, s11  }
0x8: {  	s25 =	sadd.s32 $0x20, s1;
	s14 =	smul.u32 $0x6C, s11;
	s19 =	sadd.s32 $0x60, s1  }
0x9: {  	s7 =	smul.u32 $0x27800, s5;
	s8 =	sshll.u32 s5, $0x4;
	_ =	strace $0x8000004D  }
0xa: {  	s23 =	ssub.s32 $0x2, s5;
	s5 =	smul.u32 $0x6C0, s5;
	s8 =	sor.u32 s11, s8  }
0xb: {  	s24 =	sshrl.u32 s23, $0x1;
	s10 =	sshrl.u32 s10, $0x2;
	s9 =	smul.u32 $0xD80, s8  }
0xc: {  	s11 =	simm.s32 $0x3;
	s6 =	sadd.s32 s6, s7;
	s8 =	smul.u32 $0x6C00, s8  }
0xd: {  	s26 =	sadd.s32 s10, s2;
	s5 =	sadd.s32 s14, s5;
	s14 =	simm.s32 $0x4  }
0xe: {  	s0 =	sadd.s32 s6, s0;
	s10 =	sadd.s32 $0x3000, s26;
	[dreg:$0xb] =	wrdreg s26  }
0xf: {  	s6 =	ssub.s32 s23, s24;
	s15 =	sadd.s32 $0x9000, s26;
	[dreg:$0xc] =	wrdreg s10  }
0x10: {  	s16 =	sadd.s32 $0xC000, s26;
	s17 =	sadd.s32 $0xF000, s26;
	[dreg:$0xe] =	wrdreg s15  }
0x11: {  	s18 =	sadd.s32 $0x12000, s26;
	s5 =	sshll.u32 s5, $0x5;
	[dreg:$0xf] =	wrdreg s16  }
0x12: {  	s12 =	sadd.s32 s1, s9;
	s13 =	sadd.s32 s9, s25;
	[dreg:$0x10] =	wrdreg s17  }
0x13: {  	[dreg:$0x11] =	wrdreg s18;
	s8 =	sshrl.u32 s8, $0x3;
	s9 =	sadd.s32 s9, s19  }
0x14: {  	s7 =	sadd.s32 s25, s5;
	s0 =	sadd.s32 $0x79200, s0;
	[dreg:$0x9] =	wrdreg s13  }
0x15: {  	s10 =	simm.s32 $0x1CC00;
	s15 =	simm.s32 $0x1FE80;
	[dreg:$0x8] =	wrdreg s12  }
0x16: {  	s16 =	simm.s32 $0x7;
	s17 =	simm.s32 $0x1FF80;
	[dreg:$0x12] =	wrdreg s9  }
0x17: {  	s18 =	simm.s32 $0x8;
	s12 =	sadd.s32 $0x40, s12;
	[dreg:$0x17] =	wrdreg s0  }
0x18: {  	s13 =	sadd.s32 $0x6000, s26;
	s8 =	sadd.s32 s1, s8;
	[dreg:$0xa] =	wrdreg s12  }
0x19: {  	s1 =	sadd.s32 s1, s5;
	s7 =	sadd.s32 $0x100, s7;
	[dreg:$0xd] =	wrdreg s13  }
0x1a: {  	s5 =	sadd.s32 s19, s5;
	s26 =	smax.u32 s6, $0x1;
	[dreg:$0x5] =	wrdreg s7  }
0x1b: {  	s0 =	simm.s32 $0x1;
	s20 =	sadd.s32 $0x80, s8;
	[dreg:$0x18] =	wrdreg s26  }
0x1c: {  	s6 =	simm.s32 $0x1FC80;
	s21 =	sadd.s32 $0xA0, s8;
	[dreg:$0x13] =	wrdreg s20  }
0x1d: {  	s9 =	simm.s32 $0xB;
	s22 =	sadd.s32 $0x140, s1;
	[dreg:$0x14] =	wrdreg s21  }
0x1e: {  	s19 =	simm.s32 $0x5;
	s23 =	sadd.s32 $0xC0, s8;
	[dreg:$0x4] =	wrdreg s22  }
0x1f: {  	s1 =	sadd.s32 $0x100, s1;
	s24 =	sadd.s32 $0xD60, s8;
	[dreg:$0x15] =	wrdreg s23  }
0x20: {  	s25 =	sadd.s32 $0x80, s5;
	s26 =	simm.s32 $0x9;
	[dreg:$0x16] =	wrdreg s24  }
0x21: {  	s7 =	simm.s32 $0x1FF00;
	s12 =	simm.s32 $0x1FD80;
	[dreg:$0x6] =	wrdreg s1  }
0x22: {  	s5 =	simm.s32 $0x6;
	s13 =	simm.s32 $0xC;
	[dreg:$0x7] =	wrdreg s25  }
0x23: {  	s22 =	simm.s32 $0x1FC00;
	s23 =	simm.s32 $0x1FD00;
	s24 =	simm.s32 $0x1FE00  }
0x24: {  	v0 =	vimm.f32 $0.0e+00;
	s25 =	simm.s32 $0x13C00;
	s1 =	simm.s32 $0x2;
	s21 =	simm.s32 $0x0  }
.LBB2_1:
0x25: {  	s8 =	rddreg [dreg:$0x8]  }
0x26: {  	[tilespmem:s22], [sflag:$0x9] =	stream.linear.gather [hbm4b:s8+s3], $0x100, $0x38;
	v63 =	vld [tilespmem:$0x0]  }
0x27: {  	s20 =	rddreg [dreg:$0x9]  }
0x28: {  	[tilespmem:s23], [sflag:$0xA] =	stream.linear.gather [hbm4b:s20+s3], $0x100, $0x38;
	v63 =	vld [tilespmem:$0x0]  }
0x29: {  	s20 =	rddreg [dreg:$0xa]  }
0x2a: {  	[tilespmem:s24], [sflag:$0xB] =	stream.linear.gather [hbm4b:s20+s3], $0x100, $0x38;
	v63 =	vld [tilespmem:$0x0]  }
0x2b: {  	s8 =	simm.s32 $0x0;
	s20 =	simm.s32 $0x200  }
.LBB2_2:
0x2c: {  	p0 =	sne.s32 s20, $0xBE00;
	[tilespmem:s8+$0x13C70] =	vst v0  }
0x2d: {  	[tilespmem:s8+$0x13C00] =	vst v0  }
0x2e: {  	[tilespmem:s8+$0x13C10] =	vst v0  }
.Ltmp0:
0x2f: {  	[tilespmem:s8+$0x13C20] =	vst v0;
	(pc) =	sbr.rel @p0 .LBB2_2-.Ltmp0, $4  }
0x30: {  	[tilespmem:s8+$0x13C30] =	vst v0  }
0x31: {  	[tilespmem:s8+$0x13C40] =	vst v0  }
0x32: {  	[tilespmem:s8+$0x13C50] =	vst v0  }
0x33: {  	[tilespmem:s8+$0x13C60] =	vst v0;
	s8 =	sshra.s32 s20, $0x2;
	s20 =	sadd.s32 $0x200, s20  }
0x34: {  	[tilespmem:s8+$0x13C70] =	vst v0  }
0x35: {  	[tilespmem:s8+$0x13C00] =	vst v0  }
0x36: {  	[tilespmem:s8+$0x13C10] =	vst v0  }
0x37: {  	[tilespmem:s8+$0x13C20] =	vst v0  }
0x38: {  	[tilespmem:s8+$0x13C30] =	vst v0  }
0x39: {  	[tilespmem:s8+$0x13C40] =	vst v0  }
0x3a: {  	[dreg:$0x19] =	wrdreg s21;
	[tilespmem:s8+$0x13C50] =	vst v0  }
0x3b: {  	[tilespmem:s8+$0x13C60] =	vst v0;
	s20 =	rddreg [dreg:$0xb]  }
0x3c: {  	[spmem:s20] =	stream.linear.scatter [tilespmem:s25], [sflag:$0x1], $0x3000, $0x38;
	v63 =	vld [tilespmem:$0x0]  }
0x3d: {  	s21 =	rddreg [dreg:$0xc]  }
0x3e: {  	[spmem:s21] =	stream.linear.scatter [tilespmem:s25], [sflag:$0x1], $0x3000, $0x38;
	v63 =	vld [tilespmem:$0x0]  }
0x3f: {  	s20 =	rddreg [dreg:$0xd]  }
0x40: {  	[spmem:s20] =	stream.linear.scatter [tilespmem:s25], [sflag:$0x1], $0x3000, $0x38;
	v63 =	vld [tilespmem:$0x0]  }
0x41: {  	s21 =	rddreg [dreg:$0xe]  }
0x42: {  	[spmem:s21] =	stream.linear.scatter [tilespmem:s25], [sflag:$0x1], $0x3000, $0x38;
	v63 =	vld [tilespmem:$0x0]  }
0x43: {  	s20 =	rddreg [dreg:$0xf]  }
0x44: {  	[spmem:s20] =	stream.linear.scatter [tilespmem:s25], [sflag:$0x1], $0x3000, $0x38;
	v63 =	vld [tilespmem:$0x0]  }
0x45: {  	s21 =	rddreg [dreg:$0x10]  }
0x46: {  	[spmem:s21] =	stream.linear.scatter [tilespmem:s25], [sflag:$0x1], $0x3000, $0x38;
	v63 =	vld [tilespmem:$0x0]  }
0x47: {  	s20 =	rddreg [dreg:$0x11]  }
0x48: {  	[spmem:s20] =	stream.linear.scatter [tilespmem:s25], [sflag:$0x1], $0x1C00, $0x38;
	v63 =	vld [tilespmem:$0x0]  }
0x49: {  	_ =	swait.ge [sflag:s26], $0x100  }
0x4a: {  	[sflag:s26] =	ssyncset.done $0x0  }
0x4b: {  	[sflag:s26] =	ssyncadd.s32 $0xFFFFFF00  }
0x4c: {  	[tilespmem:s29], [sflag:$0x2] =	stream.indirect.gather [hbm4b:s4+s28], $0x80, s22, s28, $0xb8;
	v63 =	vld [tilespmem:$0x0]  }
0x4d: {  	_ =	swait.ge [sflag:s30], $0x100  }
0x4e: {  	[sflag:s30] =	ssyncset.done $0x0  }
0x4f: {  	[sflag:s30] =	ssyncadd.s32 $0xFFFFFF00  }
0x50: {  	[tilespmem:s31], [sflag:$0x3] =	stream.indirect.gather [hbm4b:s4+s28], $0x80, s23, s28, $0xb8;
	v63 =	vld [tilespmem:$0x0]  }
0x51: {  	_ =	swait.ge [sflag:s0], $0x3000  }
0x52: {  	[sflag:s0] =	ssyncset.done $0x0  }
0x53: {  	[sflag:s0] =	ssyncadd.s32 $0xFFFFD000  }
0x54: {  	_ =	swait.ge [sflag:s0], $0x3000  }
0x55: {  	[sflag:s0] =	ssyncset.done $0x0  }
0x56: {  	[sflag:s0] =	ssyncadd.s32 $0xFFFFD000  }
0x57: {  	_ =	swait.ge [sflag:s0], $0x3000  }
0x58: {  	[sflag:s0] =	ssyncset.done $0x0  }
0x59: {  	[sflag:s0] =	ssyncadd.s32 $0xFFFFD000  }
0x5a: {  	_ =	swait.ge [sflag:s0], $0x3000  }
0x5b: {  	[sflag:s0] =	ssyncset.done $0x0  }
0x5c: {  	[sflag:s0] =	ssyncadd.s32 $0xFFFFD000  }
0x5d: {  	_ =	swait.ge [sflag:s0], $0x3000  }
0x5e: {  	[sflag:s0] =	ssyncset.done $0x0  }
0x5f: {  	[sflag:s0] =	ssyncadd.s32 $0xFFFFD000  }
0x60: {  	_ =	swait.ge [sflag:s0], $0x3000  }
0x61: {  	[sflag:s0] =	ssyncset.done $0x0  }
0x62: {  	[sflag:s0] =	ssyncadd.s32 $0xFFFFD000  }
0x63: {  	_ =	swait.ge [sflag:s0], $0x1C00  }
0x64: {  	[sflag:s0] =	ssyncset.done $0x0  }
0x65: {  	[sflag:s0] =	ssyncadd.s32 $0xFFFFE400  }
0x66: {  	[bflag:$0x0] =	sbarrier.arrive $0xFFFF  }
0x67: {  	_ =	swait.ge [sflag:s1], $0x3000  }
0x68: {  	[sflag:s1] =	ssyncset.done $0x0  }
0x69: {  	[sflag:s1] =	ssyncadd.s32 $0xFFFFD000  }
0x6a: {  	[spmem:s2] =	stream.indirect.scatter.add.f32 [tilespmem:s29], [sflag:$0x6], $0x80, s6, s28, $0xb8;
	v63 =	vld [tilespmem:$0x0]  }
0x6b: {  	s8 =	simm.s32 $0x0;
	s20 =	rddreg [dreg:$0x12]  }
0x6c: {  	[tilespmem:s7], [sflag:$0xC] =	stream.linear.gather [hbm4b:s20+s8], $0x100, $0x38;
	v63 =	vld [tilespmem:$0x0]  }
0x6d: {  	_ =	swait.ge [sflag:s9], $0x100  }
0x6e: {  	[sflag:s9] =	ssyncset.done $0x0  }
0x6f: {  	[sflag:s9] =	ssyncadd.s32 $0xFFFFFF00  }
0x70: {  	[tilespmem:s10], [sflag:$0x4] =	stream.indirect.gather [hbm4b:s4+s28], $0x80, s24, s28, $0xb8;
	v63 =	vld [tilespmem:$0x0]  }
0x71: {  	_ =	swait.ge [sflag:s11], $0x3000  }
0x72: {  	[sflag:s11] =	ssyncset.done $0x0  }
0x73: {  	[sflag:s11] =	ssyncadd.s32 $0xFFFFD000  }
0x74: {  	[spmem:s2] =	stream.indirect.scatter.add.f32 [tilespmem:s31], [sflag:$0x7], $0x80, s12, s28, $0xb8;
	v63 =	vld [tilespmem:$0x0]  }
0x75: {  	_ =	swait.ge [sflag:s5], $0x3000  }
0x76: {  	[sflag:s5] =	ssyncset.done $0x0  }
0x77: {  	s21 =	rddreg [dreg:$0x13];
	[sflag:s5] =	ssyncadd.s32 $0xFFFFD000  }
0x78: {  	[tilespmem:s22], [sflag:$0x9] =	stream.linear.gather [hbm4b:s21+s8], $0x100, $0x38;
	v63 =	vld [tilespmem:$0x0]  }
0x79: {  	_ =	swait.ge [sflag:s13], $0x100  }
0x7a: {  	[sflag:s13] =	ssyncset.done $0x0  }
0x7b: {  	[sflag:s13] =	ssyncadd.s32 $0xFFFFFF00  }
0x7c: {  	[tilespmem:s25], [sflag:$0x1] =	stream.indirect.gather [hbm4b:s4+s28], $0x80, s7, s28, $0xb8;
	v63 =	vld [tilespmem:$0x0]  }
0x7d: {  	_ =	swait.ge [sflag:s14], $0x3000  }
0x7e: {  	[sflag:s14] =	ssyncset.done $0x0  }
0x7f: {  	[sflag:s14] =	ssyncadd.s32 $0xFFFFD000  }
0x80: {  	[spmem:s2] =	stream.indirect.scatter.add.f32 [tilespmem:s10], [sflag:$0x8], $0x80, s15, s28, $0xb8;
	v63 =	vld [tilespmem:$0x0]  }
0x81: {  	_ =	swait.ge [sflag:s16], $0x3000  }
0x82: {  	[sflag:s16] =	ssyncset.done $0x0  }
0x83: {  	s21 =	rddreg [dreg:$0x14];
	[sflag:s16] =	ssyncadd.s32 $0xFFFFD000  }
0x84: {  	[tilespmem:s23], [sflag:$0xA] =	stream.linear.gather [hbm4b:s21+s8], $0x100, $0x38;
	v63 =	vld [tilespmem:$0x0]  }
0x85: {  	_ =	swait.ge [sflag:s26], $0x100  }
0x86: {  	[sflag:s26] =	ssyncset.done $0x0  }
0x87: {  	[sflag:s26] =	ssyncadd.s32 $0xFFFFFF00  }
0x88: {  	[tilespmem:s29], [sflag:$0x2] =	stream.indirect.gather [hbm4b:s4+s28], $0x80, s22, s28, $0xb8;
	v63 =	vld [tilespmem:$0x0]  }
0x89: {  	_ =	swait.ge [sflag:s0], $0x3000  }
0x8a: {  	[sflag:s0] =	ssyncset.done $0x0  }
0x8b: {  	[sflag:s0] =	ssyncadd.s32 $0xFFFFD000  }
0x8c: {  	[spmem:s2] =	stream.indirect.scatter.add.f32 [tilespmem:s25], [sflag:$0x5], $0x80, s17, s28, $0xb8;
	v63 =	vld [tilespmem:$0x0]  }
0x8d: {  	_ =	swait.ge [sflag:s18], $0x3000  }
0x8e: {  	[sflag:s18] =	ssyncset.done $0x0  }
0x8f: {  	s21 =	rddreg [dreg:$0x15];
	[sflag:s18] =	ssyncadd.s32 $0xFFFFD000  }
0x90: {  	[tilespmem:s24], [sflag:$0xB] =	stream.linear.gather [hbm4b:s21+s8], $0x100, $0x38;
	v63 =	vld [tilespmem:$0x0]  }
0x91: {  	_ =	swait.ge [sflag:s30], $0x100  }
0x92: {  	[sflag:s30] =	ssyncset.done $0x0  }
0x93: {  	[sflag:s30] =	ssyncadd.s32 $0xFFFFFF00  }
0x94: {  	[tilespmem:s31], [sflag:$0x3] =	stream.indirect.gather [hbm4b:s4+s28], $0x80, s23, s28, $0xb8;
	v63 =	vld [tilespmem:$0x0]  }
0x95: {  	_ =	swait.ge [sflag:s1], $0x3000  }
0x96: {  	[sflag:s1] =	ssyncset.done $0x0  }
0x97: {  	[sflag:s1] =	ssyncadd.s32 $0xFFFFD000  }
0x98: {  	[spmem:s2] =	stream.indirect.scatter.add.f32 [tilespmem:s29], [sflag:$0x6], $0x80, s6, s28, $0xb8;
	v63 =	vld [tilespmem:$0x0]  }
0x99: {  	_ =	swait.ge [sflag:s19], $0x3000  }
0x9a: {  	s20 =	rddreg [dreg:$0x7];
	[sflag:s19] =	ssyncset.done $0x0  }
0x9b: {  	[sflag:s19] =	ssyncadd.s32 $0xFFFFD000;
	s8 =	sadd.s32 $0x0, s20  }
0x9c: {  	[tilespmem:s7], [sflag:$0xC] =	stream.linear.gather [hbm4b:s8+s3], $0x100, $0x38;
	v63 =	vld [tilespmem:$0x0]  }
0x9d: {  	_ =	swait.ge [sflag:s9], $0x100  }
0x9e: {  	[sflag:s9] =	ssyncset.done $0x0  }
0x9f: {  	[sflag:s9] =	ssyncadd.s32 $0xFFFFFF00  }
0xa0: {  	[tilespmem:s10], [sflag:$0x4] =	stream.indirect.gather [hbm4b:s4+s28], $0x80, s24, s28, $0xb8;
	v63 =	vld [tilespmem:$0x0]  }
0xa1: {  	_ =	swait.ge [sflag:s11], $0x3000  }
0xa2: {  	[sflag:s11] =	ssyncset.done $0x0  }
0xa3: {  	[sflag:s11] =	ssyncadd.s32 $0xFFFFD000  }
0xa4: {  	[spmem:s2] =	stream.indirect.scatter.add.f32 [tilespmem:s31], [sflag:$0x7], $0x80, s12, s28, $0xb8;
	v63 =	vld [tilespmem:$0x0]  }
0xa5: {  	_ =	swait.ge [sflag:s5], $0x3000  }
0xa6: {  	s21 =	rddreg [dreg:$0x6];
	[sflag:s5] =	ssyncset.done $0x0  }
0xa7: {  	[sflag:s5] =	ssyncadd.s32 $0xFFFFD000;
	s8 =	sadd.s32 $0x0, s21  }
0xa8: {  	[tilespmem:s22], [sflag:$0x9] =	stream.linear.gather [hbm4b:s8+s3], $0x100, $0x38;
	v63 =	vld [tilespmem:$0x0]  }
0xa9: {  	_ =	swait.ge [sflag:s13], $0x100  }
0xaa: {  	[sflag:s13] =	ssyncset.done $0x0  }
0xab: {  	[sflag:s13] =	ssyncadd.s32 $0xFFFFFF00  }
0xac: {  	[tilespmem:s25], [sflag:$0x1] =	stream.indirect.gather [hbm4b:s4+s28], $0x80, s7, s28, $0xb8;
	v63 =	vld [tilespmem:$0x0]  }
0xad: {  	_ =	swait.ge [sflag:s14], $0x3000  }
0xae: {  	[sflag:s14] =	ssyncset.done $0x0  }
0xaf: {  	[sflag:s14] =	ssyncadd.s32 $0xFFFFD000  }
0xb0: {  	[spmem:s2] =	stream.indirect.scatter.add.f32 [tilespmem:s10], [sflag:$0x8], $0x80, s15, s28, $0xb8;
	v63 =	vld [tilespmem:$0x0]  }
0xb1: {  	_ =	swait.ge [sflag:s16], $0x3000  }
0xb2: {  	s20 =	rddreg [dreg:$0x5];
	[sflag:s16] =	ssyncset.done $0x0  }
0xb3: {  	[sflag:s16] =	ssyncadd.s32 $0xFFFFD000;
	s8 =	sadd.s32 $0x0, s20  }
0xb4: {  	[tilespmem:s23], [sflag:$0xA] =	stream.linear.gather [hbm4b:s8+s3], $0x100, $0x38;
	v63 =	vld [tilespmem:$0x0]  }
0xb5: {  	_ =	swait.ge [sflag:s26], $0x100  }
0xb6: {  	[sflag:s26] =	ssyncset.done $0x0  }
0xb7: {  	[sflag:s26] =	ssyncadd.s32 $0xFFFFFF00  }
0xb8: {  	[tilespmem:s29], [sflag:$0x2] =	stream.indirect.gather [hbm4b:s4+s28], $0x80, s22, s28, $0xb8;
	v63 =	vld [tilespmem:$0x0]  }
0xb9: {  	_ =	swait.ge [sflag:s0], $0x3000  }
0xba: {  	[sflag:s0] =	ssyncset.done $0x0  }
0xbb: {  	[sflag:s0] =	ssyncadd.s32 $0xFFFFD000  }
0xbc: {  	[spmem:s2] =	stream.indirect.scatter.add.f32 [tilespmem:s25], [sflag:$0x5], $0x80, s17, s28, $0xb8;
	v63 =	vld [tilespmem:$0x0]  }
0xbd: {  	_ =	swait.ge [sflag:s18], $0x3000  }
0xbe: {  	s21 =	rddreg [dreg:$0x4];
	[sflag:s18] =	ssyncset.done $0x0  }
0xbf: {  	[sflag:s18] =	ssyncadd.s32 $0xFFFFD000;
	s8 =	sadd.s32 $0x0, s21  }
0xc0: {  	[tilespmem:s24], [sflag:$0xB] =	stream.linear.gather [hbm4b:s8+s3], $0x100, $0x38;
	v63 =	vld [tilespmem:$0x0]  }
0xc1: {  	_ =	swait.ge [sflag:s30], $0x100  }
0xc2: {  	[sflag:s30] =	ssyncset.done $0x0  }
0xc3: {  	s20 =	simm.s32 $0x80;
	[sflag:s30] =	ssyncadd.s32 $0xFFFFFF00  }
.LBB2_4:
0xc4: {  	[tilespmem:s31], [sflag:$0x3] =	stream.indirect.gather [hbm4b:s4+s28], $0x80, s23, s28, $0xb8;
	v63 =	vld [tilespmem:$0x0]  }
0xc5: {  	_ =	swait.ge [sflag:s1], $0x3000  }
0xc6: {  	[sflag:s1] =	ssyncset.done $0x0  }
0xc7: {  	[sflag:s1] =	ssyncadd.s32 $0xFFFFD000  }
0xc8: {  	[spmem:s2] =	stream.indirect.scatter.add.f32 [tilespmem:s29], [sflag:$0x6], $0x80, s6, s28, $0xb8;
	v63 =	vld [tilespmem:$0x0]  }
0xc9: {  	_ =	swait.ge [sflag:s19], $0x3000  }
0xca: {  	s8 =	smov.u32 s20;
	s21 =	rddreg [dreg:$0x7];
	[sflag:s19] =	ssyncset.done $0x0  }
0xcb: {  	[sflag:s19] =	ssyncadd.s32 $0xFFFFD000;
	s21 =	sadd.s32 s8, s21  }
0xcc: {  	[tilespmem:s7], [sflag:$0xC] =	stream.linear.gather [hbm4b:s21+s3], $0x100, $0x38;
	v63 =	vld [tilespmem:$0x0]  }
0xcd: {  	_ =	swait.ge [sflag:s9], $0x100  }
0xce: {  	[sflag:s9] =	ssyncset.done $0x0  }
0xcf: {  	[sflag:s9] =	ssyncadd.s32 $0xFFFFFF00  }
0xd0: {  	[tilespmem:s10], [sflag:$0x4] =	stream.indirect.gather [hbm4b:s4+s28], $0x80, s24, s28, $0xb8;
	v63 =	vld [tilespmem:$0x0]  }
0xd1: {  	_ =	swait.ge [sflag:s11], $0x3000  }
0xd2: {  	[sflag:s11] =	ssyncset.done $0x0  }
0xd3: {  	[sflag:s11] =	ssyncadd.s32 $0xFFFFD000  }
0xd4: {  	[spmem:s2] =	stream.indirect.scatter.add.f32 [tilespmem:s31], [sflag:$0x7], $0x80, s12, s28, $0xb8;
	v63 =	vld [tilespmem:$0x0]  }
0xd5: {  	_ =	swait.ge [sflag:s5], $0x3000  }
0xd6: {  	s21 =	rddreg [dreg:$0x6];
	[sflag:s5] =	ssyncset.done $0x0  }
0xd7: {  	[sflag:s5] =	ssyncadd.s32 $0xFFFFD000;
	s21 =	sadd.s32 s8, s21  }
0xd8: {  	[tilespmem:s22], [sflag:$0x9] =	stream.linear.gather [hbm4b:s21+s3], $0x100, $0x38;
	v63 =	vld [tilespmem:$0x0]  }
0xd9: {  	_ =	swait.ge [sflag:s13], $0x100  }
0xda: {  	[sflag:s13] =	ssyncset.done $0x0  }
0xdb: {  	[sflag:s13] =	ssyncadd.s32 $0xFFFFFF00  }
0xdc: {  	[tilespmem:s25], [sflag:$0x1] =	stream.indirect.gather [hbm4b:s4+s28], $0x80, s7, s28, $0xb8;
	v63 =	vld [tilespmem:$0x0]  }
0xdd: {  	_ =	swait.ge [sflag:s14], $0x3000  }
0xde: {  	[sflag:s14] =	ssyncset.done $0x0  }
0xdf: {  	[sflag:s14] =	ssyncadd.s32 $0xFFFFD000  }
0xe0: {  	[spmem:s2] =	stream.indirect.scatter.add.f32 [tilespmem:s10], [sflag:$0x8], $0x80, s15, s28, $0xb8;
	v63 =	vld [tilespmem:$0x0]  }
0xe1: {  	_ =	swait.ge [sflag:s16], $0x3000  }
0xe2: {  	s21 =	rddreg [dreg:$0x5];
	[sflag:s16] =	ssyncset.done $0x0  }
0xe3: {  	[sflag:s16] =	ssyncadd.s32 $0xFFFFD000;
	s21 =	sadd.s32 s8, s21  }
0xe4: {  	[tilespmem:s23], [sflag:$0xA] =	stream.linear.gather [hbm4b:s21+s3], $0x100, $0x38;
	v63 =	vld [tilespmem:$0x0]  }
0xe5: {  	_ =	swait.ge [sflag:s26], $0x100  }
0xe6: {  	[sflag:s26] =	ssyncset.done $0x0  }
0xe7: {  	[sflag:s26] =	ssyncadd.s32 $0xFFFFFF00  }
0xe8: {  	[tilespmem:s29], [sflag:$0x2] =	stream.indirect.gather [hbm4b:s4+s28], $0x80, s22, s28, $0xb8;
	v63 =	vld [tilespmem:$0x0]  }
0xe9: {  	_ =	swait.ge [sflag:s0], $0x3000  }
0xea: {  	[sflag:s0] =	ssyncset.done $0x0  }
0xeb: {  	[sflag:s0] =	ssyncadd.s32 $0xFFFFD000  }
0xec: {  	[spmem:s2] =	stream.indirect.scatter.add.f32 [tilespmem:s25], [sflag:$0x5], $0x80, s17, s28, $0xb8;
	v63 =	vld [tilespmem:$0x0]  }
0xed: {  	_ =	swait.ge [sflag:s18], $0x3000  }
0xee: {  	p0 =	sne.s32 s20, $0xC00;
	s21 =	rddreg [dreg:$0x4];
	[sflag:s18] =	ssyncset.done $0x0  }
.Ltmp1:
0xef: {  	[sflag:s18] =	ssyncadd.s32 $0xFFFFD000;
	s8 =	sadd.s32 s8, s21;
	(pc) =	sbr.rel @p0 .LBB2_4-.Ltmp1, $4  }
0xf0: {  	[tilespmem:s24], [sflag:$0xB] =	stream.linear.gather [hbm4b:s8+s3], $0x100, $0x38;
	v63 =	vld [tilespmem:$0x0]  }
0xf1: {  	_ =	swait.ge [sflag:s30], $0x100  }
0xf2: {  	[sflag:s30] =	ssyncset.done $0x0  }
0xf3: {  	s20 =	sadd.s32 $0x80, s20;
	[sflag:s30] =	ssyncadd.s32 $0xFFFFFF00  }
0xf4: {  	[tilespmem:s31], [sflag:$0x3] =	stream.indirect.gather [hbm4b:s4+s28], $0x80, s23, s28, $0xb8;
	v63 =	vld [tilespmem:$0x0]  }
0xf5: {  	_ =	swait.ge [sflag:s1], $0x3000  }
0xf6: {  	[sflag:s1] =	ssyncset.done $0x0  }
0xf7: {  	[sflag:s1] =	ssyncadd.s32 $0xFFFFD000  }
0xf8: {  	[spmem:s2] =	stream.indirect.scatter.add.f32 [tilespmem:s29], [sflag:$0x6], $0x80, s6, s28, $0xb8;
	v63 =	vld [tilespmem:$0x0]  }
0xf9: {  	_ =	swait.ge [sflag:s19], $0x3000  }
0xfa: {  	[sflag:s19] =	ssyncset.done $0x0  }
0xfb: {  	s8 =	rddreg [dreg:$0x16];
	[sflag:s19] =	ssyncadd.s32 $0xFFFFD000  }
0xfc: {  	[tilespmem:s7], [sflag:$0xC] =	stream.linear.gather [hbm4b:s8+s3], $0x100, $0x38;
	v63 =	vld [tilespmem:$0x0]  }
0xfd: {  	_ =	swait.ge [sflag:s9], $0x100  }
0xfe: {  	[sflag:s9] =	ssyncset.done $0x0  }
0xff: {  	[sflag:s9] =	ssyncadd.s32 $0xFFFFFF00  }
0x100: {  	[tilespmem:s10], [sflag:$0x4] =	stream.indirect.gather [hbm4b:s4+s28], $0x80, s24, s28, $0xb8;
	v63 =	vld [tilespmem:$0x0]  }
0x101: {  	_ =	swait.ge [sflag:s11], $0x3000  }
0x102: {  	[sflag:s11] =	ssyncset.done $0x0  }
0x103: {  	[sflag:s11] =	ssyncadd.s32 $0xFFFFD000  }
0x104: {  	[spmem:s2] =	stream.indirect.scatter.add.f32 [tilespmem:s31], [sflag:$0x7], $0x80, s12, s28, $0xb8;
	v63 =	vld [tilespmem:$0x0]  }
0x105: {  	_ =	swait.ge [sflag:s5], $0x3000  }
0x106: {  	[sflag:s5] =	ssyncset.done $0x0  }
0x107: {  	[sflag:s5] =	ssyncadd.s32 $0xFFFFD000  }
0x108: {  	_ =	swait.ge [sflag:s13], $0x100  }
0x109: {  	[sflag:s13] =	ssyncset.done $0x0  }
0x10a: {  	[sflag:s13] =	ssyncadd.s32 $0xFFFFFF00  }
0x10b: {  	[tilespmem:s25], [sflag:$0x1] =	stream.indirect.gather [hbm4b:s4+s28], $0x80, s7, s28, $0xb8;
	v63 =	vld [tilespmem:$0x0]  }
0x10c: {  	_ =	swait.ge [sflag:s14], $0x3000  }
0x10d: {  	[sflag:s14] =	ssyncset.done $0x0  }
0x10e: {  	[sflag:s14] =	ssyncadd.s32 $0xFFFFD000  }
0x10f: {  	[spmem:s2] =	stream.indirect.scatter.add.f32 [tilespmem:s10], [sflag:$0x8], $0x80, s15, s28, $0xb8;
	v63 =	vld [tilespmem:$0x0]  }
0x110: {  	_ =	swait.ge [sflag:s16], $0x3000  }
0x111: {  	[sflag:s16] =	ssyncset.done $0x0  }
0x112: {  	[sflag:s16] =	ssyncadd.s32 $0xFFFFD000  }
0x113: {  	_ =	swait.ge [sflag:s0], $0x3000  }
0x114: {  	[sflag:s0] =	ssyncset.done $0x0  }
0x115: {  	[sflag:s0] =	ssyncadd.s32 $0xFFFFD000  }
0x116: {  	[spmem:s2] =	stream.indirect.scatter.add.f32 [tilespmem:s25], [sflag:$0x5], $0x80, s17, s28, $0xb8;
	v63 =	vld [tilespmem:$0x0]  }
0x117: {  	_ =	swait.ge [sflag:s18], $0x3000  }
0x118: {  	[sflag:s18] =	ssyncset.done $0x0  }
0x119: {  	[sflag:s18] =	ssyncadd.s32 $0xFFFFD000  }
0x11a: {  	_ =	swait.ge [sflag:s19], $0x3000  }
0x11b: {  	[sflag:s19] =	ssyncset.done $0x0  }
0x11c: {  	[sflag:s19] =	ssyncadd.s32 $0xFFFFD000  }
0x11d: {  	s21 =	stileid.u32;
	[bflag:$0x0] =	sbarrier.arrive $0xFFFF  }
0x11e: {  	s8 =	sshll.u32 s21, $0x6;
	s20 =	rddreg [dreg:$0xb]  }
0x11f: {  	s8 =	sor.u32 $0x1C0D, s8;
	s21 =	rddreg [dreg:$0x17];
	s20 =	sshrl.u32 s20, $0x3  }
0x120: {  	[hbm:s21], [sflag:s8] =	dma.local [spmem:s20], $0x2780  }
0x121: {  	s20 =	simm.s32 $0xD  }
0x122: {  	_ =	swait.ge [sflag:s20], $0x2780  }
0x123: {  	s8 =	rddreg [dreg:$0x19]  }
0x124: {  	s21 =	sadd.s32 $0x1, s8;
	s8 =	rddreg [dreg:$0x18]  }
0x125: {  	p0 =	sne.s32 s21, s8  }
.Ltmp2:
0x126: {  	_ = 	snop;
	(pc) =	sbr.rel @p0 .LBB2_1-.Ltmp2, $3  }
0x127: {  	_ =	sdelay $0x1  }
0x128: {  	[sflag:s20] =	ssyncset.done $0x0  }
0x129: {  	[sflag:s20] =	ssyncadd.s32 $0xFFFFD880  }
0x12a: {  	_ =	sfence.sel $0x180000  }
0x12b: {  	[bflag:$0x0] =	sbarrier.arrive $0xFFFF  }
0x12c: {  	_ =	strace $0x9000004D  }
0x12d: {  	s0 =	stileid.u32;
	[bflag:$0x2] =	sbarrier.arrive $0xFFFF  }
0x12e: {  	p0 =	sne.s32 s0, $0x0;
	s0 =	rddreg [dreg:$0x3]  }
0x12f: {  	s0 =	sadd.s32 @!p0 $0x100000, s0  }
0x130: {  	[sflag:s0] =	ssyncadd.tile.s32 @!p0 $0x1;
	_ =	shalt  }
.Lfunc_end2:
_tile_overlayer_lowered:
.L_overlay_start_2:
0x131: {  	(tag) =	ssettag $0x2  }
0x132: {  	s0 =	rddreg [dreg:$0x0];
	s2 =	stileid.u32  }
0x133: {  	s1 =	rddreg [dreg:$0x1];
	p0 =	sne.s32 s2, $0x0  }
0x134: {  	s3 =	rddreg [dreg:$0x2];
	[bflag:$0x3] =	sbarrier.arrive $0xFFFF;
	s2 =	simm.s32 @!p0 $0x1C0D  }
0x135: {  	[timem:s3], [sflag:s2] =	dma.local @!p0 [hbm:s0], s1  }
0x136: {  	s0 =	simm.s32 @!p0 $0xD  }
0x137: {  	_ =	swait.ge @!p0 [sflag:s0], s1  }
0x138: {  	s1 =	ssub.s32 @!p0 $0x0, s1;
	[sflag:s0] =	ssyncset.done @!p0 $0x0  }
0x139: {  	[sflag:s0] =	ssyncadd.s32 @!p0 s1  }
0x13a: {  	[bflag:$0x3] =	sbarrier.arrive $0xFFFF  }
0x13b: {  	_ =	shalt  }

// kernel: kernel.8.cloned.1.call-start
scs
__scs_entry_jumppad:
0x0: {  	(pc) =	sbr.rel $0x88, $3  }
0x1: {  	(tag) =	ssettag $0x0;
	lr =	simm.s32 $0x1  }
0x2: {  	[smem:$0x3F99] =	sst lr;
	_ =	strace $0xD0000000  }
0x3: {  	_ = 	snop  }
0x4: {  	_ = 	snop  }
0x5: {  	_ = 	snop  }
0x6: {  	_ = 	snop  }
0x7: {  	_ = 	snop  }
__scs_overlays_trampoline_lowered:
0x8: {  	[smem:$0x3FA8] =	sst s0  }
0x9: {  	[smem:$0x3FA9] =	sst s1  }
0xa: {  	[smem:$0x3FAA] =	sst s2  }
0xb: {  	[smem:$0x3FAB] =	sst s3  }
0xc: {  	[smem:$0x3FAC] =	sst s4  }
0xd: {  	[smem:$0x3FAD] =	sst s5  }
0xe: {  	[smem:$0x3FAE] =	sst s6  }
0xf: {  	[smem:$0x3FAF] =	sst s7  }
0x10: {  	[smem:$0x3FB0] =	sst s8  }
0x11: {  	[smem:$0x3FB1] =	sst s9;
	s0 =	simm.s32 @!p0 $0x0  }
0x12: {  	s1 =	sld [smem:$0x3F97];
	s0 =	simm.s32 @p0 $0x1  }
0x13: {  	[smem:$0x3FB2] =	sst s0;
	s0 =	simm.s32 @!p1 $0x0  }
0x14: {  	s2 =	sld [smem:$0x3F96];
	s0 =	simm.s32 @p1 $0x1  }
0x15: {  	[smem:$0x3FB3] =	sst s0;
	s0 =	simm.s32 @!p2 $0x0  }
0x16: {  	s3 =	sld [smem:$0x3FDB];
	s0 =	simm.s32 @p2 $0x1  }
0x17: {  	s4 =	simm.s32 $0x1BF5;
	[smem:$0x3FB5] =	sst s0  }
0x18: {  	s0 =	sld [smem:$0x3F98];
	_ =	swait.ge [sflag:s4], $0x0  }
0x19: {  	s7 =	sld [smem:$0x3F99]  }
0x1a: {  	s8 =	sadd.s32 $0xFFFFE003, lr  }
0x1b: {  	s9 =	sadd.s32 $0xFFFFFEF7, lr;
	s5 =	simm.s32 $0xFFFFFFFF;
	p2 =	slt.u32 s8, $0xFFFFF086  }
0x1c: {  	p1 =	slt.u32 s9, $0xF7A;
	s5 =	simm.s32 @!p2 $0x0  }
0x1d: {  	s5 =	simm.s32 @p1 $0x1;
	p0 =	seq.s32 s7, s2  }
0x1e: {  	s7 =	smul.u32 @!p0 $0xF7A, s2;
	p2 =	seq.s32 @!p0 s5, $0x0  }
0x1f: {  	s9 =	smul.u32 $0xF7A, s1;
	s8 =	simm.s32 @!p0 $0x1BF5;
	p2 =	por !p2, p0  }
0x20: {  	[sflag:s8] =	ssyncset.s32 @!p0 $0xFFFFF086;
	s6 =	sadd.s32 @!p0 s3, s7;
	s7 =	simm.s32 @!p0 $0x108  }
0x21: {  	s3 =	sadd.s32 s3, s9;
	s6 =	sadd.s32 @!p0 $0x88, s6;
	s7 =	simm.s32 @p2 $0x1082  }
0x22: {  	[simem:s7], [sflag:s8] =	dma.local @!p0 [hbm:s6], $0xF7A  }
0x23: {  	s9 =	sor.u32 $0xD0000000, s2;
	s6 =	simm.s32 $0x108;
	_ =	swait.ge @!p0 [sflag:s8], $0x0  }
0x24: {  	s3 =	sadd.s32 $0x88, s3;
	s6 =	simm.s32 @!p1 $0x1082;
	[sflag:s4] =	ssyncset.s32 $0xFFFFF086  }
0x25: {  	[simem:s6], [sflag:s4] =	dma.local [hbm:s3], $0xF7A  }
0x26: {  	[smem:$0x3F99] =	sst s1;
	(tag) =	ssettag s2;
	_ =	strace s9  }
0x27: {  	s1 =	sld [smem:$0x3FA9]  }
0x28: {  	s2 =	sld [smem:$0x3FAA]  }
0x29: {  	s4 =	sld [smem:$0x3FAC]  }
0x2a: {  	p0 =	seq.s32 s5, $0x0;
	s5 =	sld [smem:$0x3FAD]  }
0x2b: {  	s6 =	sld [smem:$0x3FAE]  }
0x2c: {  	s7 =	sld [smem:$0x3FAF]  }
0x2d: {  	s3 =	simm.s32 $0x108;
	s8 =	sld [smem:$0x3FB0]  }
0x2e: {  	s3 =	simm.s32 @!p0 $0x1082;
	s9 =	sld [smem:$0x3FB1]  }
0x2f: {  	lr =	sadd.s32 s0, s3;
	s0 =	sld [smem:$0x3FA8]  }
0x30: {  	s3 =	sld [smem:$0x3FAB]  }
0x31: {  	[smem:$0x3FB4] =	sst s10  }
0x32: {  	s10 =	sld [smem:$0x3FB2];
	_ =	sdelay $0x3  }
0x33: {  	p0 =	seq.s32 s10, $0x1;
	s10 =	sld [smem:$0x3FB4];
	_ =	sdelay $0x3  }
0x34: {  	[smem:$0x3FB4] =	sst s10  }
0x35: {  	s10 =	sld [smem:$0x3FB3];
	_ =	sdelay $0x3  }
0x36: {  	p1 =	seq.s32 s10, $0x1;
	s10 =	sld [smem:$0x3FB4];
	_ =	sdelay $0x3  }
0x37: {  	[smem:$0x3FB4] =	sst s10  }
0x38: {  	s10 =	sld [smem:$0x3FB5]  }
0x39: {  	_ = 	snop;
	(pc) =	sbr.ind lr, $3  }
0x3a: {  	_ = 	snop  }
0x3b: {  	_ = 	snop  }
0x3c: {  	p2 =	seq.s32 s10, $0x1;
	s10 =	sld [smem:$0x3FB4]  }
0x3d: {  	_ =	shalt  }
0x3e: {  	_ =	shalt  }
0x3f: {  	_ =	shalt  }
0x40: {  	_ =	shalt  }
0x41: {  	_ =	shalt  }
0x42: {  	_ =	shalt  }
0x43: {  	_ =	shalt  }
0x44: {  	_ =	shalt  }
0x45: {  	_ =	shalt  }
0x46: {  	_ =	shalt  }
0x47: {  	_ =	shalt  }
0x48: {  	_ =	shalt  }
0x49: {  	_ =	shalt  }
0x4a: {  	_ =	shalt  }
0x4b: {  	_ =	shalt  }
0x4c: {  	_ =	shalt  }
0x4d: {  	_ =	shalt  }
0x4e: {  	_ =	shalt  }
0x4f: {  	_ =	shalt  }
0x50: {  	_ =	shalt  }
0x51: {  	_ =	shalt  }
0x52: {  	_ =	shalt  }
0x53: {  	_ =	shalt  }
0x54: {  	_ =	shalt  }
0x55: {  	_ =	shalt  }
0x56: {  	_ =	shalt  }
0x57: {  	_ =	shalt  }
0x58: {  	_ =	shalt  }
0x59: {  	_ =	shalt  }
0x5a: {  	_ =	shalt  }
0x5b: {  	_ =	shalt  }
0x5c: {  	_ =	shalt  }
0x5d: {  	_ =	shalt  }
0x5e: {  	_ =	shalt  }
0x5f: {  	_ =	shalt  }
0x60: {  	_ =	shalt  }
0x61: {  	_ =	shalt  }
0x62: {  	_ =	shalt  }
0x63: {  	_ =	shalt  }
0x64: {  	_ =	shalt  }
0x65: {  	_ =	shalt  }
0x66: {  	_ =	shalt  }
0x67: {  	_ =	shalt  }
0x68: {  	_ =	shalt  }
0x69: {  	_ =	shalt  }
0x6a: {  	_ =	shalt  }
0x6b: {  	_ =	shalt  }
0x6c: {  	_ =	shalt  }
0x6d: {  	_ =	shalt  }
0x6e: {  	_ =	shalt  }
0x6f: {  	_ =	shalt  }
0x70: {  	_ =	shalt  }
0x71: {  	_ =	shalt  }
0x72: {  	_ =	shalt  }
0x73: {  	_ =	shalt  }
0x74: {  	_ =	shalt  }
0x75: {  	_ =	shalt  }
0x76: {  	_ =	shalt  }
0x77: {  	_ =	shalt  }
0x78: {  	_ =	shalt  }
0x79: {  	_ =	shalt  }
0x7a: {  	_ =	shalt  }
0x7b: {  	_ =	shalt  }
0x7c: {  	_ =	shalt  }
0x7d: {  	_ =	shalt  }
0x7e: {  	_ =	shalt  }
0x7f: {  	_ =	shalt  }
0x80: {  	_ =	shalt  }
0x81: {  	_ =	shalt  }
0x82: {  	_ =	shalt  }
0x83: {  	_ =	shalt  }
0x84: {  	_ =	shalt  }
0x85: {  	_ =	shalt  }
0x86: {  	_ =	shalt  }
0x87: {  	_ =	shalt  }
.Lfunc_end0:
.L_simem_size_0:
called_computation_lowered:
.L_overlay_start_0:
0x88: {  	s2 =	sld [smem:$0x3FD9]  }
0x89: {  	s3 =	sld [smem:$0x3FFE];
	_ =	sdelay $0x1  }
0x8a: {  	s1 =	srdreg.scid  }
0x8b: {  	s0 =	sand.u32 $0x1, s1  }
0x8c: {  	s15 =	sshll.u32 s0, $0xA;
	s2 =	sadd.s32 s3, s2  }
0x8d: {  	s2 =	sadd.s32 s2, s15  }
0x8e: {  	[smem:$0x3FC0] =	sst s2  }
0x8f: {  	_ = 	snop  }
0x90: {  	s2 =	sld [smem:$0x3FD0];
	_ =	sdelay $0x2  }
0x91: {  	s16 =	simm.s32 $0xA;
	s4 =	simm.s32 $0x10  }
0x92: {  	[smem:s4], [sflag:s16] =	dma.local [hbm:s2], $0x1  }
0x93: {  	_ =	swait.eq [sflag:s16], $0x1  }
0x94: {  	[sflag:s16] =	ssyncset.done $0x0  }
0x95: {  	s17 =	sld [smem:$0x10];
	[sflag:s16] =	ssyncadd.s32 $0xFFFFFFFF  }
0x96: {  	s18 =	sld [smem:$0x12];
	(tm) =	ssettm $0x1  }
0x97: {  	s19 =	sld [smem:$0x3FFB];
	_ =	sdelay $0x3  }
0x98: {  	_ =	strace s19  }
0x99: {  	s4 =	sld [smem:$0x3FFC];
	_ =	sdelay $0x3  }
0x9a: {  	_ =	strace s4  }
0x9b: {  	s4 =	sld [smem:$0x3FFD];
	_ =	sdelay $0x3  }
0x9c: {  	_ =	strace s4  }
0x9d: {  	_ =	strace $0x8FFFFFFF  }
0x9e: {  	s20 =	sld [smem:$0x3FDB];
	_ =	sdelay $0x1  }
0x9f: {  	s5 =	simm.s32 $_scs_section_size  }
0xa0: {  	s6 =	simm.s32 $_size__tile_overlayer_lowered;
	s7 =	simm.s32 $_tile_overlayer_lowered  }
0xa1: {  	s23 =	simm.s32 $0x1BFF;
	s22 =	sshll.u32 s7, $0x1;
	s4 =	sadd.s32 s5, s20  }
0xa2: {  	s8 =	simm.s32 $0x0;
	s21 =	sshll.u32 s6, $0x1;
	s6 =	sadd.s32 s22, s4  }
0xa3: {  	[timem:s8], [sflag:s23] =	dma.local [hbm:s6], s21  }
0xa4: {  	_ =	swait.ge [sflag:s23], s21  }
0xa5: {  	s5 =	ssub.s32 $0x0, s21;
	[sflag:s23] =	ssyncset.done $0x0  }
0xa6: {  	[sflag:s23] =	ssyncadd.s32 s5;
	_ =	sdelay $0x1  }
0xa7: {  	s24 =	simm.s32 $0x1B8B  }
0xa8: {  	_ =	swait.ge [sflag:s24], $0x1  }
0xa9: {  	[sflag:s24] =	ssyncset.done $0x0  }
0xaa: {  	s25 =	simm.s32 $0x1B8E;
	[sflag:s24] =	ssyncadd.s32 $0xFFFFFFFF  }
0xab: {  	s26 =	simm.s32 $execute0_lowered;
	[smem:$0x3FD2] =	sst s25  }
0xac: {  	s5 =	sshll.u32 s26, $0x1;
	_ =	strace $0x80000046;
	[dreg:$0x1] =	wrdreg $0xFFFFFFFF  }
0xad: {  	s28 =	simm.s32 $_size_execute0_lowered;
	s4 =	sadd.s32 s4, s5;
	[dreg:$0x0] =	wrdreg $0x0  }
0xae: {  	s5 =	sshll.u32 s28, $0x1;
	[dreg:$0x2] =	wrdreg s4  }
0xaf: {  	[dreg:$0x3] =	wrdreg s5  }
0xb0: {  	[dreg:$0x4] =	wrdreg $0xC0  }
0xb1: {  	_ =	task [dreg:s8], $0x5FFFF  }
0xb2: {  	[dreg:$0x1] =	wrdreg $0xFFFFFFFF  }
0xb3: {  	[dreg:$0x0] =	wrdreg $0x60  }
0xb4: {  	[dreg:$0x2] =	wrdreg s18  }
0xb5: {  	[dreg:$0x3] =	wrdreg s17  }
0xb6: {  	[dreg:$0x4] =	wrdreg $0x0  }
0xb7: {  	[dreg:$0x5] =	wrdreg $0x9  }
0xb8: {  	_ =	task.clear_ibuf [dreg:s8], $0x6FFFF;
	_ =	strace $0x90000046  }
0xb9: {  	s29 =	simm.s32 $0x9;
	_ =	strace $0x80000048  }
0xba: {  	_ =	swait.ge [sflag:s29], $0x1  }
0xbb: {  	[sflag:s29] =	ssyncadd.s32 $0xFFFFFFFF  }
0xbc: {  	_ =	strace $0x90000048  }
0xbd: {  	_ =	sfence  }
0xbe: {  	s30 =	sld [smem:$0x0];
	_ =	sdelay $0x2  }
0xbf: {  	s31 =	sshll.u32 s1, $0xD;
	s1 =	sshrl.u32 s1, $0x2  }
0xc0: {  	s3 =	sand.u32 $0x4000, s31;
	s1 =	sadd.s32 s1, s30  }
0xc1: {  	s0 =	sor.u32 s3, s0;
	s1 =	sshll.u32 s1, $0x11  }
0xc2: {  	s0 =	sor.u32 s1, s0  }
0xc3: {  	s0 =	sadd.s32 $0x8F2B, s0  }
0xc4: {  	[sflag:s0] =	ssyncadd.remote.s32 $0x1  }
0xc5: {  	_ =	sfence.sel $0xFFFF  }
0xc6: {  	[dreg:$0x0] =	wrdreg $0xFFFFFFFF;
	(pc) =	sbr.abs _section_cstart, $3  }
0xc7: {  	[dreg:$0x1] =	wrdreg $0xFFFFFFFF  }
0xc8: {  	_ =	task.clear_ibuf [dreg:s8], $0x2FFFF;
	_ =	strace $0x9FFFFFFF  }
0xc9: {  	(tm) =	ssettm $0x7FFFFFFF  }
tec
execute0_lowered:
.L_overlay_start_1:
0x0: {  	(tag) =	ssettag $0x1  }
0x1: {  	s5 =	rddreg [dreg:$0x0]  }
0x2: {  	s6 =	rddreg [dreg:$0x1]  }
0x3: {  	s2 =	rddreg [dreg:$0x2];
	s3 =	srdreg.scid  }
0x4: {  	s0 =	rddreg [dreg:$0x3];
	s1 =	stileid.u32;
	s11 =	simm.s32 $0x80  }
0x5: {  	s12 =	simm.s32 $0x2A80;
	s13 =	simm.s32 $0x1;
	s16 =	simm.s32 $0x0  }
0x6: {  	s4 =	sand.u32 $0x1, s3;
	s3 =	simm.s32 $0x0;
	s8 =	smul.u32 $0x280, s1  }
0x7: {  	s14 =	sshll.u32 s1, $0x6;
	s7 =	sshll.u32 s4, $0x4;
	s9 =	ssub.s32 $0x2, s4  }
0x8: {  	s4 =	smul.u32 $0x2800, s4;
	[smem:$0x7FF] =	sst s3;
	s14 =	sor.u32 $0x1C02, s14  }
0x9: {  	s7 =	sor.u32 s1, s7;
	s10 =	sshrl.u32 s9, $0x1;
	_ =	strace $0x80000047  }
0xa: {  	s7 =	smul.u32 $0x500, s7;
	s9 =	ssub.s32 s9, s10;
	s30 =	sadd.s32 s8, s4  }
0xb: {  	s4 =	sadd.s32 s8, s2;
	s8 =	simm.s32 $0x2B00;
	s10 =	simm.s32 $0x280  }
0xc: {  	s31 =	sshrl.u32 s30, $0x3;
	s15 =	sshrl.u32 s4, $0x3;
	s5 =	sadd.s32 s5, s7  }
0xd: {  	v0 =	vimm.f32 $1.000000000e+00;
	v1 =	vimm.f32 $0.0e+00;
	s6 =	sadd.s32 s6, s31;
	s7 =	smax.u32 s9, $0x1;
	s9 =	simm.s32 $0x2  }
.LBB2_1:
0xe: {  	[tilespmem:$0x2A80] =	vst v0  }
0xf: {  	[tilespmem:$0x2A90] =	vst v0  }
0x10: {  	[tilespmem:$0x2AA0] =	vst v0  }
0x11: {  	[tilespmem:$0x2AB0] =	vst v0  }
0x12: {  	[tilespmem:$0x2AC0] =	vst v0  }
0x13: {  	[tilespmem:$0x2AD0] =	vst v0  }
0x14: {  	[tilespmem:$0x2AE0] =	vst v0  }
0x15: {  	[tilespmem:$0x2AF0] =	vst v0  }
0x16: {  	[tilespmem:$0x2B00] =	vst v1  }
0x17: {  	[tilespmem:$0x2B10] =	vst v1  }
0x18: {  	[tilespmem:$0x2B20] =	vst v1  }
0x19: {  	[tilespmem:$0x2B30] =	vst v1  }
0x1a: {  	[tilespmem:$0x2B40] =	vst v1  }
0x1b: {  	[tilespmem:$0x2B50] =	vst v1  }
0x1c: {  	[tilespmem:$0x2B60] =	vst v1  }
0x1d: {  	[tilespmem:$0x2B70] =	vst v1  }
0x1e: {  	[tilespmem:$0x2B80] =	vst v1  }
0x1f: {  	[tilespmem:$0x2B90] =	vst v1  }
0x20: {  	[tilespmem:$0x2BA0] =	vst v1  }
0x21: {  	[tilespmem:$0x2BB0] =	vst v1  }
0x22: {  	[tilespmem:$0x2BC0] =	vst v1  }
0x23: {  	[tilespmem:$0x2BD0] =	vst v1  }
0x24: {  	[tilespmem:$0x2BE0] =	vst v1  }
0x25: {  	[tilespmem:$0x2BF0] =	vst v1  }
0x26: {  	[tilespmem:$0x2C00] =	vst v1  }
0x27: {  	[tilespmem:$0x2C10] =	vst v1  }
0x28: {  	[tilespmem:$0x2C20] =	vst v1  }
0x29: {  	[tilespmem:$0x2C30] =	vst v1  }
0x2a: {  	[tilespmem:$0x2C40] =	vst v1  }
0x2b: {  	[tilespmem:$0x2C50] =	vst v1  }
0x2c: {  	[tilespmem:$0x2C60] =	vst v1  }
0x2d: {  	[tilespmem:$0x2C70] =	vst v1  }
0x2e: {  	[tilespmem:$0x2C80] =	vst v1  }
0x2f: {  	[tilespmem:$0x2C90] =	vst v1  }
0x30: {  	[tilespmem:$0x2CA0] =	vst v1  }
0x31: {  	[tilespmem:$0x2CB0] =	vst v1  }
0x32: {  	[tilespmem:$0x2CC0] =	vst v1  }
0x33: {  	[tilespmem:$0x2CD0] =	vst v1  }
0x34: {  	[tilespmem:$0x2CE0] =	vst v1  }
0x35: {  	[tilespmem:$0x2CF0] =	vst v1  }
0x36: {  	[tilespmem:$0x2D00] =	vst v1  }
0x37: {  	[tilespmem:$0x2D10] =	vst v1  }
0x38: {  	[tilespmem:$0x2D20] =	vst v1  }
0x39: {  	[tilespmem:$0x2D30] =	vst v1  }
0x3a: {  	[tilespmem:$0x2D40] =	vst v1  }
0x3b: {  	[tilespmem:$0x2D50] =	vst v1  }
0x3c: {  	[tilespmem:$0x2D60] =	vst v1  }
0x3d: {  	[tilespmem:$0x2D70] =	vst v1  }
0x3e: {  	[spmem:s4] =	stream.linear.scatter [tilespmem:s8], [sflag:$0x2], $0x280, $0x38;
	[tilespmem:$0x2D80] =	vst v63  }
0x3f: {  	_ =	swait.ge [sflag:s9], $0x280  }
0x40: {  	[sflag:s9] =	ssyncset.done $0x0  }
0x41: {  	[sflag:s9] =	ssyncadd.s32 $0xFFFFFD80  }
0x42: {  	[tilespmem:s10], [sflag:$0x2] =	stream.linear.gather [hbm4b:s5+s3], $0x2800, $0x38;
	[tilespmem:$0x2D80] =	vst v63  }
0x43: {  	_ =	swait.ge [sflag:s9], $0x2800  }
0x44: {  	[sflag:s9] =	ssyncset.done $0x0  }
0x45: {  	[sflag:s9] =	ssyncadd.s32 $0xFFFFD800  }
0x46: {  	s17 =	simm.s32 $0x0;
	[bflag:$0x0] =	sbarrier.arrive $0xFFFF  }
.LBB2_2:
0x47: {  	p0 =	sne.s32 s17, $0x9E00  }
.Ltmp0:
0x48: {  	_ = 	snop;
	(pc) =	sbr.rel @p0 .LBB2_2-.Ltmp0, $4  }
0x49: {  	_ = 	snop  }
0x4a: {  	s18 =	sshra.s32 s17, $0x2  }
0x4b: {  	s17 =	sadd.s32 $0x200, s17;
	s18 =	sadd.s32 $0x280, s18  }
0x4c: {  	[spmem:s2] =	stream.indirect.scatter.add.f32 [tilespmem:s12], [sflag:$0x1], $0x1, s18, s11, $0xb8;
	[tilespmem:$0x2D80] =	vst v63  }
0x4d: {  	_ =	swait.ge [sflag:s13], $0x80  }
0x4e: {  	s17 =	simm.s32 $0x4F;
	[sflag:s13] =	ssyncset.done $0x0  }
.LBB2_4:
0x4f: {  	p0 =	sne.s32 s17, $0x1;
	s17 =	sadd.s32 $0xFFFFFFFF, s17;
	[sflag:s13] =	ssyncadd.s32 $0xFFFFFF80  }
.Ltmp1:
0x50: {  	(pc) =	sbr.rel @p0 .LBB2_4-.Ltmp1, $3  }
0x51: {  	_ =	sdelay $0x1  }
0x52: {  	_ =	swait.ge [sflag:s13], $0x80  }
0x53: {  	[sflag:s13] =	ssyncset.done $0x0  }
0x54: {  	s16 =	sadd.s32 $0x1, s16  }
0x55: {  	[sflag:s13] =	ssyncadd.s32 $0xFFFFFF80;
	p0 =	sne.s32 s16, s7  }
.Ltmp2:
0x56: {  	[bflag:$0x0] =	sbarrier.arrive $0xFFFF;
	(pc) =	sbr.rel @p0 .LBB2_1-.Ltmp2, $4  }
0x57: {  	[hbm:s6], [sflag:s14] =	dma.local [spmem:s15], $0x50  }
0x58: {  	_ =	swait.ge [sflag:s9], $0x50  }
0x59: {  	[sflag:s9] =	ssyncset.done $0x0  }
0x5a: {  	[sflag:s9] =	ssyncadd.s32 $0xFFFFFFB0  }
0x5b: {  	_ =	sfence.sel $0x180000  }
0x5c: {  	[bflag:$0x0] =	sbarrier.arrive $0xFFFF  }
0x5d: {  	p0 =	sne.s32 s1, $0x0;
	_ =	strace $0x90000047  }
0x5e: {  	s0 =	sadd.s32 @!p0 $0x100000, s0;
	[bflag:$0x2] =	sbarrier.arrive $0xFFFF  }
0x5f: {  	[sflag:s0] =	ssyncadd.tile.s32 @!p0 $0x1;
	_ =	shalt  }
.Lfunc_end2:
_tile_overlayer_lowered:
.L_overlay_start_2:
0x60: {  	(tag) =	ssettag $0x2  }
0x61: {  	s0 =	rddreg [dreg:$0x0];
	s2 =	stileid.u32  }
0x62: {  	s1 =	rddreg [dreg:$0x1];
	p0 =	sne.s32 s2, $0x0  }
0x63: {  	s3 =	rddreg [dreg:$0x2];
	[bflag:$0x3] =	sbarrier.arrive $0xFFFF;
	s2 =	simm.s32 @!p0 $0x1C02  }
0x64: {  	[timem:s3], [sflag:s2] =	dma.local @!p0 [hbm:s0], s1  }
0x65: {  	s0 =	simm.s32 @!p0 $0x2  }
0x66: {  	_ =	swait.ge @!p0 [sflag:s0], s1  }
0x67: {  	s1 =	ssub.s32 @!p0 $0x0, s1;
	[sflag:s0] =	ssyncset.done @!p0 $0x0  }
0x68: {  	[sflag:s0] =	ssyncadd.s32 @!p0 s1  }
0x69: {  	[bflag:$0x3] =	sbarrier.arrive $0xFFFF  }
0x6a: {  	_ =	shalt  }

</sc_bundles>
